<compile_context>
chip_gen: v7x
topology: tpu7x:2x2x1
jax: 0.10.2.dev20260603
libtpu: 0.0.44.dev20260713+nightly
codegen_flags: <defaults>
</compile_context>

<pallas_src>
import functools

import jax
import jax.numpy as jnp
from jax import lax
from jax.experimental import pallas as pl
from jax.experimental.pallas import tpu as pltpu
from jax.experimental.pallas import tpu_sc as plsc

N = 10000
E = 320000
D = 128
NS = 16
RS = 624
RC = 104
EB = 64
NBUF = 4
EPAD = 327680
NDUMP = 32
ECH = EPAD // EB
CPS = ECH // NS
HB = 125
HCH = E // NS // HB

_mesh = plsc.VectorSubcoreMesh(core_axis_name="c", subcore_axis_name="s")


@functools.partial(
    pl.kernel,
    mesh=_mesh,
    out_type=[
        jax.ShapeDtypeStruct((N, D), jnp.float32),
        jax.ShapeDtypeStruct((N,), jnp.float32),
    ],
    scratch_types=[
        pltpu.VMEM((640,), jnp.int32),
        pltpu.VMEM((RC, D), jnp.float32),
        pltpu.VMEM((RC, D), jnp.float32),
        pltpu.VMEM((HCH, HB), jnp.int32),
        pltpu.VMEM((N,), jnp.float32),
        pltpu.VMEM((128,), jnp.float32),
        pltpu.VMEM_SHARED((N,), jnp.float32),
        pltpu.SemaphoreType.DMA,
        pltpu.SemaphoreType.DMA,
        pltpu.SemaphoreType.DMA,
    ],
)
def _sc_prep(x_hbm, perm_hbm, dsth_hbm, xp_hbm, hist_hbm,
             pidx, prow0, prow1, dstbuf, histbuf, onesbuf, hist_sp,
             psem0, psem1, hsem):
    c = lax.axis_index("c")
    s = lax.axis_index("s")
    base = s * RS
    prowb = (prow0, prow1)
    psemb = (psem0, psem1)

    @pl.when(c == 0)
    def _():
        pltpu.sync_copy(perm_hbm.at[pl.ds(base, RS)], pidx.at[pl.ds(0, RS)])

        for k in range(6):
            pltpu.async_copy(x_hbm.at[pidx.at[pl.ds(k * RC, RC)]],
                             prow0, psem0).wait()
            pltpu.sync_copy(prow0, xp_hbm.at[pl.ds(base + k * RC, RC)])

        @pl.when(s == NS - 1)
        def _():
            pltpu.sync_copy(perm_hbm.at[pl.ds(15 * RS, 16)],
                            pidx.at[pl.ds(RS, 16)])
            pltpu.async_copy(x_hbm.at[pidx.at[pl.ds(RS, 16)]],
                             prow0.at[pl.ds(0, 16)], psem0).wait()
            pltpu.sync_copy(prow0.at[pl.ds(0, 16)],
                            xp_hbm.at[pl.ds(15 * RS, 16)])

    @pl.when(jnp.logical_and(c == 1, s == 0))
    def _():
        def zero(i, carry):
            histbuf[pl.ds(i * 16, 16)] = jnp.zeros((16,), jnp.float32)
            return carry
        lax.fori_loop(0, N // 16, zero, 0)
        pltpu.sync_copy(histbuf, hist_sp)

    plsc.subcore_barrier()

    @pl.when(c == 1)
    def _():
        for i in range(8):
            onesbuf[pl.ds(i * 16, 16)] = jnp.ones((16,), jnp.float32)
        pltpu.sync_copy(dsth_hbm.at[pl.ds(s * HCH, HCH)], dstbuf)

        def group(q, carry):
            j0 = q * 16
            for b in range(16):
                pltpu.async_copy(onesbuf.at[pl.ds(0, HB)],
                                 hist_sp.at[dstbuf.at[j0 + b]], hsem,
                                 add=True)
            for b in range(16):
                pltpu.make_async_copy(onesbuf.at[pl.ds(0, HB)],
                                      hist_sp.at[dstbuf.at[j0 + b]],
                                      hsem).wait()
            return carry
        lax.fori_loop(0, HCH // 16, group, 0)

    plsc.subcore_barrier()

    @pl.when(jnp.logical_and(c == 1, s == 0))
    def _():
        pltpu.sync_copy(hist_sp, histbuf)
        pltpu.sync_copy(histbuf, hist_hbm)


BCH = 80
NBLK = 4


@functools.partial(
    pl.kernel,
    mesh=_mesh,
    out_type=jax.ShapeDtypeStruct((2 * N, D), jnp.float32),
    scratch_types=[
        pltpu.VMEM((BCH * EB,), jnp.int32),
        pltpu.VMEM((BCH, EB), jnp.int32),
        pltpu.VMEM((EB,), jnp.int32),
        pltpu.VMEM((EB,), jnp.int32),
        pltpu.VMEM((EB,), jnp.int32),
        pltpu.VMEM((EB,), jnp.int32),
        pltpu.VMEM((EB, D), jnp.float32),
        pltpu.VMEM((EB, D), jnp.float32),
        pltpu.VMEM((EB, D), jnp.float32),
        pltpu.VMEM((EB, D), jnp.float32),
        pltpu.VMEM_SHARED((N + NDUMP, D), jnp.float32),
        pltpu.SemaphoreType.DMA,
        pltpu.SemaphoreType.DMA,
        pltpu.SemaphoreType.DMA,
        pltpu.SemaphoreType.DMA,
        pltpu.SemaphoreType.DMA,
        pltpu.SemaphoreType.DMA,
        pltpu.SemaphoreType.DMA,
        pltpu.SemaphoreType.DMA,
    ],
)
def _sc_aggregate(src_hbm, dst_hbm, tcat_hbm, out_hbm,
                  srcbuf, dstbuf, idx0, idx1, idx2, idx3,
                  rows0, rows1, rows2, rows3, agg,
                  gsem0, gsem1, gsem2, gsem3,
                  ssem0, ssem1, ssem2, ssem3):
    c = lax.axis_index("c")
    s = lax.axis_index("s")
    cN = c * N
    rbase = s * RS
    idxb = (idx0, idx1, idx2, idx3)
    rowsb = (rows0, rows1, rows2, rows3)
    gsem = (gsem0, gsem1, gsem2, gsem3)
    ssem = (ssem0, ssem1, ssem2, ssem3)

    for k in range(9):
        pltpu.sync_copy(tcat_hbm.at[pl.ds(cN + rbase + k * 64, 64)], rows0)
        pltpu.sync_copy(rows0, agg.at[pl.ds(rbase + k * 64, 64)])
    pltpu.sync_copy(tcat_hbm.at[pl.ds(cN + rbase + 576, 48)],
                    rows0.at[pl.ds(0, 48)])
    pltpu.sync_copy(rows0.at[pl.ds(0, 48)], agg.at[pl.ds(rbase + 576, 48)])

    @pl.when(s == NS - 1)
    def _():
        pltpu.sync_copy(tcat_hbm.at[pl.ds(cN + 15 * RS, 16)],
                        rows0.at[pl.ds(0, 16)])
        pltpu.sync_copy(rows0.at[pl.ds(0, 16)], agg.at[pl.ds(15 * RS, 16)])

    plsc.subcore_barrier()

    cbase = s * CPS

    def prep_idx(j, b):
        for i in range(EB // 16):
            idxb[b][pl.ds(i * 16, 16)] = (
                srcbuf[pl.ds(j * EB + i * 16, 16)] + cN)

    def gather(b):
        return pltpu.make_async_copy(tcat_hbm.at[idxb[b]], rowsb[b], gsem[b])

    def scatter(j, b):
        return pltpu.make_async_copy(rowsb[b], agg.at[dstbuf.at[j]], ssem[b])

    def do_block(c0, nquad):
        nch = nquad * NBUF
        pltpu.sync_copy(src_hbm.at[pl.ds(c0 * EB, nch * EB)],
                        srcbuf.at[pl.ds(0, nch * EB)])
        pltpu.sync_copy(dst_hbm.at[pl.ds(c0, nch)], dstbuf.at[pl.ds(0, nch)])

        def quad(p, carry):
            j0 = p * NBUF
            for b in range(NBUF):
                j = j0 + b

                @pl.when(p > 0)
                def _():
                    scatter(j, b).wait()
                prep_idx(j, b)
                gather(b).start()
            for b in range(NBUF):
                j = j0 + b
                gather(b).wait()
                scatter(j, b).start(add=True)
            return carry
        lax.fori_loop(0, nquad, quad, 0)
        for b in range(NBUF):
            scatter(0, b).wait()

    for t in range(NBLK):
        do_block(cbase + t * BCH, BCH // NBUF)

    plsc.subcore_barrier()
    for k in range(9):
        pltpu.sync_copy(agg.at[pl.ds(rbase + k * 64, 64)], rows0)
        pltpu.sync_copy(rows0, out_hbm.at[pl.ds(cN + rbase + k * 64, 64)])
    pltpu.sync_copy(agg.at[pl.ds(rbase + 576, 48)], rows0.at[pl.ds(0, 48)])
    pltpu.sync_copy(rows0.at[pl.ds(0, 48)],
                    out_hbm.at[pl.ds(cN + rbase + 576, 48)])

    @pl.when(s == NS - 1)
    def _():
        pltpu.sync_copy(agg.at[pl.ds(9984, 16)], rows0.at[pl.ds(0, 16)])
        pltpu.sync_copy(rows0.at[pl.ds(0, 16)],
                        out_hbm.at[pl.ds(cN + 9984, 16)])


def _tc_encode_body(x_ref, xp_ref, hist_ref, w_ref, tcat_ref, dis_ref):
    dis = 1.0 / jnp.sqrt(hist_ref[...] + 1.0)
    h = jnp.dot(x_ref[...], w_ref[...], preferred_element_type=jnp.float32)
    hn = jnp.dot(xp_ref[...], w_ref[...], preferred_element_type=jnp.float32)
    tcat_ref[0:N, :] = h * dis
    tcat_ref[N:2 * N, :] = hn * dis
    dis_ref[...] = dis


_tc_encode = pl.pallas_call(
    _tc_encode_body,
    out_shape=[
        jax.ShapeDtypeStruct((2 * N, D), jnp.float32),
        jax.ShapeDtypeStruct((N, 1), jnp.float32),
    ],
)


def _tc_finish_body(scat_ref, dis_ref, b_ref, wd_ref, a_ref, at_ref, norm_ref,
                    po_ref, no_ref):
    dis = dis_ref[...]
    b = b_ref[...]
    pos = jnp.maximum(scat_ref[0:N, :] * dis + b, 0.0)
    neg = jnp.maximum(scat_ref[N:2 * N, :] * dis + b, 0.0)
    m = jnp.dot(a_ref[...], pos, preferred_element_type=jnp.float32)
    ge = 1.0 / (1.0 + jnp.exp(-m / norm_ref[...]))
    summary = jnp.dot(at_ref[...], ge, preferred_element_type=jnp.float32)
    up = jnp.dot(pos, wd_ref[...], preferred_element_type=jnp.float32)
    un = jnp.dot(neg, wd_ref[...], preferred_element_type=jnp.float32)
    lp = jnp.sum(up * summary, axis=1, keepdims=True)
    ln = jnp.sum(un * summary, axis=1, keepdims=True)
    pl_loss = jnp.mean(jnp.maximum(lp, 0.0) - lp
                       + jnp.log1p(jnp.exp(-jnp.abs(lp))))
    nl_loss = jnp.mean(jnp.maximum(ln, 0.0)
                       + jnp.log1p(jnp.exp(-jnp.abs(ln))))
    po_ref[...] = jnp.reshape(pl_loss, (1, 1))
    no_ref[...] = jnp.reshape(nl_loss, (1, 1))


_tc_finish = pl.pallas_call(
    _tc_finish_body,
    out_shape=[
        jax.ShapeDtypeStruct((1, 1), jnp.float32),
        jax.ShapeDtypeStruct((1, 1), jnp.float32),
    ],
)


def kernel(features, edge_index, subgraph_adj, subgraph_norm, node_subgraph,
           node_list, perm, W_gcn, b_gcn, W_disc):
    src = edge_index[0].astype(jnp.int32)
    dst = edge_index[1].astype(jnp.int32)
    perm1d = perm.astype(jnp.int32)
    dst_h = dst.reshape(E // HB, HB)
    npad = EPAD - E
    fill = jnp.arange(npad, dtype=jnp.int32)
    src_p = jnp.concatenate([src, fill % 512])
    dst_p = jnp.concatenate([dst, N + (fill % NDUMP)])
    dst2d = dst_p.reshape(ECH, EB)

    xp, hist = _sc_prep(features, perm1d, dst_h)
    tcat, dis = _tc_encode(features, xp, hist.reshape(N, 1), W_gcn)
    scat = _sc_aggregate(src_p, dst2d, tcat)
    po, no = _tc_finish(scat, dis, b_gcn.reshape(1, D), W_disc,
                        subgraph_adj, subgraph_adj.T,
                        subgraph_norm)
    return (po[0, 0], no[0, 0])

# --- scband reference (transcript-rebuilt; emitter-appended) ---
"""Pipeline reference for scband-dgi-32366873542687 (READ-ONLY COPY).

The authoritative reference and input builder live on the scoring server;
editing this copy changes nothing except your own understanding.
"""

import jax, jax.numpy as jnp
import numpy as np

N = 10000
E = 320000
D_IN = 128
D_H = 128
S = 100


def setup_inputs(seed: int = 0) -> dict:
    key = jax.random.key(seed)
    k1, k2, k3, k4, k5, k6 = jax.random.split(key, 6)
    features = jax.random.normal(k1, (N, D_IN), dtype=jnp.float32)
    edge_index = jax.random.randint(k2, (2, E), 0, N, dtype=jnp.int32)
    node_subgraph = jax.random.randint(k3, (N,), 0, S, dtype=jnp.int32)
    # sparse subgraph assignment matrix [S, N] materialized densely for the reference
    subgraph_adj = jax.nn.one_hot(node_subgraph, S, dtype=jnp.float32).T
    subgraph_norm = jnp.maximum(subgraph_adj.sum(axis=1, keepdims=True), 1.0)
    node_list = jnp.arange(N, dtype=jnp.int32)
    perm = jax.random.permutation(k4, N)  # row-shuffle corruption used by DGI encoder
    W_gcn = jax.random.normal(k5, (D_IN, D_H), dtype=jnp.float32) * (1.0 / np.sqrt(D_IN))
    b_gcn = jnp.zeros((D_H,), dtype=jnp.float32)
    W_disc = jax.random.normal(k6, (D_H, D_H), dtype=jnp.float32) * (1.0 / np.sqrt(D_H))
    return {
        'features': features,
        'edge_index': edge_index,
        'subgraph_adj': subgraph_adj,
        'subgraph_norm': subgraph_norm,
        'node_subgraph': node_subgraph,
        'node_list': node_list,
        'perm': perm,
        'W_gcn': W_gcn,
        'b_gcn': b_gcn,
        'W_disc': W_disc,
    }


def _gcn_encode(x, edge_index, W, b):
    src = edge_index[0]
    dst = edge_index[1]
    loop = jnp.arange(N, dtype=src.dtype)
    src = jnp.concatenate([src, loop])
    dst = jnp.concatenate([dst, loop])
    deg = jax.ops.segment_sum(jnp.ones_like(src, dtype=jnp.float32), dst, num_segments=N)
    dis = jnp.where(deg > 0, 1.0 / jnp.sqrt(deg), 0.0)
    h = x @ W
    norm = dis[src] * dis[dst]
    msg = h[src] * norm[:, None]
    agg = jax.ops.segment_sum(msg, dst, num_segments=N)
    return jax.nn.relu(agg + b)  # gcn_act = relu


def _bce_with_logits(logits, labels):
    return jnp.mean(jnp.maximum(logits, 0.0) - logits * labels + jnp.log1p(jnp.exp(-jnp.abs(logits))))


def reference(features, edge_index, subgraph_adj, subgraph_norm, node_subgraph, node_list, perm, W_gcn, b_gcn, W_disc):
    # encoder(features, corrupt=False)
    positive = _gcn_encode(features, edge_index, W_gcn, b_gcn)
    # encoder(features, corrupt=True): shuffle node rows
    negative = _gcn_encode(features[perm], edge_index, W_gcn, b_gcn)
    # graph_embeds = sparse.mm(subgraph_adj, positive) / subgraph_norm
    graph_embeds = (subgraph_adj @ positive) / subgraph_norm
    graph_embeds = jax.nn.sigmoid(graph_embeds)  # graph_act
    summary = graph_embeds[node_subgraph]
    # bilinear discriminator: score_i = h_i^T W summary_i; BCE-with-logits losses
    pos_logits = jnp.sum((positive @ W_disc) * summary, axis=-1)
    neg_logits = jnp.sum((negative @ W_disc) * summary, axis=-1)
    pos_loss = _bce_with_logits(pos_logits, jnp.ones_like(pos_logits))
    neg_loss = _bce_with_logits(neg_logits, jnp.zeros_like(neg_logits))
    return (pos_loss, neg_loss)

if __name__ == "__main__":
    import jax
    _d = setup_inputs()
    print(jax.jit(kernel)(*tuple(_d.values())))

</pallas_src>

<mosaic_0001>
#map = affine_map<(d0, d1) -> (0, 0)>
#map1 = affine_map<(d0, d1) -> (0)>
module attributes {stable_mosaic.version = 14 : i64} {
  func.func @_sc_prep(%arg0: i32, %arg1: i32, %arg2: memref<10000x128xf32, #tpu.memory_space<hbm>>, %arg3: memref<10000xi32, #tpu.memory_space<hbm>>, %arg4: memref<2560x125xi32, #tpu.memory_space<hbm>>, %arg5: memref<10000x128xf32, #tpu.memory_space<hbm>>, %arg6: memref<10000xf32, #tpu.memory_space<hbm>>, %arg7: memref<640xi32, #tpu.memory_space<vmem>>, %arg8: memref<104x128xf32, #tpu.memory_space<vmem>>, %arg9: memref<104x128xf32, #tpu.memory_space<vmem>>, %arg10: memref<160x125xi32, #tpu.memory_space<vmem>>, %arg11: memref<10000xf32, #tpu.memory_space<vmem>>, %arg12: memref<128xf32, #tpu.memory_space<vmem>>, %arg13: memref<10000xf32, #tpu.memory_space<vmem_shared>>, %arg14: memref<!tpu.dma_semaphore, #tpu.memory_space<semaphore_mem>>, %arg15: memref<!tpu.dma_semaphore, #tpu.memory_space<semaphore_mem>>, %arg16: memref<!tpu.dma_semaphore, #tpu.memory_space<semaphore_mem>>) attributes {dimension_semantics = [#tpu.dimension_semantics<core_parallel>, #tpu.dimension_semantics<subcore_parallel>], iteration_bounds = array<i64: 2, 16>, scalar_prefetch = 0 : i64, scratch_operands = 10 : i64, tpu.core_type = #tpu.core_type<sc_vector_subcore>, window_params = [{transform_indices = #map}, {transform_indices = #map1}, {transform_indices = #map}, {transform_indices = #map}, {transform_indices = #map1}]} {
    %mul3A = arith.constant 624 : i32
    %mul3A_0 = arith.muli %arg1, %mul3A : i32
    %eq3A = arith.constant 0 : i32
    %eq3A_1 = arith.cmpi eq, %arg0, %eq3A : i32
    %convert_element_type3A = arith.extui %eq3A_1 : i1 to i32
    %cond3A = arith.constant 0 : i32
    %cond3A_2 = arith.cmpi ne, %convert_element_type3A, %cond3A : i32
    scf.if %cond3A_2 {
      "tpu.region"() ({
        %run_scoped3A = tpu.sem_alloc : memref<!tpu.dma_semaphore, #tpu.memory_space<semaphore_mem>>
        %dma_start3A_98 = arith.constant 0 : i32
        %dma_start3A_99 = tpu.memref_slice %arg7[%dma_start3A_98] : memref<640xi32, #tpu.memory_space<vmem>> -> memref<624xi32, #tpu.memory_space<vmem>>
        %dma_start3A_100 = tpu.memref_slice %arg3[%mul3A_0] : memref<10000xi32, #tpu.memory_space<hbm>> -> memref<624xi32, #tpu.memory_space<hbm>>
        %dma_start3A_101 = arith.constant 0 : i32
        %dma_start3A_102 = tpu.memref_slice %arg7[%dma_start3A_101] : memref<640xi32, #tpu.memory_space<vmem>> -> memref<624xi32, #tpu.memory_space<vmem>>
        %dma_start3A_103 = tpu.memref_slice %arg3[%mul3A_0] : memref<10000xi32, #tpu.memory_space<hbm>> -> memref<624xi32, #tpu.memory_space<hbm>>
        tpu.enqueue_dma source(%dma_start3A_103 : memref<624xi32, #tpu.memory_space<hbm>>) target(%dma_start3A_102 : memref<624xi32, #tpu.memory_space<vmem>>) target_semaphore(%run_scoped3A : memref<!tpu.dma_semaphore, #tpu.memory_space<semaphore_mem>>)
        %dma_wait3A_104 = arith.constant 0 : i32
        %dma_wait3A_105 = tpu.memref_slice %arg7[%dma_wait3A_104] : memref<640xi32, #tpu.memory_space<vmem>> -> memref<624xi32, #tpu.memory_space<vmem>>
        %dma_wait3A_106 = tpu.memref_slice %arg3[%mul3A_0] : memref<10000xi32, #tpu.memory_space<hbm>> -> memref<624xi32, #tpu.memory_space<hbm>>
        %dma_wait3A_107 = arith.constant 0 : i32
        %dma_wait3A_108 = tpu.memref_slice %arg7[%dma_wait3A_107] : memref<640xi32, #tpu.memory_space<vmem>> -> memref<624xi32, #tpu.memory_space<vmem>>
        %dma_wait3A_109 = tpu.memref_slice %arg3[%mul3A_0] : memref<10000xi32, #tpu.memory_space<hbm>> -> memref<624xi32, #tpu.memory_space<hbm>>
        tpu.wait_dma2 semaphore(%run_scoped3A : memref<!tpu.dma_semaphore, #tpu.memory_space<semaphore_mem>>) src(%dma_wait3A_109 : memref<624xi32, #tpu.memory_space<hbm>>) dst(%dma_wait3A_108 : memref<624xi32, #tpu.memory_space<vmem>>)
        tpu.yield
      }) : () -> ()
      %dma_start3A = arith.constant 0 : i32
      %dma_start3A_24 = tpu.memref_slice %arg7[%dma_start3A] : memref<640xi32, #tpu.memory_space<vmem>> -> memref<104xi32, #tpu.memory_space<vmem>>
      %dma_start3A_25 = arith.constant 0 : i32
      %dma_start3A_26 = arith.constant 0 : i32
      %dma_start3A_27 = tpu.memref_slice %arg2[%dma_start3A_25, %dma_start3A_26] : memref<10000x128xf32, #tpu.memory_space<hbm>> -> memref<10000x128xf32, #tpu.memory_space<hbm>>
      tpu.enqueue_indirect_dma source(%dma_start3A_27 : memref<10000x128xf32, #tpu.memory_space<hbm>>) target(%arg8 : memref<104x128xf32, #tpu.memory_space<vmem>>) offsets(%dma_start3A_24 : memref<104xi32, #tpu.memory_space<vmem>>) semaphore(%arg14 : memref<!tpu.dma_semaphore, #tpu.memory_space<semaphore_mem>>)
      %dma_wait3A = arith.constant 0 : i32
      %dma_wait3A_28 = tpu.memref_slice %arg7[%dma_wait3A] : memref<640xi32, #tpu.memory_space<vmem>> -> memref<104xi32, #tpu.memory_space<vmem>>
      %dma_wait3A_29 = arith.constant 0 : i32
      %dma_wait3A_30 = arith.constant 0 : i32
      %dma_wait3A_31 = tpu.memref_slice %arg2[%dma_wait3A_29, %dma_wait3A_30] : memref<10000x128xf32, #tpu.memory_space<hbm>> -> memref<10000x128xf32, #tpu.memory_space<hbm>>
      tpu.wait_indirect_dma semaphore(%arg14 : memref<!tpu.dma_semaphore, #tpu.memory_space<semaphore_mem>>) src(%dma_wait3A_31 : memref<10000x128xf32, #tpu.memory_space<hbm>>) dst(%arg8 : memref<104x128xf32, #tpu.memory_space<vmem>>)
      %add3A = arith.constant 0 : i32
      %add3A_32 = arith.addi %mul3A_0, %add3A : i32
      "tpu.region"() ({
        %run_scoped3A = tpu.sem_alloc : memref<!tpu.dma_semaphore, #tpu.memory_space<semaphore_mem>>
        %dma_start3A_98 = arith.constant 0 : i32
        %dma_start3A_99 = tpu.memref_slice %arg5[%add3A_32, %dma_start3A_98] : memref<10000x128xf32, #tpu.memory_space<hbm>> -> memref<104x128xf32, #tpu.memory_space<hbm>>
        %dma_start3A_100 = arith.constant 0 : i32
        %dma_start3A_101 = tpu.memref_slice %arg5[%add3A_32, %dma_start3A_100] : memref<10000x128xf32, #tpu.memory_space<hbm>> -> memref<104x128xf32, #tpu.memory_space<hbm>>
        tpu.enqueue_dma source(%arg8 : memref<104x128xf32, #tpu.memory_space<vmem>>) target(%dma_start3A_101 : memref<104x128xf32, #tpu.memory_space<hbm>>) target_semaphore(%run_scoped3A : memref<!tpu.dma_semaphore, #tpu.memory_space<semaphore_mem>>)
        %dma_wait3A_102 = arith.constant 0 : i32
        %dma_wait3A_103 = tpu.memref_slice %arg5[%add3A_32, %dma_wait3A_102] : memref<10000x128xf32, #tpu.memory_space<hbm>> -> memref<104x128xf32, #tpu.memory_space<hbm>>
        %dma_wait3A_104 = arith.constant 0 : i32
        %dma_wait3A_105 = tpu.memref_slice %arg5[%add3A_32, %dma_wait3A_104] : memref<10000x128xf32, #tpu.memory_space<hbm>> -> memref<104x128xf32, #tpu.memory_space<hbm>>
        tpu.wait_dma2 semaphore(%run_scoped3A : memref<!tpu.dma_semaphore, #tpu.memory_space<semaphore_mem>>) src(%arg8 : memref<104x128xf32, #tpu.memory_space<vmem>>) dst(%dma_wait3A_105 : memref<104x128xf32, #tpu.memory_space<hbm>>)
        tpu.yield
      }) : () -> ()
      %dma_start3A_33 = arith.constant 104 : i32
      %dma_start3A_34 = tpu.memref_slice %arg7[%dma_start3A_33] : memref<640xi32, #tpu.memory_space<vmem>> -> memref<104xi32, #tpu.memory_space<vmem>>
      %dma_start3A_35 = arith.constant 0 : i32
      %dma_start3A_36 = arith.constant 0 : i32
      %dma_start3A_37 = tpu.memref_slice %arg2[%dma_start3A_35, %dma_start3A_36] : memref<10000x128xf32, #tpu.memory_space<hbm>> -> memref<10000x128xf32, #tpu.memory_space<hbm>>
      tpu.enqueue_indirect_dma source(%dma_start3A_37 : memref<10000x128xf32, #tpu.memory_space<hbm>>) target(%arg8 : memref<104x128xf32, #tpu.memory_space<vmem>>) offsets(%dma_start3A_34 : memref<104xi32, #tpu.memory_space<vmem>>) semaphore(%arg14 : memref<!tpu.dma_semaphore, #tpu.memory_space<semaphore_mem>>)
      %dma_wait3A_38 = arith.constant 104 : i32
      %dma_wait3A_39 = tpu.memref_slice %arg7[%dma_wait3A_38] : memref<640xi32, #tpu.memory_space<vmem>> -> memref<104xi32, #tpu.memory_space<vmem>>
      %dma_wait3A_40 = arith.constant 0 : i32
      %dma_wait3A_41 = arith.constant 0 : i32
      %dma_wait3A_42 = tpu.memref_slice %arg2[%dma_wait3A_40, %dma_wait3A_41] : memref<10000x128xf32, #tpu.memory_space<hbm>> -> memref<10000x128xf32, #tpu.memory_space<hbm>>
      tpu.wait_indirect_dma semaphore(%arg14 : memref<!tpu.dma_semaphore, #tpu.memory_space<semaphore_mem>>) src(%dma_wait3A_42 : memref<10000x128xf32, #tpu.memory_space<hbm>>) dst(%arg8 : memref<104x128xf32, #tpu.memory_space<vmem>>)
      %add3A_43 = arith.constant 104 : i32
      %add3A_44 = arith.addi %mul3A_0, %add3A_43 : i32
      "tpu.region"() ({
        %run_scoped3A = tpu.sem_alloc : memref<!tpu.dma_semaphore, #tpu.memory_space<semaphore_mem>>
        %dma_start3A_98 = arith.constant 0 : i32
        %dma_start3A_99 = tpu.memref_slice %arg5[%add3A_44, %dma_start3A_98] : memref<10000x128xf32, #tpu.memory_space<hbm>> -> memref<104x128xf32, #tpu.memory_space<hbm>>
        %dma_start3A_100 = arith.constant 0 : i32
        %dma_start3A_101 = tpu.memref_slice %arg5[%add3A_44, %dma_start3A_100] : memref<10000x128xf32, #tpu.memory_space<hbm>> -> memref<104x128xf32, #tpu.memory_space<hbm>>
        tpu.enqueue_dma source(%arg8 : memref<104x128xf32, #tpu.memory_space<vmem>>) target(%dma_start3A_101 : memref<104x128xf32, #tpu.memory_space<hbm>>) target_semaphore(%run_scoped3A : memref<!tpu.dma_semaphore, #tpu.memory_space<semaphore_mem>>)
        %dma_wait3A_102 = arith.constant 0 : i32
        %dma_wait3A_103 = tpu.memref_slice %arg5[%add3A_44, %dma_wait3A_102] : memref<10000x128xf32, #tpu.memory_space<hbm>> -> memref<104x128xf32, #tpu.memory_space<hbm>>
        %dma_wait3A_104 = arith.constant 0 : i32
        %dma_wait3A_105 = tpu.memref_slice %arg5[%add3A_44, %dma_wait3A_104] : memref<10000x128xf32, #tpu.memory_space<hbm>> -> memref<104x128xf32, #tpu.memory_space<hbm>>
        tpu.wait_dma2 semaphore(%run_scoped3A : memref<!tpu.dma_semaphore, #tpu.memory_space<semaphore_mem>>) src(%arg8 : memref<104x128xf32, #tpu.memory_space<vmem>>) dst(%dma_wait3A_105 : memref<104x128xf32, #tpu.memory_space<hbm>>)
        tpu.yield
      }) : () -> ()
      %dma_start3A_45 = arith.constant 208 : i32
      %dma_start3A_46 = tpu.memref_slice %arg7[%dma_start3A_45] : memref<640xi32, #tpu.memory_space<vmem>> -> memref<104xi32, #tpu.memory_space<vmem>>
      %dma_start3A_47 = arith.constant 0 : i32
      %dma_start3A_48 = arith.constant 0 : i32
      %dma_start3A_49 = tpu.memref_slice %arg2[%dma_start3A_47, %dma_start3A_48] : memref<10000x128xf32, #tpu.memory_space<hbm>> -> memref<10000x128xf32, #tpu.memory_space<hbm>>
      tpu.enqueue_indirect_dma source(%dma_start3A_49 : memref<10000x128xf32, #tpu.memory_space<hbm>>) target(%arg8 : memref<104x128xf32, #tpu.memory_space<vmem>>) offsets(%dma_start3A_46 : memref<104xi32, #tpu.memory_space<vmem>>) semaphore(%arg14 : memref<!tpu.dma_semaphore, #tpu.memory_space<semaphore_mem>>)
      %dma_wait3A_50 = arith.constant 208 : i32
      %dma_wait3A_51 = tpu.memref_slice %arg7[%dma_wait3A_50] : memref<640xi32, #tpu.memory_space<vmem>> -> memref<104xi32, #tpu.memory_space<vmem>>
      %dma_wait3A_52 = arith.constant 0 : i32
      %dma_wait3A_53 = arith.constant 0 : i32
      %dma_wait3A_54 = tpu.memref_slice %arg2[%dma_wait3A_52, %dma_wait3A_53] : memref<10000x128xf32, #tpu.memory_space<hbm>> -> memref<10000x128xf32, #tpu.memory_space<hbm>>
      tpu.wait_indirect_dma semaphore(%arg14 : memref<!tpu.dma_semaphore, #tpu.memory_space<semaphore_mem>>) src(%dma_wait3A_54 : memref<10000x128xf32, #tpu.memory_space<hbm>>) dst(%arg8 : memref<104x128xf32, #tpu.memory_space<vmem>>)
      %add3A_55 = arith.constant 208 : i32
      %add3A_56 = arith.addi %mul3A_0, %add3A_55 : i32
      "tpu.region"() ({
        %run_scoped3A = tpu.sem_alloc : memref<!tpu.dma_semaphore, #tpu.memory_space<semaphore_mem>>
        %dma_start3A_98 = arith.constant 0 : i32
        %dma_start3A_99 = tpu.memref_slice %arg5[%add3A_56, %dma_start3A_98] : memref<10000x128xf32, #tpu.memory_space<hbm>> -> memref<104x128xf32, #tpu.memory_space<hbm>>
        %dma_start3A_100 = arith.constant 0 : i32
        %dma_start3A_101 = tpu.memref_slice %arg5[%add3A_56, %dma_start3A_100] : memref<10000x128xf32, #tpu.memory_space<hbm>> -> memref<104x128xf32, #tpu.memory_space<hbm>>
        tpu.enqueue_dma source(%arg8 : memref<104x128xf32, #tpu.memory_space<vmem>>) target(%dma_start3A_101 : memref<104x128xf32, #tpu.memory_space<hbm>>) target_semaphore(%run_scoped3A : memref<!tpu.dma_semaphore, #tpu.memory_space<semaphore_mem>>)
        %dma_wait3A_102 = arith.constant 0 : i32
        %dma_wait3A_103 = tpu.memref_slice %arg5[%add3A_56, %dma_wait3A_102] : memref<10000x128xf32, #tpu.memory_space<hbm>> -> memref<104x128xf32, #tpu.memory_space<hbm>>
        %dma_wait3A_104 = arith.constant 0 : i32
        %dma_wait3A_105 = tpu.memref_slice %arg5[%add3A_56, %dma_wait3A_104] : memref<10000x128xf32, #tpu.memory_space<hbm>> -> memref<104x128xf32, #tpu.memory_space<hbm>>
        tpu.wait_dma2 semaphore(%run_scoped3A : memref<!tpu.dma_semaphore, #tpu.memory_space<semaphore_mem>>) src(%arg8 : memref<104x128xf32, #tpu.memory_space<vmem>>) dst(%dma_wait3A_105 : memref<104x128xf32, #tpu.memory_space<hbm>>)
        tpu.yield
      }) : () -> ()
      %dma_start3A_57 = arith.constant 312 : i32
      %dma_start3A_58 = tpu.memref_slice %arg7[%dma_start3A_57] : memref<640xi32, #tpu.memory_space<vmem>> -> memref<104xi32, #tpu.memory_space<vmem>>
      %dma_start3A_59 = arith.constant 0 : i32
      %dma_start3A_60 = arith.constant 0 : i32
      %dma_start3A_61 = tpu.memref_slice %arg2[%dma_start3A_59, %dma_start3A_60] : memref<10000x128xf32, #tpu.memory_space<hbm>> -> memref<10000x128xf32, #tpu.memory_space<hbm>>
      tpu.enqueue_indirect_dma source(%dma_start3A_61 : memref<10000x128xf32, #tpu.memory_space<hbm>>) target(%arg8 : memref<104x128xf32, #tpu.memory_space<vmem>>) offsets(%dma_start3A_58 : memref<104xi32, #tpu.memory_space<vmem>>) semaphore(%arg14 : memref<!tpu.dma_semaphore, #tpu.memory_space<semaphore_mem>>)
      %dma_wait3A_62 = arith.constant 312 : i32
      %dma_wait3A_63 = tpu.memref_slice %arg7[%dma_wait3A_62] : memref<640xi32, #tpu.memory_space<vmem>> -> memref<104xi32, #tpu.memory_space<vmem>>
      %dma_wait3A_64 = arith.constant 0 : i32
      %dma_wait3A_65 = arith.constant 0 : i32
      %dma_wait3A_66 = tpu.memref_slice %arg2[%dma_wait3A_64, %dma_wait3A_65] : memref<10000x128xf32, #tpu.memory_space<hbm>> -> memref<10000x128xf32, #tpu.memory_space<hbm>>
      tpu.wait_indirect_dma semaphore(%arg14 : memref<!tpu.dma_semaphore, #tpu.memory_space<semaphore_mem>>) src(%dma_wait3A_66 : memref<10000x128xf32, #tpu.memory_space<hbm>>) dst(%arg8 : memref<104x128xf32, #tpu.memory_space<vmem>>)
      %add3A_67 = arith.constant 312 : i32
      %add3A_68 = arith.addi %mul3A_0, %add3A_67 : i32
      "tpu.region"() ({
        %run_scoped3A = tpu.sem_alloc : memref<!tpu.dma_semaphore, #tpu.memory_space<semaphore_mem>>
        %dma_start3A_98 = arith.constant 0 : i32
        %dma_start3A_99 = tpu.memref_slice %arg5[%add3A_68, %dma_start3A_98] : memref<10000x128xf32, #tpu.memory_space<hbm>> -> memref<104x128xf32, #tpu.memory_space<hbm>>
        %dma_start3A_100 = arith.constant 0 : i32
        %dma_start3A_101 = tpu.memref_slice %arg5[%add3A_68, %dma_start3A_100] : memref<10000x128xf32, #tpu.memory_space<hbm>> -> memref<104x128xf32, #tpu.memory_space<hbm>>
        tpu.enqueue_dma source(%arg8 : memref<104x128xf32, #tpu.memory_space<vmem>>) target(%dma_start3A_101 : memref<104x128xf32, #tpu.memory_space<hbm>>) target_semaphore(%run_scoped3A : memref<!tpu.dma_semaphore, #tpu.memory_space<semaphore_mem>>)
        %dma_wait3A_102 = arith.constant 0 : i32
        %dma_wait3A_103 = tpu.memref_slice %arg5[%add3A_68, %dma_wait3A_102] : memref<10000x128xf32, #tpu.memory_space<hbm>> -> memref<104x128xf32, #tpu.memory_space<hbm>>
        %dma_wait3A_104 = arith.constant 0 : i32
        %dma_wait3A_105 = tpu.memref_slice %arg5[%add3A_68, %dma_wait3A_104] : memref<10000x128xf32, #tpu.memory_space<hbm>> -> memref<104x128xf32, #tpu.memory_space<hbm>>
        tpu.wait_dma2 semaphore(%run_scoped3A : memref<!tpu.dma_semaphore, #tpu.memory_space<semaphore_mem>>) src(%arg8 : memref<104x128xf32, #tpu.memory_space<vmem>>) dst(%dma_wait3A_105 : memref<104x128xf32, #tpu.memory_space<hbm>>)
        tpu.yield
      }) : () -> ()
      %dma_start3A_69 = arith.constant 416 : i32
      %dma_start3A_70 = tpu.memref_slice %arg7[%dma_start3A_69] : memref<640xi32, #tpu.memory_space<vmem>> -> memref<104xi32, #tpu.memory_space<vmem>>
      %dma_start3A_71 = arith.constant 0 : i32
      %dma_start3A_72 = arith.constant 0 : i32
      %dma_start3A_73 = tpu.memref_slice %arg2[%dma_start3A_71, %dma_start3A_72] : memref<10000x128xf32, #tpu.memory_space<hbm>> -> memref<10000x128xf32, #tpu.memory_space<hbm>>
      tpu.enqueue_indirect_dma source(%dma_start3A_73 : memref<10000x128xf32, #tpu.memory_space<hbm>>) target(%arg8 : memref<104x128xf32, #tpu.memory_space<vmem>>) offsets(%dma_start3A_70 : memref<104xi32, #tpu.memory_space<vmem>>) semaphore(%arg14 : memref<!tpu.dma_semaphore, #tpu.memory_space<semaphore_mem>>)
      %dma_wait3A_74 = arith.constant 416 : i32
      %dma_wait3A_75 = tpu.memref_slice %arg7[%dma_wait3A_74] : memref<640xi32, #tpu.memory_space<vmem>> -> memref<104xi32, #tpu.memory_space<vmem>>
      %dma_wait3A_76 = arith.constant 0 : i32
      %dma_wait3A_77 = arith.constant 0 : i32
      %dma_wait3A_78 = tpu.memref_slice %arg2[%dma_wait3A_76, %dma_wait3A_77] : memref<10000x128xf32, #tpu.memory_space<hbm>> -> memref<10000x128xf32, #tpu.memory_space<hbm>>
      tpu.wait_indirect_dma semaphore(%arg14 : memref<!tpu.dma_semaphore, #tpu.memory_space<semaphore_mem>>) src(%dma_wait3A_78 : memref<10000x128xf32, #tpu.memory_space<hbm>>) dst(%arg8 : memref<104x128xf32, #tpu.memory_space<vmem>>)
      %add3A_79 = arith.constant 416 : i32
      %add3A_80 = arith.addi %mul3A_0, %add3A_79 : i32
      "tpu.region"() ({
        %run_scoped3A = tpu.sem_alloc : memref<!tpu.dma_semaphore, #tpu.memory_space<semaphore_mem>>
        %dma_start3A_98 = arith.constant 0 : i32
        %dma_start3A_99 = tpu.memref_slice %arg5[%add3A_80, %dma_start3A_98] : memref<10000x128xf32, #tpu.memory_space<hbm>> -> memref<104x128xf32, #tpu.memory_space<hbm>>
        %dma_start3A_100 = arith.constant 0 : i32
        %dma_start3A_101 = tpu.memref_slice %arg5[%add3A_80, %dma_start3A_100] : memref<10000x128xf32, #tpu.memory_space<hbm>> -> memref<104x128xf32, #tpu.memory_space<hbm>>
        tpu.enqueue_dma source(%arg8 : memref<104x128xf32, #tpu.memory_space<vmem>>) target(%dma_start3A_101 : memref<104x128xf32, #tpu.memory_space<hbm>>) target_semaphore(%run_scoped3A : memref<!tpu.dma_semaphore, #tpu.memory_space<semaphore_mem>>)
        %dma_wait3A_102 = arith.constant 0 : i32
        %dma_wait3A_103 = tpu.memref_slice %arg5[%add3A_80, %dma_wait3A_102] : memref<10000x128xf32, #tpu.memory_space<hbm>> -> memref<104x128xf32, #tpu.memory_space<hbm>>
        %dma_wait3A_104 = arith.constant 0 : i32
        %dma_wait3A_105 = tpu.memref_slice %arg5[%add3A_80, %dma_wait3A_104] : memref<10000x128xf32, #tpu.memory_space<hbm>> -> memref<104x128xf32, #tpu.memory_space<hbm>>
        tpu.wait_dma2 semaphore(%run_scoped3A : memref<!tpu.dma_semaphore, #tpu.memory_space<semaphore_mem>>) src(%arg8 : memref<104x128xf32, #tpu.memory_space<vmem>>) dst(%dma_wait3A_105 : memref<104x128xf32, #tpu.memory_space<hbm>>)
        tpu.yield
      }) : () -> ()
      %dma_start3A_81 = arith.constant 520 : i32
      %dma_start3A_82 = tpu.memref_slice %arg7[%dma_start3A_81] : memref<640xi32, #tpu.memory_space<vmem>> -> memref<104xi32, #tpu.memory_space<vmem>>
      %dma_start3A_83 = arith.constant 0 : i32
      %dma_start3A_84 = arith.constant 0 : i32
      %dma_start3A_85 = tpu.memref_slice %arg2[%dma_start3A_83, %dma_start3A_84] : memref<10000x128xf32, #tpu.memory_space<hbm>> -> memref<10000x128xf32, #tpu.memory_space<hbm>>
      tpu.enqueue_indirect_dma source(%dma_start3A_85 : memref<10000x128xf32, #tpu.memory_space<hbm>>) target(%arg8 : memref<104x128xf32, #tpu.memory_space<vmem>>) offsets(%dma_start3A_82 : memref<104xi32, #tpu.memory_space<vmem>>) semaphore(%arg14 : memref<!tpu.dma_semaphore, #tpu.memory_space<semaphore_mem>>)
      %dma_wait3A_86 = arith.constant 520 : i32
      %dma_wait3A_87 = tpu.memref_slice %arg7[%dma_wait3A_86] : memref<640xi32, #tpu.memory_space<vmem>> -> memref<104xi32, #tpu.memory_space<vmem>>
      %dma_wait3A_88 = arith.constant 0 : i32
      %dma_wait3A_89 = arith.constant 0 : i32
      %dma_wait3A_90 = tpu.memref_slice %arg2[%dma_wait3A_88, %dma_wait3A_89] : memref<10000x128xf32, #tpu.memory_space<hbm>> -> memref<10000x128xf32, #tpu.memory_space<hbm>>
      tpu.wait_indirect_dma semaphore(%arg14 : memref<!tpu.dma_semaphore, #tpu.memory_space<semaphore_mem>>) src(%dma_wait3A_90 : memref<10000x128xf32, #tpu.memory_space<hbm>>) dst(%arg8 : memref<104x128xf32, #tpu.memory_space<vmem>>)
      %add3A_91 = arith.constant 520 : i32
      %add3A_92 = arith.addi %mul3A_0, %add3A_91 : i32
      "tpu.region"() ({
        %run_scoped3A = tpu.sem_alloc : memref<!tpu.dma_semaphore, #tpu.memory_space<semaphore_mem>>
        %dma_start3A_98 = arith.constant 0 : i32
        %dma_start3A_99 = tpu.memref_slice %arg5[%add3A_92, %dma_start3A_98] : memref<10000x128xf32, #tpu.memory_space<hbm>> -> memref<104x128xf32, #tpu.memory_space<hbm>>
        %dma_start3A_100 = arith.constant 0 : i32
        %dma_start3A_101 = tpu.memref_slice %arg5[%add3A_92, %dma_start3A_100] : memref<10000x128xf32, #tpu.memory_space<hbm>> -> memref<104x128xf32, #tpu.memory_space<hbm>>
        tpu.enqueue_dma source(%arg8 : memref<104x128xf32, #tpu.memory_space<vmem>>) target(%dma_start3A_101 : memref<104x128xf32, #tpu.memory_space<hbm>>) target_semaphore(%run_scoped3A : memref<!tpu.dma_semaphore, #tpu.memory_space<semaphore_mem>>)
        %dma_wait3A_102 = arith.constant 0 : i32
        %dma_wait3A_103 = tpu.memref_slice %arg5[%add3A_92, %dma_wait3A_102] : memref<10000x128xf32, #tpu.memory_space<hbm>> -> memref<104x128xf32, #tpu.memory_space<hbm>>
        %dma_wait3A_104 = arith.constant 0 : i32
        %dma_wait3A_105 = tpu.memref_slice %arg5[%add3A_92, %dma_wait3A_104] : memref<10000x128xf32, #tpu.memory_space<hbm>> -> memref<104x128xf32, #tpu.memory_space<hbm>>
        tpu.wait_dma2 semaphore(%run_scoped3A : memref<!tpu.dma_semaphore, #tpu.memory_space<semaphore_mem>>) src(%arg8 : memref<104x128xf32, #tpu.memory_space<vmem>>) dst(%dma_wait3A_105 : memref<104x128xf32, #tpu.memory_space<hbm>>)
        tpu.yield
      }) : () -> ()
      %eq3A_93 = arith.constant 15 : i32
      %eq3A_94 = arith.cmpi eq, %arg1, %eq3A_93 : i32
      %convert_element_type3A_95 = arith.extui %eq3A_94 : i1 to i32
      %cond3A_96 = arith.constant 0 : i32
      %cond3A_97 = arith.cmpi ne, %convert_element_type3A_95, %cond3A_96 : i32
      scf.if %cond3A_97 {
        "tpu.region"() ({
          %run_scoped3A = tpu.sem_alloc : memref<!tpu.dma_semaphore, #tpu.memory_space<semaphore_mem>>
          %dma_start3A_114 = arith.constant 624 : i32
          %dma_start3A_115 = tpu.memref_slice %arg7[%dma_start3A_114] : memref<640xi32, #tpu.memory_space<vmem>> -> memref<16xi32, #tpu.memory_space<vmem>>
          %dma_start3A_116 = arith.constant 9360 : i32
          %dma_start3A_117 = tpu.memref_slice %arg3[%dma_start3A_116] : memref<10000xi32, #tpu.memory_space<hbm>> -> memref<16xi32, #tpu.memory_space<hbm>>
          %dma_start3A_118 = arith.constant 624 : i32
          %dma_start3A_119 = tpu.memref_slice %arg7[%dma_start3A_118] : memref<640xi32, #tpu.memory_space<vmem>> -> memref<16xi32, #tpu.memory_space<vmem>>
          %dma_start3A_120 = arith.constant 9360 : i32
          %dma_start3A_121 = tpu.memref_slice %arg3[%dma_start3A_120] : memref<10000xi32, #tpu.memory_space<hbm>> -> memref<16xi32, #tpu.memory_space<hbm>>
          tpu.enqueue_dma source(%dma_start3A_121 : memref<16xi32, #tpu.memory_space<hbm>>) target(%dma_start3A_119 : memref<16xi32, #tpu.memory_space<vmem>>) target_semaphore(%run_scoped3A : memref<!tpu.dma_semaphore, #tpu.memory_space<semaphore_mem>>)
          %dma_wait3A_122 = arith.constant 624 : i32
          %dma_wait3A_123 = tpu.memref_slice %arg7[%dma_wait3A_122] : memref<640xi32, #tpu.memory_space<vmem>> -> memref<16xi32, #tpu.memory_space<vmem>>
          %dma_wait3A_124 = arith.constant 9360 : i32
          %dma_wait3A_125 = tpu.memref_slice %arg3[%dma_wait3A_124] : memref<10000xi32, #tpu.memory_space<hbm>> -> memref<16xi32, #tpu.memory_space<hbm>>
          %dma_wait3A_126 = arith.constant 624 : i32
          %dma_wait3A_127 = tpu.memref_slice %arg7[%dma_wait3A_126] : memref<640xi32, #tpu.memory_space<vmem>> -> memref<16xi32, #tpu.memory_space<vmem>>
          %dma_wait3A_128 = arith.constant 9360 : i32
          %dma_wait3A_129 = tpu.memref_slice %arg3[%dma_wait3A_128] : memref<10000xi32, #tpu.memory_space<hbm>> -> memref<16xi32, #tpu.memory_space<hbm>>
          tpu.wait_dma2 semaphore(%run_scoped3A : memref<!tpu.dma_semaphore, #tpu.memory_space<semaphore_mem>>) src(%dma_wait3A_129 : memref<16xi32, #tpu.memory_space<hbm>>) dst(%dma_wait3A_127 : memref<16xi32, #tpu.memory_space<vmem>>)
          tpu.yield
        }) : () -> ()
        %dma_start3A_98 = arith.constant 0 : i32
        %dma_start3A_99 = arith.constant 0 : i32
        %dma_start3A_100 = tpu.memref_slice %arg8[%dma_start3A_98, %dma_start3A_99] : memref<104x128xf32, #tpu.memory_space<vmem>> -> memref<16x128xf32, #tpu.memory_space<vmem>>
        %dma_start3A_101 = arith.constant 624 : i32
        %dma_start3A_102 = tpu.memref_slice %arg7[%dma_start3A_101] : memref<640xi32, #tpu.memory_space<vmem>> -> memref<16xi32, #tpu.memory_space<vmem>>
        %dma_start3A_103 = arith.constant 0 : i32
        %dma_start3A_104 = arith.constant 0 : i32
        %dma_start3A_105 = tpu.memref_slice %arg2[%dma_start3A_103, %dma_start3A_104] : memref<10000x128xf32, #tpu.memory_space<hbm>> -> memref<10000x128xf32, #tpu.memory_space<hbm>>
        tpu.enqueue_indirect_dma source(%dma_start3A_105 : memref<10000x128xf32, #tpu.memory_space<hbm>>) target(%dma_start3A_100 : memref<16x128xf32, #tpu.memory_space<vmem>>) offsets(%dma_start3A_102 : memref<16xi32, #tpu.memory_space<vmem>>) semaphore(%arg14 : memref<!tpu.dma_semaphore, #tpu.memory_space<semaphore_mem>>)
        %dma_wait3A_106 = arith.constant 0 : i32
        %dma_wait3A_107 = arith.constant 0 : i32
        %dma_wait3A_108 = tpu.memref_slice %arg8[%dma_wait3A_106, %dma_wait3A_107] : memref<104x128xf32, #tpu.memory_space<vmem>> -> memref<16x128xf32, #tpu.memory_space<vmem>>
        %dma_wait3A_109 = arith.constant 624 : i32
        %dma_wait3A_110 = tpu.memref_slice %arg7[%dma_wait3A_109] : memref<640xi32, #tpu.memory_space<vmem>> -> memref<16xi32, #tpu.memory_space<vmem>>
        %dma_wait3A_111 = arith.constant 0 : i32
        %dma_wait3A_112 = arith.constant 0 : i32
        %dma_wait3A_113 = tpu.memref_slice %arg2[%dma_wait3A_111, %dma_wait3A_112] : memref<10000x128xf32, #tpu.memory_space<hbm>> -> memref<10000x128xf32, #tpu.memory_space<hbm>>
        tpu.wait_indirect_dma semaphore(%arg14 : memref<!tpu.dma_semaphore, #tpu.memory_space<semaphore_mem>>) src(%dma_wait3A_113 : memref<10000x128xf32, #tpu.memory_space<hbm>>) dst(%dma_wait3A_108 : memref<16x128xf32, #tpu.memory_space<vmem>>)
        "tpu.region"() ({
          %run_scoped3A = tpu.sem_alloc : memref<!tpu.dma_semaphore, #tpu.memory_space<semaphore_mem>>
          %dma_start3A_114 = arith.constant 0 : i32
          %dma_start3A_115 = arith.constant 0 : i32
          %dma_start3A_116 = tpu.memref_slice %arg8[%dma_start3A_114, %dma_start3A_115] : memref<104x128xf32, #tpu.memory_space<vmem>> -> memref<16x128xf32, #tpu.memory_space<vmem>>
          %dma_start3A_117 = arith.constant 9360 : i32
          %dma_start3A_118 = arith.constant 0 : i32
          %dma_start3A_119 = tpu.memref_slice %arg5[%dma_start3A_117, %dma_start3A_118] : memref<10000x128xf32, #tpu.memory_space<hbm>> -> memref<16x128xf32, #tpu.memory_space<hbm>>
          %dma_start3A_120 = arith.constant 9360 : i32
          %dma_start3A_121 = arith.constant 0 : i32
          %dma_start3A_122 = tpu.memref_slice %arg5[%dma_start3A_120, %dma_start3A_121] : memref<10000x128xf32, #tpu.memory_space<hbm>> -> memref<16x128xf32, #tpu.memory_space<hbm>>
          %dma_start3A_123 = arith.constant 0 : i32
          %dma_start3A_124 = arith.constant 0 : i32
          %dma_start3A_125 = tpu.memref_slice %arg8[%dma_start3A_123, %dma_start3A_124] : memref<104x128xf32, #tpu.memory_space<vmem>> -> memref<16x128xf32, #tpu.memory_space<vmem>>
          tpu.enqueue_dma source(%dma_start3A_125 : memref<16x128xf32, #tpu.memory_space<vmem>>) target(%dma_start3A_122 : memref<16x128xf32, #tpu.memory_space<hbm>>) target_semaphore(%run_scoped3A : memref<!tpu.dma_semaphore, #tpu.memory_space<semaphore_mem>>)
          %dma_wait3A_126 = arith.constant 0 : i32
          %dma_wait3A_127 = arith.constant 0 : i32
          %dma_wait3A_128 = tpu.memref_slice %arg8[%dma_wait3A_126, %dma_wait3A_127] : memref<104x128xf32, #tpu.memory_space<vmem>> -> memref<16x128xf32, #tpu.memory_space<vmem>>
          %dma_wait3A_129 = arith.constant 9360 : i32
          %dma_wait3A_130 = arith.constant 0 : i32
          %dma_wait3A_131 = tpu.memref_slice %arg5[%dma_wait3A_129, %dma_wait3A_130] : memref<10000x128xf32, #tpu.memory_space<hbm>> -> memref<16x128xf32, #tpu.memory_space<hbm>>
          %dma_wait3A_132 = arith.constant 9360 : i32
          %dma_wait3A_133 = arith.constant 0 : i32
          %dma_wait3A_134 = tpu.memref_slice %arg5[%dma_wait3A_132, %dma_wait3A_133] : memref<10000x128xf32, #tpu.memory_space<hbm>> -> memref<16x128xf32, #tpu.memory_space<hbm>>
          %dma_wait3A_135 = arith.constant 0 : i32
          %dma_wait3A_136 = arith.constant 0 : i32
          %dma_wait3A_137 = tpu.memref_slice %arg8[%dma_wait3A_135, %dma_wait3A_136] : memref<104x128xf32, #tpu.memory_space<vmem>> -> memref<16x128xf32, #tpu.memory_space<vmem>>
          tpu.wait_dma2 semaphore(%run_scoped3A : memref<!tpu.dma_semaphore, #tpu.memory_space<semaphore_mem>>) src(%dma_wait3A_137 : memref<16x128xf32, #tpu.memory_space<vmem>>) dst(%dma_wait3A_134 : memref<16x128xf32, #tpu.memory_space<hbm>>)
          tpu.yield
        }) : () -> ()
      } else {
      }
    } else {
    }
    %eq3A_3 = arith.constant 1 : i32
    %eq3A_4 = arith.cmpi eq, %arg0, %eq3A_3 : i32
    %eq3A_5 = arith.constant 0 : i32
    %eq3A_6 = arith.cmpi eq, %arg1, %eq3A_5 : i32
    %and3A = arith.andi %eq3A_4, %eq3A_6 : i1
    %convert_element_type3A_7 = arith.extui %and3A : i1 to i32
    %cond3A_8 = arith.constant 0 : i32
    %cond3A_9 = arith.cmpi ne, %convert_element_type3A_7, %cond3A_8 : i32
    scf.if %cond3A_9 {
      %scan3A = arith.constant 0 : i32
      %scan3A_24 = arith.constant 0 : i32
      %scan3A_25 = arith.constant 625 : i32
      %scan3A_26 = arith.addi %scan3A_24, %scan3A_25 : i32
      %scan3A_27 = arith.constant 1 : i32
      scf.for %scan3A_29 = %scan3A_24 to %scan3A_26 step %scan3A_27  : i32 {
        %broadcast_in_dim3A = arith.constant 0.000000e+00 : f32
        %broadcast_in_dim3A_30 = vector.broadcast %broadcast_in_dim3A : f32 to vector<16xf32>
        %mul3A_31 = arith.constant 16 : i32
        %mul3A_32 = arith.muli %scan3A_29, %mul3A_31 : i32
        %swap3A = arith.index_cast %mul3A_32 : i32 to index
        %swap3A_33 = tpu.vector_load %arg11[%swap3A] {strides = array<i32>} : memref<10000xf32, #tpu.memory_space<vmem>>, vector<16xf32>,
        %swap3A_34 = vector.shape_cast %swap3A_33 : vector<16xf32> to vector<16xf32>
        %swap3A_35 = vector.shape_cast %broadcast_in_dim3A_30 : vector<16xf32> to vector<16xf32>
        tpu.vector_store %arg11[%swap3A], %swap3A_35 {strides = array<i32>} : memref<10000xf32, #tpu.memory_space<vmem>>, vector<16xf32>,
      }
      %scan3A_28 = arith.constant 625 : i32
      "tpu.region"() ({
        %run_scoped3A = tpu.sem_alloc : memref<!tpu.dma_semaphore, #tpu.memory_space<semaphore_mem>>
        tpu.enqueue_dma source(%arg11 : memref<10000xf32, #tpu.memory_space<vmem>>) target(%arg13 : memref<10000xf32, #tpu.memory_space<vmem_shared>>) target_semaphore(%run_scoped3A : memref<!tpu.dma_semaphore, #tpu.memory_space<semaphore_mem>>)
        tpu.wait_dma2 semaphore(%run_scoped3A : memref<!tpu.dma_semaphore, #tpu.memory_space<semaphore_mem>>) src(%arg11 : memref<10000xf32, #tpu.memory_space<vmem>>) dst(%arg13 : memref<10000xf32, #tpu.memory_space<vmem_shared>>)
        tpu.yield
      }) : () -> ()
    } else {
    }
    %barrier3A = arith.constant 0 : index
    tpu.barrier barrier_id(%barrier3A)
    %eq3A_10 = arith.constant 1 : i32
    %eq3A_11 = arith.cmpi eq, %arg0, %eq3A_10 : i32
    %convert_element_type3A_12 = arith.extui %eq3A_11 : i1 to i32
    %cond3A_13 = arith.constant 0 : i32
    %cond3A_14 = arith.cmpi ne, %convert_element_type3A_12, %cond3A_13 : i32
    scf.if %cond3A_14 {
      %broadcast_in_dim3A = arith.constant 1.000000e+00 : f32
      %broadcast_in_dim3A_24 = vector.broadcast %broadcast_in_dim3A : f32 to vector<16xf32>
      %swap3A = arith.constant 0 : index
      %swap3A_25 = tpu.vector_load %arg12[%swap3A] {strides = array<i32>} : memref<128xf32, #tpu.memory_space<vmem>>, vector<16xf32>,
      %swap3A_26 = vector.shape_cast %swap3A_25 : vector<16xf32> to vector<16xf32>
      %swap3A_27 = vector.shape_cast %broadcast_in_dim3A_24 : vector<16xf32> to vector<16xf32>
      tpu.vector_store %arg12[%swap3A], %swap3A_27 {strides = array<i32>} : memref<128xf32, #tpu.memory_space<vmem>>, vector<16xf32>,
      %broadcast_in_dim3A_28 = arith.constant 1.000000e+00 : f32
      %broadcast_in_dim3A_29 = vector.broadcast %broadcast_in_dim3A_28 : f32 to vector<16xf32>
      %swap3A_30 = arith.constant 16 : index
      %swap3A_31 = tpu.vector_load %arg12[%swap3A_30] {strides = array<i32>} : memref<128xf32, #tpu.memory_space<vmem>>, vector<16xf32>,
      %swap3A_32 = vector.shape_cast %swap3A_31 : vector<16xf32> to vector<16xf32>
      %swap3A_33 = vector.shape_cast %broadcast_in_dim3A_29 : vector<16xf32> to vector<16xf32>
      tpu.vector_store %arg12[%swap3A_30], %swap3A_33 {strides = array<i32>} : memref<128xf32, #tpu.memory_space<vmem>>, vector<16xf32>,
      %broadcast_in_dim3A_34 = arith.constant 1.000000e+00 : f32
      %broadcast_in_dim3A_35 = vector.broadcast %broadcast_in_dim3A_34 : f32 to vector<16xf32>
      %swap3A_36 = arith.constant 32 : index
      %swap3A_37 = tpu.vector_load %arg12[%swap3A_36] {strides = array<i32>} : memref<128xf32, #tpu.memory_space<vmem>>, vector<16xf32>,
      %swap3A_38 = vector.shape_cast %swap3A_37 : vector<16xf32> to vector<16xf32>
      %swap3A_39 = vector.shape_cast %broadcast_in_dim3A_35 : vector<16xf32> to vector<16xf32>
      tpu.vector_store %arg12[%swap3A_36], %swap3A_39 {strides = array<i32>} : memref<128xf32, #tpu.memory_space<vmem>>, vector<16xf32>,
      %broadcast_in_dim3A_40 = arith.constant 1.000000e+00 : f32
      %broadcast_in_dim3A_41 = vector.broadcast %broadcast_in_dim3A_40 : f32 to vector<16xf32>
      %swap3A_42 = arith.constant 48 : index
      %swap3A_43 = tpu.vector_load %arg12[%swap3A_42] {strides = array<i32>} : memref<128xf32, #tpu.memory_space<vmem>>, vector<16xf32>,
      %swap3A_44 = vector.shape_cast %swap3A_43 : vector<16xf32> to vector<16xf32>
      %swap3A_45 = vector.shape_cast %broadcast_in_dim3A_41 : vector<16xf32> to vector<16xf32>
      tpu.vector_store %arg12[%swap3A_42], %swap3A_45 {strides = array<i32>} : memref<128xf32, #tpu.memory_space<vmem>>, vector<16xf32>,
      %broadcast_in_dim3A_46 = arith.constant 1.000000e+00 : f32
      %broadcast_in_dim3A_47 = vector.broadcast %broadcast_in_dim3A_46 : f32 to vector<16xf32>
      %swap3A_48 = arith.constant 64 : index
      %swap3A_49 = tpu.vector_load %arg12[%swap3A_48] {strides = array<i32>} : memref<128xf32, #tpu.memory_space<vmem>>, vector<16xf32>,
      %swap3A_50 = vector.shape_cast %swap3A_49 : vector<16xf32> to vector<16xf32>
      %swap3A_51 = vector.shape_cast %broadcast_in_dim3A_47 : vector<16xf32> to vector<16xf32>
      tpu.vector_store %arg12[%swap3A_48], %swap3A_51 {strides = array<i32>} : memref<128xf32, #tpu.memory_space<vmem>>, vector<16xf32>,
      %broadcast_in_dim3A_52 = arith.constant 1.000000e+00 : f32
      %broadcast_in_dim3A_53 = vector.broadcast %broadcast_in_dim3A_52 : f32 to vector<16xf32>
      %swap3A_54 = arith.constant 80 : index
      %swap3A_55 = tpu.vector_load %arg12[%swap3A_54] {strides = array<i32>} : memref<128xf32, #tpu.memory_space<vmem>>, vector<16xf32>,
      %swap3A_56 = vector.shape_cast %swap3A_55 : vector<16xf32> to vector<16xf32>
      %swap3A_57 = vector.shape_cast %broadcast_in_dim3A_53 : vector<16xf32> to vector<16xf32>
      tpu.vector_store %arg12[%swap3A_54], %swap3A_57 {strides = array<i32>} : memref<128xf32, #tpu.memory_space<vmem>>, vector<16xf32>,
      %broadcast_in_dim3A_58 = arith.constant 1.000000e+00 : f32
      %broadcast_in_dim3A_59 = vector.broadcast %broadcast_in_dim3A_58 : f32 to vector<16xf32>
      %swap3A_60 = arith.constant 96 : index
      %swap3A_61 = tpu.vector_load %arg12[%swap3A_60] {strides = array<i32>} : memref<128xf32, #tpu.memory_space<vmem>>, vector<16xf32>,
      %swap3A_62 = vector.shape_cast %swap3A_61 : vector<16xf32> to vector<16xf32>
      %swap3A_63 = vector.shape_cast %broadcast_in_dim3A_59 : vector<16xf32> to vector<16xf32>
      tpu.vector_store %arg12[%swap3A_60], %swap3A_63 {strides = array<i32>} : memref<128xf32, #tpu.memory_space<vmem>>, vector<16xf32>,
      %broadcast_in_dim3A_64 = arith.constant 1.000000e+00 : f32
      %broadcast_in_dim3A_65 = vector.broadcast %broadcast_in_dim3A_64 : f32 to vector<16xf32>
      %swap3A_66 = arith.constant 112 : index
      %swap3A_67 = tpu.vector_load %arg12[%swap3A_66] {strides = array<i32>} : memref<128xf32, #tpu.memory_space<vmem>>, vector<16xf32>,
      %swap3A_68 = vector.shape_cast %swap3A_67 : vector<16xf32> to vector<16xf32>
      %swap3A_69 = vector.shape_cast %broadcast_in_dim3A_65 : vector<16xf32> to vector<16xf32>
      tpu.vector_store %arg12[%swap3A_66], %swap3A_69 {strides = array<i32>} : memref<128xf32, #tpu.memory_space<vmem>>, vector<16xf32>,
      %mul3A_70 = arith.constant 160 : i32
      %mul3A_71 = arith.muli %arg1, %mul3A_70 : i32
      "tpu.region"() ({
        %run_scoped3A = tpu.sem_alloc : memref<!tpu.dma_semaphore, #tpu.memory_space<semaphore_mem>>
        %dma_start3A = arith.constant 0 : i32
        %dma_start3A_77 = tpu.memref_slice %arg4[%mul3A_71, %dma_start3A] : memref<2560x125xi32, #tpu.memory_space<hbm>> -> memref<160x125xi32, #tpu.memory_space<hbm>>
        %dma_start3A_78 = arith.constant 0 : i32
        %dma_start3A_79 = tpu.memref_slice %arg4[%mul3A_71, %dma_start3A_78] : memref<2560x125xi32, #tpu.memory_space<hbm>> -> memref<160x125xi32, #tpu.memory_space<hbm>>
        tpu.enqueue_dma source(%dma_start3A_79 : memref<160x125xi32, #tpu.memory_space<hbm>>) target(%arg10 : memref<160x125xi32, #tpu.memory_space<vmem>>) target_semaphore(%run_scoped3A : memref<!tpu.dma_semaphore, #tpu.memory_space<semaphore_mem>>)
        %dma_wait3A = arith.constant 0 : i32
        %dma_wait3A_80 = tpu.memref_slice %arg4[%mul3A_71, %dma_wait3A] : memref<2560x125xi32, #tpu.memory_space<hbm>> -> memref<160x125xi32, #tpu.memory_space<hbm>>
        %dma_wait3A_81 = arith.constant 0 : i32
        %dma_wait3A_82 = tpu.memref_slice %arg4[%mul3A_71, %dma_wait3A_81] : memref<2560x125xi32, #tpu.memory_space<hbm>> -> memref<160x125xi32, #tpu.memory_space<hbm>>
        tpu.wait_dma2 semaphore(%run_scoped3A : memref<!tpu.dma_semaphore, #tpu.memory_space<semaphore_mem>>) src(%dma_wait3A_82 : memref<160x125xi32, #tpu.memory_space<hbm>>) dst(%arg10 : memref<160x125xi32, #tpu.memory_space<vmem>>)
        tpu.yield
      }) : () -> ()
      %scan3A = arith.constant 0 : i32
      %scan3A_72 = arith.constant 0 : i32
      %scan3A_73 = arith.constant 10 : i32
      %scan3A_74 = arith.addi %scan3A_72, %scan3A_73 : i32
      %scan3A_75 = arith.constant 1 : i32
      scf.for %scan3A_77 = %scan3A_72 to %scan3A_74 step %scan3A_75  : i32 {
        %mul3A_78 = arith.constant 16 : i32
        %mul3A_79 = arith.muli %scan3A_77, %mul3A_78 : i32
        %add3A = arith.constant 0 : i32
        %add3A_80 = arith.addi %mul3A_79, %add3A : i32
        %dma_start3A = arith.constant 0 : i32
        %dma_start3A_81 = tpu.memref_slice %arg12[%dma_start3A] : memref<128xf32, #tpu.memory_space<vmem>> -> memref<125xf32, #tpu.memory_space<vmem>>
        %dma_start3A_82 = arith.constant 0 : i32
        %dma_start3A_83 = tpu.memref_slice %arg10[%add3A_80, %dma_start3A_82] : memref<160x125xi32, #tpu.memory_space<vmem>> -> memref<1x125xi32, #tpu.memory_space<vmem>>
        %dma_start3A_84 = tpu.memref_squeeze %dma_start3A_83 : memref<1x125xi32, #tpu.memory_space<vmem>> -> memref<125xi32, #tpu.memory_space<vmem>>
        %dma_start3A_85 = arith.constant 0 : i32
        %dma_start3A_86 = tpu.memref_slice %arg13[%dma_start3A_85] : memref<10000xf32, #tpu.memory_space<vmem_shared>> -> memref<10000xf32, #tpu.memory_space<vmem_shared>>
        tpu.enqueue_indirect_dma source(%dma_start3A_81 : memref<125xf32, #tpu.memory_space<vmem>>) target(%dma_start3A_86 : memref<10000xf32, #tpu.memory_space<vmem_shared>>) offsets(%dma_start3A_84 : memref<125xi32, #tpu.memory_space<vmem>>) semaphore(%arg16 : memref<!tpu.dma_semaphore, #tpu.memory_space<semaphore_mem>>) {add = true}
        %add3A_87 = arith.constant 1 : i32
        %add3A_88 = arith.addi %mul3A_79, %add3A_87 : i32
        %dma_start3A_89 = arith.constant 0 : i32
        %dma_start3A_90 = tpu.memref_slice %arg12[%dma_start3A_89] : memref<128xf32, #tpu.memory_space<vmem>> -> memref<125xf32, #tpu.memory_space<vmem>>
        %dma_start3A_91 = arith.constant 0 : i32
        %dma_start3A_92 = tpu.memref_slice %arg10[%add3A_88, %dma_start3A_91] : memref<160x125xi32, #tpu.memory_space<vmem>> -> memref<1x125xi32, #tpu.memory_space<vmem>>
        %dma_start3A_93 = tpu.memref_squeeze %dma_start3A_92 : memref<1x125xi32, #tpu.memory_space<vmem>> -> memref<125xi32, #tpu.memory_space<vmem>>
        %dma_start3A_94 = arith.constant 0 : i32
        %dma_start3A_95 = tpu.memref_slice %arg13[%dma_start3A_94] : memref<10000xf32, #tpu.memory_space<vmem_shared>> -> memref<10000xf32, #tpu.memory_space<vmem_shared>>
        tpu.enqueue_indirect_dma source(%dma_start3A_90 : memref<125xf32, #tpu.memory_space<vmem>>) target(%dma_start3A_95 : memref<10000xf32, #tpu.memory_space<vmem_shared>>) offsets(%dma_start3A_93 : memref<125xi32, #tpu.memory_space<vmem>>) semaphore(%arg16 : memref<!tpu.dma_semaphore, #tpu.memory_space<semaphore_mem>>) {add = true}
        %add3A_96 = arith.constant 2 : i32
        %add3A_97 = arith.addi %mul3A_79, %add3A_96 : i32
        %dma_start3A_98 = arith.constant 0 : i32
        %dma_start3A_99 = tpu.memref_slice %arg12[%dma_start3A_98] : memref<128xf32, #tpu.memory_space<vmem>> -> memref<125xf32, #tpu.memory_space<vmem>>
        %dma_start3A_100 = arith.constant 0 : i32
        %dma_start3A_101 = tpu.memref_slice %arg10[%add3A_97, %dma_start3A_100] : memref<160x125xi32, #tpu.memory_space<vmem>> -> memref<1x125xi32, #tpu.memory_space<vmem>>
        %dma_start3A_102 = tpu.memref_squeeze %dma_start3A_101 : memref<1x125xi32, #tpu.memory_space<vmem>> -> memref<125xi32, #tpu.memory_space<vmem>>
        %dma_start3A_103 = arith.constant 0 : i32
        %dma_start3A_104 = tpu.memref_slice %arg13[%dma_start3A_103] : memref<10000xf32, #tpu.memory_space<vmem_shared>> -> memref<10000xf32, #tpu.memory_space<vmem_shared>>
        tpu.enqueue_indirect_dma source(%dma_start3A_99 : memref<125xf32, #tpu.memory_space<vmem>>) target(%dma_start3A_104 : memref<10000xf32, #tpu.memory_space<vmem_shared>>) offsets(%dma_start3A_102 : memref<125xi32, #tpu.memory_space<vmem>>) semaphore(%arg16 : memref<!tpu.dma_semaphore, #tpu.memory_space<semaphore_mem>>) {add = true}
        %add3A_105 = arith.constant 3 : i32
        %add3A_106 = arith.addi %mul3A_79, %add3A_105 : i32
        %dma_start3A_107 = arith.constant 0 : i32
        %dma_start3A_108 = tpu.memref_slice %arg12[%dma_start3A_107] : memref<128xf32, #tpu.memory_space<vmem>> -> memref<125xf32, #tpu.memory_space<vmem>>
        %dma_start3A_109 = arith.constant 0 : i32
        %dma_start3A_110 = tpu.memref_slice %arg10[%add3A_106, %dma_start3A_109] : memref<160x125xi32, #tpu.memory_space<vmem>> -> memref<1x125xi32, #tpu.memory_space<vmem>>
        %dma_start3A_111 = tpu.memref_squeeze %dma_start3A_110 : memref<1x125xi32, #tpu.memory_space<vmem>> -> memref<125xi32, #tpu.memory_space<vmem>>
        %dma_start3A_112 = arith.constant 0 : i32
        %dma_start3A_113 = tpu.memref_slice %arg13[%dma_start3A_112] : memref<10000xf32, #tpu.memory_space<vmem_shared>> -> memref<10000xf32, #tpu.memory_space<vmem_shared>>
        tpu.enqueue_indirect_dma source(%dma_start3A_108 : memref<125xf32, #tpu.memory_space<vmem>>) target(%dma_start3A_113 : memref<10000xf32, #tpu.memory_space<vmem_shared>>) offsets(%dma_start3A_111 : memref<125xi32, #tpu.memory_space<vmem>>) semaphore(%arg16 : memref<!tpu.dma_semaphore, #tpu.memory_space<semaphore_mem>>) {add = true}
        %add3A_114 = arith.constant 4 : i32
        %add3A_115 = arith.addi %mul3A_79, %add3A_114 : i32
        %dma_start3A_116 = arith.constant 0 : i32
        %dma_start3A_117 = tpu.memref_slice %arg12[%dma_start3A_116] : memref<128xf32, #tpu.memory_space<vmem>> -> memref<125xf32, #tpu.memory_space<vmem>>
        %dma_start3A_118 = arith.constant 0 : i32
        %dma_start3A_119 = tpu.memref_slice %arg10[%add3A_115, %dma_start3A_118] : memref<160x125xi32, #tpu.memory_space<vmem>> -> memref<1x125xi32, #tpu.memory_space<vmem>>
        %dma_start3A_120 = tpu.memref_squeeze %dma_start3A_119 : memref<1x125xi32, #tpu.memory_space<vmem>> -> memref<125xi32, #tpu.memory_space<vmem>>
        %dma_start3A_121 = arith.constant 0 : i32
        %dma_start3A_122 = tpu.memref_slice %arg13[%dma_start3A_121] : memref<10000xf32, #tpu.memory_space<vmem_shared>> -> memref<10000xf32, #tpu.memory_space<vmem_shared>>
        tpu.enqueue_indirect_dma source(%dma_start3A_117 : memref<125xf32, #tpu.memory_space<vmem>>) target(%dma_start3A_122 : memref<10000xf32, #tpu.memory_space<vmem_shared>>) offsets(%dma_start3A_120 : memref<125xi32, #tpu.memory_space<vmem>>) semaphore(%arg16 : memref<!tpu.dma_semaphore, #tpu.memory_space<semaphore_mem>>) {add = true}
        %add3A_123 = arith.constant 5 : i32
        %add3A_124 = arith.addi %mul3A_79, %add3A_123 : i32
        %dma_start3A_125 = arith.constant 0 : i32
        %dma_start3A_126 = tpu.memref_slice %arg12[%dma_start3A_125] : memref<128xf32, #tpu.memory_space<vmem>> -> memref<125xf32, #tpu.memory_space<vmem>>
        %dma_start3A_127 = arith.constant 0 : i32
        %dma_start3A_128 = tpu.memref_slice %arg10[%add3A_124, %dma_start3A_127] : memref<160x125xi32, #tpu.memory_space<vmem>> -> memref<1x125xi32, #tpu.memory_space<vmem>>
        %dma_start3A_129 = tpu.memref_squeeze %dma_start3A_128 : memref<1x125xi32, #tpu.memory_space<vmem>> -> memref<125xi32, #tpu.memory_space<vmem>>
        %dma_start3A_130 = arith.constant 0 : i32
        %dma_start3A_131 = tpu.memref_slice %arg13[%dma_start3A_130] : memref<10000xf32, #tpu.memory_space<vmem_shared>> -> memref<10000xf32, #tpu.memory_space<vmem_shared>>
        tpu.enqueue_indirect_dma source(%dma_start3A_126 : memref<125xf32, #tpu.memory_space<vmem>>) target(%dma_start3A_131 : memref<10000xf32, #tpu.memory_space<vmem_shared>>) offsets(%dma_start3A_129 : memref<125xi32, #tpu.memory_space<vmem>>) semaphore(%arg16 : memref<!tpu.dma_semaphore, #tpu.memory_space<semaphore_mem>>) {add = true}
        %add3A_132 = arith.constant 6 : i32
        %add3A_133 = arith.addi %mul3A_79, %add3A_132 : i32
        %dma_start3A_134 = arith.constant 0 : i32
        %dma_start3A_135 = tpu.memref_slice %arg12[%dma_start3A_134] : memref<128xf32, #tpu.memory_space<vmem>> -> memref<125xf32, #tpu.memory_space<vmem>>
        %dma_start3A_136 = arith.constant 0 : i32
        %dma_start3A_137 = tpu.memref_slice %arg10[%add3A_133, %dma_start3A_136] : memref<160x125xi32, #tpu.memory_space<vmem>> -> memref<1x125xi32, #tpu.memory_space<vmem>>
        %dma_start3A_138 = tpu.memref_squeeze %dma_start3A_137 : memref<1x125xi32, #tpu.memory_space<vmem>> -> memref<125xi32, #tpu.memory_space<vmem>>
        %dma_start3A_139 = arith.constant 0 : i32
        %dma_start3A_140 = tpu.memref_slice %arg13[%dma_start3A_139] : memref<10000xf32, #tpu.memory_space<vmem_shared>> -> memref<10000xf32, #tpu.memory_space<vmem_shared>>
        tpu.enqueue_indirect_dma source(%dma_start3A_135 : memref<125xf32, #tpu.memory_space<vmem>>) target(%dma_start3A_140 : memref<10000xf32, #tpu.memory_space<vmem_shared>>) offsets(%dma_start3A_138 : memref<125xi32, #tpu.memory_space<vmem>>) semaphore(%arg16 : memref<!tpu.dma_semaphore, #tpu.memory_space<semaphore_mem>>) {add = true}
        %add3A_141 = arith.constant 7 : i32
        %add3A_142 = arith.addi %mul3A_79, %add3A_141 : i32
        %dma_start3A_143 = arith.constant 0 : i32
        %dma_start3A_144 = tpu.memref_slice %arg12[%dma_start3A_143] : memref<128xf32, #tpu.memory_space<vmem>> -> memref<125xf32, #tpu.memory_space<vmem>>
        %dma_start3A_145 = arith.constant 0 : i32
        %dma_start3A_146 = tpu.memref_slice %arg10[%add3A_142, %dma_start3A_145] : memref<160x125xi32, #tpu.memory_space<vmem>> -> memref<1x125xi32, #tpu.memory_space<vmem>>
        %dma_start3A_147 = tpu.memref_squeeze %dma_start3A_146 : memref<1x125xi32, #tpu.memory_space<vmem>> -> memref<125xi32, #tpu.memory_space<vmem>>
        %dma_start3A_148 = arith.constant 0 : i32
        %dma_start3A_149 = tpu.memref_slice %arg13[%dma_start3A_148] : memref<10000xf32, #tpu.memory_space<vmem_shared>> -> memref<10000xf32, #tpu.memory_space<vmem_shared>>
        tpu.enqueue_indirect_dma source(%dma_start3A_144 : memref<125xf32, #tpu.memory_space<vmem>>) target(%dma_start3A_149 : memref<10000xf32, #tpu.memory_space<vmem_shared>>) offsets(%dma_start3A_147 : memref<125xi32, #tpu.memory_space<vmem>>) semaphore(%arg16 : memref<!tpu.dma_semaphore, #tpu.memory_space<semaphore_mem>>) {add = true}
        %add3A_150 = arith.constant 8 : i32
        %add3A_151 = arith.addi %mul3A_79, %add3A_150 : i32
        %dma_start3A_152 = arith.constant 0 : i32
        %dma_start3A_153 = tpu.memref_slice %arg12[%dma_start3A_152] : memref<128xf32, #tpu.memory_space<vmem>> -> memref<125xf32, #tpu.memory_space<vmem>>
        %dma_start3A_154 = arith.constant 0 : i32
        %dma_start3A_155 = tpu.memref_slice %arg10[%add3A_151, %dma_start3A_154] : memref<160x125xi32, #tpu.memory_space<vmem>> -> memref<1x125xi32, #tpu.memory_space<vmem>>
        %dma_start3A_156 = tpu.memref_squeeze %dma_start3A_155 : memref<1x125xi32, #tpu.memory_space<vmem>> -> memref<125xi32, #tpu.memory_space<vmem>>
        %dma_start3A_157 = arith.constant 0 : i32
        %dma_start3A_158 = tpu.memref_slice %arg13[%dma_start3A_157] : memref<10000xf32, #tpu.memory_space<vmem_shared>> -> memref<10000xf32, #tpu.memory_space<vmem_shared>>
        tpu.enqueue_indirect_dma source(%dma_start3A_153 : memref<125xf32, #tpu.memory_space<vmem>>) target(%dma_start3A_158 : memref<10000xf32, #tpu.memory_space<vmem_shared>>) offsets(%dma_start3A_156 : memref<125xi32, #tpu.memory_space<vmem>>) semaphore(%arg16 : memref<!tpu.dma_semaphore, #tpu.memory_space<semaphore_mem>>) {add = true}
        %add3A_159 = arith.constant 9 : i32
        %add3A_160 = arith.addi %mul3A_79, %add3A_159 : i32
        %dma_start3A_161 = arith.constant 0 : i32
        %dma_start3A_162 = tpu.memref_slice %arg12[%dma_start3A_161] : memref<128xf32, #tpu.memory_space<vmem>> -> memref<125xf32, #tpu.memory_space<vmem>>
        %dma_start3A_163 = arith.constant 0 : i32
        %dma_start3A_164 = tpu.memref_slice %arg10[%add3A_160, %dma_start3A_163] : memref<160x125xi32, #tpu.memory_space<vmem>> -> memref<1x125xi32, #tpu.memory_space<vmem>>
        %dma_start3A_165 = tpu.memref_squeeze %dma_start3A_164 : memref<1x125xi32, #tpu.memory_space<vmem>> -> memref<125xi32, #tpu.memory_space<vmem>>
        %dma_start3A_166 = arith.constant 0 : i32
        %dma_start3A_167 = tpu.memref_slice %arg13[%dma_start3A_166] : memref<10000xf32, #tpu.memory_space<vmem_shared>> -> memref<10000xf32, #tpu.memory_space<vmem_shared>>
        tpu.enqueue_indirect_dma source(%dma_start3A_162 : memref<125xf32, #tpu.memory_space<vmem>>) target(%dma_start3A_167 : memref<10000xf32, #tpu.memory_space<vmem_shared>>) offsets(%dma_start3A_165 : memref<125xi32, #tpu.memory_space<vmem>>) semaphore(%arg16 : memref<!tpu.dma_semaphore, #tpu.memory_space<semaphore_mem>>) {add = true}
        %add3A_168 = arith.constant 10 : i32
        %add3A_169 = arith.addi %mul3A_79, %add3A_168 : i32
        %dma_start3A_170 = arith.constant 0 : i32
        %dma_start3A_171 = tpu.memref_slice %arg12[%dma_start3A_170] : memref<128xf32, #tpu.memory_space<vmem>> -> memref<125xf32, #tpu.memory_space<vmem>>
        %dma_start3A_172 = arith.constant 0 : i32
        %dma_start3A_173 = tpu.memref_slice %arg10[%add3A_169, %dma_start3A_172] : memref<160x125xi32, #tpu.memory_space<vmem>> -> memref<1x125xi32, #tpu.memory_space<vmem>>
        %dma_start3A_174 = tpu.memref_squeeze %dma_start3A_173 : memref<1x125xi32, #tpu.memory_space<vmem>> -> memref<125xi32, #tpu.memory_space<vmem>>
        %dma_start3A_175 = arith.constant 0 : i32
        %dma_start3A_176 = tpu.memref_slice %arg13[%dma_start3A_175] : memref<10000xf32, #tpu.memory_space<vmem_shared>> -> memref<10000xf32, #tpu.memory_space<vmem_shared>>
        tpu.enqueue_indirect_dma source(%dma_start3A_171 : memref<125xf32, #tpu.memory_space<vmem>>) target(%dma_start3A_176 : memref<10000xf32, #tpu.memory_space<vmem_shared>>) offsets(%dma_start3A_174 : memref<125xi32, #tpu.memory_space<vmem>>) semaphore(%arg16 : memref<!tpu.dma_semaphore, #tpu.memory_space<semaphore_mem>>) {add = true}
        %add3A_177 = arith.constant 11 : i32
        %add3A_178 = arith.addi %mul3A_79, %add3A_177 : i32
        %dma_start3A_179 = arith.constant 0 : i32
        %dma_start3A_180 = tpu.memref_slice %arg12[%dma_start3A_179] : memref<128xf32, #tpu.memory_space<vmem>> -> memref<125xf32, #tpu.memory_space<vmem>>
        %dma_start3A_181 = arith.constant 0 : i32
        %dma_start3A_182 = tpu.memref_slice %arg10[%add3A_178, %dma_start3A_181] : memref<160x125xi32, #tpu.memory_space<vmem>> -> memref<1x125xi32, #tpu.memory_space<vmem>>
        %dma_start3A_183 = tpu.memref_squeeze %dma_start3A_182 : memref<1x125xi32, #tpu.memory_space<vmem>> -> memref<125xi32, #tpu.memory_space<vmem>>
        %dma_start3A_184 = arith.constant 0 : i32
        %dma_start3A_185 = tpu.memref_slice %arg13[%dma_start3A_184] : memref<10000xf32, #tpu.memory_space<vmem_shared>> -> memref<10000xf32, #tpu.memory_space<vmem_shared>>
        tpu.enqueue_indirect_dma source(%dma_start3A_180 : memref<125xf32, #tpu.memory_space<vmem>>) target(%dma_start3A_185 : memref<10000xf32, #tpu.memory_space<vmem_shared>>) offsets(%dma_start3A_183 : memref<125xi32, #tpu.memory_space<vmem>>) semaphore(%arg16 : memref<!tpu.dma_semaphore, #tpu.memory_space<semaphore_mem>>) {add = true}
        %add3A_186 = arith.constant 12 : i32
        %add3A_187 = arith.addi %mul3A_79, %add3A_186 : i32
        %dma_start3A_188 = arith.constant 0 : i32
        %dma_start3A_189 = tpu.memref_slice %arg12[%dma_start3A_188] : memref<128xf32, #tpu.memory_space<vmem>> -> memref<125xf32, #tpu.memory_space<vmem>>
        %dma_start3A_190 = arith.constant 0 : i32
        %dma_start3A_191 = tpu.memref_slice %arg10[%add3A_187, %dma_start3A_190] : memref<160x125xi32, #tpu.memory_space<vmem>> -> memref<1x125xi32, #tpu.memory_space<vmem>>
        %dma_start3A_192 = tpu.memref_squeeze %dma_start3A_191 : memref<1x125xi32, #tpu.memory_space<vmem>> -> memref<125xi32, #tpu.memory_space<vmem>>
        %dma_start3A_193 = arith.constant 0 : i32
        %dma_start3A_194 = tpu.memref_slice %arg13[%dma_start3A_193] : memref<10000xf32, #tpu.memory_space<vmem_shared>> -> memref<10000xf32, #tpu.memory_space<vmem_shared>>
        tpu.enqueue_indirect_dma source(%dma_start3A_189 : memref<125xf32, #tpu.memory_space<vmem>>) target(%dma_start3A_194 : memref<10000xf32, #tpu.memory_space<vmem_shared>>) offsets(%dma_start3A_192 : memref<125xi32, #tpu.memory_space<vmem>>) semaphore(%arg16 : memref<!tpu.dma_semaphore, #tpu.memory_space<semaphore_mem>>) {add = true}
        %add3A_195 = arith.constant 13 : i32
        %add3A_196 = arith.addi %mul3A_79, %add3A_195 : i32
        %dma_start3A_197 = arith.constant 0 : i32
        %dma_start3A_198 = tpu.memref_slice %arg12[%dma_start3A_197] : memref<128xf32, #tpu.memory_space<vmem>> -> memref<125xf32, #tpu.memory_space<vmem>>
        %dma_start3A_199 = arith.constant 0 : i32
        %dma_start3A_200 = tpu.memref_slice %arg10[%add3A_196, %dma_start3A_199] : memref<160x125xi32, #tpu.memory_space<vmem>> -> memref<1x125xi32, #tpu.memory_space<vmem>>
        %dma_start3A_201 = tpu.memref_squeeze %dma_start3A_200 : memref<1x125xi32, #tpu.memory_space<vmem>> -> memref<125xi32, #tpu.memory_space<vmem>>
        %dma_start3A_202 = arith.constant 0 : i32
        %dma_start3A_203 = tpu.memref_slice %arg13[%dma_start3A_202] : memref<10000xf32, #tpu.memory_space<vmem_shared>> -> memref<10000xf32, #tpu.memory_space<vmem_shared>>
        tpu.enqueue_indirect_dma source(%dma_start3A_198 : memref<125xf32, #tpu.memory_space<vmem>>) target(%dma_start3A_203 : memref<10000xf32, #tpu.memory_space<vmem_shared>>) offsets(%dma_start3A_201 : memref<125xi32, #tpu.memory_space<vmem>>) semaphore(%arg16 : memref<!tpu.dma_semaphore, #tpu.memory_space<semaphore_mem>>) {add = true}
        %add3A_204 = arith.constant 14 : i32
        %add3A_205 = arith.addi %mul3A_79, %add3A_204 : i32
        %dma_start3A_206 = arith.constant 0 : i32
        %dma_start3A_207 = tpu.memref_slice %arg12[%dma_start3A_206] : memref<128xf32, #tpu.memory_space<vmem>> -> memref<125xf32, #tpu.memory_space<vmem>>
        %dma_start3A_208 = arith.constant 0 : i32
        %dma_start3A_209 = tpu.memref_slice %arg10[%add3A_205, %dma_start3A_208] : memref<160x125xi32, #tpu.memory_space<vmem>> -> memref<1x125xi32, #tpu.memory_space<vmem>>
        %dma_start3A_210 = tpu.memref_squeeze %dma_start3A_209 : memref<1x125xi32, #tpu.memory_space<vmem>> -> memref<125xi32, #tpu.memory_space<vmem>>
        %dma_start3A_211 = arith.constant 0 : i32
        %dma_start3A_212 = tpu.memref_slice %arg13[%dma_start3A_211] : memref<10000xf32, #tpu.memory_space<vmem_shared>> -> memref<10000xf32, #tpu.memory_space<vmem_shared>>
        tpu.enqueue_indirect_dma source(%dma_start3A_207 : memref<125xf32, #tpu.memory_space<vmem>>) target(%dma_start3A_212 : memref<10000xf32, #tpu.memory_space<vmem_shared>>) offsets(%dma_start3A_210 : memref<125xi32, #tpu.memory_space<vmem>>) semaphore(%arg16 : memref<!tpu.dma_semaphore, #tpu.memory_space<semaphore_mem>>) {add = true}
        %add3A_213 = arith.constant 15 : i32
        %add3A_214 = arith.addi %mul3A_79, %add3A_213 : i32
        %dma_start3A_215 = arith.constant 0 : i32
        %dma_start3A_216 = tpu.memref_slice %arg12[%dma_start3A_215] : memref<128xf32, #tpu.memory_space<vmem>> -> memref<125xf32, #tpu.memory_space<vmem>>
        %dma_start3A_217 = arith.constant 0 : i32
        %dma_start3A_218 = tpu.memref_slice %arg10[%add3A_214, %dma_start3A_217] : memref<160x125xi32, #tpu.memory_space<vmem>> -> memref<1x125xi32, #tpu.memory_space<vmem>>
        %dma_start3A_219 = tpu.memref_squeeze %dma_start3A_218 : memref<1x125xi32, #tpu.memory_space<vmem>> -> memref<125xi32, #tpu.memory_space<vmem>>
        %dma_start3A_220 = arith.constant 0 : i32
        %dma_start3A_221 = tpu.memref_slice %arg13[%dma_start3A_220] : memref<10000xf32, #tpu.memory_space<vmem_shared>> -> memref<10000xf32, #tpu.memory_space<vmem_shared>>
        tpu.enqueue_indirect_dma source(%dma_start3A_216 : memref<125xf32, #tpu.memory_space<vmem>>) target(%dma_start3A_221 : memref<10000xf32, #tpu.memory_space<vmem_shared>>) offsets(%dma_start3A_219 : memref<125xi32, #tpu.memory_space<vmem>>) semaphore(%arg16 : memref<!tpu.dma_semaphore, #tpu.memory_space<semaphore_mem>>) {add = true}
        %add3A_222 = arith.constant 0 : i32
        %add3A_223 = arith.addi %mul3A_79, %add3A_222 : i32
        %dma_wait3A = arith.constant 0 : i32
        %dma_wait3A_224 = tpu.memref_slice %arg12[%dma_wait3A] : memref<128xf32, #tpu.memory_space<vmem>> -> memref<125xf32, #tpu.memory_space<vmem>>
        %dma_wait3A_225 = arith.constant 0 : i32
        %dma_wait3A_226 = tpu.memref_slice %arg10[%add3A_223, %dma_wait3A_225] : memref<160x125xi32, #tpu.memory_space<vmem>> -> memref<1x125xi32, #tpu.memory_space<vmem>>
        %dma_wait3A_227 = tpu.memref_squeeze %dma_wait3A_226 : memref<1x125xi32, #tpu.memory_space<vmem>> -> memref<125xi32, #tpu.memory_space<vmem>>
        %dma_wait3A_228 = arith.constant 0 : i32
        %dma_wait3A_229 = tpu.memref_slice %arg13[%dma_wait3A_228] : memref<10000xf32, #tpu.memory_space<vmem_shared>> -> memref<10000xf32, #tpu.memory_space<vmem_shared>>
        tpu.wait_indirect_dma semaphore(%arg16 : memref<!tpu.dma_semaphore, #tpu.memory_space<semaphore_mem>>) src(%dma_wait3A_224 : memref<125xf32, #tpu.memory_space<vmem>>) dst(%dma_wait3A_229 : memref<10000xf32, #tpu.memory_space<vmem_shared>>)
        %add3A_230 = arith.constant 1 : i32
        %add3A_231 = arith.addi %mul3A_79, %add3A_230 : i32
        %dma_wait3A_232 = arith.constant 0 : i32
        %dma_wait3A_233 = tpu.memref_slice %arg12[%dma_wait3A_232] : memref<128xf32, #tpu.memory_space<vmem>> -> memref<125xf32, #tpu.memory_space<vmem>>
        %dma_wait3A_234 = arith.constant 0 : i32
        %dma_wait3A_235 = tpu.memref_slice %arg10[%add3A_231, %dma_wait3A_234] : memref<160x125xi32, #tpu.memory_space<vmem>> -> memref<1x125xi32, #tpu.memory_space<vmem>>
        %dma_wait3A_236 = tpu.memref_squeeze %dma_wait3A_235 : memref<1x125xi32, #tpu.memory_space<vmem>> -> memref<125xi32, #tpu.memory_space<vmem>>
        %dma_wait3A_237 = arith.constant 0 : i32
        %dma_wait3A_238 = tpu.memref_slice %arg13[%dma_wait3A_237] : memref<10000xf32, #tpu.memory_space<vmem_shared>> -> memref<10000xf32, #tpu.memory_space<vmem_shared>>
        tpu.wait_indirect_dma semaphore(%arg16 : memref<!tpu.dma_semaphore, #tpu.memory_space<semaphore_mem>>) src(%dma_wait3A_233 : memref<125xf32, #tpu.memory_space<vmem>>) dst(%dma_wait3A_238 : memref<10000xf32, #tpu.memory_space<vmem_shared>>)
        %add3A_239 = arith.constant 2 : i32
        %add3A_240 = arith.addi %mul3A_79, %add3A_239 : i32
        %dma_wait3A_241 = arith.constant 0 : i32
        %dma_wait3A_242 = tpu.memref_slice %arg12[%dma_wait3A_241] : memref<128xf32, #tpu.memory_space<vmem>> -> memref<125xf32, #tpu.memory_space<vmem>>
        %dma_wait3A_243 = arith.constant 0 : i32
        %dma_wait3A_244 = tpu.memref_slice %arg10[%add3A_240, %dma_wait3A_243] : memref<160x125xi32, #tpu.memory_space<vmem>> -> memref<1x125xi32, #tpu.memory_space<vmem>>
        %dma_wait3A_245 = tpu.memref_squeeze %dma_wait3A_244 : memref<1x125xi32, #tpu.memory_space<vmem>> -> memref<125xi32, #tpu.memory_space<vmem>>
        %dma_wait3A_246 = arith.constant 0 : i32
        %dma_wait3A_247 = tpu.memref_slice %arg13[%dma_wait3A_246] : memref<10000xf32, #tpu.memory_space<vmem_shared>> -> memref<10000xf32, #tpu.memory_space<vmem_shared>>
        tpu.wait_indirect_dma semaphore(%arg16 : memref<!tpu.dma_semaphore, #tpu.memory_space<semaphore_mem>>) src(%dma_wait3A_242 : memref<125xf32, #tpu.memory_space<vmem>>) dst(%dma_wait3A_247 : memref<10000xf32, #tpu.memory_space<vmem_shared>>)
        %add3A_248 = arith.constant 3 : i32
        %add3A_249 = arith.addi %mul3A_79, %add3A_248 : i32
        %dma_wait3A_250 = arith.constant 0 : i32
        %dma_wait3A_251 = tpu.memref_slice %arg12[%dma_wait3A_250] : memref<128xf32, #tpu.memory_space<vmem>> -> memref<125xf32, #tpu.memory_space<vmem>>
        %dma_wait3A_252 = arith.constant 0 : i32
        %dma_wait3A_253 = tpu.memref_slice %arg10[%add3A_249, %dma_wait3A_252] : memref<160x125xi32, #tpu.memory_space<vmem>> -> memref<1x125xi32, #tpu.memory_space<vmem>>
        %dma_wait3A_254 = tpu.memref_squeeze %dma_wait3A_253 : memref<1x125xi32, #tpu.memory_space<vmem>> -> memref<125xi32, #tpu.memory_space<vmem>>
        %dma_wait3A_255 = arith.constant 0 : i32
        %dma_wait3A_256 = tpu.memref_slice %arg13[%dma_wait3A_255] : memref<10000xf32, #tpu.memory_space<vmem_shared>> -> memref<10000xf32, #tpu.memory_space<vmem_shared>>
        tpu.wait_indirect_dma semaphore(%arg16 : memref<!tpu.dma_semaphore, #tpu.memory_space<semaphore_mem>>) src(%dma_wait3A_251 : memref<125xf32, #tpu.memory_space<vmem>>) dst(%dma_wait3A_256 : memref<10000xf32, #tpu.memory_space<vmem_shared>>)
        %add3A_257 = arith.constant 4 : i32
        %add3A_258 = arith.addi %mul3A_79, %add3A_257 : i32
        %dma_wait3A_259 = arith.constant 0 : i32
        %dma_wait3A_260 = tpu.memref_slice %arg12[%dma_wait3A_259] : memref<128xf32, #tpu.memory_space<vmem>> -> memref<125xf32, #tpu.memory_space<vmem>>
        %dma_wait3A_261 = arith.constant 0 : i32
        %dma_wait3A_262 = tpu.memref_slice %arg10[%add3A_258, %dma_wait3A_261] : memref<160x125xi32, #tpu.memory_space<vmem>> -> memref<1x125xi32, #tpu.memory_space<vmem>>
        %dma_wait3A_263 = tpu.memref_squeeze %dma_wait3A_262 : memref<1x125xi32, #tpu.memory_space<vmem>> -> memref<125xi32, #tpu.memory_space<vmem>>
        %dma_wait3A_264 = arith.constant 0 : i32
        %dma_wait3A_265 = tpu.memref_slice %arg13[%dma_wait3A_264] : memref<10000xf32, #tpu.memory_space<vmem_shared>> -> memref<10000xf32, #tpu.memory_space<vmem_shared>>
        tpu.wait_indirect_dma semaphore(%arg16 : memref<!tpu.dma_semaphore, #tpu.memory_space<semaphore_mem>>) src(%dma_wait3A_260 : memref<125xf32, #tpu.memory_space<vmem>>) dst(%dma_wait3A_265 : memref<10000xf32, #tpu.memory_space<vmem_shared>>)
        %add3A_266 = arith.constant 5 : i32
        %add3A_267 = arith.addi %mul3A_79, %add3A_266 : i32
        %dma_wait3A_268 = arith.constant 0 : i32
        %dma_wait3A_269 = tpu.memref_slice %arg12[%dma_wait3A_268] : memref<128xf32, #tpu.memory_space<vmem>> -> memref<125xf32, #tpu.memory_space<vmem>>
        %dma_wait3A_270 = arith.constant 0 : i32
        %dma_wait3A_271 = tpu.memref_slice %arg10[%add3A_267, %dma_wait3A_270] : memref<160x125xi32, #tpu.memory_space<vmem>> -> memref<1x125xi32, #tpu.memory_space<vmem>>
        %dma_wait3A_272 = tpu.memref_squeeze %dma_wait3A_271 : memref<1x125xi32, #tpu.memory_space<vmem>> -> memref<125xi32, #tpu.memory_space<vmem>>
        %dma_wait3A_273 = arith.constant 0 : i32
        %dma_wait3A_274 = tpu.memref_slice %arg13[%dma_wait3A_273] : memref<10000xf32, #tpu.memory_space<vmem_shared>> -> memref<10000xf32, #tpu.memory_space<vmem_shared>>
        tpu.wait_indirect_dma semaphore(%arg16 : memref<!tpu.dma_semaphore, #tpu.memory_space<semaphore_mem>>) src(%dma_wait3A_269 : memref<125xf32, #tpu.memory_space<vmem>>) dst(%dma_wait3A_274 : memref<10000xf32, #tpu.memory_space<vmem_shared>>)
        %add3A_275 = arith.constant 6 : i32
        %add3A_276 = arith.addi %mul3A_79, %add3A_275 : i32
        %dma_wait3A_277 = arith.constant 0 : i32
        %dma_wait3A_278 = tpu.memref_slice %arg12[%dma_wait3A_277] : memref<128xf32, #tpu.memory_space<vmem>> -> memref<125xf32, #tpu.memory_space<vmem>>
        %dma_wait3A_279 = arith.constant 0 : i32
        %dma_wait3A_280 = tpu.memref_slice %arg10[%add3A_276, %dma_wait3A_279] : memref<160x125xi32, #tpu.memory_space<vmem>> -> memref<1x125xi32, #tpu.memory_space<vmem>>
        %dma_wait3A_281 = tpu.memref_squeeze %dma_wait3A_280 : memref<1x125xi32, #tpu.memory_space<vmem>> -> memref<125xi32, #tpu.memory_space<vmem>>
        %dma_wait3A_282 = arith.constant 0 : i32
        %dma_wait3A_283 = tpu.memref_slice %arg13[%dma_wait3A_282] : memref<10000xf32, #tpu.memory_space<vmem_shared>> -> memref<10000xf32, #tpu.memory_space<vmem_shared>>
        tpu.wait_indirect_dma semaphore(%arg16 : memref<!tpu.dma_semaphore, #tpu.memory_space<semaphore_mem>>) src(%dma_wait3A_278 : memref<125xf32, #tpu.memory_space<vmem>>) dst(%dma_wait3A_283 : memref<10000xf32, #tpu.memory_space<vmem_shared>>)
        %add3A_284 = arith.constant 7 : i32
        %add3A_285 = arith.addi %mul3A_79, %add3A_284 : i32
        %dma_wait3A_286 = arith.constant 0 : i32
        %dma_wait3A_287 = tpu.memref_slice %arg12[%dma_wait3A_286] : memref<128xf32, #tpu.memory_space<vmem>> -> memref<125xf32, #tpu.memory_space<vmem>>
        %dma_wait3A_288 = arith.constant 0 : i32
        %dma_wait3A_289 = tpu.memref_slice %arg10[%add3A_285, %dma_wait3A_288] : memref<160x125xi32, #tpu.memory_space<vmem>> -> memref<1x125xi32, #tpu.memory_space<vmem>>
        %dma_wait3A_290 = tpu.memref_squeeze %dma_wait3A_289 : memref<1x125xi32, #tpu.memory_space<vmem>> -> memref<125xi32, #tpu.memory_space<vmem>>
        %dma_wait3A_291 = arith.constant 0 : i32
        %dma_wait3A_292 = tpu.memref_slice %arg13[%dma_wait3A_291] : memref<10000xf32, #tpu.memory_space<vmem_shared>> -> memref<10000xf32, #tpu.memory_space<vmem_shared>>
        tpu.wait_indirect_dma semaphore(%arg16 : memref<!tpu.dma_semaphore, #tpu.memory_space<semaphore_mem>>) src(%dma_wait3A_287 : memref<125xf32, #tpu.memory_space<vmem>>) dst(%dma_wait3A_292 : memref<10000xf32, #tpu.memory_space<vmem_shared>>)
        %add3A_293 = arith.constant 8 : i32
        %add3A_294 = arith.addi %mul3A_79, %add3A_293 : i32
        %dma_wait3A_295 = arith.constant 0 : i32
        %dma_wait3A_296 = tpu.memref_slice %arg12[%dma_wait3A_295] : memref<128xf32, #tpu.memory_space<vmem>> -> memref<125xf32, #tpu.memory_space<vmem>>
        %dma_wait3A_297 = arith.constant 0 : i32
        %dma_wait3A_298 = tpu.memref_slice %arg10[%add3A_294, %dma_wait3A_297] : memref<160x125xi32, #tpu.memory_space<vmem>> -> memref<1x125xi32, #tpu.memory_space<vmem>>
        %dma_wait3A_299 = tpu.memref_squeeze %dma_wait3A_298 : memref<1x125xi32, #tpu.memory_space<vmem>> -> memref<125xi32, #tpu.memory_space<vmem>>
        %dma_wait3A_300 = arith.constant 0 : i32
        %dma_wait3A_301 = tpu.memref_slice %arg13[%dma_wait3A_300] : memref<10000xf32, #tpu.memory_space<vmem_shared>> -> memref<10000xf32, #tpu.memory_space<vmem_shared>>
        tpu.wait_indirect_dma semaphore(%arg16 : memref<!tpu.dma_semaphore, #tpu.memory_space<semaphore_mem>>) src(%dma_wait3A_296 : memref<125xf32, #tpu.memory_space<vmem>>) dst(%dma_wait3A_301 : memref<10000xf32, #tpu.memory_space<vmem_shared>>)
        %add3A_302 = arith.constant 9 : i32
        %add3A_303 = arith.addi %mul3A_79, %add3A_302 : i32
        %dma_wait3A_304 = arith.constant 0 : i32
        %dma_wait3A_305 = tpu.memref_slice %arg12[%dma_wait3A_304] : memref<128xf32, #tpu.memory_space<vmem>> -> memref<125xf32, #tpu.memory_space<vmem>>
        %dma_wait3A_306 = arith.constant 0 : i32
        %dma_wait3A_307 = tpu.memref_slice %arg10[%add3A_303, %dma_wait3A_306] : memref<160x125xi32, #tpu.memory_space<vmem>> -> memref<1x125xi32, #tpu.memory_space<vmem>>
        %dma_wait3A_308 = tpu.memref_squeeze %dma_wait3A_307 : memref<1x125xi32, #tpu.memory_space<vmem>> -> memref<125xi32, #tpu.memory_space<vmem>>
        %dma_wait3A_309 = arith.constant 0 : i32
        %dma_wait3A_310 = tpu.memref_slice %arg13[%dma_wait3A_309] : memref<10000xf32, #tpu.memory_space<vmem_shared>> -> memref<10000xf32, #tpu.memory_space<vmem_shared>>
        tpu.wait_indirect_dma semaphore(%arg16 : memref<!tpu.dma_semaphore, #tpu.memory_space<semaphore_mem>>) src(%dma_wait3A_305 : memref<125xf32, #tpu.memory_space<vmem>>) dst(%dma_wait3A_310 : memref<10000xf32, #tpu.memory_space<vmem_shared>>)
        %add3A_311 = arith.constant 10 : i32
        %add3A_312 = arith.addi %mul3A_79, %add3A_311 : i32
        %dma_wait3A_313 = arith.constant 0 : i32
        %dma_wait3A_314 = tpu.memref_slice %arg12[%dma_wait3A_313] : memref<128xf32, #tpu.memory_space<vmem>> -> memref<125xf32, #tpu.memory_space<vmem>>
        %dma_wait3A_315 = arith.constant 0 : i32
        %dma_wait3A_316 = tpu.memref_slice %arg10[%add3A_312, %dma_wait3A_315] : memref<160x125xi32, #tpu.memory_space<vmem>> -> memref<1x125xi32, #tpu.memory_space<vmem>>
        %dma_wait3A_317 = tpu.memref_squeeze %dma_wait3A_316 : memref<1x125xi32, #tpu.memory_space<vmem>> -> memref<125xi32, #tpu.memory_space<vmem>>
        %dma_wait3A_318 = arith.constant 0 : i32
        %dma_wait3A_319 = tpu.memref_slice %arg13[%dma_wait3A_318] : memref<10000xf32, #tpu.memory_space<vmem_shared>> -> memref<10000xf32, #tpu.memory_space<vmem_shared>>
        tpu.wait_indirect_dma semaphore(%arg16 : memref<!tpu.dma_semaphore, #tpu.memory_space<semaphore_mem>>) src(%dma_wait3A_314 : memref<125xf32, #tpu.memory_space<vmem>>) dst(%dma_wait3A_319 : memref<10000xf32, #tpu.memory_space<vmem_shared>>)
        %add3A_320 = arith.constant 11 : i32
        %add3A_321 = arith.addi %mul3A_79, %add3A_320 : i32
        %dma_wait3A_322 = arith.constant 0 : i32
        %dma_wait3A_323 = tpu.memref_slice %arg12[%dma_wait3A_322] : memref<128xf32, #tpu.memory_space<vmem>> -> memref<125xf32, #tpu.memory_space<vmem>>
        %dma_wait3A_324 = arith.constant 0 : i32
        %dma_wait3A_325 = tpu.memref_slice %arg10[%add3A_321, %dma_wait3A_324] : memref<160x125xi32, #tpu.memory_space<vmem>> -> memref<1x125xi32, #tpu.memory_space<vmem>>
        %dma_wait3A_326 = tpu.memref_squeeze %dma_wait3A_325 : memref<1x125xi32, #tpu.memory_space<vmem>> -> memref<125xi32, #tpu.memory_space<vmem>>
        %dma_wait3A_327 = arith.constant 0 : i32
        %dma_wait3A_328 = tpu.memref_slice %arg13[%dma_wait3A_327] : memref<10000xf32, #tpu.memory_space<vmem_shared>> -> memref<10000xf32, #tpu.memory_space<vmem_shared>>
        tpu.wait_indirect_dma semaphore(%arg16 : memref<!tpu.dma_semaphore, #tpu.memory_space<semaphore_mem>>) src(%dma_wait3A_323 : memref<125xf32, #tpu.memory_space<vmem>>) dst(%dma_wait3A_328 : memref<10000xf32, #tpu.memory_space<vmem_shared>>)
        %add3A_329 = arith.constant 12 : i32
        %add3A_330 = arith.addi %mul3A_79, %add3A_329 : i32
        %dma_wait3A_331 = arith.constant 0 : i32
        %dma_wait3A_332 = tpu.memref_slice %arg12[%dma_wait3A_331] : memref<128xf32, #tpu.memory_space<vmem>> -> memref<125xf32, #tpu.memory_space<vmem>>
        %dma_wait3A_333 = arith.constant 0 : i32
        %dma_wait3A_334 = tpu.memref_slice %arg10[%add3A_330, %dma_wait3A_333] : memref<160x125xi32, #tpu.memory_space<vmem>> -> memref<1x125xi32, #tpu.memory_space<vmem>>
        %dma_wait3A_335 = tpu.memref_squeeze %dma_wait3A_334 : memref<1x125xi32, #tpu.memory_space<vmem>> -> memref<125xi32, #tpu.memory_space<vmem>>
        %dma_wait3A_336 = arith.constant 0 : i32
        %dma_wait3A_337 = tpu.memref_slice %arg13[%dma_wait3A_336] : memref<10000xf32, #tpu.memory_space<vmem_shared>> -> memref<10000xf32, #tpu.memory_space<vmem_shared>>
        tpu.wait_indirect_dma semaphore(%arg16 : memref<!tpu.dma_semaphore, #tpu.memory_space<semaphore_mem>>) src(%dma_wait3A_332 : memref<125xf32, #tpu.memory_space<vmem>>) dst(%dma_wait3A_337 : memref<10000xf32, #tpu.memory_space<vmem_shared>>)
        %add3A_338 = arith.constant 13 : i32
        %add3A_339 = arith.addi %mul3A_79, %add3A_338 : i32
        %dma_wait3A_340 = arith.constant 0 : i32
        %dma_wait3A_341 = tpu.memref_slice %arg12[%dma_wait3A_340] : memref<128xf32, #tpu.memory_space<vmem>> -> memref<125xf32, #tpu.memory_space<vmem>>
        %dma_wait3A_342 = arith.constant 0 : i32
        %dma_wait3A_343 = tpu.memref_slice %arg10[%add3A_339, %dma_wait3A_342] : memref<160x125xi32, #tpu.memory_space<vmem>> -> memref<1x125xi32, #tpu.memory_space<vmem>>
        %dma_wait3A_344 = tpu.memref_squeeze %dma_wait3A_343 : memref<1x125xi32, #tpu.memory_space<vmem>> -> memref<125xi32, #tpu.memory_space<vmem>>
        %dma_wait3A_345 = arith.constant 0 : i32
        %dma_wait3A_346 = tpu.memref_slice %arg13[%dma_wait3A_345] : memref<10000xf32, #tpu.memory_space<vmem_shared>> -> memref<10000xf32, #tpu.memory_space<vmem_shared>>
        tpu.wait_indirect_dma semaphore(%arg16 : memref<!tpu.dma_semaphore, #tpu.memory_space<semaphore_mem>>) src(%dma_wait3A_341 : memref<125xf32, #tpu.memory_space<vmem>>) dst(%dma_wait3A_346 : memref<10000xf32, #tpu.memory_space<vmem_shared>>)
        %add3A_347 = arith.constant 14 : i32
        %add3A_348 = arith.addi %mul3A_79, %add3A_347 : i32
        %dma_wait3A_349 = arith.constant 0 : i32
        %dma_wait3A_350 = tpu.memref_slice %arg12[%dma_wait3A_349] : memref<128xf32, #tpu.memory_space<vmem>> -> memref<125xf32, #tpu.memory_space<vmem>>
        %dma_wait3A_351 = arith.constant 0 : i32
        %dma_wait3A_352 = tpu.memref_slice %arg10[%add3A_348, %dma_wait3A_351] : memref<160x125xi32, #tpu.memory_space<vmem>> -> memref<1x125xi32, #tpu.memory_space<vmem>>
        %dma_wait3A_353 = tpu.memref_squeeze %dma_wait3A_352 : memref<1x125xi32, #tpu.memory_space<vmem>> -> memref<125xi32, #tpu.memory_space<vmem>>
        %dma_wait3A_354 = arith.constant 0 : i32
        %dma_wait3A_355 = tpu.memref_slice %arg13[%dma_wait3A_354] : memref<10000xf32, #tpu.memory_space<vmem_shared>> -> memref<10000xf32, #tpu.memory_space<vmem_shared>>
        tpu.wait_indirect_dma semaphore(%arg16 : memref<!tpu.dma_semaphore, #tpu.memory_space<semaphore_mem>>) src(%dma_wait3A_350 : memref<125xf32, #tpu.memory_space<vmem>>) dst(%dma_wait3A_355 : memref<10000xf32, #tpu.memory_space<vmem_shared>>)
        %add3A_356 = arith.constant 15 : i32
        %add3A_357 = arith.addi %mul3A_79, %add3A_356 : i32
        %dma_wait3A_358 = arith.constant 0 : i32
        %dma_wait3A_359 = tpu.memref_slice %arg12[%dma_wait3A_358] : memref<128xf32, #tpu.memory_space<vmem>> -> memref<125xf32, #tpu.memory_space<vmem>>
        %dma_wait3A_360 = arith.constant 0 : i32
        %dma_wait3A_361 = tpu.memref_slice %arg10[%add3A_357, %dma_wait3A_360] : memref<160x125xi32, #tpu.memory_space<vmem>> -> memref<1x125xi32, #tpu.memory_space<vmem>>
        %dma_wait3A_362 = tpu.memref_squeeze %dma_wait3A_361 : memref<1x125xi32, #tpu.memory_space<vmem>> -> memref<125xi32, #tpu.memory_space<vmem>>
        %dma_wait3A_363 = arith.constant 0 : i32
        %dma_wait3A_364 = tpu.memref_slice %arg13[%dma_wait3A_363] : memref<10000xf32, #tpu.memory_space<vmem_shared>> -> memref<10000xf32, #tpu.memory_space<vmem_shared>>
        tpu.wait_indirect_dma semaphore(%arg16 : memref<!tpu.dma_semaphore, #tpu.memory_space<semaphore_mem>>) src(%dma_wait3A_359 : memref<125xf32, #tpu.memory_space<vmem>>) dst(%dma_wait3A_364 : memref<10000xf32, #tpu.memory_space<vmem_shared>>)
      }
      %scan3A_76 = arith.constant 10 : i32
    } else {
    }
    %barrier3A_15 = arith.constant 0 : index
    tpu.barrier barrier_id(%barrier3A_15)
    %eq3A_16 = arith.constant 1 : i32
    %eq3A_17 = arith.cmpi eq, %arg0, %eq3A_16 : i32
    %eq3A_18 = arith.constant 0 : i32
    %eq3A_19 = arith.cmpi eq, %arg1, %eq3A_18 : i32
    %and3A_20 = arith.andi %eq3A_17, %eq3A_19 : i1
    %convert_element_type3A_21 = arith.extui %and3A_20 : i1 to i32
    %cond3A_22 = arith.constant 0 : i32
    %cond3A_23 = arith.cmpi ne, %convert_element_type3A_21, %cond3A_22 : i32
    scf.if %cond3A_23 {
      "tpu.region"() ({
        %run_scoped3A = tpu.sem_alloc : memref<!tpu.dma_semaphore, #tpu.memory_space<semaphore_mem>>
        tpu.enqueue_dma source(%arg13 : memref<10000xf32, #tpu.memory_space<vmem_shared>>) target(%arg11 : memref<10000xf32, #tpu.memory_space<vmem>>) target_semaphore(%run_scoped3A : memref<!tpu.dma_semaphore, #tpu.memory_space<semaphore_mem>>)
        tpu.wait_dma2 semaphore(%run_scoped3A : memref<!tpu.dma_semaphore, #tpu.memory_space<semaphore_mem>>) src(%arg13 : memref<10000xf32, #tpu.memory_space<vmem_shared>>) dst(%arg11 : memref<10000xf32, #tpu.memory_space<vmem>>)
        tpu.yield
      }) : () -> ()
      "tpu.region"() ({
        %run_scoped3A = tpu.sem_alloc : memref<!tpu.dma_semaphore, #tpu.memory_space<semaphore_mem>>
        tpu.enqueue_dma source(%arg11 : memref<10000xf32, #tpu.memory_space<vmem>>) target(%arg6 : memref<10000xf32, #tpu.memory_space<hbm>>) target_semaphore(%run_scoped3A : memref<!tpu.dma_semaphore, #tpu.memory_space<semaphore_mem>>)
        tpu.wait_dma2 semaphore(%run_scoped3A : memref<!tpu.dma_semaphore, #tpu.memory_space<semaphore_mem>>) src(%arg11 : memref<10000xf32, #tpu.memory_space<vmem>>) dst(%arg6 : memref<10000xf32, #tpu.memory_space<hbm>>)
        tpu.yield
      }) : () -> ()
    } else {
    }
    return
  }
}

#map = affine_map<(d0, d1) -> (0)>
#map1 = affine_map<(d0, d1) -> (0, 0)>
module attributes {stable_mosaic.version = 14 : i64} {
  func.func @_sc_aggregate(%arg0: i32, %arg1: i32, %arg2: memref<327680xi32, #tpu.memory_space<hbm>>, %arg3: memref<5120x64xi32, #tpu.memory_space<hbm>>, %arg4: memref<20000x128xf32, #tpu.memory_space<hbm>>, %arg5: memref<20000x128xf32, #tpu.memory_space<hbm>>, %arg6: memref<5120xi32, #tpu.memory_space<vmem>>, %arg7: memref<80x64xi32, #tpu.memory_space<vmem>>, %arg8: memref<64xi32, #tpu.memory_space<vmem>>, %arg9: memref<64xi32, #tpu.memory_space<vmem>>, %arg10: memref<64xi32, #tpu.memory_space<vmem>>, %arg11: memref<64xi32, #tpu.memory_space<vmem>>, %arg12: memref<64x128xf32, #tpu.memory_space<vmem>>, %arg13: memref<64x128xf32, #tpu.memory_space<vmem>>, %arg14: memref<64x128xf32, #tpu.memory_space<vmem>>, %arg15: memref<64x128xf32, #tpu.memory_space<vmem>>, %arg16: memref<10032x128xf32, #tpu.memory_space<vmem_shared>>, %arg17: memref<!tpu.dma_semaphore, #tpu.memory_space<semaphore_mem>>, %arg18: memref<!tpu.dma_semaphore, #tpu.memory_space<semaphore_mem>>, %arg19: memref<!tpu.dma_semaphore, #tpu.memory_space<semaphore_mem>>, %arg20: memref<!tpu.dma_semaphore, #tpu.memory_space<semaphore_mem>>, %arg21: memref<!tpu.dma_semaphore, #tpu.memory_space<semaphore_mem>>, %arg22: memref<!tpu.dma_semaphore, #tpu.memory_space<semaphore_mem>>, %arg23: memref<!tpu.dma_semaphore, #tpu.memory_space<semaphore_mem>>, %arg24: memref<!tpu.dma_semaphore, #tpu.memory_space<semaphore_mem>>) attributes {dimension_semantics = [#tpu.dimension_semantics<core_parallel>, #tpu.dimension_semantics<subcore_parallel>], iteration_bounds = array<i64: 2, 16>, scalar_prefetch = 0 : i64, scratch_operands = 19 : i64, tpu.core_type = #tpu.core_type<sc_vector_subcore>, window_params = [{transform_indices = #map}, {transform_indices = #map1}, {transform_indices = #map1}, {transform_indices = #map1}]} {
    %mul3A = arith.constant 10000 : i32
    %mul3A_0 = arith.muli %arg0, %mul3A : i32
    %mul3A_1 = arith.constant 624 : i32
    %mul3A_2 = arith.muli %arg1, %mul3A_1 : i32
    %add3A = arith.addi %mul3A_0, %mul3A_2 : i32
    %add3A_3 = arith.constant 0 : i32
    %add3A_4 = arith.addi %add3A, %add3A_3 : i32
    "tpu.region"() ({
      %run_scoped3A = tpu.sem_alloc : memref<!tpu.dma_semaphore, #tpu.memory_space<semaphore_mem>>
      %dma_start3A = arith.constant 0 : i32
      %dma_start3A_262 = tpu.memref_slice %arg4[%add3A_4, %dma_start3A] : memref<20000x128xf32, #tpu.memory_space<hbm>> -> memref<64x128xf32, #tpu.memory_space<hbm>>
      %dma_start3A_263 = arith.constant 0 : i32
      %dma_start3A_264 = tpu.memref_slice %arg4[%add3A_4, %dma_start3A_263] : memref<20000x128xf32, #tpu.memory_space<hbm>> -> memref<64x128xf32, #tpu.memory_space<hbm>>
      tpu.enqueue_dma source(%dma_start3A_264 : memref<64x128xf32, #tpu.memory_space<hbm>>) target(%arg12 : memref<64x128xf32, #tpu.memory_space<vmem>>) target_semaphore(%run_scoped3A : memref<!tpu.dma_semaphore, #tpu.memory_space<semaphore_mem>>)
      %dma_wait3A_265 = arith.constant 0 : i32
      %dma_wait3A_266 = tpu.memref_slice %arg4[%add3A_4, %dma_wait3A_265] : memref<20000x128xf32, #tpu.memory_space<hbm>> -> memref<64x128xf32, #tpu.memory_space<hbm>>
      %dma_wait3A_267 = arith.constant 0 : i32
      %dma_wait3A_268 = tpu.memref_slice %arg4[%add3A_4, %dma_wait3A_267] : memref<20000x128xf32, #tpu.memory_space<hbm>> -> memref<64x128xf32, #tpu.memory_space<hbm>>
      tpu.wait_dma2 semaphore(%run_scoped3A : memref<!tpu.dma_semaphore, #tpu.memory_space<semaphore_mem>>) src(%dma_wait3A_268 : memref<64x128xf32, #tpu.memory_space<hbm>>) dst(%arg12 : memref<64x128xf32, #tpu.memory_space<vmem>>)
      tpu.yield
    }) : () -> ()
    %add3A_5 = arith.constant 0 : i32
    %add3A_6 = arith.addi %mul3A_2, %add3A_5 : i32
    "tpu.region"() ({
      %run_scoped3A = tpu.sem_alloc : memref<!tpu.dma_semaphore, #tpu.memory_space<semaphore_mem>>
      %dma_start3A = arith.constant 0 : i32
      %dma_start3A_262 = tpu.memref_slice %arg16[%add3A_6, %dma_start3A] : memref<10032x128xf32, #tpu.memory_space<vmem_shared>> -> memref<64x128xf32, #tpu.memory_space<vmem_shared>>
      %dma_start3A_263 = arith.constant 0 : i32
      %dma_start3A_264 = tpu.memref_slice %arg16[%add3A_6, %dma_start3A_263] : memref<10032x128xf32, #tpu.memory_space<vmem_shared>> -> memref<64x128xf32, #tpu.memory_space<vmem_shared>>
      tpu.enqueue_dma source(%arg12 : memref<64x128xf32, #tpu.memory_space<vmem>>) target(%dma_start3A_264 : memref<64x128xf32, #tpu.memory_space<vmem_shared>>) target_semaphore(%run_scoped3A : memref<!tpu.dma_semaphore, #tpu.memory_space<semaphore_mem>>)
      %dma_wait3A_265 = arith.constant 0 : i32
      %dma_wait3A_266 = tpu.memref_slice %arg16[%add3A_6, %dma_wait3A_265] : memref<10032x128xf32, #tpu.memory_space<vmem_shared>> -> memref<64x128xf32, #tpu.memory_space<vmem_shared>>
      %dma_wait3A_267 = arith.constant 0 : i32
      %dma_wait3A_268 = tpu.memref_slice %arg16[%add3A_6, %dma_wait3A_267] : memref<10032x128xf32, #tpu.memory_space<vmem_shared>> -> memref<64x128xf32, #tpu.memory_space<vmem_shared>>
      tpu.wait_dma2 semaphore(%run_scoped3A : memref<!tpu.dma_semaphore, #tpu.memory_space<semaphore_mem>>) src(%arg12 : memref<64x128xf32, #tpu.memory_space<vmem>>) dst(%dma_wait3A_268 : memref<64x128xf32, #tpu.memory_space<vmem_shared>>)
      tpu.yield
    }) : () -> ()
    %add3A_7 = arith.addi %mul3A_0, %mul3A_2 : i32
    %add3A_8 = arith.constant 64 : i32
    %add3A_9 = arith.addi %add3A_7, %add3A_8 : i32
    "tpu.region"() ({
      %run_scoped3A = tpu.sem_alloc : memref<!tpu.dma_semaphore, #tpu.memory_space<semaphore_mem>>
      %dma_start3A = arith.constant 0 : i32
      %dma_start3A_262 = tpu.memref_slice %arg4[%add3A_9, %dma_start3A] : memref<20000x128xf32, #tpu.memory_space<hbm>> -> memref<64x128xf32, #tpu.memory_space<hbm>>
      %dma_start3A_263 = arith.constant 0 : i32
      %dma_start3A_264 = tpu.memref_slice %arg4[%add3A_9, %dma_start3A_263] : memref<20000x128xf32, #tpu.memory_space<hbm>> -> memref<64x128xf32, #tpu.memory_space<hbm>>
      tpu.enqueue_dma source(%dma_start3A_264 : memref<64x128xf32, #tpu.memory_space<hbm>>) target(%arg12 : memref<64x128xf32, #tpu.memory_space<vmem>>) target_semaphore(%run_scoped3A : memref<!tpu.dma_semaphore, #tpu.memory_space<semaphore_mem>>)
      %dma_wait3A_265 = arith.constant 0 : i32
      %dma_wait3A_266 = tpu.memref_slice %arg4[%add3A_9, %dma_wait3A_265] : memref<20000x128xf32, #tpu.memory_space<hbm>> -> memref<64x128xf32, #tpu.memory_space<hbm>>
      %dma_wait3A_267 = arith.constant 0 : i32
      %dma_wait3A_268 = tpu.memref_slice %arg4[%add3A_9, %dma_wait3A_267] : memref<20000x128xf32, #tpu.memory_space<hbm>> -> memref<64x128xf32, #tpu.memory_space<hbm>>
      tpu.wait_dma2 semaphore(%run_scoped3A : memref<!tpu.dma_semaphore, #tpu.memory_space<semaphore_mem>>) src(%dma_wait3A_268 : memref<64x128xf32, #tpu.memory_space<hbm>>) dst(%arg12 : memref<64x128xf32, #tpu.memory_space<vmem>>)
      tpu.yield
    }) : () -> ()
    %add3A_10 = arith.constant 64 : i32
    %add3A_11 = arith.addi %mul3A_2, %add3A_10 : i32
    "tpu.region"() ({
      %run_scoped3A = tpu.sem_alloc : memref<!tpu.dma_semaphore, #tpu.memory_space<semaphore_mem>>
      %dma_start3A = arith.constant 0 : i32
      %dma_start3A_262 = tpu.memref_slice %arg16[%add3A_11, %dma_start3A] : memref<10032x128xf32, #tpu.memory_space<vmem_shared>> -> memref<64x128xf32, #tpu.memory_space<vmem_shared>>
      %dma_start3A_263 = arith.constant 0 : i32
      %dma_start3A_264 = tpu.memref_slice %arg16[%add3A_11, %dma_start3A_263] : memref<10032x128xf32, #tpu.memory_space<vmem_shared>> -> memref<64x128xf32, #tpu.memory_space<vmem_shared>>
      tpu.enqueue_dma source(%arg12 : memref<64x128xf32, #tpu.memory_space<vmem>>) target(%dma_start3A_264 : memref<64x128xf32, #tpu.memory_space<vmem_shared>>) target_semaphore(%run_scoped3A : memref<!tpu.dma_semaphore, #tpu.memory_space<semaphore_mem>>)
      %dma_wait3A_265 = arith.constant 0 : i32
      %dma_wait3A_266 = tpu.memref_slice %arg16[%add3A_11, %dma_wait3A_265] : memref<10032x128xf32, #tpu.memory_space<vmem_shared>> -> memref<64x128xf32, #tpu.memory_space<vmem_shared>>
      %dma_wait3A_267 = arith.constant 0 : i32
      %dma_wait3A_268 = tpu.memref_slice %arg16[%add3A_11, %dma_wait3A_267] : memref<10032x128xf32, #tpu.memory_space<vmem_shared>> -> memref<64x128xf32, #tpu.memory_space<vmem_shared>>
      tpu.wait_dma2 semaphore(%run_scoped3A : memref<!tpu.dma_semaphore, #tpu.memory_space<semaphore_mem>>) src(%arg12 : memref<64x128xf32, #tpu.memory_space<vmem>>) dst(%dma_wait3A_268 : memref<64x128xf32, #tpu.memory_space<vmem_shared>>)
      tpu.yield
    }) : () -> ()
    %add3A_12 = arith.addi %mul3A_0, %mul3A_2 : i32
    %add3A_13 = arith.constant 128 : i32
    %add3A_14 = arith.addi %add3A_12, %add3A_13 : i32
    "tpu.region"() ({
      %run_scoped3A = tpu.sem_alloc : memref<!tpu.dma_semaphore, #tpu.memory_space<semaphore_mem>>
      %dma_start3A = arith.constant 0 : i32
      %dma_start3A_262 = tpu.memref_slice %arg4[%add3A_14, %dma_start3A] : memref<20000x128xf32, #tpu.memory_space<hbm>> -> memref<64x128xf32, #tpu.memory_space<hbm>>
      %dma_start3A_263 = arith.constant 0 : i32
      %dma_start3A_264 = tpu.memref_slice %arg4[%add3A_14, %dma_start3A_263] : memref<20000x128xf32, #tpu.memory_space<hbm>> -> memref<64x128xf32, #tpu.memory_space<hbm>>
      tpu.enqueue_dma source(%dma_start3A_264 : memref<64x128xf32, #tpu.memory_space<hbm>>) target(%arg12 : memref<64x128xf32, #tpu.memory_space<vmem>>) target_semaphore(%run_scoped3A : memref<!tpu.dma_semaphore, #tpu.memory_space<semaphore_mem>>)
      %dma_wait3A_265 = arith.constant 0 : i32
      %dma_wait3A_266 = tpu.memref_slice %arg4[%add3A_14, %dma_wait3A_265] : memref<20000x128xf32, #tpu.memory_space<hbm>> -> memref<64x128xf32, #tpu.memory_space<hbm>>
      %dma_wait3A_267 = arith.constant 0 : i32
      %dma_wait3A_268 = tpu.memref_slice %arg4[%add3A_14, %dma_wait3A_267] : memref<20000x128xf32, #tpu.memory_space<hbm>> -> memref<64x128xf32, #tpu.memory_space<hbm>>
      tpu.wait_dma2 semaphore(%run_scoped3A : memref<!tpu.dma_semaphore, #tpu.memory_space<semaphore_mem>>) src(%dma_wait3A_268 : memref<64x128xf32, #tpu.memory_space<hbm>>) dst(%arg12 : memref<64x128xf32, #tpu.memory_space<vmem>>)
      tpu.yield
    }) : () -> ()
    %add3A_15 = arith.constant 128 : i32
    %add3A_16 = arith.addi %mul3A_2, %add3A_15 : i32
    "tpu.region"() ({
      %run_scoped3A = tpu.sem_alloc : memref<!tpu.dma_semaphore, #tpu.memory_space<semaphore_mem>>
      %dma_start3A = arith.constant 0 : i32
      %dma_start3A_262 = tpu.memref_slice %arg16[%add3A_16, %dma_start3A] : memref<10032x128xf32, #tpu.memory_space<vmem_shared>> -> memref<64x128xf32, #tpu.memory_space<vmem_shared>>
      %dma_start3A_263 = arith.constant 0 : i32
      %dma_start3A_264 = tpu.memref_slice %arg16[%add3A_16, %dma_start3A_263] : memref<10032x128xf32, #tpu.memory_space<vmem_shared>> -> memref<64x128xf32, #tpu.memory_space<vmem_shared>>
      tpu.enqueue_dma source(%arg12 : memref<64x128xf32, #tpu.memory_space<vmem>>) target(%dma_start3A_264 : memref<64x128xf32, #tpu.memory_space<vmem_shared>>) target_semaphore(%run_scoped3A : memref<!tpu.dma_semaphore, #tpu.memory_space<semaphore_mem>>)
      %dma_wait3A_265 = arith.constant 0 : i32
      %dma_wait3A_266 = tpu.memref_slice %arg16[%add3A_16, %dma_wait3A_265] : memref<10032x128xf32, #tpu.memory_space<vmem_shared>> -> memref<64x128xf32, #tpu.memory_space<vmem_shared>>
      %dma_wait3A_267 = arith.constant 0 : i32
      %dma_wait3A_268 = tpu.memref_slice %arg16[%add3A_16, %dma_wait3A_267] : memref<10032x128xf32, #tpu.memory_space<vmem_shared>> -> memref<64x128xf32, #tpu.memory_space<vmem_shared>>
      tpu.wait_dma2 semaphore(%run_scoped3A : memref<!tpu.dma_semaphore, #tpu.memory_space<semaphore_mem>>) src(%arg12 : memref<64x128xf32, #tpu.memory_space<vmem>>) dst(%dma_wait3A_268 : memref<64x128xf32, #tpu.memory_space<vmem_shared>>)
      tpu.yield
    }) : () -> ()
    %add3A_17 = arith.addi %mul3A_0, %mul3A_2 : i32
    %add3A_18 = arith.constant 192 : i32
    %add3A_19 = arith.addi %add3A_17, %add3A_18 : i32
    "tpu.region"() ({
      %run_scoped3A = tpu.sem_alloc : memref<!tpu.dma_semaphore, #tpu.memory_space<semaphore_mem>>
      %dma_start3A = arith.constant 0 : i32
      %dma_start3A_262 = tpu.memref_slice %arg4[%add3A_19, %dma_start3A] : memref<20000x128xf32, #tpu.memory_space<hbm>> -> memref<64x128xf32, #tpu.memory_space<hbm>>
      %dma_start3A_263 = arith.constant 0 : i32
      %dma_start3A_264 = tpu.memref_slice %arg4[%add3A_19, %dma_start3A_263] : memref<20000x128xf32, #tpu.memory_space<hbm>> -> memref<64x128xf32, #tpu.memory_space<hbm>>
      tpu.enqueue_dma source(%dma_start3A_264 : memref<64x128xf32, #tpu.memory_space<hbm>>) target(%arg12 : memref<64x128xf32, #tpu.memory_space<vmem>>) target_semaphore(%run_scoped3A : memref<!tpu.dma_semaphore, #tpu.memory_space<semaphore_mem>>)
      %dma_wait3A_265 = arith.constant 0 : i32
      %dma_wait3A_266 = tpu.memref_slice %arg4[%add3A_19, %dma_wait3A_265] : memref<20000x128xf32, #tpu.memory_space<hbm>> -> memref<64x128xf32, #tpu.memory_space<hbm>>
      %dma_wait3A_267 = arith.constant 0 : i32
      %dma_wait3A_268 = tpu.memref_slice %arg4[%add3A_19, %dma_wait3A_267] : memref<20000x128xf32, #tpu.memory_space<hbm>> -> memref<64x128xf32, #tpu.memory_space<hbm>>
      tpu.wait_dma2 semaphore(%run_scoped3A : memref<!tpu.dma_semaphore, #tpu.memory_space<semaphore_mem>>) src(%dma_wait3A_268 : memref<64x128xf32, #tpu.memory_space<hbm>>) dst(%arg12 : memref<64x128xf32, #tpu.memory_space<vmem>>)
      tpu.yield
    }) : () -> ()
    %add3A_20 = arith.constant 192 : i32
    %add3A_21 = arith.addi %mul3A_2, %add3A_20 : i32
    "tpu.region"() ({
      %run_scoped3A = tpu.sem_alloc : memref<!tpu.dma_semaphore, #tpu.memory_space<semaphore_mem>>
      %dma_start3A = arith.constant 0 : i32
      %dma_start3A_262 = tpu.memref_slice %arg16[%add3A_21, %dma_start3A] : memref<10032x128xf32, #tpu.memory_space<vmem_shared>> -> memref<64x128xf32, #tpu.memory_space<vmem_shared>>
      %dma_start3A_263 = arith.constant 0 : i32
      %dma_start3A_264 = tpu.memref_slice %arg16[%add3A_21, %dma_start3A_263] : memref<10032x128xf32, #tpu.memory_space<vmem_shared>> -> memref<64x128xf32, #tpu.memory_space<vmem_shared>>
      tpu.enqueue_dma source(%arg12 : memref<64x128xf32, #tpu.memory_space<vmem>>) target(%dma_start3A_264 : memref<64x128xf32, #tpu.memory_space<vmem_shared>>) target_semaphore(%run_scoped3A : memref<!tpu.dma_semaphore, #tpu.memory_space<semaphore_mem>>)
      %dma_wait3A_265 = arith.constant 0 : i32
      %dma_wait3A_266 = tpu.memref_slice %arg16[%add3A_21, %dma_wait3A_265] : memref<10032x128xf32, #tpu.memory_space<vmem_shared>> -> memref<64x128xf32, #tpu.memory_space<vmem_shared>>
      %dma_wait3A_267 = arith.constant 0 : i32
      %dma_wait3A_268 = tpu.memref_slice %arg16[%add3A_21, %dma_wait3A_267] : memref<10032x128xf32, #tpu.memory_space<vmem_shared>> -> memref<64x128xf32, #tpu.memory_space<vmem_shared>>
      tpu.wait_dma2 semaphore(%run_scoped3A : memref<!tpu.dma_semaphore, #tpu.memory_space<semaphore_mem>>) src(%arg12 : memref<64x128xf32, #tpu.memory_space<vmem>>) dst(%dma_wait3A_268 : memref<64x128xf32, #tpu.memory_space<vmem_shared>>)
      tpu.yield
    }) : () -> ()
    %add3A_22 = arith.addi %mul3A_0, %mul3A_2 : i32
    %add3A_23 = arith.constant 256 : i32
    %add3A_24 = arith.addi %add3A_22, %add3A_23 : i32
    "tpu.region"() ({
      %run_scoped3A = tpu.sem_alloc : memref<!tpu.dma_semaphore, #tpu.memory_space<semaphore_mem>>
      %dma_start3A = arith.constant 0 : i32
      %dma_start3A_262 = tpu.memref_slice %arg4[%add3A_24, %dma_start3A] : memref<20000x128xf32, #tpu.memory_space<hbm>> -> memref<64x128xf32, #tpu.memory_space<hbm>>
      %dma_start3A_263 = arith.constant 0 : i32
      %dma_start3A_264 = tpu.memref_slice %arg4[%add3A_24, %dma_start3A_263] : memref<20000x128xf32, #tpu.memory_space<hbm>> -> memref<64x128xf32, #tpu.memory_space<hbm>>
      tpu.enqueue_dma source(%dma_start3A_264 : memref<64x128xf32, #tpu.memory_space<hbm>>) target(%arg12 : memref<64x128xf32, #tpu.memory_space<vmem>>) target_semaphore(%run_scoped3A : memref<!tpu.dma_semaphore, #tpu.memory_space<semaphore_mem>>)
      %dma_wait3A_265 = arith.constant 0 : i32
      %dma_wait3A_266 = tpu.memref_slice %arg4[%add3A_24, %dma_wait3A_265] : memref<20000x128xf32, #tpu.memory_space<hbm>> -> memref<64x128xf32, #tpu.memory_space<hbm>>
      %dma_wait3A_267 = arith.constant 0 : i32
      %dma_wait3A_268 = tpu.memref_slice %arg4[%add3A_24, %dma_wait3A_267] : memref<20000x128xf32, #tpu.memory_space<hbm>> -> memref<64x128xf32, #tpu.memory_space<hbm>>
      tpu.wait_dma2 semaphore(%run_scoped3A : memref<!tpu.dma_semaphore, #tpu.memory_space<semaphore_mem>>) src(%dma_wait3A_268 : memref<64x128xf32, #tpu.memory_space<hbm>>) dst(%arg12 : memref<64x128xf32, #tpu.memory_space<vmem>>)
      tpu.yield
    }) : () -> ()
    %add3A_25 = arith.constant 256 : i32
    %add3A_26 = arith.addi %mul3A_2, %add3A_25 : i32
    "tpu.region"() ({
      %run_scoped3A = tpu.sem_alloc : memref<!tpu.dma_semaphore, #tpu.memory_space<semaphore_mem>>
      %dma_start3A = arith.constant 0 : i32
      %dma_start3A_262 = tpu.memref_slice %arg16[%add3A_26, %dma_start3A] : memref<10032x128xf32, #tpu.memory_space<vmem_shared>> -> memref<64x128xf32, #tpu.memory_space<vmem_shared>>
      %dma_start3A_263 = arith.constant 0 : i32
      %dma_start3A_264 = tpu.memref_slice %arg16[%add3A_26, %dma_start3A_263] : memref<10032x128xf32, #tpu.memory_space<vmem_shared>> -> memref<64x128xf32, #tpu.memory_space<vmem_shared>>
      tpu.enqueue_dma source(%arg12 : memref<64x128xf32, #tpu.memory_space<vmem>>) target(%dma_start3A_264 : memref<64x128xf32, #tpu.memory_space<vmem_shared>>) target_semaphore(%run_scoped3A : memref<!tpu.dma_semaphore, #tpu.memory_space<semaphore_mem>>)
      %dma_wait3A_265 = arith.constant 0 : i32
      %dma_wait3A_266 = tpu.memref_slice %arg16[%add3A_26, %dma_wait3A_265] : memref<10032x128xf32, #tpu.memory_space<vmem_shared>> -> memref<64x128xf32, #tpu.memory_space<vmem_shared>>
      %dma_wait3A_267 = arith.constant 0 : i32
      %dma_wait3A_268 = tpu.memref_slice %arg16[%add3A_26, %dma_wait3A_267] : memref<10032x128xf32, #tpu.memory_space<vmem_shared>> -> memref<64x128xf32, #tpu.memory_space<vmem_shared>>
      tpu.wait_dma2 semaphore(%run_scoped3A : memref<!tpu.dma_semaphore, #tpu.memory_space<semaphore_mem>>) src(%arg12 : memref<64x128xf32, #tpu.memory_space<vmem>>) dst(%dma_wait3A_268 : memref<64x128xf32, #tpu.memory_space<vmem_shared>>)
      tpu.yield
    }) : () -> ()
    %add3A_27 = arith.addi %mul3A_0, %mul3A_2 : i32
    %add3A_28 = arith.constant 320 : i32
    %add3A_29 = arith.addi %add3A_27, %add3A_28 : i32
    "tpu.region"() ({
      %run_scoped3A = tpu.sem_alloc : memref<!tpu.dma_semaphore, #tpu.memory_space<semaphore_mem>>
      %dma_start3A = arith.constant 0 : i32
      %dma_start3A_262 = tpu.memref_slice %arg4[%add3A_29, %dma_start3A] : memref<20000x128xf32, #tpu.memory_space<hbm>> -> memref<64x128xf32, #tpu.memory_space<hbm>>
      %dma_start3A_263 = arith.constant 0 : i32
      %dma_start3A_264 = tpu.memref_slice %arg4[%add3A_29, %dma_start3A_263] : memref<20000x128xf32, #tpu.memory_space<hbm>> -> memref<64x128xf32, #tpu.memory_space<hbm>>
      tpu.enqueue_dma source(%dma_start3A_264 : memref<64x128xf32, #tpu.memory_space<hbm>>) target(%arg12 : memref<64x128xf32, #tpu.memory_space<vmem>>) target_semaphore(%run_scoped3A : memref<!tpu.dma_semaphore, #tpu.memory_space<semaphore_mem>>)
      %dma_wait3A_265 = arith.constant 0 : i32
      %dma_wait3A_266 = tpu.memref_slice %arg4[%add3A_29, %dma_wait3A_265] : memref<20000x128xf32, #tpu.memory_space<hbm>> -> memref<64x128xf32, #tpu.memory_space<hbm>>
      %dma_wait3A_267 = arith.constant 0 : i32
      %dma_wait3A_268 = tpu.memref_slice %arg4[%add3A_29, %dma_wait3A_267] : memref<20000x128xf32, #tpu.memory_space<hbm>> -> memref<64x128xf32, #tpu.memory_space<hbm>>
      tpu.wait_dma2 semaphore(%run_scoped3A : memref<!tpu.dma_semaphore, #tpu.memory_space<semaphore_mem>>) src(%dma_wait3A_268 : memref<64x128xf32, #tpu.memory_space<hbm>>) dst(%arg12 : memref<64x128xf32, #tpu.memory_space<vmem>>)
      tpu.yield
    }) : () -> ()
    %add3A_30 = arith.constant 320 : i32
    %add3A_31 = arith.addi %mul3A_2, %add3A_30 : i32
    "tpu.region"() ({
      %run_scoped3A = tpu.sem_alloc : memref<!tpu.dma_semaphore, #tpu.memory_space<semaphore_mem>>
      %dma_start3A = arith.constant 0 : i32
      %dma_start3A_262 = tpu.memref_slice %arg16[%add3A_31, %dma_start3A] : memref<10032x128xf32, #tpu.memory_space<vmem_shared>> -> memref<64x128xf32, #tpu.memory_space<vmem_shared>>
      %dma_start3A_263 = arith.constant 0 : i32
      %dma_start3A_264 = tpu.memref_slice %arg16[%add3A_31, %dma_start3A_263] : memref<10032x128xf32, #tpu.memory_space<vmem_shared>> -> memref<64x128xf32, #tpu.memory_space<vmem_shared>>
      tpu.enqueue_dma source(%arg12 : memref<64x128xf32, #tpu.memory_space<vmem>>) target(%dma_start3A_264 : memref<64x128xf32, #tpu.memory_space<vmem_shared>>) target_semaphore(%run_scoped3A : memref<!tpu.dma_semaphore, #tpu.memory_space<semaphore_mem>>)
      %dma_wait3A_265 = arith.constant 0 : i32
      %dma_wait3A_266 = tpu.memref_slice %arg16[%add3A_31, %dma_wait3A_265] : memref<10032x128xf32, #tpu.memory_space<vmem_shared>> -> memref<64x128xf32, #tpu.memory_space<vmem_shared>>
      %dma_wait3A_267 = arith.constant 0 : i32
      %dma_wait3A_268 = tpu.memref_slice %arg16[%add3A_31, %dma_wait3A_267] : memref<10032x128xf32, #tpu.memory_space<vmem_shared>> -> memref<64x128xf32, #tpu.memory_space<vmem_shared>>
      tpu.wait_dma2 semaphore(%run_scoped3A : memref<!tpu.dma_semaphore, #tpu.memory_space<semaphore_mem>>) src(%arg12 : memref<64x128xf32, #tpu.memory_space<vmem>>) dst(%dma_wait3A_268 : memref<64x128xf32, #tpu.memory_space<vmem_shared>>)
      tpu.yield
    }) : () -> ()
    %add3A_32 = arith.addi %mul3A_0, %mul3A_2 : i32
    %add3A_33 = arith.constant 384 : i32
    %add3A_34 = arith.addi %add3A_32, %add3A_33 : i32
    "tpu.region"() ({
      %run_scoped3A = tpu.sem_alloc : memref<!tpu.dma_semaphore, #tpu.memory_space<semaphore_mem>>
      %dma_start3A = arith.constant 0 : i32
      %dma_start3A_262 = tpu.memref_slice %arg4[%add3A_34, %dma_start3A] : memref<20000x128xf32, #tpu.memory_space<hbm>> -> memref<64x128xf32, #tpu.memory_space<hbm>>
      %dma_start3A_263 = arith.constant 0 : i32
      %dma_start3A_264 = tpu.memref_slice %arg4[%add3A_34, %dma_start3A_263] : memref<20000x128xf32, #tpu.memory_space<hbm>> -> memref<64x128xf32, #tpu.memory_space<hbm>>
      tpu.enqueue_dma source(%dma_start3A_264 : memref<64x128xf32, #tpu.memory_space<hbm>>) target(%arg12 : memref<64x128xf32, #tpu.memory_space<vmem>>) target_semaphore(%run_scoped3A : memref<!tpu.dma_semaphore, #tpu.memory_space<semaphore_mem>>)
      %dma_wait3A_265 = arith.constant 0 : i32
      %dma_wait3A_266 = tpu.memref_slice %arg4[%add3A_34, %dma_wait3A_265] : memref<20000x128xf32, #tpu.memory_space<hbm>> -> memref<64x128xf32, #tpu.memory_space<hbm>>
      %dma_wait3A_267 = arith.constant 0 : i32
      %dma_wait3A_268 = tpu.memref_slice %arg4[%add3A_34, %dma_wait3A_267] : memref<20000x128xf32, #tpu.memory_space<hbm>> -> memref<64x128xf32, #tpu.memory_space<hbm>>
      tpu.wait_dma2 semaphore(%run_scoped3A : memref<!tpu.dma_semaphore, #tpu.memory_space<semaphore_mem>>) src(%dma_wait3A_268 : memref<64x128xf32, #tpu.memory_space<hbm>>) dst(%arg12 : memref<64x128xf32, #tpu.memory_space<vmem>>)
      tpu.yield
    }) : () -> ()
    %add3A_35 = arith.constant 384 : i32
    %add3A_36 = arith.addi %mul3A_2, %add3A_35 : i32
    "tpu.region"() ({
      %run_scoped3A = tpu.sem_alloc : memref<!tpu.dma_semaphore, #tpu.memory_space<semaphore_mem>>
      %dma_start3A = arith.constant 0 : i32
      %dma_start3A_262 = tpu.memref_slice %arg16[%add3A_36, %dma_start3A] : memref<10032x128xf32, #tpu.memory_space<vmem_shared>> -> memref<64x128xf32, #tpu.memory_space<vmem_shared>>
      %dma_start3A_263 = arith.constant 0 : i32
      %dma_start3A_264 = tpu.memref_slice %arg16[%add3A_36, %dma_start3A_263] : memref<10032x128xf32, #tpu.memory_space<vmem_shared>> -> memref<64x128xf32, #tpu.memory_space<vmem_shared>>
      tpu.enqueue_dma source(%arg12 : memref<64x128xf32, #tpu.memory_space<vmem>>) target(%dma_start3A_264 : memref<64x128xf32, #tpu.memory_space<vmem_shared>>) target_semaphore(%run_scoped3A : memref<!tpu.dma_semaphore, #tpu.memory_space<semaphore_mem>>)
      %dma_wait3A_265 = arith.constant 0 : i32
      %dma_wait3A_266 = tpu.memref_slice %arg16[%add3A_36, %dma_wait3A_265] : memref<10032x128xf32, #tpu.memory_space<vmem_shared>> -> memref<64x128xf32, #tpu.memory_space<vmem_shared>>
      %dma_wait3A_267 = arith.constant 0 : i32
      %dma_wait3A_268 = tpu.memref_slice %arg16[%add3A_36, %dma_wait3A_267] : memref<10032x128xf32, #tpu.memory_space<vmem_shared>> -> memref<64x128xf32, #tpu.memory_space<vmem_shared>>
      tpu.wait_dma2 semaphore(%run_scoped3A : memref<!tpu.dma_semaphore, #tpu.memory_space<semaphore_mem>>) src(%arg12 : memref<64x128xf32, #tpu.memory_space<vmem>>) dst(%dma_wait3A_268 : memref<64x128xf32, #tpu.memory_space<vmem_shared>>)
      tpu.yield
    }) : () -> ()
    %add3A_37 = arith.addi %mul3A_0, %mul3A_2 : i32
    %add3A_38 = arith.constant 448 : i32
    %add3A_39 = arith.addi %add3A_37, %add3A_38 : i32
    "tpu.region"() ({
      %run_scoped3A = tpu.sem_alloc : memref<!tpu.dma_semaphore, #tpu.memory_space<semaphore_mem>>
      %dma_start3A = arith.constant 0 : i32
      %dma_start3A_262 = tpu.memref_slice %arg4[%add3A_39, %dma_start3A] : memref<20000x128xf32, #tpu.memory_space<hbm>> -> memref<64x128xf32, #tpu.memory_space<hbm>>
      %dma_start3A_263 = arith.constant 0 : i32
      %dma_start3A_264 = tpu.memref_slice %arg4[%add3A_39, %dma_start3A_263] : memref<20000x128xf32, #tpu.memory_space<hbm>> -> memref<64x128xf32, #tpu.memory_space<hbm>>
      tpu.enqueue_dma source(%dma_start3A_264 : memref<64x128xf32, #tpu.memory_space<hbm>>) target(%arg12 : memref<64x128xf32, #tpu.memory_space<vmem>>) target_semaphore(%run_scoped3A : memref<!tpu.dma_semaphore, #tpu.memory_space<semaphore_mem>>)
      %dma_wait3A_265 = arith.constant 0 : i32
      %dma_wait3A_266 = tpu.memref_slice %arg4[%add3A_39, %dma_wait3A_265] : memref<20000x128xf32, #tpu.memory_space<hbm>> -> memref<64x128xf32, #tpu.memory_space<hbm>>
      %dma_wait3A_267 = arith.constant 0 : i32
      %dma_wait3A_268 = tpu.memref_slice %arg4[%add3A_39, %dma_wait3A_267] : memref<20000x128xf32, #tpu.memory_space<hbm>> -> memref<64x128xf32, #tpu.memory_space<hbm>>
      tpu.wait_dma2 semaphore(%run_scoped3A : memref<!tpu.dma_semaphore, #tpu.memory_space<semaphore_mem>>) src(%dma_wait3A_268 : memref<64x128xf32, #tpu.memory_space<hbm>>) dst(%arg12 : memref<64x128xf32, #tpu.memory_space<vmem>>)
      tpu.yield
    }) : () -> ()
    %add3A_40 = arith.constant 448 : i32
    %add3A_41 = arith.addi %mul3A_2, %add3A_40 : i32
    "tpu.region"() ({
      %run_scoped3A = tpu.sem_alloc : memref<!tpu.dma_semaphore, #tpu.memory_space<semaphore_mem>>
      %dma_start3A = arith.constant 0 : i32
      %dma_start3A_262 = tpu.memref_slice %arg16[%add3A_41, %dma_start3A] : memref<10032x128xf32, #tpu.memory_space<vmem_shared>> -> memref<64x128xf32, #tpu.memory_space<vmem_shared>>
      %dma_start3A_263 = arith.constant 0 : i32
      %dma_start3A_264 = tpu.memref_slice %arg16[%add3A_41, %dma_start3A_263] : memref<10032x128xf32, #tpu.memory_space<vmem_shared>> -> memref<64x128xf32, #tpu.memory_space<vmem_shared>>
      tpu.enqueue_dma source(%arg12 : memref<64x128xf32, #tpu.memory_space<vmem>>) target(%dma_start3A_264 : memref<64x128xf32, #tpu.memory_space<vmem_shared>>) target_semaphore(%run_scoped3A : memref<!tpu.dma_semaphore, #tpu.memory_space<semaphore_mem>>)
      %dma_wait3A_265 = arith.constant 0 : i32
      %dma_wait3A_266 = tpu.memref_slice %arg16[%add3A_41, %dma_wait3A_265] : memref<10032x128xf32, #tpu.memory_space<vmem_shared>> -> memref<64x128xf32, #tpu.memory_space<vmem_shared>>
      %dma_wait3A_267 = arith.constant 0 : i32
      %dma_wait3A_268 = tpu.memref_slice %arg16[%add3A_41, %dma_wait3A_267] : memref<10032x128xf32, #tpu.memory_space<vmem_shared>> -> memref<64x128xf32, #tpu.memory_space<vmem_shared>>
      tpu.wait_dma2 semaphore(%run_scoped3A : memref<!tpu.dma_semaphore, #tpu.memory_space<semaphore_mem>>) src(%arg12 : memref<64x128xf32, #tpu.memory_space<vmem>>) dst(%dma_wait3A_268 : memref<64x128xf32, #tpu.memory_space<vmem_shared>>)
      tpu.yield
    }) : () -> ()
    %add3A_42 = arith.addi %mul3A_0, %mul3A_2 : i32
    %add3A_43 = arith.constant 512 : i32
    %add3A_44 = arith.addi %add3A_42, %add3A_43 : i32
    "tpu.region"() ({
      %run_scoped3A = tpu.sem_alloc : memref<!tpu.dma_semaphore, #tpu.memory_space<semaphore_mem>>
      %dma_start3A = arith.constant 0 : i32
      %dma_start3A_262 = tpu.memref_slice %arg4[%add3A_44, %dma_start3A] : memref<20000x128xf32, #tpu.memory_space<hbm>> -> memref<64x128xf32, #tpu.memory_space<hbm>>
      %dma_start3A_263 = arith.constant 0 : i32
      %dma_start3A_264 = tpu.memref_slice %arg4[%add3A_44, %dma_start3A_263] : memref<20000x128xf32, #tpu.memory_space<hbm>> -> memref<64x128xf32, #tpu.memory_space<hbm>>
      tpu.enqueue_dma source(%dma_start3A_264 : memref<64x128xf32, #tpu.memory_space<hbm>>) target(%arg12 : memref<64x128xf32, #tpu.memory_space<vmem>>) target_semaphore(%run_scoped3A : memref<!tpu.dma_semaphore, #tpu.memory_space<semaphore_mem>>)
      %dma_wait3A_265 = arith.constant 0 : i32
      %dma_wait3A_266 = tpu.memref_slice %arg4[%add3A_44, %dma_wait3A_265] : memref<20000x128xf32, #tpu.memory_space<hbm>> -> memref<64x128xf32, #tpu.memory_space<hbm>>
      %dma_wait3A_267 = arith.constant 0 : i32
      %dma_wait3A_268 = tpu.memref_slice %arg4[%add3A_44, %dma_wait3A_267] : memref<20000x128xf32, #tpu.memory_space<hbm>> -> memref<64x128xf32, #tpu.memory_space<hbm>>
      tpu.wait_dma2 semaphore(%run_scoped3A : memref<!tpu.dma_semaphore, #tpu.memory_space<semaphore_mem>>) src(%dma_wait3A_268 : memref<64x128xf32, #tpu.memory_space<hbm>>) dst(%arg12 : memref<64x128xf32, #tpu.memory_space<vmem>>)
      tpu.yield
    }) : () -> ()
    %add3A_45 = arith.constant 512 : i32
    %add3A_46 = arith.addi %mul3A_2, %add3A_45 : i32
    "tpu.region"() ({
      %run_scoped3A = tpu.sem_alloc : memref<!tpu.dma_semaphore, #tpu.memory_space<semaphore_mem>>
      %dma_start3A = arith.constant 0 : i32
      %dma_start3A_262 = tpu.memref_slice %arg16[%add3A_46, %dma_start3A] : memref<10032x128xf32, #tpu.memory_space<vmem_shared>> -> memref<64x128xf32, #tpu.memory_space<vmem_shared>>
      %dma_start3A_263 = arith.constant 0 : i32
      %dma_start3A_264 = tpu.memref_slice %arg16[%add3A_46, %dma_start3A_263] : memref<10032x128xf32, #tpu.memory_space<vmem_shared>> -> memref<64x128xf32, #tpu.memory_space<vmem_shared>>
      tpu.enqueue_dma source(%arg12 : memref<64x128xf32, #tpu.memory_space<vmem>>) target(%dma_start3A_264 : memref<64x128xf32, #tpu.memory_space<vmem_shared>>) target_semaphore(%run_scoped3A : memref<!tpu.dma_semaphore, #tpu.memory_space<semaphore_mem>>)
      %dma_wait3A_265 = arith.constant 0 : i32
      %dma_wait3A_266 = tpu.memref_slice %arg16[%add3A_46, %dma_wait3A_265] : memref<10032x128xf32, #tpu.memory_space<vmem_shared>> -> memref<64x128xf32, #tpu.memory_space<vmem_shared>>
      %dma_wait3A_267 = arith.constant 0 : i32
      %dma_wait3A_268 = tpu.memref_slice %arg16[%add3A_46, %dma_wait3A_267] : memref<10032x128xf32, #tpu.memory_space<vmem_shared>> -> memref<64x128xf32, #tpu.memory_space<vmem_shared>>
      tpu.wait_dma2 semaphore(%run_scoped3A : memref<!tpu.dma_semaphore, #tpu.memory_space<semaphore_mem>>) src(%arg12 : memref<64x128xf32, #tpu.memory_space<vmem>>) dst(%dma_wait3A_268 : memref<64x128xf32, #tpu.memory_space<vmem_shared>>)
      tpu.yield
    }) : () -> ()
    %add3A_47 = arith.addi %mul3A_0, %mul3A_2 : i32
    %add3A_48 = arith.constant 576 : i32
    %add3A_49 = arith.addi %add3A_47, %add3A_48 : i32
    "tpu.region"() ({
      %run_scoped3A = tpu.sem_alloc : memref<!tpu.dma_semaphore, #tpu.memory_space<semaphore_mem>>
      %dma_start3A = arith.constant 0 : i32
      %dma_start3A_262 = arith.constant 0 : i32
      %dma_start3A_263 = tpu.memref_slice %arg12[%dma_start3A, %dma_start3A_262] : memref<64x128xf32, #tpu.memory_space<vmem>> -> memref<48x128xf32, #tpu.memory_space<vmem>>
      %dma_start3A_264 = arith.constant 0 : i32
      %dma_start3A_265 = tpu.memref_slice %arg4[%add3A_49, %dma_start3A_264] : memref<20000x128xf32, #tpu.memory_space<hbm>> -> memref<48x128xf32, #tpu.memory_space<hbm>>
      %dma_start3A_266 = arith.constant 0 : i32
      %dma_start3A_267 = arith.constant 0 : i32
      %dma_start3A_268 = tpu.memref_slice %arg12[%dma_start3A_266, %dma_start3A_267] : memref<64x128xf32, #tpu.memory_space<vmem>> -> memref<48x128xf32, #tpu.memory_space<vmem>>
      %dma_start3A_269 = arith.constant 0 : i32
      %dma_start3A_270 = tpu.memref_slice %arg4[%add3A_49, %dma_start3A_269] : memref<20000x128xf32, #tpu.memory_space<hbm>> -> memref<48x128xf32, #tpu.memory_space<hbm>>
      tpu.enqueue_dma source(%dma_start3A_270 : memref<48x128xf32, #tpu.memory_space<hbm>>) target(%dma_start3A_268 : memref<48x128xf32, #tpu.memory_space<vmem>>) target_semaphore(%run_scoped3A : memref<!tpu.dma_semaphore, #tpu.memory_space<semaphore_mem>>)
      %dma_wait3A_271 = arith.constant 0 : i32
      %dma_wait3A_272 = arith.constant 0 : i32
      %dma_wait3A_273 = tpu.memref_slice %arg12[%dma_wait3A_271, %dma_wait3A_272] : memref<64x128xf32, #tpu.memory_space<vmem>> -> memref<48x128xf32, #tpu.memory_space<vmem>>
      %dma_wait3A_274 = arith.constant 0 : i32
      %dma_wait3A_275 = tpu.memref_slice %arg4[%add3A_49, %dma_wait3A_274] : memref<20000x128xf32, #tpu.memory_space<hbm>> -> memref<48x128xf32, #tpu.memory_space<hbm>>
      %dma_wait3A_276 = arith.constant 0 : i32
      %dma_wait3A_277 = arith.constant 0 : i32
      %dma_wait3A_278 = tpu.memref_slice %arg12[%dma_wait3A_276, %dma_wait3A_277] : memref<64x128xf32, #tpu.memory_space<vmem>> -> memref<48x128xf32, #tpu.memory_space<vmem>>
      %dma_wait3A_279 = arith.constant 0 : i32
      %dma_wait3A_280 = tpu.memref_slice %arg4[%add3A_49, %dma_wait3A_279] : memref<20000x128xf32, #tpu.memory_space<hbm>> -> memref<48x128xf32, #tpu.memory_space<hbm>>
      tpu.wait_dma2 semaphore(%run_scoped3A : memref<!tpu.dma_semaphore, #tpu.memory_space<semaphore_mem>>) src(%dma_wait3A_280 : memref<48x128xf32, #tpu.memory_space<hbm>>) dst(%dma_wait3A_278 : memref<48x128xf32, #tpu.memory_space<vmem>>)
      tpu.yield
    }) : () -> ()
    %add3A_50 = arith.constant 576 : i32
    %add3A_51 = arith.addi %mul3A_2, %add3A_50 : i32
    "tpu.region"() ({
      %run_scoped3A = tpu.sem_alloc : memref<!tpu.dma_semaphore, #tpu.memory_space<semaphore_mem>>
      %dma_start3A = arith.constant 0 : i32
      %dma_start3A_262 = arith.constant 0 : i32
      %dma_start3A_263 = tpu.memref_slice %arg12[%dma_start3A, %dma_start3A_262] : memref<64x128xf32, #tpu.memory_space<vmem>> -> memref<48x128xf32, #tpu.memory_space<vmem>>
      %dma_start3A_264 = arith.constant 0 : i32
      %dma_start3A_265 = tpu.memref_slice %arg16[%add3A_51, %dma_start3A_264] : memref<10032x128xf32, #tpu.memory_space<vmem_shared>> -> memref<48x128xf32, #tpu.memory_space<vmem_shared>>
      %dma_start3A_266 = arith.constant 0 : i32
      %dma_start3A_267 = tpu.memref_slice %arg16[%add3A_51, %dma_start3A_266] : memref<10032x128xf32, #tpu.memory_space<vmem_shared>> -> memref<48x128xf32, #tpu.memory_space<vmem_shared>>
      %dma_start3A_268 = arith.constant 0 : i32
      %dma_start3A_269 = arith.constant 0 : i32
      %dma_start3A_270 = tpu.memref_slice %arg12[%dma_start3A_268, %dma_start3A_269] : memref<64x128xf32, #tpu.memory_space<vmem>> -> memref<48x128xf32, #tpu.memory_space<vmem>>
      tpu.enqueue_dma source(%dma_start3A_270 : memref<48x128xf32, #tpu.memory_space<vmem>>) target(%dma_start3A_267 : memref<48x128xf32, #tpu.memory_space<vmem_shared>>) target_semaphore(%run_scoped3A : memref<!tpu.dma_semaphore, #tpu.memory_space<semaphore_mem>>)
      %dma_wait3A_271 = arith.constant 0 : i32
      %dma_wait3A_272 = arith.constant 0 : i32
      %dma_wait3A_273 = tpu.memref_slice %arg12[%dma_wait3A_271, %dma_wait3A_272] : memref<64x128xf32, #tpu.memory_space<vmem>> -> memref<48x128xf32, #tpu.memory_space<vmem>>
      %dma_wait3A_274 = arith.constant 0 : i32
      %dma_wait3A_275 = tpu.memref_slice %arg16[%add3A_51, %dma_wait3A_274] : memref<10032x128xf32, #tpu.memory_space<vmem_shared>> -> memref<48x128xf32, #tpu.memory_space<vmem_shared>>
      %dma_wait3A_276 = arith.constant 0 : i32
      %dma_wait3A_277 = tpu.memref_slice %arg16[%add3A_51, %dma_wait3A_276] : memref<10032x128xf32, #tpu.memory_space<vmem_shared>> -> memref<48x128xf32, #tpu.memory_space<vmem_shared>>
      %dma_wait3A_278 = arith.constant 0 : i32
      %dma_wait3A_279 = arith.constant 0 : i32
      %dma_wait3A_280 = tpu.memref_slice %arg12[%dma_wait3A_278, %dma_wait3A_279] : memref<64x128xf32, #tpu.memory_space<vmem>> -> memref<48x128xf32, #tpu.memory_space<vmem>>
      tpu.wait_dma2 semaphore(%run_scoped3A : memref<!tpu.dma_semaphore, #tpu.memory_space<semaphore_mem>>) src(%dma_wait3A_280 : memref<48x128xf32, #tpu.memory_space<vmem>>) dst(%dma_wait3A_277 : memref<48x128xf32, #tpu.memory_space<vmem_shared>>)
      tpu.yield
    }) : () -> ()
    %eq3A = arith.constant 15 : i32
    %eq3A_52 = arith.cmpi eq, %arg1, %eq3A : i32
    %convert_element_type3A = arith.extui %eq3A_52 : i1 to i32
    %cond3A = arith.constant 0 : i32
    %cond3A_53 = arith.cmpi ne, %convert_element_type3A, %cond3A : i32
    scf.if %cond3A_53 {
      %add3A_262 = arith.constant 9360 : i32
      %add3A_263 = arith.addi %mul3A_0, %add3A_262 : i32
      "tpu.region"() ({
        %run_scoped3A = tpu.sem_alloc : memref<!tpu.dma_semaphore, #tpu.memory_space<semaphore_mem>>
        %dma_start3A = arith.constant 0 : i32
        %dma_start3A_264 = arith.constant 0 : i32
        %dma_start3A_265 = tpu.memref_slice %arg12[%dma_start3A, %dma_start3A_264] : memref<64x128xf32, #tpu.memory_space<vmem>> -> memref<16x128xf32, #tpu.memory_space<vmem>>
        %dma_start3A_266 = arith.constant 0 : i32
        %dma_start3A_267 = tpu.memref_slice %arg4[%add3A_263, %dma_start3A_266] : memref<20000x128xf32, #tpu.memory_space<hbm>> -> memref<16x128xf32, #tpu.memory_space<hbm>>
        %dma_start3A_268 = arith.constant 0 : i32
        %dma_start3A_269 = arith.constant 0 : i32
        %dma_start3A_270 = tpu.memref_slice %arg12[%dma_start3A_268, %dma_start3A_269] : memref<64x128xf32, #tpu.memory_space<vmem>> -> memref<16x128xf32, #tpu.memory_space<vmem>>
        %dma_start3A_271 = arith.constant 0 : i32
        %dma_start3A_272 = tpu.memref_slice %arg4[%add3A_263, %dma_start3A_271] : memref<20000x128xf32, #tpu.memory_space<hbm>> -> memref<16x128xf32, #tpu.memory_space<hbm>>
        tpu.enqueue_dma source(%dma_start3A_272 : memref<16x128xf32, #tpu.memory_space<hbm>>) target(%dma_start3A_270 : memref<16x128xf32, #tpu.memory_space<vmem>>) target_semaphore(%run_scoped3A : memref<!tpu.dma_semaphore, #tpu.memory_space<semaphore_mem>>)
        %dma_wait3A_273 = arith.constant 0 : i32
        %dma_wait3A_274 = arith.constant 0 : i32
        %dma_wait3A_275 = tpu.memref_slice %arg12[%dma_wait3A_273, %dma_wait3A_274] : memref<64x128xf32, #tpu.memory_space<vmem>> -> memref<16x128xf32, #tpu.memory_space<vmem>>
        %dma_wait3A_276 = arith.constant 0 : i32
        %dma_wait3A_277 = tpu.memref_slice %arg4[%add3A_263, %dma_wait3A_276] : memref<20000x128xf32, #tpu.memory_space<hbm>> -> memref<16x128xf32, #tpu.memory_space<hbm>>
        %dma_wait3A_278 = arith.constant 0 : i32
        %dma_wait3A_279 = arith.constant 0 : i32
        %dma_wait3A_280 = tpu.memref_slice %arg12[%dma_wait3A_278, %dma_wait3A_279] : memref<64x128xf32, #tpu.memory_space<vmem>> -> memref<16x128xf32, #tpu.memory_space<vmem>>
        %dma_wait3A_281 = arith.constant 0 : i32
        %dma_wait3A_282 = tpu.memref_slice %arg4[%add3A_263, %dma_wait3A_281] : memref<20000x128xf32, #tpu.memory_space<hbm>> -> memref<16x128xf32, #tpu.memory_space<hbm>>
        tpu.wait_dma2 semaphore(%run_scoped3A : memref<!tpu.dma_semaphore, #tpu.memory_space<semaphore_mem>>) src(%dma_wait3A_282 : memref<16x128xf32, #tpu.memory_space<hbm>>) dst(%dma_wait3A_280 : memref<16x128xf32, #tpu.memory_space<vmem>>)
        tpu.yield
      }) : () -> ()
      "tpu.region"() ({
        %run_scoped3A = tpu.sem_alloc : memref<!tpu.dma_semaphore, #tpu.memory_space<semaphore_mem>>
        %dma_start3A = arith.constant 0 : i32
        %dma_start3A_264 = arith.constant 0 : i32
        %dma_start3A_265 = tpu.memref_slice %arg12[%dma_start3A, %dma_start3A_264] : memref<64x128xf32, #tpu.memory_space<vmem>> -> memref<16x128xf32, #tpu.memory_space<vmem>>
        %dma_start3A_266 = arith.constant 9360 : i32
        %dma_start3A_267 = arith.constant 0 : i32
        %dma_start3A_268 = tpu.memref_slice %arg16[%dma_start3A_266, %dma_start3A_267] : memref<10032x128xf32, #tpu.memory_space<vmem_shared>> -> memref<16x128xf32, #tpu.memory_space<vmem_shared>>
        %dma_start3A_269 = arith.constant 9360 : i32
        %dma_start3A_270 = arith.constant 0 : i32
        %dma_start3A_271 = tpu.memref_slice %arg16[%dma_start3A_269, %dma_start3A_270] : memref<10032x128xf32, #tpu.memory_space<vmem_shared>> -> memref<16x128xf32, #tpu.memory_space<vmem_shared>>
        %dma_start3A_272 = arith.constant 0 : i32
        %dma_start3A_273 = arith.constant 0 : i32
        %dma_start3A_274 = tpu.memref_slice %arg12[%dma_start3A_272, %dma_start3A_273] : memref<64x128xf32, #tpu.memory_space<vmem>> -> memref<16x128xf32, #tpu.memory_space<vmem>>
        tpu.enqueue_dma source(%dma_start3A_274 : memref<16x128xf32, #tpu.memory_space<vmem>>) target(%dma_start3A_271 : memref<16x128xf32, #tpu.memory_space<vmem_shared>>) target_semaphore(%run_scoped3A : memref<!tpu.dma_semaphore, #tpu.memory_space<semaphore_mem>>)
        %dma_wait3A_275 = arith.constant 0 : i32
        %dma_wait3A_276 = arith.constant 0 : i32
        %dma_wait3A_277 = tpu.memref_slice %arg12[%dma_wait3A_275, %dma_wait3A_276] : memref<64x128xf32, #tpu.memory_space<vmem>> -> memref<16x128xf32, #tpu.memory_space<vmem>>
        %dma_wait3A_278 = arith.constant 9360 : i32
        %dma_wait3A_279 = arith.constant 0 : i32
        %dma_wait3A_280 = tpu.memref_slice %arg16[%dma_wait3A_278, %dma_wait3A_279] : memref<10032x128xf32, #tpu.memory_space<vmem_shared>> -> memref<16x128xf32, #tpu.memory_space<vmem_shared>>
        %dma_wait3A_281 = arith.constant 9360 : i32
        %dma_wait3A_282 = arith.constant 0 : i32
        %dma_wait3A_283 = tpu.memref_slice %arg16[%dma_wait3A_281, %dma_wait3A_282] : memref<10032x128xf32, #tpu.memory_space<vmem_shared>> -> memref<16x128xf32, #tpu.memory_space<vmem_shared>>
        %dma_wait3A_284 = arith.constant 0 : i32
        %dma_wait3A_285 = arith.constant 0 : i32
        %dma_wait3A_286 = tpu.memref_slice %arg12[%dma_wait3A_284, %dma_wait3A_285] : memref<64x128xf32, #tpu.memory_space<vmem>> -> memref<16x128xf32, #tpu.memory_space<vmem>>
        tpu.wait_dma2 semaphore(%run_scoped3A : memref<!tpu.dma_semaphore, #tpu.memory_space<semaphore_mem>>) src(%dma_wait3A_286 : memref<16x128xf32, #tpu.memory_space<vmem>>) dst(%dma_wait3A_283 : memref<16x128xf32, #tpu.memory_space<vmem_shared>>)
        tpu.yield
      }) : () -> ()
    } else {
    }
    %barrier3A = arith.constant 0 : index
    tpu.barrier barrier_id(%barrier3A)
    %mul3A_54 = arith.constant 320 : i32
    %mul3A_55 = arith.muli %arg1, %mul3A_54 : i32
    %add3A_56 = arith.constant 0 : i32
    %add3A_57 = arith.addi %mul3A_55, %add3A_56 : i32
    %mul3A_58 = arith.constant 64 : i32
    %mul3A_59 = arith.muli %add3A_57, %mul3A_58 : i32
    "tpu.region"() ({
      %run_scoped3A = tpu.sem_alloc : memref<!tpu.dma_semaphore, #tpu.memory_space<semaphore_mem>>
      %dma_start3A = arith.constant 0 : i32
      %dma_start3A_262 = tpu.memref_slice %arg6[%dma_start3A] : memref<5120xi32, #tpu.memory_space<vmem>> -> memref<5120xi32, #tpu.memory_space<vmem>>
      %dma_start3A_263 = tpu.memref_slice %arg2[%mul3A_59] : memref<327680xi32, #tpu.memory_space<hbm>> -> memref<5120xi32, #tpu.memory_space<hbm>>
      %dma_start3A_264 = arith.constant 0 : i32
      %dma_start3A_265 = tpu.memref_slice %arg6[%dma_start3A_264] : memref<5120xi32, #tpu.memory_space<vmem>> -> memref<5120xi32, #tpu.memory_space<vmem>>
      %dma_start3A_266 = tpu.memref_slice %arg2[%mul3A_59] : memref<327680xi32, #tpu.memory_space<hbm>> -> memref<5120xi32, #tpu.memory_space<hbm>>
      tpu.enqueue_dma source(%dma_start3A_266 : memref<5120xi32, #tpu.memory_space<hbm>>) target(%dma_start3A_265 : memref<5120xi32, #tpu.memory_space<vmem>>) target_semaphore(%run_scoped3A : memref<!tpu.dma_semaphore, #tpu.memory_space<semaphore_mem>>)
      %dma_wait3A_267 = arith.constant 0 : i32
      %dma_wait3A_268 = tpu.memref_slice %arg6[%dma_wait3A_267] : memref<5120xi32, #tpu.memory_space<vmem>> -> memref<5120xi32, #tpu.memory_space<vmem>>
      %dma_wait3A_269 = tpu.memref_slice %arg2[%mul3A_59] : memref<327680xi32, #tpu.memory_space<hbm>> -> memref<5120xi32, #tpu.memory_space<hbm>>
      %dma_wait3A_270 = arith.constant 0 : i32
      %dma_wait3A_271 = tpu.memref_slice %arg6[%dma_wait3A_270] : memref<5120xi32, #tpu.memory_space<vmem>> -> memref<5120xi32, #tpu.memory_space<vmem>>
      %dma_wait3A_272 = tpu.memref_slice %arg2[%mul3A_59] : memref<327680xi32, #tpu.memory_space<hbm>> -> memref<5120xi32, #tpu.memory_space<hbm>>
      tpu.wait_dma2 semaphore(%run_scoped3A : memref<!tpu.dma_semaphore, #tpu.memory_space<semaphore_mem>>) src(%dma_wait3A_272 : memref<5120xi32, #tpu.memory_space<hbm>>) dst(%dma_wait3A_271 : memref<5120xi32, #tpu.memory_space<vmem>>)
      tpu.yield
    }) : () -> ()
    "tpu.region"() ({
      %run_scoped3A = tpu.sem_alloc : memref<!tpu.dma_semaphore, #tpu.memory_space<semaphore_mem>>
      %dma_start3A = arith.constant 0 : i32
      %dma_start3A_262 = arith.constant 0 : i32
      %dma_start3A_263 = tpu.memref_slice %arg7[%dma_start3A, %dma_start3A_262] : memref<80x64xi32, #tpu.memory_space<vmem>> -> memref<80x64xi32, #tpu.memory_space<vmem>>
      %dma_start3A_264 = arith.constant 0 : i32
      %dma_start3A_265 = tpu.memref_slice %arg3[%add3A_57, %dma_start3A_264] : memref<5120x64xi32, #tpu.memory_space<hbm>> -> memref<80x64xi32, #tpu.memory_space<hbm>>
      %dma_start3A_266 = arith.constant 0 : i32
      %dma_start3A_267 = arith.constant 0 : i32
      %dma_start3A_268 = tpu.memref_slice %arg7[%dma_start3A_266, %dma_start3A_267] : memref<80x64xi32, #tpu.memory_space<vmem>> -> memref<80x64xi32, #tpu.memory_space<vmem>>
      %dma_start3A_269 = arith.constant 0 : i32
      %dma_start3A_270 = tpu.memref_slice %arg3[%add3A_57, %dma_start3A_269] : memref<5120x64xi32, #tpu.memory_space<hbm>> -> memref<80x64xi32, #tpu.memory_space<hbm>>
      tpu.enqueue_dma source(%dma_start3A_270 : memref<80x64xi32, #tpu.memory_space<hbm>>) target(%dma_start3A_268 : memref<80x64xi32, #tpu.memory_space<vmem>>) target_semaphore(%run_scoped3A : memref<!tpu.dma_semaphore, #tpu.memory_space<semaphore_mem>>)
      %dma_wait3A_271 = arith.constant 0 : i32
      %dma_wait3A_272 = arith.constant 0 : i32
      %dma_wait3A_273 = tpu.memref_slice %arg7[%dma_wait3A_271, %dma_wait3A_272] : memref<80x64xi32, #tpu.memory_space<vmem>> -> memref<80x64xi32, #tpu.memory_space<vmem>>
      %dma_wait3A_274 = arith.constant 0 : i32
      %dma_wait3A_275 = tpu.memref_slice %arg3[%add3A_57, %dma_wait3A_274] : memref<5120x64xi32, #tpu.memory_space<hbm>> -> memref<80x64xi32, #tpu.memory_space<hbm>>
      %dma_wait3A_276 = arith.constant 0 : i32
      %dma_wait3A_277 = arith.constant 0 : i32
      %dma_wait3A_278 = tpu.memref_slice %arg7[%dma_wait3A_276, %dma_wait3A_277] : memref<80x64xi32, #tpu.memory_space<vmem>> -> memref<80x64xi32, #tpu.memory_space<vmem>>
      %dma_wait3A_279 = arith.constant 0 : i32
      %dma_wait3A_280 = tpu.memref_slice %arg3[%add3A_57, %dma_wait3A_279] : memref<5120x64xi32, #tpu.memory_space<hbm>> -> memref<80x64xi32, #tpu.memory_space<hbm>>
      tpu.wait_dma2 semaphore(%run_scoped3A : memref<!tpu.dma_semaphore, #tpu.memory_space<semaphore_mem>>) src(%dma_wait3A_280 : memref<80x64xi32, #tpu.memory_space<hbm>>) dst(%dma_wait3A_278 : memref<80x64xi32, #tpu.memory_space<vmem>>)
      tpu.yield
    }) : () -> ()
    %scan3A = arith.constant 0 : i32
    %scan3A_60 = arith.constant 0 : i32
    %scan3A_61 = arith.constant 20 : i32
    %scan3A_62 = arith.addi %scan3A_60, %scan3A_61 : i32
    %scan3A_63 = arith.constant 1 : i32
    scf.for %scan3A_262 = %scan3A_60 to %scan3A_62 step %scan3A_63  : i32 {
      %mul3A_263 = arith.constant 4 : i32
      %mul3A_264 = arith.muli %scan3A_262, %mul3A_263 : i32
      %add3A_265 = arith.constant 0 : i32
      %add3A_266 = arith.addi %mul3A_264, %add3A_265 : i32
      %gt3A = arith.constant 0 : i32
      %gt3A_267 = arith.cmpi sgt, %scan3A_262, %gt3A : i32
      %convert_element_type3A_268 = arith.extui %gt3A_267 : i1 to i32
      %cond3A_269 = arith.constant 0 : i32
      %cond3A_270 = arith.cmpi ne, %convert_element_type3A_268, %cond3A_269 : i32
      scf.if %cond3A_270 {
        %dma_wait3A_553 = arith.constant 0 : i32
        %dma_wait3A_554 = tpu.memref_slice %arg7[%add3A_266, %dma_wait3A_553] : memref<80x64xi32, #tpu.memory_space<vmem>> -> memref<1x64xi32, #tpu.memory_space<vmem>>
        %dma_wait3A_555 = tpu.memref_squeeze %dma_wait3A_554 : memref<1x64xi32, #tpu.memory_space<vmem>> -> memref<64xi32, #tpu.memory_space<vmem>>
        %dma_wait3A_556 = arith.constant 0 : i32
        %dma_wait3A_557 = arith.constant 0 : i32
        %dma_wait3A_558 = tpu.memref_slice %arg16[%dma_wait3A_556, %dma_wait3A_557] : memref<10032x128xf32, #tpu.memory_space<vmem_shared>> -> memref<10032x128xf32, #tpu.memory_space<vmem_shared>>
        tpu.wait_indirect_dma semaphore(%arg21 : memref<!tpu.dma_semaphore, #tpu.memory_space<semaphore_mem>>) src(%arg12 : memref<64x128xf32, #tpu.memory_space<vmem>>) dst(%dma_wait3A_558 : memref<10032x128xf32, #tpu.memory_space<vmem_shared>>)
      } else {
      }
      %mul3A_271 = arith.constant 64 : i32
      %mul3A_272 = arith.muli %add3A_266, %mul3A_271 : i32
      %add3A_273 = arith.constant 0 : i32
      %add3A_274 = arith.addi %mul3A_272, %add3A_273 : i32
      %get3A = arith.index_cast %add3A_274 : i32 to index
      %get3A_275 = tpu.vector_load %arg6[%get3A] {strides = array<i32>} : memref<5120xi32, #tpu.memory_space<vmem>>, vector<16xi32>,
      %get3A_276 = vector.shape_cast %get3A_275 : vector<16xi32> to vector<16xi32>
      %add3A_277 = vector.broadcast %mul3A_0 : i32 to vector<16xi32>
      %add3A_278 = arith.addi %get3A_276, %add3A_277 : vector<16xi32>
      %swap3A = arith.constant 0 : index
      %swap3A_279 = tpu.vector_load %arg8[%swap3A] {strides = array<i32>} : memref<64xi32, #tpu.memory_space<vmem>>, vector<16xi32>,
      %swap3A_280 = vector.shape_cast %swap3A_279 : vector<16xi32> to vector<16xi32>
      %swap3A_281 = vector.shape_cast %add3A_278 : vector<16xi32> to vector<16xi32>
      tpu.vector_store %arg8[%swap3A], %swap3A_281 {strides = array<i32>} : memref<64xi32, #tpu.memory_space<vmem>>, vector<16xi32>,
      %mul3A_282 = arith.constant 64 : i32
      %mul3A_283 = arith.muli %add3A_266, %mul3A_282 : i32
      %add3A_284 = arith.constant 16 : i32
      %add3A_285 = arith.addi %mul3A_283, %add3A_284 : i32
      %get3A_286 = arith.index_cast %add3A_285 : i32 to index
      %get3A_287 = tpu.vector_load %arg6[%get3A_286] {strides = array<i32>} : memref<5120xi32, #tpu.memory_space<vmem>>, vector<16xi32>,
      %get3A_288 = vector.shape_cast %get3A_287 : vector<16xi32> to vector<16xi32>
      %add3A_289 = vector.broadcast %mul3A_0 : i32 to vector<16xi32>
      %add3A_290 = arith.addi %get3A_288, %add3A_289 : vector<16xi32>
      %swap3A_291 = arith.constant 16 : index
      %swap3A_292 = tpu.vector_load %arg8[%swap3A_291] {strides = array<i32>} : memref<64xi32, #tpu.memory_space<vmem>>, vector<16xi32>,
      %swap3A_293 = vector.shape_cast %swap3A_292 : vector<16xi32> to vector<16xi32>
      %swap3A_294 = vector.shape_cast %add3A_290 : vector<16xi32> to vector<16xi32>
      tpu.vector_store %arg8[%swap3A_291], %swap3A_294 {strides = array<i32>} : memref<64xi32, #tpu.memory_space<vmem>>, vector<16xi32>,
      %mul3A_295 = arith.constant 64 : i32
      %mul3A_296 = arith.muli %add3A_266, %mul3A_295 : i32
      %add3A_297 = arith.constant 32 : i32
      %add3A_298 = arith.addi %mul3A_296, %add3A_297 : i32
      %get3A_299 = arith.index_cast %add3A_298 : i32 to index
      %get3A_300 = tpu.vector_load %arg6[%get3A_299] {strides = array<i32>} : memref<5120xi32, #tpu.memory_space<vmem>>, vector<16xi32>,
      %get3A_301 = vector.shape_cast %get3A_300 : vector<16xi32> to vector<16xi32>
      %add3A_302 = vector.broadcast %mul3A_0 : i32 to vector<16xi32>
      %add3A_303 = arith.addi %get3A_301, %add3A_302 : vector<16xi32>
      %swap3A_304 = arith.constant 32 : index
      %swap3A_305 = tpu.vector_load %arg8[%swap3A_304] {strides = array<i32>} : memref<64xi32, #tpu.memory_space<vmem>>, vector<16xi32>,
      %swap3A_306 = vector.shape_cast %swap3A_305 : vector<16xi32> to vector<16xi32>
      %swap3A_307 = vector.shape_cast %add3A_303 : vector<16xi32> to vector<16xi32>
      tpu.vector_store %arg8[%swap3A_304], %swap3A_307 {strides = array<i32>} : memref<64xi32, #tpu.memory_space<vmem>>, vector<16xi32>,
      %mul3A_308 = arith.constant 64 : i32
      %mul3A_309 = arith.muli %add3A_266, %mul3A_308 : i32
      %add3A_310 = arith.constant 48 : i32
      %add3A_311 = arith.addi %mul3A_309, %add3A_310 : i32
      %get3A_312 = arith.index_cast %add3A_311 : i32 to index
      %get3A_313 = tpu.vector_load %arg6[%get3A_312] {strides = array<i32>} : memref<5120xi32, #tpu.memory_space<vmem>>, vector<16xi32>,
      %get3A_314 = vector.shape_cast %get3A_313 : vector<16xi32> to vector<16xi32>
      %add3A_315 = vector.broadcast %mul3A_0 : i32 to vector<16xi32>
      %add3A_316 = arith.addi %get3A_314, %add3A_315 : vector<16xi32>
      %swap3A_317 = arith.constant 48 : index
      %swap3A_318 = tpu.vector_load %arg8[%swap3A_317] {strides = array<i32>} : memref<64xi32, #tpu.memory_space<vmem>>, vector<16xi32>,
      %swap3A_319 = vector.shape_cast %swap3A_318 : vector<16xi32> to vector<16xi32>
      %swap3A_320 = vector.shape_cast %add3A_316 : vector<16xi32> to vector<16xi32>
      tpu.vector_store %arg8[%swap3A_317], %swap3A_320 {strides = array<i32>} : memref<64xi32, #tpu.memory_space<vmem>>, vector<16xi32>,
      %dma_start3A = arith.constant 0 : i32
      %dma_start3A_321 = arith.constant 0 : i32
      %dma_start3A_322 = tpu.memref_slice %arg4[%dma_start3A, %dma_start3A_321] : memref<20000x128xf32, #tpu.memory_space<hbm>> -> memref<20000x128xf32, #tpu.memory_space<hbm>>
      tpu.enqueue_indirect_dma source(%dma_start3A_322 : memref<20000x128xf32, #tpu.memory_space<hbm>>) target(%arg12 : memref<64x128xf32, #tpu.memory_space<vmem>>) offsets(%arg8 : memref<64xi32, #tpu.memory_space<vmem>>) semaphore(%arg17 : memref<!tpu.dma_semaphore, #tpu.memory_space<semaphore_mem>>)
      %add3A_323 = arith.constant 1 : i32
      %add3A_324 = arith.addi %mul3A_264, %add3A_323 : i32
      %gt3A_325 = arith.constant 0 : i32
      %gt3A_326 = arith.cmpi sgt, %scan3A_262, %gt3A_325 : i32
      %convert_element_type3A_327 = arith.extui %gt3A_326 : i1 to i32
      %cond3A_328 = arith.constant 0 : i32
      %cond3A_329 = arith.cmpi ne, %convert_element_type3A_327, %cond3A_328 : i32
      scf.if %cond3A_329 {
        %dma_wait3A_553 = arith.constant 0 : i32
        %dma_wait3A_554 = tpu.memref_slice %arg7[%add3A_324, %dma_wait3A_553] : memref<80x64xi32, #tpu.memory_space<vmem>> -> memref<1x64xi32, #tpu.memory_space<vmem>>
        %dma_wait3A_555 = tpu.memref_squeeze %dma_wait3A_554 : memref<1x64xi32, #tpu.memory_space<vmem>> -> memref<64xi32, #tpu.memory_space<vmem>>
        %dma_wait3A_556 = arith.constant 0 : i32
        %dma_wait3A_557 = arith.constant 0 : i32
        %dma_wait3A_558 = tpu.memref_slice %arg16[%dma_wait3A_556, %dma_wait3A_557] : memref<10032x128xf32, #tpu.memory_space<vmem_shared>> -> memref<10032x128xf32, #tpu.memory_space<vmem_shared>>
        tpu.wait_indirect_dma semaphore(%arg22 : memref<!tpu.dma_semaphore, #tpu.memory_space<semaphore_mem>>) src(%arg13 : memref<64x128xf32, #tpu.memory_space<vmem>>) dst(%dma_wait3A_558 : memref<10032x128xf32, #tpu.memory_space<vmem_shared>>)
      } else {
      }
      %mul3A_330 = arith.constant 64 : i32
      %mul3A_331 = arith.muli %add3A_324, %mul3A_330 : i32
      %add3A_332 = arith.constant 0 : i32
      %add3A_333 = arith.addi %mul3A_331, %add3A_332 : i32
      %get3A_334 = arith.index_cast %add3A_333 : i32 to index
      %get3A_335 = tpu.vector_load %arg6[%get3A_334] {strides = array<i32>} : memref<5120xi32, #tpu.memory_space<vmem>>, vector<16xi32>,
      %get3A_336 = vector.shape_cast %get3A_335 : vector<16xi32> to vector<16xi32>
      %add3A_337 = vector.broadcast %mul3A_0 : i32 to vector<16xi32>
      %add3A_338 = arith.addi %get3A_336, %add3A_337 : vector<16xi32>
      %swap3A_339 = arith.constant 0 : index
      %swap3A_340 = tpu.vector_load %arg9[%swap3A_339] {strides = array<i32>} : memref<64xi32, #tpu.memory_space<vmem>>, vector<16xi32>,
      %swap3A_341 = vector.shape_cast %swap3A_340 : vector<16xi32> to vector<16xi32>
      %swap3A_342 = vector.shape_cast %add3A_338 : vector<16xi32> to vector<16xi32>
      tpu.vector_store %arg9[%swap3A_339], %swap3A_342 {strides = array<i32>} : memref<64xi32, #tpu.memory_space<vmem>>, vector<16xi32>,
      %mul3A_343 = arith.constant 64 : i32
      %mul3A_344 = arith.muli %add3A_324, %mul3A_343 : i32
      %add3A_345 = arith.constant 16 : i32
      %add3A_346 = arith.addi %mul3A_344, %add3A_345 : i32
      %get3A_347 = arith.index_cast %add3A_346 : i32 to index
      %get3A_348 = tpu.vector_load %arg6[%get3A_347] {strides = array<i32>} : memref<5120xi32, #tpu.memory_space<vmem>>, vector<16xi32>,
      %get3A_349 = vector.shape_cast %get3A_348 : vector<16xi32> to vector<16xi32>
      %add3A_350 = vector.broadcast %mul3A_0 : i32 to vector<16xi32>
      %add3A_351 = arith.addi %get3A_349, %add3A_350 : vector<16xi32>
      %swap3A_352 = arith.constant 16 : index
      %swap3A_353 = tpu.vector_load %arg9[%swap3A_352] {strides = array<i32>} : memref<64xi32, #tpu.memory_space<vmem>>, vector<16xi32>,
      %swap3A_354 = vector.shape_cast %swap3A_353 : vector<16xi32> to vector<16xi32>
      %swap3A_355 = vector.shape_cast %add3A_351 : vector<16xi32> to vector<16xi32>
      tpu.vector_store %arg9[%swap3A_352], %swap3A_355 {strides = array<i32>} : memref<64xi32, #tpu.memory_space<vmem>>, vector<16xi32>,
      %mul3A_356 = arith.constant 64 : i32
      %mul3A_357 = arith.muli %add3A_324, %mul3A_356 : i32
      %add3A_358 = arith.constant 32 : i32
      %add3A_359 = arith.addi %mul3A_357, %add3A_358 : i32
      %get3A_360 = arith.index_cast %add3A_359 : i32 to index
      %get3A_361 = tpu.vector_load %arg6[%get3A_360] {strides = array<i32>} : memref<5120xi32, #tpu.memory_space<vmem>>, vector<16xi32>,
      %get3A_362 = vector.shape_cast %get3A_361 : vector<16xi32> to vector<16xi32>
      %add3A_363 = vector.broadcast %mul3A_0 : i32 to vector<16xi32>
      %add3A_364 = arith.addi %get3A_362, %add3A_363 : vector<16xi32>
      %swap3A_365 = arith.constant 32 : index
      %swap3A_366 = tpu.vector_load %arg9[%swap3A_365] {strides = array<i32>} : memref<64xi32, #tpu.memory_space<vmem>>, vector<16xi32>,
      %swap3A_367 = vector.shape_cast %swap3A_366 : vector<16xi32> to vector<16xi32>
      %swap3A_368 = vector.shape_cast %add3A_364 : vector<16xi32> to vector<16xi32>
      tpu.vector_store %arg9[%swap3A_365], %swap3A_368 {strides = array<i32>} : memref<64xi32, #tpu.memory_space<vmem>>, vector<16xi32>,
      %mul3A_369 = arith.constant 64 : i32
      %mul3A_370 = arith.muli %add3A_324, %mul3A_369 : i32
      %add3A_371 = arith.constant 48 : i32
      %add3A_372 = arith.addi %mul3A_370, %add3A_371 : i32
      %get3A_373 = arith.index_cast %add3A_372 : i32 to index
      %get3A_374 = tpu.vector_load %arg6[%get3A_373] {strides = array<i32>} : memref<5120xi32, #tpu.memory_space<vmem>>, vector<16xi32>,
      %get3A_375 = vector.shape_cast %get3A_374 : vector<16xi32> to vector<16xi32>
      %add3A_376 = vector.broadcast %mul3A_0 : i32 to vector<16xi32>
      %add3A_377 = arith.addi %get3A_375, %add3A_376 : vector<16xi32>
      %swap3A_378 = arith.constant 48 : index
      %swap3A_379 = tpu.vector_load %arg9[%swap3A_378] {strides = array<i32>} : memref<64xi32, #tpu.memory_space<vmem>>, vector<16xi32>,
      %swap3A_380 = vector.shape_cast %swap3A_379 : vector<16xi32> to vector<16xi32>
      %swap3A_381 = vector.shape_cast %add3A_377 : vector<16xi32> to vector<16xi32>
      tpu.vector_store %arg9[%swap3A_378], %swap3A_381 {strides = array<i32>} : memref<64xi32, #tpu.memory_space<vmem>>, vector<16xi32>,
      %dma_start3A_382 = arith.constant 0 : i32
      %dma_start3A_383 = arith.constant 0 : i32
      %dma_start3A_384 = tpu.memref_slice %arg4[%dma_start3A_382, %dma_start3A_383] : memref<20000x128xf32, #tpu.memory_space<hbm>> -> memref<20000x128xf32, #tpu.memory_space<hbm>>
      tpu.enqueue_indirect_dma source(%dma_start3A_384 : memref<20000x128xf32, #tpu.memory_space<hbm>>) target(%arg13 : memref<64x128xf32, #tpu.memory_space<vmem>>) offsets(%arg9 : memref<64xi32, #tpu.memory_space<vmem>>) semaphore(%arg18 : memref<!tpu.dma_semaphore, #tpu.memory_space<semaphore_mem>>)
      %add3A_385 = arith.constant 2 : i32
      %add3A_386 = arith.addi %mul3A_264, %add3A_385 : i32
      %gt3A_387 = arith.constant 0 : i32
      %gt3A_388 = arith.cmpi sgt, %scan3A_262, %gt3A_387 : i32
      %convert_element_type3A_389 = arith.extui %gt3A_388 : i1 to i32
      %cond3A_390 = arith.constant 0 : i32
      %cond3A_391 = arith.cmpi ne, %convert_element_type3A_389, %cond3A_390 : i32
      scf.if %cond3A_391 {
        %dma_wait3A_553 = arith.constant 0 : i32
        %dma_wait3A_554 = tpu.memref_slice %arg7[%add3A_386, %dma_wait3A_553] : memref<80x64xi32, #tpu.memory_space<vmem>> -> memref<1x64xi32, #tpu.memory_space<vmem>>
        %dma_wait3A_555 = tpu.memref_squeeze %dma_wait3A_554 : memref<1x64xi32, #tpu.memory_space<vmem>> -> memref<64xi32, #tpu.memory_space<vmem>>
        %dma_wait3A_556 = arith.constant 0 : i32
        %dma_wait3A_557 = arith.constant 0 : i32
        %dma_wait3A_558 = tpu.memref_slice %arg16[%dma_wait3A_556, %dma_wait3A_557] : memref<10032x128xf32, #tpu.memory_space<vmem_shared>> -> memref<10032x128xf32, #tpu.memory_space<vmem_shared>>
        tpu.wait_indirect_dma semaphore(%arg23 : memref<!tpu.dma_semaphore, #tpu.memory_space<semaphore_mem>>) src(%arg14 : memref<64x128xf32, #tpu.memory_space<vmem>>) dst(%dma_wait3A_558 : memref<10032x128xf32, #tpu.memory_space<vmem_shared>>)
      } else {
      }
      %mul3A_392 = arith.constant 64 : i32
      %mul3A_393 = arith.muli %add3A_386, %mul3A_392 : i32
      %add3A_394 = arith.constant 0 : i32
      %add3A_395 = arith.addi %mul3A_393, %add3A_394 : i32
      %get3A_396 = arith.index_cast %add3A_395 : i32 to index
      %get3A_397 = tpu.vector_load %arg6[%get3A_396] {strides = array<i32>} : memref<5120xi32, #tpu.memory_space<vmem>>, vector<16xi32>,
      %get3A_398 = vector.shape_cast %get3A_397 : vector<16xi32> to vector<16xi32>
      %add3A_399 = vector.broadcast %mul3A_0 : i32 to vector<16xi32>
      %add3A_400 = arith.addi %get3A_398, %add3A_399 : vector<16xi32>
      %swap3A_401 = arith.constant 0 : index
      %swap3A_402 = tpu.vector_load %arg10[%swap3A_401] {strides = array<i32>} : memref<64xi32, #tpu.memory_space<vmem>>, vector<16xi32>,
      %swap3A_403 = vector.shape_cast %swap3A_402 : vector<16xi32> to vector<16xi32>
      %swap3A_404 = vector.shape_cast %add3A_400 : vector<16xi32> to vector<16xi32>
      tpu.vector_store %arg10[%swap3A_401], %swap3A_404 {strides = array<i32>} : memref<64xi32, #tpu.memory_space<vmem>>, vector<16xi32>,
      %mul3A_405 = arith.constant 64 : i32
      %mul3A_406 = arith.muli %add3A_386, %mul3A_405 : i32
      %add3A_407 = arith.constant 16 : i32
      %add3A_408 = arith.addi %mul3A_406, %add3A_407 : i32
      %get3A_409 = arith.index_cast %add3A_408 : i32 to index
      %get3A_410 = tpu.vector_load %arg6[%get3A_409] {strides = array<i32>} : memref<5120xi32, #tpu.memory_space<vmem>>, vector<16xi32>,
      %get3A_411 = vector.shape_cast %get3A_410 : vector<16xi32> to vector<16xi32>
      %add3A_412 = vector.broadcast %mul3A_0 : i32 to vector<16xi32>
      %add3A_413 = arith.addi %get3A_411, %add3A_412 : vector<16xi32>
      %swap3A_414 = arith.constant 16 : index
      %swap3A_415 = tpu.vector_load %arg10[%swap3A_414] {strides = array<i32>} : memref<64xi32, #tpu.memory_space<vmem>>, vector<16xi32>,
      %swap3A_416 = vector.shape_cast %swap3A_415 : vector<16xi32> to vector<16xi32>
      %swap3A_417 = vector.shape_cast %add3A_413 : vector<16xi32> to vector<16xi32>
      tpu.vector_store %arg10[%swap3A_414], %swap3A_417 {strides = array<i32>} : memref<64xi32, #tpu.memory_space<vmem>>, vector<16xi32>,
      %mul3A_418 = arith.constant 64 : i32
      %mul3A_419 = arith.muli %add3A_386, %mul3A_418 : i32
      %add3A_420 = arith.constant 32 : i32
      %add3A_421 = arith.addi %mul3A_419, %add3A_420 : i32
      %get3A_422 = arith.index_cast %add3A_421 : i32 to index
      %get3A_423 = tpu.vector_load %arg6[%get3A_422] {strides = array<i32>} : memref<5120xi32, #tpu.memory_space<vmem>>, vector<16xi32>,
      %get3A_424 = vector.shape_cast %get3A_423 : vector<16xi32> to vector<16xi32>
      %add3A_425 = vector.broadcast %mul3A_0 : i32 to vector<16xi32>
      %add3A_426 = arith.addi %get3A_424, %add3A_425 : vector<16xi32>
      %swap3A_427 = arith.constant 32 : index
      %swap3A_428 = tpu.vector_load %arg10[%swap3A_427] {strides = array<i32>} : memref<64xi32, #tpu.memory_space<vmem>>, vector<16xi32>,
      %swap3A_429 = vector.shape_cast %swap3A_428 : vector<16xi32> to vector<16xi32>
      %swap3A_430 = vector.shape_cast %add3A_426 : vector<16xi32> to vector<16xi32>
      tpu.vector_store %arg10[%swap3A_427], %swap3A_430 {strides = array<i32>} : memref<64xi32, #tpu.memory_space<vmem>>, vector<16xi32>,
      %mul3A_431 = arith.constant 64 : i32
      %mul3A_432 = arith.muli %add3A_386, %mul3A_431 : i32
      %add3A_433 = arith.constant 48 : i32
      %add3A_434 = arith.addi %mul3A_432, %add3A_433 : i32
      %get3A_435 = arith.index_cast %add3A_434 : i32 to index
      %get3A_436 = tpu.vector_load %arg6[%get3A_435] {strides = array<i32>} : memref<5120xi32, #tpu.memory_space<vmem>>, vector<16xi32>,
      %get3A_437 = vector.shape_cast %get3A_436 : vector<16xi32> to vector<16xi32>
      %add3A_438 = vector.broadcast %mul3A_0 : i32 to vector<16xi32>
      %add3A_439 = arith.addi %get3A_437, %add3A_438 : vector<16xi32>
      %swap3A_440 = arith.constant 48 : index
      %swap3A_441 = tpu.vector_load %arg10[%swap3A_440] {strides = array<i32>} : memref<64xi32, #tpu.memory_space<vmem>>, vector<16xi32>,
      %swap3A_442 = vector.shape_cast %swap3A_441 : vector<16xi32> to vector<16xi32>
      %swap3A_443 = vector.shape_cast %add3A_439 : vector<16xi32> to vector<16xi32>
      tpu.vector_store %arg10[%swap3A_440], %swap3A_443 {strides = array<i32>} : memref<64xi32, #tpu.memory_space<vmem>>, vector<16xi32>,
      %dma_start3A_444 = arith.constant 0 : i32
      %dma_start3A_445 = arith.constant 0 : i32
      %dma_start3A_446 = tpu.memref_slice %arg4[%dma_start3A_444, %dma_start3A_445] : memref<20000x128xf32, #tpu.memory_space<hbm>> -> memref<20000x128xf32, #tpu.memory_space<hbm>>
      tpu.enqueue_indirect_dma source(%dma_start3A_446 : memref<20000x128xf32, #tpu.memory_space<hbm>>) target(%arg14 : memref<64x128xf32, #tpu.memory_space<vmem>>) offsets(%arg10 : memref<64xi32, #tpu.memory_space<vmem>>) semaphore(%arg19 : memref<!tpu.dma_semaphore, #tpu.memory_space<semaphore_mem>>)
      %add3A_447 = arith.constant 3 : i32
      %add3A_448 = arith.addi %mul3A_264, %add3A_447 : i32
      %gt3A_449 = arith.constant 0 : i32
      %gt3A_450 = arith.cmpi sgt, %scan3A_262, %gt3A_449 : i32
      %convert_element_type3A_451 = arith.extui %gt3A_450 : i1 to i32
      %cond3A_452 = arith.constant 0 : i32
      %cond3A_453 = arith.cmpi ne, %convert_element_type3A_451, %cond3A_452 : i32
      scf.if %cond3A_453 {
        %dma_wait3A_553 = arith.constant 0 : i32
        %dma_wait3A_554 = tpu.memref_slice %arg7[%add3A_448, %dma_wait3A_553] : memref<80x64xi32, #tpu.memory_space<vmem>> -> memref<1x64xi32, #tpu.memory_space<vmem>>
        %dma_wait3A_555 = tpu.memref_squeeze %dma_wait3A_554 : memref<1x64xi32, #tpu.memory_space<vmem>> -> memref<64xi32, #tpu.memory_space<vmem>>
        %dma_wait3A_556 = arith.constant 0 : i32
        %dma_wait3A_557 = arith.constant 0 : i32
        %dma_wait3A_558 = tpu.memref_slice %arg16[%dma_wait3A_556, %dma_wait3A_557] : memref<10032x128xf32, #tpu.memory_space<vmem_shared>> -> memref<10032x128xf32, #tpu.memory_space<vmem_shared>>
        tpu.wait_indirect_dma semaphore(%arg24 : memref<!tpu.dma_semaphore, #tpu.memory_space<semaphore_mem>>) src(%arg15 : memref<64x128xf32, #tpu.memory_space<vmem>>) dst(%dma_wait3A_558 : memref<10032x128xf32, #tpu.memory_space<vmem_shared>>)
      } else {
      }
      %mul3A_454 = arith.constant 64 : i32
      %mul3A_455 = arith.muli %add3A_448, %mul3A_454 : i32
      %add3A_456 = arith.constant 0 : i32
      %add3A_457 = arith.addi %mul3A_455, %add3A_456 : i32
      %get3A_458 = arith.index_cast %add3A_457 : i32 to index
      %get3A_459 = tpu.vector_load %arg6[%get3A_458] {strides = array<i32>} : memref<5120xi32, #tpu.memory_space<vmem>>, vector<16xi32>,
      %get3A_460 = vector.shape_cast %get3A_459 : vector<16xi32> to vector<16xi32>
      %add3A_461 = vector.broadcast %mul3A_0 : i32 to vector<16xi32>
      %add3A_462 = arith.addi %get3A_460, %add3A_461 : vector<16xi32>
      %swap3A_463 = arith.constant 0 : index
      %swap3A_464 = tpu.vector_load %arg11[%swap3A_463] {strides = array<i32>} : memref<64xi32, #tpu.memory_space<vmem>>, vector<16xi32>,
      %swap3A_465 = vector.shape_cast %swap3A_464 : vector<16xi32> to vector<16xi32>
      %swap3A_466 = vector.shape_cast %add3A_462 : vector<16xi32> to vector<16xi32>
      tpu.vector_store %arg11[%swap3A_463], %swap3A_466 {strides = array<i32>} : memref<64xi32, #tpu.memory_space<vmem>>, vector<16xi32>,
      %mul3A_467 = arith.constant 64 : i32
      %mul3A_468 = arith.muli %add3A_448, %mul3A_467 : i32
      %add3A_469 = arith.constant 16 : i32
      %add3A_470 = arith.addi %mul3A_468, %add3A_469 : i32
      %get3A_471 = arith.index_cast %add3A_470 : i32 to index
      %get3A_472 = tpu.vector_load %arg6[%get3A_471] {strides = array<i32>} : memref<5120xi32, #tpu.memory_space<vmem>>, vector<16xi32>,
      %get3A_473 = vector.shape_cast %get3A_472 : vector<16xi32> to vector<16xi32>
      %add3A_474 = vector.broadcast %mul3A_0 : i32 to vector<16xi32>
      %add3A_475 = arith.addi %get3A_473, %add3A_474 : vector<16xi32>
      %swap3A_476 = arith.constant 16 : index
      %swap3A_477 = tpu.vector_load %arg11[%swap3A_476] {strides = array<i32>} : memref<64xi32, #tpu.memory_space<vmem>>, vector<16xi32>,
      %swap3A_478 = vector.shape_cast %swap3A_477 : vector<16xi32> to vector<16xi32>
      %swap3A_479 = vector.shape_cast %add3A_475 : vector<16xi32> to vector<16xi32>
      tpu.vector_store %arg11[%swap3A_476], %swap3A_479 {strides = array<i32>} : memref<64xi32, #tpu.memory_space<vmem>>, vector<16xi32>,
      %mul3A_480 = arith.constant 64 : i32
      %mul3A_481 = arith.muli %add3A_448, %mul3A_480 : i32
      %add3A_482 = arith.constant 32 : i32
      %add3A_483 = arith.addi %mul3A_481, %add3A_482 : i32
      %get3A_484 = arith.index_cast %add3A_483 : i32 to index
      %get3A_485 = tpu.vector_load %arg6[%get3A_484] {strides = array<i32>} : memref<5120xi32, #tpu.memory_space<vmem>>, vector<16xi32>,
      %get3A_486 = vector.shape_cast %get3A_485 : vector<16xi32> to vector<16xi32>
      %add3A_487 = vector.broadcast %mul3A_0 : i32 to vector<16xi32>
      %add3A_488 = arith.addi %get3A_486, %add3A_487 : vector<16xi32>
      %swap3A_489 = arith.constant 32 : index
      %swap3A_490 = tpu.vector_load %arg11[%swap3A_489] {strides = array<i32>} : memref<64xi32, #tpu.memory_space<vmem>>, vector<16xi32>,
      %swap3A_491 = vector.shape_cast %swap3A_490 : vector<16xi32> to vector<16xi32>
      %swap3A_492 = vector.shape_cast %add3A_488 : vector<16xi32> to vector<16xi32>
      tpu.vector_store %arg11[%swap3A_489], %swap3A_492 {strides = array<i32>} : memref<64xi32, #tpu.memory_space<vmem>>, vector<16xi32>,
      %mul3A_493 = arith.constant 64 : i32
      %mul3A_494 = arith.muli %add3A_448, %mul3A_493 : i32
      %add3A_495 = arith.constant 48 : i32
      %add3A_496 = arith.addi %mul3A_494, %add3A_495 : i32
      %get3A_497 = arith.index_cast %add3A_496 : i32 to index
      %get3A_498 = tpu.vector_load %arg6[%get3A_497] {strides = array<i32>} : memref<5120xi32, #tpu.memory_space<vmem>>, vector<16xi32>,
      %get3A_499 = vector.shape_cast %get3A_498 : vector<16xi32> to vector<16xi32>
      %add3A_500 = vector.broadcast %mul3A_0 : i32 to vector<16xi32>
      %add3A_501 = arith.addi %get3A_499, %add3A_500 : vector<16xi32>
      %swap3A_502 = arith.constant 48 : index
      %swap3A_503 = tpu.vector_load %arg11[%swap3A_502] {strides = array<i32>} : memref<64xi32, #tpu.memory_space<vmem>>, vector<16xi32>,
      %swap3A_504 = vector.shape_cast %swap3A_503 : vector<16xi32> to vector<16xi32>
      %swap3A_505 = vector.shape_cast %add3A_501 : vector<16xi32> to vector<16xi32>
      tpu.vector_store %arg11[%swap3A_502], %swap3A_505 {strides = array<i32>} : memref<64xi32, #tpu.memory_space<vmem>>, vector<16xi32>,
      %dma_start3A_506 = arith.constant 0 : i32
      %dma_start3A_507 = arith.constant 0 : i32
      %dma_start3A_508 = tpu.memref_slice %arg4[%dma_start3A_506, %dma_start3A_507] : memref<20000x128xf32, #tpu.memory_space<hbm>> -> memref<20000x128xf32, #tpu.memory_space<hbm>>
      tpu.enqueue_indirect_dma source(%dma_start3A_508 : memref<20000x128xf32, #tpu.memory_space<hbm>>) target(%arg15 : memref<64x128xf32, #tpu.memory_space<vmem>>) offsets(%arg11 : memref<64xi32, #tpu.memory_space<vmem>>) semaphore(%arg20 : memref<!tpu.dma_semaphore, #tpu.memory_space<semaphore_mem>>)
      %add3A_509 = arith.constant 0 : i32
      %add3A_510 = arith.addi %mul3A_264, %add3A_509 : i32
      %dma_wait3A_511 = arith.constant 0 : i32
      %dma_wait3A_512 = arith.constant 0 : i32
      %dma_wait3A_513 = tpu.memref_slice %arg4[%dma_wait3A_511, %dma_wait3A_512] : memref<20000x128xf32, #tpu.memory_space<hbm>> -> memref<20000x128xf32, #tpu.memory_space<hbm>>
      tpu.wait_indirect_dma semaphore(%arg17 : memref<!tpu.dma_semaphore, #tpu.memory_space<semaphore_mem>>) src(%dma_wait3A_513 : memref<20000x128xf32, #tpu.memory_space<hbm>>) dst(%arg12 : memref<64x128xf32, #tpu.memory_space<vmem>>)
      %dma_start3A_514 = arith.constant 0 : i32
      %dma_start3A_515 = tpu.memref_slice %arg7[%add3A_510, %dma_start3A_514] : memref<80x64xi32, #tpu.memory_space<vmem>> -> memref<1x64xi32, #tpu.memory_space<vmem>>
      %dma_start3A_516 = tpu.memref_squeeze %dma_start3A_515 : memref<1x64xi32, #tpu.memory_space<vmem>> -> memref<64xi32, #tpu.memory_space<vmem>>
      %dma_start3A_517 = arith.constant 0 : i32
      %dma_start3A_518 = arith.constant 0 : i32
      %dma_start3A_519 = tpu.memref_slice %arg16[%dma_start3A_517, %dma_start3A_518] : memref<10032x128xf32, #tpu.memory_space<vmem_shared>> -> memref<10032x128xf32, #tpu.memory_space<vmem_shared>>
      tpu.enqueue_indirect_dma source(%arg12 : memref<64x128xf32, #tpu.memory_space<vmem>>) target(%dma_start3A_519 : memref<10032x128xf32, #tpu.memory_space<vmem_shared>>) offsets(%dma_start3A_516 : memref<64xi32, #tpu.memory_space<vmem>>) semaphore(%arg21 : memref<!tpu.dma_semaphore, #tpu.memory_space<semaphore_mem>>) {add = true}
      %add3A_520 = arith.constant 1 : i32
      %add3A_521 = arith.addi %mul3A_264, %add3A_520 : i32
      %dma_wait3A_522 = arith.constant 0 : i32
      %dma_wait3A_523 = arith.constant 0 : i32
      %dma_wait3A_524 = tpu.memref_slice %arg4[%dma_wait3A_522, %dma_wait3A_523] : memref<20000x128xf32, #tpu.memory_space<hbm>> -> memref<20000x128xf32, #tpu.memory_space<hbm>>
      tpu.wait_indirect_dma semaphore(%arg18 : memref<!tpu.dma_semaphore, #tpu.memory_space<semaphore_mem>>) src(%dma_wait3A_524 : memref<20000x128xf32, #tpu.memory_space<hbm>>) dst(%arg13 : memref<64x128xf32, #tpu.memory_space<vmem>>)
      %dma_start3A_525 = arith.constant 0 : i32
      %dma_start3A_526 = tpu.memref_slice %arg7[%add3A_521, %dma_start3A_525] : memref<80x64xi32, #tpu.memory_space<vmem>> -> memref<1x64xi32, #tpu.memory_space<vmem>>
      %dma_start3A_527 = tpu.memref_squeeze %dma_start3A_526 : memref<1x64xi32, #tpu.memory_space<vmem>> -> memref<64xi32, #tpu.memory_space<vmem>>
      %dma_start3A_528 = arith.constant 0 : i32
      %dma_start3A_529 = arith.constant 0 : i32
      %dma_start3A_530 = tpu.memref_slice %arg16[%dma_start3A_528, %dma_start3A_529] : memref<10032x128xf32, #tpu.memory_space<vmem_shared>> -> memref<10032x128xf32, #tpu.memory_space<vmem_shared>>
      tpu.enqueue_indirect_dma source(%arg13 : memref<64x128xf32, #tpu.memory_space<vmem>>) target(%dma_start3A_530 : memref<10032x128xf32, #tpu.memory_space<vmem_shared>>) offsets(%dma_start3A_527 : memref<64xi32, #tpu.memory_space<vmem>>) semaphore(%arg22 : memref<!tpu.dma_semaphore, #tpu.memory_space<semaphore_mem>>) {add = true}
      %add3A_531 = arith.constant 2 : i32
      %add3A_532 = arith.addi %mul3A_264, %add3A_531 : i32
      %dma_wait3A_533 = arith.constant 0 : i32
      %dma_wait3A_534 = arith.constant 0 : i32
      %dma_wait3A_535 = tpu.memref_slice %arg4[%dma_wait3A_533, %dma_wait3A_534] : memref<20000x128xf32, #tpu.memory_space<hbm>> -> memref<20000x128xf32, #tpu.memory_space<hbm>>
      tpu.wait_indirect_dma semaphore(%arg19 : memref<!tpu.dma_semaphore, #tpu.memory_space<semaphore_mem>>) src(%dma_wait3A_535 : memref<20000x128xf32, #tpu.memory_space<hbm>>) dst(%arg14 : memref<64x128xf32, #tpu.memory_space<vmem>>)
      %dma_start3A_536 = arith.constant 0 : i32
      %dma_start3A_537 = tpu.memref_slice %arg7[%add3A_532, %dma_start3A_536] : memref<80x64xi32, #tpu.memory_space<vmem>> -> memref<1x64xi32, #tpu.memory_space<vmem>>
      %dma_start3A_538 = tpu.memref_squeeze %dma_start3A_537 : memref<1x64xi32, #tpu.memory_space<vmem>> -> memref<64xi32, #tpu.memory_space<vmem>>
      %dma_start3A_539 = arith.constant 0 : i32
      %dma_start3A_540 = arith.constant 0 : i32
      %dma_start3A_541 = tpu.memref_slice %arg16[%dma_start3A_539, %dma_start3A_540] : memref<10032x128xf32, #tpu.memory_space<vmem_shared>> -> memref<10032x128xf32, #tpu.memory_space<vmem_shared>>
      tpu.enqueue_indirect_dma source(%arg14 : memref<64x128xf32, #tpu.memory_space<vmem>>) target(%dma_start3A_541 : memref<10032x128xf32, #tpu.memory_space<vmem_shared>>) offsets(%dma_start3A_538 : memref<64xi32, #tpu.memory_space<vmem>>) semaphore(%arg23 : memref<!tpu.dma_semaphore, #tpu.memory_space<semaphore_mem>>) {add = true}
      %add3A_542 = arith.constant 3 : i32
      %add3A_543 = arith.addi %mul3A_264, %add3A_542 : i32
      %dma_wait3A_544 = arith.constant 0 : i32
      %dma_wait3A_545 = arith.constant 0 : i32
      %dma_wait3A_546 = tpu.memref_slice %arg4[%dma_wait3A_544, %dma_wait3A_545] : memref<20000x128xf32, #tpu.memory_space<hbm>> -> memref<20000x128xf32, #tpu.memory_space<hbm>>
      tpu.wait_indirect_dma semaphore(%arg20 : memref<!tpu.dma_semaphore, #tpu.memory_space<semaphore_mem>>) src(%dma_wait3A_546 : memref<20000x128xf32, #tpu.memory_space<hbm>>) dst(%arg15 : memref<64x128xf32, #tpu.memory_space<vmem>>)
      %dma_start3A_547 = arith.constant 0 : i32
      %dma_start3A_548 = tpu.memref_slice %arg7[%add3A_543, %dma_start3A_547] : memref<80x64xi32, #tpu.memory_space<vmem>> -> memref<1x64xi32, #tpu.memory_space<vmem>>
      %dma_start3A_549 = tpu.memref_squeeze %dma_start3A_548 : memref<1x64xi32, #tpu.memory_space<vmem>> -> memref<64xi32, #tpu.memory_space<vmem>>
      %dma_start3A_550 = arith.constant 0 : i32
      %dma_start3A_551 = arith.constant 0 : i32
      %dma_start3A_552 = tpu.memref_slice %arg16[%dma_start3A_550, %dma_start3A_551] : memref<10032x128xf32, #tpu.memory_space<vmem_shared>> -> memref<10032x128xf32, #tpu.memory_space<vmem_shared>>
      tpu.enqueue_indirect_dma source(%arg15 : memref<64x128xf32, #tpu.memory_space<vmem>>) target(%dma_start3A_552 : memref<10032x128xf32, #tpu.memory_space<vmem_shared>>) offsets(%dma_start3A_549 : memref<64xi32, #tpu.memory_space<vmem>>) semaphore(%arg24 : memref<!tpu.dma_semaphore, #tpu.memory_space<semaphore_mem>>) {add = true}
    }
    %scan3A_64 = arith.constant 20 : i32
    %dma_wait3A = arith.constant 0 : i32
    %dma_wait3A_65 = arith.constant 0 : i32
    %dma_wait3A_66 = tpu.memref_slice %arg7[%dma_wait3A, %dma_wait3A_65] : memref<80x64xi32, #tpu.memory_space<vmem>> -> memref<1x64xi32, #tpu.memory_space<vmem>>
    %dma_wait3A_67 = tpu.memref_squeeze %dma_wait3A_66 : memref<1x64xi32, #tpu.memory_space<vmem>> -> memref<64xi32, #tpu.memory_space<vmem>>
    %dma_wait3A_68 = arith.constant 0 : i32
    %dma_wait3A_69 = arith.constant 0 : i32
    %dma_wait3A_70 = tpu.memref_slice %arg16[%dma_wait3A_68, %dma_wait3A_69] : memref<10032x128xf32, #tpu.memory_space<vmem_shared>> -> memref<10032x128xf32, #tpu.memory_space<vmem_shared>>
    tpu.wait_indirect_dma semaphore(%arg21 : memref<!tpu.dma_semaphore, #tpu.memory_space<semaphore_mem>>) src(%arg12 : memref<64x128xf32, #tpu.memory_space<vmem>>) dst(%dma_wait3A_70 : memref<10032x128xf32, #tpu.memory_space<vmem_shared>>)
    %dma_wait3A_71 = arith.constant 0 : i32
    %dma_wait3A_72 = arith.constant 0 : i32
    %dma_wait3A_73 = tpu.memref_slice %arg7[%dma_wait3A_71, %dma_wait3A_72] : memref<80x64xi32, #tpu.memory_space<vmem>> -> memref<1x64xi32, #tpu.memory_space<vmem>>
    %dma_wait3A_74 = tpu.memref_squeeze %dma_wait3A_73 : memref<1x64xi32, #tpu.memory_space<vmem>> -> memref<64xi32, #tpu.memory_space<vmem>>
    %dma_wait3A_75 = arith.constant 0 : i32
    %dma_wait3A_76 = arith.constant 0 : i32
    %dma_wait3A_77 = tpu.memref_slice %arg16[%dma_wait3A_75, %dma_wait3A_76] : memref<10032x128xf32, #tpu.memory_space<vmem_shared>> -> memref<10032x128xf32, #tpu.memory_space<vmem_shared>>
    tpu.wait_indirect_dma semaphore(%arg22 : memref<!tpu.dma_semaphore, #tpu.memory_space<semaphore_mem>>) src(%arg13 : memref<64x128xf32, #tpu.memory_space<vmem>>) dst(%dma_wait3A_77 : memref<10032x128xf32, #tpu.memory_space<vmem_shared>>)
    %dma_wait3A_78 = arith.constant 0 : i32
    %dma_wait3A_79 = arith.constant 0 : i32
    %dma_wait3A_80 = tpu.memref_slice %arg7[%dma_wait3A_78, %dma_wait3A_79] : memref<80x64xi32, #tpu.memory_space<vmem>> -> memref<1x64xi32, #tpu.memory_space<vmem>>
    %dma_wait3A_81 = tpu.memref_squeeze %dma_wait3A_80 : memref<1x64xi32, #tpu.memory_space<vmem>> -> memref<64xi32, #tpu.memory_space<vmem>>
    %dma_wait3A_82 = arith.constant 0 : i32
    %dma_wait3A_83 = arith.constant 0 : i32
    %dma_wait3A_84 = tpu.memref_slice %arg16[%dma_wait3A_82, %dma_wait3A_83] : memref<10032x128xf32, #tpu.memory_space<vmem_shared>> -> memref<10032x128xf32, #tpu.memory_space<vmem_shared>>
    tpu.wait_indirect_dma semaphore(%arg23 : memref<!tpu.dma_semaphore, #tpu.memory_space<semaphore_mem>>) src(%arg14 : memref<64x128xf32, #tpu.memory_space<vmem>>) dst(%dma_wait3A_84 : memref<10032x128xf32, #tpu.memory_space<vmem_shared>>)
    %dma_wait3A_85 = arith.constant 0 : i32
    %dma_wait3A_86 = arith.constant 0 : i32
    %dma_wait3A_87 = tpu.memref_slice %arg7[%dma_wait3A_85, %dma_wait3A_86] : memref<80x64xi32, #tpu.memory_space<vmem>> -> memref<1x64xi32, #tpu.memory_space<vmem>>
    %dma_wait3A_88 = tpu.memref_squeeze %dma_wait3A_87 : memref<1x64xi32, #tpu.memory_space<vmem>> -> memref<64xi32, #tpu.memory_space<vmem>>
    %dma_wait3A_89 = arith.constant 0 : i32
    %dma_wait3A_90 = arith.constant 0 : i32
    %dma_wait3A_91 = tpu.memref_slice %arg16[%dma_wait3A_89, %dma_wait3A_90] : memref<10032x128xf32, #tpu.memory_space<vmem_shared>> -> memref<10032x128xf32, #tpu.memory_space<vmem_shared>>
    tpu.wait_indirect_dma semaphore(%arg24 : memref<!tpu.dma_semaphore, #tpu.memory_space<semaphore_mem>>) src(%arg15 : memref<64x128xf32, #tpu.memory_space<vmem>>) dst(%dma_wait3A_91 : memref<10032x128xf32, #tpu.memory_space<vmem_shared>>)
    %add3A_92 = arith.constant 80 : i32
    %add3A_93 = arith.addi %mul3A_55, %add3A_92 : i32
    %mul3A_94 = arith.constant 64 : i32
    %mul3A_95 = arith.muli %add3A_93, %mul3A_94 : i32
    "tpu.region"() ({
      %run_scoped3A = tpu.sem_alloc : memref<!tpu.dma_semaphore, #tpu.memory_space<semaphore_mem>>
      %dma_start3A = arith.constant 0 : i32
      %dma_start3A_262 = tpu.memref_slice %arg6[%dma_start3A] : memref<5120xi32, #tpu.memory_space<vmem>> -> memref<5120xi32, #tpu.memory_space<vmem>>
      %dma_start3A_263 = tpu.memref_slice %arg2[%mul3A_95] : memref<327680xi32, #tpu.memory_space<hbm>> -> memref<5120xi32, #tpu.memory_space<hbm>>
      %dma_start3A_264 = arith.constant 0 : i32
      %dma_start3A_265 = tpu.memref_slice %arg6[%dma_start3A_264] : memref<5120xi32, #tpu.memory_space<vmem>> -> memref<5120xi32, #tpu.memory_space<vmem>>
      %dma_start3A_266 = tpu.memref_slice %arg2[%mul3A_95] : memref<327680xi32, #tpu.memory_space<hbm>> -> memref<5120xi32, #tpu.memory_space<hbm>>
      tpu.enqueue_dma source(%dma_start3A_266 : memref<5120xi32, #tpu.memory_space<hbm>>) target(%dma_start3A_265 : memref<5120xi32, #tpu.memory_space<vmem>>) target_semaphore(%run_scoped3A : memref<!tpu.dma_semaphore, #tpu.memory_space<semaphore_mem>>)
      %dma_wait3A_267 = arith.constant 0 : i32
      %dma_wait3A_268 = tpu.memref_slice %arg6[%dma_wait3A_267] : memref<5120xi32, #tpu.memory_space<vmem>> -> memref<5120xi32, #tpu.memory_space<vmem>>
      %dma_wait3A_269 = tpu.memref_slice %arg2[%mul3A_95] : memref<327680xi32, #tpu.memory_space<hbm>> -> memref<5120xi32, #tpu.memory_space<hbm>>
      %dma_wait3A_270 = arith.constant 0 : i32
      %dma_wait3A_271 = tpu.memref_slice %arg6[%dma_wait3A_270] : memref<5120xi32, #tpu.memory_space<vmem>> -> memref<5120xi32, #tpu.memory_space<vmem>>
      %dma_wait3A_272 = tpu.memref_slice %arg2[%mul3A_95] : memref<327680xi32, #tpu.memory_space<hbm>> -> memref<5120xi32, #tpu.memory_space<hbm>>
      tpu.wait_dma2 semaphore(%run_scoped3A : memref<!tpu.dma_semaphore, #tpu.memory_space<semaphore_mem>>) src(%dma_wait3A_272 : memref<5120xi32, #tpu.memory_space<hbm>>) dst(%dma_wait3A_271 : memref<5120xi32, #tpu.memory_space<vmem>>)
      tpu.yield
    }) : () -> ()
    "tpu.region"() ({
      %run_scoped3A = tpu.sem_alloc : memref<!tpu.dma_semaphore, #tpu.memory_space<semaphore_mem>>
      %dma_start3A = arith.constant 0 : i32
      %dma_start3A_262 = arith.constant 0 : i32
      %dma_start3A_263 = tpu.memref_slice %arg7[%dma_start3A, %dma_start3A_262] : memref<80x64xi32, #tpu.memory_space<vmem>> -> memref<80x64xi32, #tpu.memory_space<vmem>>
      %dma_start3A_264 = arith.constant 0 : i32
      %dma_start3A_265 = tpu.memref_slice %arg3[%add3A_93, %dma_start3A_264] : memref<5120x64xi32, #tpu.memory_space<hbm>> -> memref<80x64xi32, #tpu.memory_space<hbm>>
      %dma_start3A_266 = arith.constant 0 : i32
      %dma_start3A_267 = arith.constant 0 : i32
      %dma_start3A_268 = tpu.memref_slice %arg7[%dma_start3A_266, %dma_start3A_267] : memref<80x64xi32, #tpu.memory_space<vmem>> -> memref<80x64xi32, #tpu.memory_space<vmem>>
      %dma_start3A_269 = arith.constant 0 : i32
      %dma_start3A_270 = tpu.memref_slice %arg3[%add3A_93, %dma_start3A_269] : memref<5120x64xi32, #tpu.memory_space<hbm>> -> memref<80x64xi32, #tpu.memory_space<hbm>>
      tpu.enqueue_dma source(%dma_start3A_270 : memref<80x64xi32, #tpu.memory_space<hbm>>) target(%dma_start3A_268 : memref<80x64xi32, #tpu.memory_space<vmem>>) target_semaphore(%run_scoped3A : memref<!tpu.dma_semaphore, #tpu.memory_space<semaphore_mem>>)
      %dma_wait3A_271 = arith.constant 0 : i32
      %dma_wait3A_272 = arith.constant 0 : i32
      %dma_wait3A_273 = tpu.memref_slice %arg7[%dma_wait3A_271, %dma_wait3A_272] : memref<80x64xi32, #tpu.memory_space<vmem>> -> memref<80x64xi32, #tpu.memory_space<vmem>>
      %dma_wait3A_274 = arith.constant 0 : i32
      %dma_wait3A_275 = tpu.memref_slice %arg3[%add3A_93, %dma_wait3A_274] : memref<5120x64xi32, #tpu.memory_space<hbm>> -> memref<80x64xi32, #tpu.memory_space<hbm>>
      %dma_wait3A_276 = arith.constant 0 : i32
      %dma_wait3A_277 = arith.constant 0 : i32
      %dma_wait3A_278 = tpu.memref_slice %arg7[%dma_wait3A_276, %dma_wait3A_277] : memref<80x64xi32, #tpu.memory_space<vmem>> -> memref<80x64xi32, #tpu.memory_space<vmem>>
      %dma_wait3A_279 = arith.constant 0 : i32
      %dma_wait3A_280 = tpu.memref_slice %arg3[%add3A_93, %dma_wait3A_279] : memref<5120x64xi32, #tpu.memory_space<hbm>> -> memref<80x64xi32, #tpu.memory_space<hbm>>
      tpu.wait_dma2 semaphore(%run_scoped3A : memref<!tpu.dma_semaphore, #tpu.memory_space<semaphore_mem>>) src(%dma_wait3A_280 : memref<80x64xi32, #tpu.memory_space<hbm>>) dst(%dma_wait3A_278 : memref<80x64xi32, #tpu.memory_space<vmem>>)
      tpu.yield
    }) : () -> ()
    %scan3A_96 = arith.constant 0 : i32
    %scan3A_97 = arith.constant 0 : i32
    %scan3A_98 = arith.constant 20 : i32
    %scan3A_99 = arith.addi %scan3A_97, %scan3A_98 : i32
    %scan3A_100 = arith.constant 1 : i32
    scf.for %scan3A_262 = %scan3A_97 to %scan3A_99 step %scan3A_100  : i32 {
      %mul3A_263 = arith.constant 4 : i32
      %mul3A_264 = arith.muli %scan3A_262, %mul3A_263 : i32
      %add3A_265 = arith.constant 0 : i32
      %add3A_266 = arith.addi %mul3A_264, %add3A_265 : i32
      %gt3A = arith.constant 0 : i32
      %gt3A_267 = arith.cmpi sgt, %scan3A_262, %gt3A : i32
      %convert_element_type3A_268 = arith.extui %gt3A_267 : i1 to i32
      %cond3A_269 = arith.constant 0 : i32
      %cond3A_270 = arith.cmpi ne, %convert_element_type3A_268, %cond3A_269 : i32
      scf.if %cond3A_270 {
        %dma_wait3A_553 = arith.constant 0 : i32
        %dma_wait3A_554 = tpu.memref_slice %arg7[%add3A_266, %dma_wait3A_553] : memref<80x64xi32, #tpu.memory_space<vmem>> -> memref<1x64xi32, #tpu.memory_space<vmem>>
        %dma_wait3A_555 = tpu.memref_squeeze %dma_wait3A_554 : memref<1x64xi32, #tpu.memory_space<vmem>> -> memref<64xi32, #tpu.memory_space<vmem>>
        %dma_wait3A_556 = arith.constant 0 : i32
        %dma_wait3A_557 = arith.constant 0 : i32
        %dma_wait3A_558 = tpu.memref_slice %arg16[%dma_wait3A_556, %dma_wait3A_557] : memref<10032x128xf32, #tpu.memory_space<vmem_shared>> -> memref<10032x128xf32, #tpu.memory_space<vmem_shared>>
        tpu.wait_indirect_dma semaphore(%arg21 : memref<!tpu.dma_semaphore, #tpu.memory_space<semaphore_mem>>) src(%arg12 : memref<64x128xf32, #tpu.memory_space<vmem>>) dst(%dma_wait3A_558 : memref<10032x128xf32, #tpu.memory_space<vmem_shared>>)
      } else {
      }
      %mul3A_271 = arith.constant 64 : i32
      %mul3A_272 = arith.muli %add3A_266, %mul3A_271 : i32
      %add3A_273 = arith.constant 0 : i32
      %add3A_274 = arith.addi %mul3A_272, %add3A_273 : i32
      %get3A = arith.index_cast %add3A_274 : i32 to index
      %get3A_275 = tpu.vector_load %arg6[%get3A] {strides = array<i32>} : memref<5120xi32, #tpu.memory_space<vmem>>, vector<16xi32>,
      %get3A_276 = vector.shape_cast %get3A_275 : vector<16xi32> to vector<16xi32>
      %add3A_277 = vector.broadcast %mul3A_0 : i32 to vector<16xi32>
      %add3A_278 = arith.addi %get3A_276, %add3A_277 : vector<16xi32>
      %swap3A = arith.constant 0 : index
      %swap3A_279 = tpu.vector_load %arg8[%swap3A] {strides = array<i32>} : memref<64xi32, #tpu.memory_space<vmem>>, vector<16xi32>,
      %swap3A_280 = vector.shape_cast %swap3A_279 : vector<16xi32> to vector<16xi32>
      %swap3A_281 = vector.shape_cast %add3A_278 : vector<16xi32> to vector<16xi32>
      tpu.vector_store %arg8[%swap3A], %swap3A_281 {strides = array<i32>} : memref<64xi32, #tpu.memory_space<vmem>>, vector<16xi32>,
      %mul3A_282 = arith.constant 64 : i32
      %mul3A_283 = arith.muli %add3A_266, %mul3A_282 : i32
      %add3A_284 = arith.constant 16 : i32
      %add3A_285 = arith.addi %mul3A_283, %add3A_284 : i32
      %get3A_286 = arith.index_cast %add3A_285 : i32 to index
      %get3A_287 = tpu.vector_load %arg6[%get3A_286] {strides = array<i32>} : memref<5120xi32, #tpu.memory_space<vmem>>, vector<16xi32>,
      %get3A_288 = vector.shape_cast %get3A_287 : vector<16xi32> to vector<16xi32>
      %add3A_289 = vector.broadcast %mul3A_0 : i32 to vector<16xi32>
      %add3A_290 = arith.addi %get3A_288, %add3A_289 : vector<16xi32>
      %swap3A_291 = arith.constant 16 : index
      %swap3A_292 = tpu.vector_load %arg8[%swap3A_291] {strides = array<i32>} : memref<64xi32, #tpu.memory_space<vmem>>, vector<16xi32>,
      %swap3A_293 = vector.shape_cast %swap3A_292 : vector<16xi32> to vector<16xi32>
      %swap3A_294 = vector.shape_cast %add3A_290 : vector<16xi32> to vector<16xi32>
      tpu.vector_store %arg8[%swap3A_291], %swap3A_294 {strides = array<i32>} : memref<64xi32, #tpu.memory_space<vmem>>, vector<16xi32>,
      %mul3A_295 = arith.constant 64 : i32
      %mul3A_296 = arith.muli %add3A_266, %mul3A_295 : i32
      %add3A_297 = arith.constant 32 : i32
      %add3A_298 = arith.addi %mul3A_296, %add3A_297 : i32
      %get3A_299 = arith.index_cast %add3A_298 : i32 to index
      %get3A_300 = tpu.vector_load %arg6[%get3A_299] {strides = array<i32>} : memref<5120xi32, #tpu.memory_space<vmem>>, vector<16xi32>,
      %get3A_301 = vector.shape_cast %get3A_300 : vector<16xi32> to vector<16xi32>
      %add3A_302 = vector.broadcast %mul3A_0 : i32 to vector<16xi32>
      %add3A_303 = arith.addi %get3A_301, %add3A_302 : vector<16xi32>
      %swap3A_304 = arith.constant 32 : index
      %swap3A_305 = tpu.vector_load %arg8[%swap3A_304] {strides = array<i32>} : memref<64xi32, #tpu.memory_space<vmem>>, vector<16xi32>,
      %swap3A_306 = vector.shape_cast %swap3A_305 : vector<16xi32> to vector<16xi32>
      %swap3A_307 = vector.shape_cast %add3A_303 : vector<16xi32> to vector<16xi32>
      tpu.vector_store %arg8[%swap3A_304], %swap3A_307 {strides = array<i32>} : memref<64xi32, #tpu.memory_space<vmem>>, vector<16xi32>,
      %mul3A_308 = arith.constant 64 : i32
      %mul3A_309 = arith.muli %add3A_266, %mul3A_308 : i32
      %add3A_310 = arith.constant 48 : i32
      %add3A_311 = arith.addi %mul3A_309, %add3A_310 : i32
      %get3A_312 = arith.index_cast %add3A_311 : i32 to index
      %get3A_313 = tpu.vector_load %arg6[%get3A_312] {strides = array<i32>} : memref<5120xi32, #tpu.memory_space<vmem>>, vector<16xi32>,
      %get3A_314 = vector.shape_cast %get3A_313 : vector<16xi32> to vector<16xi32>
      %add3A_315 = vector.broadcast %mul3A_0 : i32 to vector<16xi32>
      %add3A_316 = arith.addi %get3A_314, %add3A_315 : vector<16xi32>
      %swap3A_317 = arith.constant 48 : index
      %swap3A_318 = tpu.vector_load %arg8[%swap3A_317] {strides = array<i32>} : memref<64xi32, #tpu.memory_space<vmem>>, vector<16xi32>,
      %swap3A_319 = vector.shape_cast %swap3A_318 : vector<16xi32> to vector<16xi32>
      %swap3A_320 = vector.shape_cast %add3A_316 : vector<16xi32> to vector<16xi32>
      tpu.vector_store %arg8[%swap3A_317], %swap3A_320 {strides = array<i32>} : memref<64xi32, #tpu.memory_space<vmem>>, vector<16xi32>,
      %dma_start3A = arith.constant 0 : i32
      %dma_start3A_321 = arith.constant 0 : i32
      %dma_start3A_322 = tpu.memref_slice %arg4[%dma_start3A, %dma_start3A_321] : memref<20000x128xf32, #tpu.memory_space<hbm>> -> memref<20000x128xf32, #tpu.memory_space<hbm>>
      tpu.enqueue_indirect_dma source(%dma_start3A_322 : memref<20000x128xf32, #tpu.memory_space<hbm>>) target(%arg12 : memref<64x128xf32, #tpu.memory_space<vmem>>) offsets(%arg8 : memref<64xi32, #tpu.memory_space<vmem>>) semaphore(%arg17 : memref<!tpu.dma_semaphore, #tpu.memory_space<semaphore_mem>>)
      %add3A_323 = arith.constant 1 : i32
      %add3A_324 = arith.addi %mul3A_264, %add3A_323 : i32
      %gt3A_325 = arith.constant 0 : i32
      %gt3A_326 = arith.cmpi sgt, %scan3A_262, %gt3A_325 : i32
      %convert_element_type3A_327 = arith.extui %gt3A_326 : i1 to i32
      %cond3A_328 = arith.constant 0 : i32
      %cond3A_329 = arith.cmpi ne, %convert_element_type3A_327, %cond3A_328 : i32
      scf.if %cond3A_329 {
        %dma_wait3A_553 = arith.constant 0 : i32
        %dma_wait3A_554 = tpu.memref_slice %arg7[%add3A_324, %dma_wait3A_553] : memref<80x64xi32, #tpu.memory_space<vmem>> -> memref<1x64xi32, #tpu.memory_space<vmem>>
        %dma_wait3A_555 = tpu.memref_squeeze %dma_wait3A_554 : memref<1x64xi32, #tpu.memory_space<vmem>> -> memref<64xi32, #tpu.memory_space<vmem>>
        %dma_wait3A_556 = arith.constant 0 : i32
        %dma_wait3A_557 = arith.constant 0 : i32
        %dma_wait3A_558 = tpu.memref_slice %arg16[%dma_wait3A_556, %dma_wait3A_557] : memref<10032x128xf32, #tpu.memory_space<vmem_shared>> -> memref<10032x128xf32, #tpu.memory_space<vmem_shared>>
        tpu.wait_indirect_dma semaphore(%arg22 : memref<!tpu.dma_semaphore, #tpu.memory_space<semaphore_mem>>) src(%arg13 : memref<64x128xf32, #tpu.memory_space<vmem>>) dst(%dma_wait3A_558 : memref<10032x128xf32, #tpu.memory_space<vmem_shared>>)
      } else {
      }
      %mul3A_330 = arith.constant 64 : i32
      %mul3A_331 = arith.muli %add3A_324, %mul3A_330 : i32
      %add3A_332 = arith.constant 0 : i32
      %add3A_333 = arith.addi %mul3A_331, %add3A_332 : i32
      %get3A_334 = arith.index_cast %add3A_333 : i32 to index
      %get3A_335 = tpu.vector_load %arg6[%get3A_334] {strides = array<i32>} : memref<5120xi32, #tpu.memory_space<vmem>>, vector<16xi32>,
      %get3A_336 = vector.shape_cast %get3A_335 : vector<16xi32> to vector<16xi32>
      %add3A_337 = vector.broadcast %mul3A_0 : i32 to vector<16xi32>
      %add3A_338 = arith.addi %get3A_336, %add3A_337 : vector<16xi32>
      %swap3A_339 = arith.constant 0 : index
      %swap3A_340 = tpu.vector_load %arg9[%swap3A_339] {strides = array<i32>} : memref<64xi32, #tpu.memory_space<vmem>>, vector<16xi32>,
      %swap3A_341 = vector.shape_cast %swap3A_340 : vector<16xi32> to vector<16xi32>
      %swap3A_342 = vector.shape_cast %add3A_338 : vector<16xi32> to vector<16xi32>
      tpu.vector_store %arg9[%swap3A_339], %swap3A_342 {strides = array<i32>} : memref<64xi32, #tpu.memory_space<vmem>>, vector<16xi32>,
      %mul3A_343 = arith.constant 64 : i32
      %mul3A_344 = arith.muli %add3A_324, %mul3A_343 : i32
      %add3A_345 = arith.constant 16 : i32
      %add3A_346 = arith.addi %mul3A_344, %add3A_345 : i32
      %get3A_347 = arith.index_cast %add3A_346 : i32 to index
      %get3A_348 = tpu.vector_load %arg6[%get3A_347] {strides = array<i32>} : memref<5120xi32, #tpu.memory_space<vmem>>, vector<16xi32>,
      %get3A_349 = vector.shape_cast %get3A_348 : vector<16xi32> to vector<16xi32>
      %add3A_350 = vector.broadcast %mul3A_0 : i32 to vector<16xi32>
      %add3A_351 = arith.addi %get3A_349, %add3A_350 : vector<16xi32>
      %swap3A_352 = arith.constant 16 : index
      %swap3A_353 = tpu.vector_load %arg9[%swap3A_352] {strides = array<i32>} : memref<64xi32, #tpu.memory_space<vmem>>, vector<16xi32>,
      %swap3A_354 = vector.shape_cast %swap3A_353 : vector<16xi32> to vector<16xi32>
      %swap3A_355 = vector.shape_cast %add3A_351 : vector<16xi32> to vector<16xi32>
      tpu.vector_store %arg9[%swap3A_352], %swap3A_355 {strides = array<i32>} : memref<64xi32, #tpu.memory_space<vmem>>, vector<16xi32>,
      %mul3A_356 = arith.constant 64 : i32
      %mul3A_357 = arith.muli %add3A_324, %mul3A_356 : i32
      %add3A_358 = arith.constant 32 : i32
      %add3A_359 = arith.addi %mul3A_357, %add3A_358 : i32
      %get3A_360 = arith.index_cast %add3A_359 : i32 to index
      %get3A_361 = tpu.vector_load %arg6[%get3A_360] {strides = array<i32>} : memref<5120xi32, #tpu.memory_space<vmem>>, vector<16xi32>,
      %get3A_362 = vector.shape_cast %get3A_361 : vector<16xi32> to vector<16xi32>
      %add3A_363 = vector.broadcast %mul3A_0 : i32 to vector<16xi32>
      %add3A_364 = arith.addi %get3A_362, %add3A_363 : vector<16xi32>
      %swap3A_365 = arith.constant 32 : index
      %swap3A_366 = tpu.vector_load %arg9[%swap3A_365] {strides = array<i32>} : memref<64xi32, #tpu.memory_space<vmem>>, vector<16xi32>,
      %swap3A_367 = vector.shape_cast %swap3A_366 : vector<16xi32> to vector<16xi32>
      %swap3A_368 = vector.shape_cast %add3A_364 : vector<16xi32> to vector<16xi32>
      tpu.vector_store %arg9[%swap3A_365], %swap3A_368 {strides = array<i32>} : memref<64xi32, #tpu.memory_space<vmem>>, vector<16xi32>,
      %mul3A_369 = arith.constant 64 : i32
      %mul3A_370 = arith.muli %add3A_324, %mul3A_369 : i32
      %add3A_371 = arith.constant 48 : i32
      %add3A_372 = arith.addi %mul3A_370, %add3A_371 : i32
      %get3A_373 = arith.index_cast %add3A_372 : i32 to index
      %get3A_374 = tpu.vector_load %arg6[%get3A_373] {strides = array<i32>} : memref<5120xi32, #tpu.memory_space<vmem>>, vector<16xi32>,
      %get3A_375 = vector.shape_cast %get3A_374 : vector<16xi32> to vector<16xi32>
      %add3A_376 = vector.broadcast %mul3A_0 : i32 to vector<16xi32>
      %add3A_377 = arith.addi %get3A_375, %add3A_376 : vector<16xi32>
      %swap3A_378 = arith.constant 48 : index
      %swap3A_379 = tpu.vector_load %arg9[%swap3A_378] {strides = array<i32>} : memref<64xi32, #tpu.memory_space<vmem>>, vector<16xi32>,
      %swap3A_380 = vector.shape_cast %swap3A_379 : vector<16xi32> to vector<16xi32>
      %swap3A_381 = vector.shape_cast %add3A_377 : vector<16xi32> to vector<16xi32>
      tpu.vector_store %arg9[%swap3A_378], %swap3A_381 {strides = array<i32>} : memref<64xi32, #tpu.memory_space<vmem>>, vector<16xi32>,
      %dma_start3A_382 = arith.constant 0 : i32
      %dma_start3A_383 = arith.constant 0 : i32
      %dma_start3A_384 = tpu.memref_slice %arg4[%dma_start3A_382, %dma_start3A_383] : memref<20000x128xf32, #tpu.memory_space<hbm>> -> memref<20000x128xf32, #tpu.memory_space<hbm>>
      tpu.enqueue_indirect_dma source(%dma_start3A_384 : memref<20000x128xf32, #tpu.memory_space<hbm>>) target(%arg13 : memref<64x128xf32, #tpu.memory_space<vmem>>) offsets(%arg9 : memref<64xi32, #tpu.memory_space<vmem>>) semaphore(%arg18 : memref<!tpu.dma_semaphore, #tpu.memory_space<semaphore_mem>>)
      %add3A_385 = arith.constant 2 : i32
      %add3A_386 = arith.addi %mul3A_264, %add3A_385 : i32
      %gt3A_387 = arith.constant 0 : i32
      %gt3A_388 = arith.cmpi sgt, %scan3A_262, %gt3A_387 : i32
      %convert_element_type3A_389 = arith.extui %gt3A_388 : i1 to i32
      %cond3A_390 = arith.constant 0 : i32
      %cond3A_391 = arith.cmpi ne, %convert_element_type3A_389, %cond3A_390 : i32
      scf.if %cond3A_391 {
        %dma_wait3A_553 = arith.constant 0 : i32
        %dma_wait3A_554 = tpu.memref_slice %arg7[%add3A_386, %dma_wait3A_553] : memref<80x64xi32, #tpu.memory_space<vmem>> -> memref<1x64xi32, #tpu.memory_space<vmem>>
        %dma_wait3A_555 = tpu.memref_squeeze %dma_wait3A_554 : memref<1x64xi32, #tpu.memory_space<vmem>> -> memref<64xi32, #tpu.memory_space<vmem>>
        %dma_wait3A_556 = arith.constant 0 : i32
        %dma_wait3A_557 = arith.constant 0 : i32
        %dma_wait3A_558 = tpu.memref_slice %arg16[%dma_wait3A_556, %dma_wait3A_557] : memref<10032x128xf32, #tpu.memory_space<vmem_shared>> -> memref<10032x128xf32, #tpu.memory_space<vmem_shared>>
        tpu.wait_indirect_dma semaphore(%arg23 : memref<!tpu.dma_semaphore, #tpu.memory_space<semaphore_mem>>) src(%arg14 : memref<64x128xf32, #tpu.memory_space<vmem>>) dst(%dma_wait3A_558 : memref<10032x128xf32, #tpu.memory_space<vmem_shared>>)
      } else {
      }
      %mul3A_392 = arith.constant 64 : i32
      %mul3A_393 = arith.muli %add3A_386, %mul3A_392 : i32
      %add3A_394 = arith.constant 0 : i32
      %add3A_395 = arith.addi %mul3A_393, %add3A_394 : i32
      %get3A_396 = arith.index_cast %add3A_395 : i32 to index
      %get3A_397 = tpu.vector_load %arg6[%get3A_396] {strides = array<i32>} : memref<5120xi32, #tpu.memory_space<vmem>>, vector<16xi32>,
      %get3A_398 = vector.shape_cast %get3A_397 : vector<16xi32> to vector<16xi32>
      %add3A_399 = vector.broadcast %mul3A_0 : i32 to vector<16xi32>
      %add3A_400 = arith.addi %get3A_398, %add3A_399 : vector<16xi32>
      %swap3A_401 = arith.constant 0 : index
      %swap3A_402 = tpu.vector_load %arg10[%swap3A_401] {strides = array<i32>} : memref<64xi32, #tpu.memory_space<vmem>>, vector<16xi32>,
      %swap3A_403 = vector.shape_cast %swap3A_402 : vector<16xi32> to vector<16xi32>
      %swap3A_404 = vector.shape_cast %add3A_400 : vector<16xi32> to vector<16xi32>
      tpu.vector_store %arg10[%swap3A_401], %swap3A_404 {strides = array<i32>} : memref<64xi32, #tpu.memory_space<vmem>>, vector<16xi32>,
      %mul3A_405 = arith.constant 64 : i32
      %mul3A_406 = arith.muli %add3A_386, %mul3A_405 : i32
      %add3A_407 = arith.constant 16 : i32
      %add3A_408 = arith.addi %mul3A_406, %add3A_407 : i32
      %get3A_409 = arith.index_cast %add3A_408 : i32 to index
      %get3A_410 = tpu.vector_load %arg6[%get3A_409] {strides = array<i32>} : memref<5120xi32, #tpu.memory_space<vmem>>, vector<16xi32>,
      %get3A_411 = vector.shape_cast %get3A_410 : vector<16xi32> to vector<16xi32>
      %add3A_412 = vector.broadcast %mul3A_0 : i32 to vector<16xi32>
      %add3A_413 = arith.addi %get3A_411, %add3A_412 : vector<16xi32>
      %swap3A_414 = arith.constant 16 : index
      %swap3A_415 = tpu.vector_load %arg10[%swap3A_414] {strides = array<i32>} : memref<64xi32, #tpu.memory_space<vmem>>, vector<16xi32>,
      %swap3A_416 = vector.shape_cast %swap3A_415 : vector<16xi32> to vector<16xi32>
      %swap3A_417 = vector.shape_cast %add3A_413 : vector<16xi32> to vector<16xi32>
      tpu.vector_store %arg10[%swap3A_414], %swap3A_417 {strides = array<i32>} : memref<64xi32, #tpu.memory_space<vmem>>, vector<16xi32>,
      %mul3A_418 = arith.constant 64 : i32
      %mul3A_419 = arith.muli %add3A_386, %mul3A_418 : i32
      %add3A_420 = arith.constant 32 : i32
      %add3A_421 = arith.addi %mul3A_419, %add3A_420 : i32
      %get3A_422 = arith.index_cast %add3A_421 : i32 to index
      %get3A_423 = tpu.vector_load %arg6[%get3A_422] {strides = array<i32>} : memref<5120xi32, #tpu.memory_space<vmem>>, vector<16xi32>,
      %get3A_424 = vector.shape_cast %get3A_423 : vector<16xi32> to vector<16xi32>
      %add3A_425 = vector.broadcast %mul3A_0 : i32 to vector<16xi32>
      %add3A_426 = arith.addi %get3A_424, %add3A_425 : vector<16xi32>
      %swap3A_427 = arith.constant 32 : index
      %swap3A_428 = tpu.vector_load %arg10[%swap3A_427] {strides = array<i32>} : memref<64xi32, #tpu.memory_space<vmem>>, vector<16xi32>,
      %swap3A_429 = vector.shape_cast %swap3A_428 : vector<16xi32> to vector<16xi32>
      %swap3A_430 = vector.shape_cast %add3A_426 : vector<16xi32> to vector<16xi32>
      tpu.vector_store %arg10[%swap3A_427], %swap3A_430 {strides = array<i32>} : memref<64xi32, #tpu.memory_space<vmem>>, vector<16xi32>,
      %mul3A_431 = arith.constant 64 : i32
      %mul3A_432 = arith.muli %add3A_386, %mul3A_431 : i32
      %add3A_433 = arith.constant 48 : i32
      %add3A_434 = arith.addi %mul3A_432, %add3A_433 : i32
      %get3A_435 = arith.index_cast %add3A_434 : i32 to index
      %get3A_436 = tpu.vector_load %arg6[%get3A_435] {strides = array<i32>} : memref<5120xi32, #tpu.memory_space<vmem>>, vector<16xi32>,
      %get3A_437 = vector.shape_cast %get3A_436 : vector<16xi32> to vector<16xi32>
      %add3A_438 = vector.broadcast %mul3A_0 : i32 to vector<16xi32>
      %add3A_439 = arith.addi %get3A_437, %add3A_438 : vector<16xi32>
      %swap3A_440 = arith.constant 48 : index
      %swap3A_441 = tpu.vector_load %arg10[%swap3A_440] {strides = array<i32>} : memref<64xi32, #tpu.memory_space<vmem>>, vector<16xi32>,
      %swap3A_442 = vector.shape_cast %swap3A_441 : vector<16xi32> to vector<16xi32>
      %swap3A_443 = vector.shape_cast %add3A_439 : vector<16xi32> to vector<16xi32>
      tpu.vector_store %arg10[%swap3A_440], %swap3A_443 {strides = array<i32>} : memref<64xi32, #tpu.memory_space<vmem>>, vector<16xi32>,
      %dma_start3A_444 = arith.constant 0 : i32
      %dma_start3A_445 = arith.constant 0 : i32
      %dma_start3A_446 = tpu.memref_slice %arg4[%dma_start3A_444, %dma_start3A_445] : memref<20000x128xf32, #tpu.memory_space<hbm>> -> memref<20000x128xf32, #tpu.memory_space<hbm>>
      tpu.enqueue_indirect_dma source(%dma_start3A_446 : memref<20000x128xf32, #tpu.memory_space<hbm>>) target(%arg14 : memref<64x128xf32, #tpu.memory_space<vmem>>) offsets(%arg10 : memref<64xi32, #tpu.memory_space<vmem>>) semaphore(%arg19 : memref<!tpu.dma_semaphore, #tpu.memory_space<semaphore_mem>>)
      %add3A_447 = arith.constant 3 : i32
      %add3A_448 = arith.addi %mul3A_264, %add3A_447 : i32
      %gt3A_449 = arith.constant 0 : i32
      %gt3A_450 = arith.cmpi sgt, %scan3A_262, %gt3A_449 : i32
      %convert_element_type3A_451 = arith.extui %gt3A_450 : i1 to i32
      %cond3A_452 = arith.constant 0 : i32
      %cond3A_453 = arith.cmpi ne, %convert_element_type3A_451, %cond3A_452 : i32
      scf.if %cond3A_453 {
        %dma_wait3A_553 = arith.constant 0 : i32
        %dma_wait3A_554 = tpu.memref_slice %arg7[%add3A_448, %dma_wait3A_553] : memref<80x64xi32, #tpu.memory_space<vmem>> -> memref<1x64xi32, #tpu.memory_space<vmem>>
        %dma_wait3A_555 = tpu.memref_squeeze %dma_wait3A_554 : memref<1x64xi32, #tpu.memory_space<vmem>> -> memref<64xi32, #tpu.memory_space<vmem>>
        %dma_wait3A_556 = arith.constant 0 : i32
        %dma_wait3A_557 = arith.constant 0 : i32
        %dma_wait3A_558 = tpu.memref_slice %arg16[%dma_wait3A_556, %dma_wait3A_557] : memref<10032x128xf32, #tpu.memory_space<vmem_shared>> -> memref<10032x128xf32, #tpu.memory_space<vmem_shared>>
        tpu.wait_indirect_dma semaphore(%arg24 : memref<!tpu.dma_semaphore, #tpu.memory_space<semaphore_mem>>) src(%arg15 : memref<64x128xf32, #tpu.memory_space<vmem>>) dst(%dma_wait3A_558 : memref<10032x128xf32, #tpu.memory_space<vmem_shared>>)
      } else {
      }
      %mul3A_454 = arith.constant 64 : i32
      %mul3A_455 = arith.muli %add3A_448, %mul3A_454 : i32
      %add3A_456 = arith.constant 0 : i32
      %add3A_457 = arith.addi %mul3A_455, %add3A_456 : i32
      %get3A_458 = arith.index_cast %add3A_457 : i32 to index
      %get3A_459 = tpu.vector_load %arg6[%get3A_458] {strides = array<i32>} : memref<5120xi32, #tpu.memory_space<vmem>>, vector<16xi32>,
      %get3A_460 = vector.shape_cast %get3A_459 : vector<16xi32> to vector<16xi32>
      %add3A_461 = vector.broadcast %mul3A_0 : i32 to vector<16xi32>
      %add3A_462 = arith.addi %get3A_460, %add3A_461 : vector<16xi32>
      %swap3A_463 = arith.constant 0 : index
      %swap3A_464 = tpu.vector_load %arg11[%swap3A_463] {strides = array<i32>} : memref<64xi32, #tpu.memory_space<vmem>>, vector<16xi32>,
      %swap3A_465 = vector.shape_cast %swap3A_464 : vector<16xi32> to vector<16xi32>
      %swap3A_466 = vector.shape_cast %add3A_462 : vector<16xi32> to vector<16xi32>
      tpu.vector_store %arg11[%swap3A_463], %swap3A_466 {strides = array<i32>} : memref<64xi32, #tpu.memory_space<vmem>>, vector<16xi32>,
      %mul3A_467 = arith.constant 64 : i32
      %mul3A_468 = arith.muli %add3A_448, %mul3A_467 : i32
      %add3A_469 = arith.constant 16 : i32
      %add3A_470 = arith.addi %mul3A_468, %add3A_469 : i32
      %get3A_471 = arith.index_cast %add3A_470 : i32 to index
      %get3A_472 = tpu.vector_load %arg6[%get3A_471] {strides = array<i32>} : memref<5120xi32, #tpu.memory_space<vmem>>, vector<16xi32>,
      %get3A_473 = vector.shape_cast %get3A_472 : vector<16xi32> to vector<16xi32>
      %add3A_474 = vector.broadcast %mul3A_0 : i32 to vector<16xi32>
      %add3A_475 = arith.addi %get3A_473, %add3A_474 : vector<16xi32>
      %swap3A_476 = arith.constant 16 : index
      %swap3A_477 = tpu.vector_load %arg11[%swap3A_476] {strides = array<i32>} : memref<64xi32, #tpu.memory_space<vmem>>, vector<16xi32>,
      %swap3A_478 = vector.shape_cast %swap3A_477 : vector<16xi32> to vector<16xi32>
      %swap3A_479 = vector.shape_cast %add3A_475 : vector<16xi32> to vector<16xi32>
      tpu.vector_store %arg11[%swap3A_476], %swap3A_479 {strides = array<i32>} : memref<64xi32, #tpu.memory_space<vmem>>, vector<16xi32>,
      %mul3A_480 = arith.constant 64 : i32
      %mul3A_481 = arith.muli %add3A_448, %mul3A_480 : i32
      %add3A_482 = arith.constant 32 : i32
      %add3A_483 = arith.addi %mul3A_481, %add3A_482 : i32
      %get3A_484 = arith.index_cast %add3A_483 : i32 to index
      %get3A_485 = tpu.vector_load %arg6[%get3A_484] {strides = array<i32>} : memref<5120xi32, #tpu.memory_space<vmem>>, vector<16xi32>,
      %get3A_486 = vector.shape_cast %get3A_485 : vector<16xi32> to vector<16xi32>
      %add3A_487 = vector.broadcast %mul3A_0 : i32 to vector<16xi32>
      %add3A_488 = arith.addi %get3A_486, %add3A_487 : vector<16xi32>
      %swap3A_489 = arith.constant 32 : index
      %swap3A_490 = tpu.vector_load %arg11[%swap3A_489] {strides = array<i32>} : memref<64xi32, #tpu.memory_space<vmem>>, vector<16xi32>,
      %swap3A_491 = vector.shape_cast %swap3A_490 : vector<16xi32> to vector<16xi32>
      %swap3A_492 = vector.shape_cast %add3A_488 : vector<16xi32> to vector<16xi32>
      tpu.vector_store %arg11[%swap3A_489], %swap3A_492 {strides = array<i32>} : memref<64xi32, #tpu.memory_space<vmem>>, vector<16xi32>,
      %mul3A_493 = arith.constant 64 : i32
      %mul3A_494 = arith.muli %add3A_448, %mul3A_493 : i32
      %add3A_495 = arith.constant 48 : i32
      %add3A_496 = arith.addi %mul3A_494, %add3A_495 : i32
      %get3A_497 = arith.index_cast %add3A_496 : i32 to index
      %get3A_498 = tpu.vector_load %arg6[%get3A_497] {strides = array<i32>} : memref<5120xi32, #tpu.memory_space<vmem>>, vector<16xi32>,
      %get3A_499 = vector.shape_cast %get3A_498 : vector<16xi32> to vector<16xi32>
      %add3A_500 = vector.broadcast %mul3A_0 : i32 to vector<16xi32>
      %add3A_501 = arith.addi %get3A_499, %add3A_500 : vector<16xi32>
      %swap3A_502 = arith.constant 48 : index
      %swap3A_503 = tpu.vector_load %arg11[%swap3A_502] {strides = array<i32>} : memref<64xi32, #tpu.memory_space<vmem>>, vector<16xi32>,
      %swap3A_504 = vector.shape_cast %swap3A_503 : vector<16xi32> to vector<16xi32>
      %swap3A_505 = vector.shape_cast %add3A_501 : vector<16xi32> to vector<16xi32>
      tpu.vector_store %arg11[%swap3A_502], %swap3A_505 {strides = array<i32>} : memref<64xi32, #tpu.memory_space<vmem>>, vector<16xi32>,
      %dma_start3A_506 = arith.constant 0 : i32
      %dma_start3A_507 = arith.constant 0 : i32
      %dma_start3A_508 = tpu.memref_slice %arg4[%dma_start3A_506, %dma_start3A_507] : memref<20000x128xf32, #tpu.memory_space<hbm>> -> memref<20000x128xf32, #tpu.memory_space<hbm>>
      tpu.enqueue_indirect_dma source(%dma_start3A_508 : memref<20000x128xf32, #tpu.memory_space<hbm>>) target(%arg15 : memref<64x128xf32, #tpu.memory_space<vmem>>) offsets(%arg11 : memref<64xi32, #tpu.memory_space<vmem>>) semaphore(%arg20 : memref<!tpu.dma_semaphore, #tpu.memory_space<semaphore_mem>>)
      %add3A_509 = arith.constant 0 : i32
      %add3A_510 = arith.addi %mul3A_264, %add3A_509 : i32
      %dma_wait3A_511 = arith.constant 0 : i32
      %dma_wait3A_512 = arith.constant 0 : i32
      %dma_wait3A_513 = tpu.memref_slice %arg4[%dma_wait3A_511, %dma_wait3A_512] : memref<20000x128xf32, #tpu.memory_space<hbm>> -> memref<20000x128xf32, #tpu.memory_space<hbm>>
      tpu.wait_indirect_dma semaphore(%arg17 : memref<!tpu.dma_semaphore, #tpu.memory_space<semaphore_mem>>) src(%dma_wait3A_513 : memref<20000x128xf32, #tpu.memory_space<hbm>>) dst(%arg12 : memref<64x128xf32, #tpu.memory_space<vmem>>)
      %dma_start3A_514 = arith.constant 0 : i32
      %dma_start3A_515 = tpu.memref_slice %arg7[%add3A_510, %dma_start3A_514] : memref<80x64xi32, #tpu.memory_space<vmem>> -> memref<1x64xi32, #tpu.memory_space<vmem>>
      %dma_start3A_516 = tpu.memref_squeeze %dma_start3A_515 : memref<1x64xi32, #tpu.memory_space<vmem>> -> memref<64xi32, #tpu.memory_space<vmem>>
      %dma_start3A_517 = arith.constant 0 : i32
      %dma_start3A_518 = arith.constant 0 : i32
      %dma_start3A_519 = tpu.memref_slice %arg16[%dma_start3A_517, %dma_start3A_518] : memref<10032x128xf32, #tpu.memory_space<vmem_shared>> -> memref<10032x128xf32, #tpu.memory_space<vmem_shared>>
      tpu.enqueue_indirect_dma source(%arg12 : memref<64x128xf32, #tpu.memory_space<vmem>>) target(%dma_start3A_519 : memref<10032x128xf32, #tpu.memory_space<vmem_shared>>) offsets(%dma_start3A_516 : memref<64xi32, #tpu.memory_space<vmem>>) semaphore(%arg21 : memref<!tpu.dma_semaphore, #tpu.memory_space<semaphore_mem>>) {add = true}
      %add3A_520 = arith.constant 1 : i32
      %add3A_521 = arith.addi %mul3A_264, %add3A_520 : i32
      %dma_wait3A_522 = arith.constant 0 : i32
      %dma_wait3A_523 = arith.constant 0 : i32
      %dma_wait3A_524 = tpu.memref_slice %arg4[%dma_wait3A_522, %dma_wait3A_523] : memref<20000x128xf32, #tpu.memory_space<hbm>> -> memref<20000x128xf32, #tpu.memory_space<hbm>>
      tpu.wait_indirect_dma semaphore(%arg18 : memref<!tpu.dma_semaphore, #tpu.memory_space<semaphore_mem>>) src(%dma_wait3A_524 : memref<20000x128xf32, #tpu.memory_space<hbm>>) dst(%arg13 : memref<64x128xf32, #tpu.memory_space<vmem>>)
      %dma_start3A_525 = arith.constant 0 : i32
      %dma_start3A_526 = tpu.memref_slice %arg7[%add3A_521, %dma_start3A_525] : memref<80x64xi32, #tpu.memory_space<vmem>> -> memref<1x64xi32, #tpu.memory_space<vmem>>
      %dma_start3A_527 = tpu.memref_squeeze %dma_start3A_526 : memref<1x64xi32, #tpu.memory_space<vmem>> -> memref<64xi32, #tpu.memory_space<vmem>>
      %dma_start3A_528 = arith.constant 0 : i32
      %dma_start3A_529 = arith.constant 0 : i32
      %dma_start3A_530 = tpu.memref_slice %arg16[%dma_start3A_528, %dma_start3A_529] : memref<10032x128xf32, #tpu.memory_space<vmem_shared>> -> memref<10032x128xf32, #tpu.memory_space<vmem_shared>>
      tpu.enqueue_indirect_dma source(%arg13 : memref<64x128xf32, #tpu.memory_space<vmem>>) target(%dma_start3A_530 : memref<10032x128xf32, #tpu.memory_space<vmem_shared>>) offsets(%dma_start3A_527 : memref<64xi32, #tpu.memory_space<vmem>>) semaphore(%arg22 : memref<!tpu.dma_semaphore, #tpu.memory_space<semaphore_mem>>) {add = true}
      %add3A_531 = arith.constant 2 : i32
      %add3A_532 = arith.addi %mul3A_264, %add3A_531 : i32
      %dma_wait3A_533 = arith.constant 0 : i32
      %dma_wait3A_534 = arith.constant 0 : i32
      %dma_wait3A_535 = tpu.memref_slice %arg4[%dma_wait3A_533, %dma_wait3A_534] : memref<20000x128xf32, #tpu.memory_space<hbm>> -> memref<20000x128xf32, #tpu.memory_space<hbm>>
      tpu.wait_indirect_dma semaphore(%arg19 : memref<!tpu.dma_semaphore, #tpu.memory_space<semaphore_mem>>) src(%dma_wait3A_535 : memref<20000x128xf32, #tpu.memory_space<hbm>>) dst(%arg14 : memref<64x128xf32, #tpu.memory_space<vmem>>)
      %dma_start3A_536 = arith.constant 0 : i32
      %dma_start3A_537 = tpu.memref_slice %arg7[%add3A_532, %dma_start3A_536] : memref<80x64xi32, #tpu.memory_space<vmem>> -> memref<1x64xi32, #tpu.memory_space<vmem>>
      %dma_start3A_538 = tpu.memref_squeeze %dma_start3A_537 : memref<1x64xi32, #tpu.memory_space<vmem>> -> memref<64xi32, #tpu.memory_space<vmem>>
      %dma_start3A_539 = arith.constant 0 : i32
      %dma_start3A_540 = arith.constant 0 : i32
      %dma_start3A_541 = tpu.memref_slice %arg16[%dma_start3A_539, %dma_start3A_540] : memref<10032x128xf32, #tpu.memory_space<vmem_shared>> -> memref<10032x128xf32, #tpu.memory_space<vmem_shared>>
      tpu.enqueue_indirect_dma source(%arg14 : memref<64x128xf32, #tpu.memory_space<vmem>>) target(%dma_start3A_541 : memref<10032x128xf32, #tpu.memory_space<vmem_shared>>) offsets(%dma_start3A_538 : memref<64xi32, #tpu.memory_space<vmem>>) semaphore(%arg23 : memref<!tpu.dma_semaphore, #tpu.memory_space<semaphore_mem>>) {add = true}
      %add3A_542 = arith.constant 3 : i32
      %add3A_543 = arith.addi %mul3A_264, %add3A_542 : i32
      %dma_wait3A_544 = arith.constant 0 : i32
      %dma_wait3A_545 = arith.constant 0 : i32
      %dma_wait3A_546 = tpu.memref_slice %arg4[%dma_wait3A_544, %dma_wait3A_545] : memref<20000x128xf32, #tpu.memory_space<hbm>> -> memref<20000x128xf32, #tpu.memory_space<hbm>>
      tpu.wait_indirect_dma semaphore(%arg20 : memref<!tpu.dma_semaphore, #tpu.memory_space<semaphore_mem>>) src(%dma_wait3A_546 : memref<20000x128xf32, #tpu.memory_space<hbm>>) dst(%arg15 : memref<64x128xf32, #tpu.memory_space<vmem>>)
      %dma_start3A_547 = arith.constant 0 : i32
      %dma_start3A_548 = tpu.memref_slice %arg7[%add3A_543, %dma_start3A_547] : memref<80x64xi32, #tpu.memory_space<vmem>> -> memref<1x64xi32, #tpu.memory_space<vmem>>
      %dma_start3A_549 = tpu.memref_squeeze %dma_start3A_548 : memref<1x64xi32, #tpu.memory_space<vmem>> -> memref<64xi32, #tpu.memory_space<vmem>>
      %dma_start3A_550 = arith.constant 0 : i32
      %dma_start3A_551 = arith.constant 0 : i32
      %dma_start3A_552 = tpu.memref_slice %arg16[%dma_start3A_550, %dma_start3A_551] : memref<10032x128xf32, #tpu.memory_space<vmem_shared>> -> memref<10032x128xf32, #tpu.memory_space<vmem_shared>>
      tpu.enqueue_indirect_dma source(%arg15 : memref<64x128xf32, #tpu.memory_space<vmem>>) target(%dma_start3A_552 : memref<10032x128xf32, #tpu.memory_space<vmem_shared>>) offsets(%dma_start3A_549 : memref<64xi32, #tpu.memory_space<vmem>>) semaphore(%arg24 : memref<!tpu.dma_semaphore, #tpu.memory_space<semaphore_mem>>) {add = true}
    }
    %scan3A_101 = arith.constant 20 : i32
    %dma_wait3A_102 = arith.constant 0 : i32
    %dma_wait3A_103 = arith.constant 0 : i32
    %dma_wait3A_104 = tpu.memref_slice %arg7[%dma_wait3A_102, %dma_wait3A_103] : memref<80x64xi32, #tpu.memory_space<vmem>> -> memref<1x64xi32, #tpu.memory_space<vmem>>
    %dma_wait3A_105 = tpu.memref_squeeze %dma_wait3A_104 : memref<1x64xi32, #tpu.memory_space<vmem>> -> memref<64xi32, #tpu.memory_space<vmem>>
    %dma_wait3A_106 = arith.constant 0 : i32
    %dma_wait3A_107 = arith.constant 0 : i32
    %dma_wait3A_108 = tpu.memref_slice %arg16[%dma_wait3A_106, %dma_wait3A_107] : memref<10032x128xf32, #tpu.memory_space<vmem_shared>> -> memref<10032x128xf32, #tpu.memory_space<vmem_shared>>
    tpu.wait_indirect_dma semaphore(%arg21 : memref<!tpu.dma_semaphore, #tpu.memory_space<semaphore_mem>>) src(%arg12 : memref<64x128xf32, #tpu.memory_space<vmem>>) dst(%dma_wait3A_108 : memref<10032x128xf32, #tpu.memory_space<vmem_shared>>)
    %dma_wait3A_109 = arith.constant 0 : i32
    %dma_wait3A_110 = arith.constant 0 : i32
    %dma_wait3A_111 = tpu.memref_slice %arg7[%dma_wait3A_109, %dma_wait3A_110] : memref<80x64xi32, #tpu.memory_space<vmem>> -> memref<1x64xi32, #tpu.memory_space<vmem>>
    %dma_wait3A_112 = tpu.memref_squeeze %dma_wait3A_111 : memref<1x64xi32, #tpu.memory_space<vmem>> -> memref<64xi32, #tpu.memory_space<vmem>>
    %dma_wait3A_113 = arith.constant 0 : i32
    %dma_wait3A_114 = arith.constant 0 : i32
    %dma_wait3A_115 = tpu.memref_slice %arg16[%dma_wait3A_113, %dma_wait3A_114] : memref<10032x128xf32, #tpu.memory_space<vmem_shared>> -> memref<10032x128xf32, #tpu.memory_space<vmem_shared>>
    tpu.wait_indirect_dma semaphore(%arg22 : memref<!tpu.dma_semaphore, #tpu.memory_space<semaphore_mem>>) src(%arg13 : memref<64x128xf32, #tpu.memory_space<vmem>>) dst(%dma_wait3A_115 : memref<10032x128xf32, #tpu.memory_space<vmem_shared>>)
    %dma_wait3A_116 = arith.constant 0 : i32
    %dma_wait3A_117 = arith.constant 0 : i32
    %dma_wait3A_118 = tpu.memref_slice %arg7[%dma_wait3A_116, %dma_wait3A_117] : memref<80x64xi32, #tpu.memory_space<vmem>> -> memref<1x64xi32, #tpu.memory_space<vmem>>
    %dma_wait3A_119 = tpu.memref_squeeze %dma_wait3A_118 : memref<1x64xi32, #tpu.memory_space<vmem>> -> memref<64xi32, #tpu.memory_space<vmem>>
    %dma_wait3A_120 = arith.constant 0 : i32
    %dma_wait3A_121 = arith.constant 0 : i32
    %dma_wait3A_122 = tpu.memref_slice %arg16[%dma_wait3A_120, %dma_wait3A_121] : memref<10032x128xf32, #tpu.memory_space<vmem_shared>> -> memref<10032x128xf32, #tpu.memory_space<vmem_shared>>
    tpu.wait_indirect_dma semaphore(%arg23 : memref<!tpu.dma_semaphore, #tpu.memory_space<semaphore_mem>>) src(%arg14 : memref<64x128xf32, #tpu.memory_space<vmem>>) dst(%dma_wait3A_122 : memref<10032x128xf32, #tpu.memory_space<vmem_shared>>)
    %dma_wait3A_123 = arith.constant 0 : i32
    %dma_wait3A_124 = arith.constant 0 : i32
    %dma_wait3A_125 = tpu.memref_slice %arg7[%dma_wait3A_123, %dma_wait3A_124] : memref<80x64xi32, #tpu.memory_space<vmem>> -> memref<1x64xi32, #tpu.memory_space<vmem>>
    %dma_wait3A_126 = tpu.memref_squeeze %dma_wait3A_125 : memref<1x64xi32, #tpu.memory_space<vmem>> -> memref<64xi32, #tpu.memory_space<vmem>>
    %dma_wait3A_127 = arith.constant 0 : i32
    %dma_wait3A_128 = arith.constant 0 : i32
    %dma_wait3A_129 = tpu.memref_slice %arg16[%dma_wait3A_127, %dma_wait3A_128] : memref<10032x128xf32, #tpu.memory_space<vmem_shared>> -> memref<10032x128xf32, #tpu.memory_space<vmem_shared>>
    tpu.wait_indirect_dma semaphore(%arg24 : memref<!tpu.dma_semaphore, #tpu.memory_space<semaphore_mem>>) src(%arg15 : memref<64x128xf32, #tpu.memory_space<vmem>>) dst(%dma_wait3A_129 : memref<10032x128xf32, #tpu.memory_space<vmem_shared>>)
    %add3A_130 = arith.constant 160 : i32
    %add3A_131 = arith.addi %mul3A_55, %add3A_130 : i32
    %mul3A_132 = arith.constant 64 : i32
    %mul3A_133 = arith.muli %add3A_131, %mul3A_132 : i32
    "tpu.region"() ({
      %run_scoped3A = tpu.sem_alloc : memref<!tpu.dma_semaphore, #tpu.memory_space<semaphore_mem>>
      %dma_start3A = arith.constant 0 : i32
      %dma_start3A_262 = tpu.memref_slice %arg6[%dma_start3A] : memref<5120xi32, #tpu.memory_space<vmem>> -> memref<5120xi32, #tpu.memory_space<vmem>>
      %dma_start3A_263 = tpu.memref_slice %arg2[%mul3A_133] : memref<327680xi32, #tpu.memory_space<hbm>> -> memref<5120xi32, #tpu.memory_space<hbm>>
      %dma_start3A_264 = arith.constant 0 : i32
      %dma_start3A_265 = tpu.memref_slice %arg6[%dma_start3A_264] : memref<5120xi32, #tpu.memory_space<vmem>> -> memref<5120xi32, #tpu.memory_space<vmem>>
      %dma_start3A_266 = tpu.memref_slice %arg2[%mul3A_133] : memref<327680xi32, #tpu.memory_space<hbm>> -> memref<5120xi32, #tpu.memory_space<hbm>>
      tpu.enqueue_dma source(%dma_start3A_266 : memref<5120xi32, #tpu.memory_space<hbm>>) target(%dma_start3A_265 : memref<5120xi32, #tpu.memory_space<vmem>>) target_semaphore(%run_scoped3A : memref<!tpu.dma_semaphore, #tpu.memory_space<semaphore_mem>>)
      %dma_wait3A_267 = arith.constant 0 : i32
      %dma_wait3A_268 = tpu.memref_slice %arg6[%dma_wait3A_267] : memref<5120xi32, #tpu.memory_space<vmem>> -> memref<5120xi32, #tpu.memory_space<vmem>>
      %dma_wait3A_269 = tpu.memref_slice %arg2[%mul3A_133] : memref<327680xi32, #tpu.memory_space<hbm>> -> memref<5120xi32, #tpu.memory_space<hbm>>
      %dma_wait3A_270 = arith.constant 0 : i32
      %dma_wait3A_271 = tpu.memref_slice %arg6[%dma_wait3A_270] : memref<5120xi32, #tpu.memory_space<vmem>> -> memref<5120xi32, #tpu.memory_space<vmem>>
      %dma_wait3A_272 = tpu.memref_slice %arg2[%mul3A_133] : memref<327680xi32, #tpu.memory_space<hbm>> -> memref<5120xi32, #tpu.memory_space<hbm>>
      tpu.wait_dma2 semaphore(%run_scoped3A : memref<!tpu.dma_semaphore, #tpu.memory_space<semaphore_mem>>) src(%dma_wait3A_272 : memref<5120xi32, #tpu.memory_space<hbm>>) dst(%dma_wait3A_271 : memref<5120xi32, #tpu.memory_space<vmem>>)
      tpu.yield
    }) : () -> ()
    "tpu.region"() ({
      %run_scoped3A = tpu.sem_alloc : memref<!tpu.dma_semaphore, #tpu.memory_space<semaphore_mem>>
      %dma_start3A = arith.constant 0 : i32
      %dma_start3A_262 = arith.constant 0 : i32
      %dma_start3A_263 = tpu.memref_slice %arg7[%dma_start3A, %dma_start3A_262] : memref<80x64xi32, #tpu.memory_space<vmem>> -> memref<80x64xi32, #tpu.memory_space<vmem>>
      %dma_start3A_264 = arith.constant 0 : i32
      %dma_start3A_265 = tpu.memref_slice %arg3[%add3A_131, %dma_start3A_264] : memref<5120x64xi32, #tpu.memory_space<hbm>> -> memref<80x64xi32, #tpu.memory_space<hbm>>
      %dma_start3A_266 = arith.constant 0 : i32
      %dma_start3A_267 = arith.constant 0 : i32
      %dma_start3A_268 = tpu.memref_slice %arg7[%dma_start3A_266, %dma_start3A_267] : memref<80x64xi32, #tpu.memory_space<vmem>> -> memref<80x64xi32, #tpu.memory_space<vmem>>
      %dma_start3A_269 = arith.constant 0 : i32
      %dma_start3A_270 = tpu.memref_slice %arg3[%add3A_131, %dma_start3A_269] : memref<5120x64xi32, #tpu.memory_space<hbm>> -> memref<80x64xi32, #tpu.memory_space<hbm>>
      tpu.enqueue_dma source(%dma_start3A_270 : memref<80x64xi32, #tpu.memory_space<hbm>>) target(%dma_start3A_268 : memref<80x64xi32, #tpu.memory_space<vmem>>) target_semaphore(%run_scoped3A : memref<!tpu.dma_semaphore, #tpu.memory_space<semaphore_mem>>)
      %dma_wait3A_271 = arith.constant 0 : i32
      %dma_wait3A_272 = arith.constant 0 : i32
      %dma_wait3A_273 = tpu.memref_slice %arg7[%dma_wait3A_271, %dma_wait3A_272] : memref<80x64xi32, #tpu.memory_space<vmem>> -> memref<80x64xi32, #tpu.memory_space<vmem>>
      %dma_wait3A_274 = arith.constant 0 : i32
      %dma_wait3A_275 = tpu.memref_slice %arg3[%add3A_131, %dma_wait3A_274] : memref<5120x64xi32, #tpu.memory_space<hbm>> -> memref<80x64xi32, #tpu.memory_space<hbm>>
      %dma_wait3A_276 = arith.constant 0 : i32
      %dma_wait3A_277 = arith.constant 0 : i32
      %dma_wait3A_278 = tpu.memref_slice %arg7[%dma_wait3A_276, %dma_wait3A_277] : memref<80x64xi32, #tpu.memory_space<vmem>> -> memref<80x64xi32, #tpu.memory_space<vmem>>
      %dma_wait3A_279 = arith.constant 0 : i32
      %dma_wait3A_280 = tpu.memref_slice %arg3[%add3A_131, %dma_wait3A_279] : memref<5120x64xi32, #tpu.memory_space<hbm>> -> memref<80x64xi32, #tpu.memory_space<hbm>>
      tpu.wait_dma2 semaphore(%run_scoped3A : memref<!tpu.dma_semaphore, #tpu.memory_space<semaphore_mem>>) src(%dma_wait3A_280 : memref<80x64xi32, #tpu.memory_space<hbm>>) dst(%dma_wait3A_278 : memref<80x64xi32, #tpu.memory_space<vmem>>)
      tpu.yield
    }) : () -> ()
    %scan3A_134 = arith.constant 0 : i32
    %scan3A_135 = arith.constant 0 : i32
    %scan3A_136 = arith.constant 20 : i32
    %scan3A_137 = arith.addi %scan3A_135, %scan3A_136 : i32
    %scan3A_138 = arith.constant 1 : i32
    scf.for %scan3A_262 = %scan3A_135 to %scan3A_137 step %scan3A_138  : i32 {
      %mul3A_263 = arith.constant 4 : i32
      %mul3A_264 = arith.muli %scan3A_262, %mul3A_263 : i32
      %add3A_265 = arith.constant 0 : i32
      %add3A_266 = arith.addi %mul3A_264, %add3A_265 : i32
      %gt3A = arith.constant 0 : i32
      %gt3A_267 = arith.cmpi sgt, %scan3A_262, %gt3A : i32
      %convert_element_type3A_268 = arith.extui %gt3A_267 : i1 to i32
      %cond3A_269 = arith.constant 0 : i32
      %cond3A_270 = arith.cmpi ne, %convert_element_type3A_268, %cond3A_269 : i32
      scf.if %cond3A_270 {
        %dma_wait3A_553 = arith.constant 0 : i32
        %dma_wait3A_554 = tpu.memref_slice %arg7[%add3A_266, %dma_wait3A_553] : memref<80x64xi32, #tpu.memory_space<vmem>> -> memref<1x64xi32, #tpu.memory_space<vmem>>
        %dma_wait3A_555 = tpu.memref_squeeze %dma_wait3A_554 : memref<1x64xi32, #tpu.memory_space<vmem>> -> memref<64xi32, #tpu.memory_space<vmem>>
        %dma_wait3A_556 = arith.constant 0 : i32
        %dma_wait3A_557 = arith.constant 0 : i32
        %dma_wait3A_558 = tpu.memref_slice %arg16[%dma_wait3A_556, %dma_wait3A_557] : memref<10032x128xf32, #tpu.memory_space<vmem_shared>> -> memref<10032x128xf32, #tpu.memory_space<vmem_shared>>
        tpu.wait_indirect_dma semaphore(%arg21 : memref<!tpu.dma_semaphore, #tpu.memory_space<semaphore_mem>>) src(%arg12 : memref<64x128xf32, #tpu.memory_space<vmem>>) dst(%dma_wait3A_558 : memref<10032x128xf32, #tpu.memory_space<vmem_shared>>)
      } else {
      }
      %mul3A_271 = arith.constant 64 : i32
      %mul3A_272 = arith.muli %add3A_266, %mul3A_271 : i32
      %add3A_273 = arith.constant 0 : i32
      %add3A_274 = arith.addi %mul3A_272, %add3A_273 : i32
      %get3A = arith.index_cast %add3A_274 : i32 to index
      %get3A_275 = tpu.vector_load %arg6[%get3A] {strides = array<i32>} : memref<5120xi32, #tpu.memory_space<vmem>>, vector<16xi32>,
      %get3A_276 = vector.shape_cast %get3A_275 : vector<16xi32> to vector<16xi32>
      %add3A_277 = vector.broadcast %mul3A_0 : i32 to vector<16xi32>
      %add3A_278 = arith.addi %get3A_276, %add3A_277 : vector<16xi32>
      %swap3A = arith.constant 0 : index
      %swap3A_279 = tpu.vector_load %arg8[%swap3A] {strides = array<i32>} : memref<64xi32, #tpu.memory_space<vmem>>, vector<16xi32>,
      %swap3A_280 = vector.shape_cast %swap3A_279 : vector<16xi32> to vector<16xi32>
      %swap3A_281 = vector.shape_cast %add3A_278 : vector<16xi32> to vector<16xi32>
      tpu.vector_store %arg8[%swap3A], %swap3A_281 {strides = array<i32>} : memref<64xi32, #tpu.memory_space<vmem>>, vector<16xi32>,
      %mul3A_282 = arith.constant 64 : i32
      %mul3A_283 = arith.muli %add3A_266, %mul3A_282 : i32
      %add3A_284 = arith.constant 16 : i32
      %add3A_285 = arith.addi %mul3A_283, %add3A_284 : i32
      %get3A_286 = arith.index_cast %add3A_285 : i32 to index
      %get3A_287 = tpu.vector_load %arg6[%get3A_286] {strides = array<i32>} : memref<5120xi32, #tpu.memory_space<vmem>>, vector<16xi32>,
      %get3A_288 = vector.shape_cast %get3A_287 : vector<16xi32> to vector<16xi32>
      %add3A_289 = vector.broadcast %mul3A_0 : i32 to vector<16xi32>
      %add3A_290 = arith.addi %get3A_288, %add3A_289 : vector<16xi32>
      %swap3A_291 = arith.constant 16 : index
      %swap3A_292 = tpu.vector_load %arg8[%swap3A_291] {strides = array<i32>} : memref<64xi32, #tpu.memory_space<vmem>>, vector<16xi32>,
      %swap3A_293 = vector.shape_cast %swap3A_292 : vector<16xi32> to vector<16xi32>
      %swap3A_294 = vector.shape_cast %add3A_290 : vector<16xi32> to vector<16xi32>
      tpu.vector_store %arg8[%swap3A_291], %swap3A_294 {strides = array<i32>} : memref<64xi32, #tpu.memory_space<vmem>>, vector<16xi32>,
      %mul3A_295 = arith.constant 64 : i32
      %mul3A_296 = arith.muli %add3A_266, %mul3A_295 : i32
      %add3A_297 = arith.constant 32 : i32
      %add3A_298 = arith.addi %mul3A_296, %add3A_297 : i32
      %get3A_299 = arith.index_cast %add3A_298 : i32 to index
      %get3A_300 = tpu.vector_load %arg6[%get3A_299] {strides = array<i32>} : memref<5120xi32, #tpu.memory_space<vmem>>, vector<16xi32>,
      %get3A_301 = vector.shape_cast %get3A_300 : vector<16xi32> to vector<16xi32>
      %add3A_302 = vector.broadcast %mul3A_0 : i32 to vector<16xi32>
      %add3A_303 = arith.addi %get3A_301, %add3A_302 : vector<16xi32>
      %swap3A_304 = arith.constant 32 : index
      %swap3A_305 = tpu.vector_load %arg8[%swap3A_304] {strides = array<i32>} : memref<64xi32, #tpu.memory_space<vmem>>, vector<16xi32>,
      %swap3A_306 = vector.shape_cast %swap3A_305 : vector<16xi32> to vector<16xi32>
      %swap3A_307 = vector.shape_cast %add3A_303 : vector<16xi32> to vector<16xi32>
      tpu.vector_store %arg8[%swap3A_304], %swap3A_307 {strides = array<i32>} : memref<64xi32, #tpu.memory_space<vmem>>, vector<16xi32>,
      %mul3A_308 = arith.constant 64 : i32
      %mul3A_309 = arith.muli %add3A_266, %mul3A_308 : i32
      %add3A_310 = arith.constant 48 : i32
      %add3A_311 = arith.addi %mul3A_309, %add3A_310 : i32
      %get3A_312 = arith.index_cast %add3A_311 : i32 to index
      %get3A_313 = tpu.vector_load %arg6[%get3A_312] {strides = array<i32>} : memref<5120xi32, #tpu.memory_space<vmem>>, vector<16xi32>,
      %get3A_314 = vector.shape_cast %get3A_313 : vector<16xi32> to vector<16xi32>
      %add3A_315 = vector.broadcast %mul3A_0 : i32 to vector<16xi32>
      %add3A_316 = arith.addi %get3A_314, %add3A_315 : vector<16xi32>
      %swap3A_317 = arith.constant 48 : index
      %swap3A_318 = tpu.vector_load %arg8[%swap3A_317] {strides = array<i32>} : memref<64xi32, #tpu.memory_space<vmem>>, vector<16xi32>,
      %swap3A_319 = vector.shape_cast %swap3A_318 : vector<16xi32> to vector<16xi32>
      %swap3A_320 = vector.shape_cast %add3A_316 : vector<16xi32> to vector<16xi32>
      tpu.vector_store %arg8[%swap3A_317], %swap3A_320 {strides = array<i32>} : memref<64xi32, #tpu.memory_space<vmem>>, vector<16xi32>,
      %dma_start3A = arith.constant 0 : i32
      %dma_start3A_321 = arith.constant 0 : i32
      %dma_start3A_322 = tpu.memref_slice %arg4[%dma_start3A, %dma_start3A_321] : memref<20000x128xf32, #tpu.memory_space<hbm>> -> memref<20000x128xf32, #tpu.memory_space<hbm>>
      tpu.enqueue_indirect_dma source(%dma_start3A_322 : memref<20000x128xf32, #tpu.memory_space<hbm>>) target(%arg12 : memref<64x128xf32, #tpu.memory_space<vmem>>) offsets(%arg8 : memref<64xi32, #tpu.memory_space<vmem>>) semaphore(%arg17 : memref<!tpu.dma_semaphore, #tpu.memory_space<semaphore_mem>>)
      %add3A_323 = arith.constant 1 : i32
      %add3A_324 = arith.addi %mul3A_264, %add3A_323 : i32
      %gt3A_325 = arith.constant 0 : i32
      %gt3A_326 = arith.cmpi sgt, %scan3A_262, %gt3A_325 : i32
      %convert_element_type3A_327 = arith.extui %gt3A_326 : i1 to i32
      %cond3A_328 = arith.constant 0 : i32
      %cond3A_329 = arith.cmpi ne, %convert_element_type3A_327, %cond3A_328 : i32
      scf.if %cond3A_329 {
        %dma_wait3A_553 = arith.constant 0 : i32
        %dma_wait3A_554 = tpu.memref_slice %arg7[%add3A_324, %dma_wait3A_553] : memref<80x64xi32, #tpu.memory_space<vmem>> -> memref<1x64xi32, #tpu.memory_space<vmem>>
        %dma_wait3A_555 = tpu.memref_squeeze %dma_wait3A_554 : memref<1x64xi32, #tpu.memory_space<vmem>> -> memref<64xi32, #tpu.memory_space<vmem>>
        %dma_wait3A_556 = arith.constant 0 : i32
        %dma_wait3A_557 = arith.constant 0 : i32
        %dma_wait3A_558 = tpu.memref_slice %arg16[%dma_wait3A_556, %dma_wait3A_557] : memref<10032x128xf32, #tpu.memory_space<vmem_shared>> -> memref<10032x128xf32, #tpu.memory_space<vmem_shared>>
        tpu.wait_indirect_dma semaphore(%arg22 : memref<!tpu.dma_semaphore, #tpu.memory_space<semaphore_mem>>) src(%arg13 : memref<64x128xf32, #tpu.memory_space<vmem>>) dst(%dma_wait3A_558 : memref<10032x128xf32, #tpu.memory_space<vmem_shared>>)
      } else {
      }
      %mul3A_330 = arith.constant 64 : i32
      %mul3A_331 = arith.muli %add3A_324, %mul3A_330 : i32
      %add3A_332 = arith.constant 0 : i32
      %add3A_333 = arith.addi %mul3A_331, %add3A_332 : i32
      %get3A_334 = arith.index_cast %add3A_333 : i32 to index
      %get3A_335 = tpu.vector_load %arg6[%get3A_334] {strides = array<i32>} : memref<5120xi32, #tpu.memory_space<vmem>>, vector<16xi32>,
      %get3A_336 = vector.shape_cast %get3A_335 : vector<16xi32> to vector<16xi32>
      %add3A_337 = vector.broadcast %mul3A_0 : i32 to vector<16xi32>
      %add3A_338 = arith.addi %get3A_336, %add3A_337 : vector<16xi32>
      %swap3A_339 = arith.constant 0 : index
      %swap3A_340 = tpu.vector_load %arg9[%swap3A_339] {strides = array<i32>} : memref<64xi32, #tpu.memory_space<vmem>>, vector<16xi32>,
      %swap3A_341 = vector.shape_cast %swap3A_340 : vector<16xi32> to vector<16xi32>
      %swap3A_342 = vector.shape_cast %add3A_338 : vector<16xi32> to vector<16xi32>
      tpu.vector_store %arg9[%swap3A_339], %swap3A_342 {strides = array<i32>} : memref<64xi32, #tpu.memory_space<vmem>>, vector<16xi32>,
      %mul3A_343 = arith.constant 64 : i32
      %mul3A_344 = arith.muli %add3A_324, %mul3A_343 : i32
      %add3A_345 = arith.constant 16 : i32
      %add3A_346 = arith.addi %mul3A_344, %add3A_345 : i32
      %get3A_347 = arith.index_cast %add3A_346 : i32 to index
      %get3A_348 = tpu.vector_load %arg6[%get3A_347] {strides = array<i32>} : memref<5120xi32, #tpu.memory_space<vmem>>, vector<16xi32>,
      %get3A_349 = vector.shape_cast %get3A_348 : vector<16xi32> to vector<16xi32>
      %add3A_350 = vector.broadcast %mul3A_0 : i32 to vector<16xi32>
      %add3A_351 = arith.addi %get3A_349, %add3A_350 : vector<16xi32>
      %swap3A_352 = arith.constant 16 : index
      %swap3A_353 = tpu.vector_load %arg9[%swap3A_352] {strides = array<i32>} : memref<64xi32, #tpu.memory_space<vmem>>, vector<16xi32>,
      %swap3A_354 = vector.shape_cast %swap3A_353 : vector<16xi32> to vector<16xi32>
      %swap3A_355 = vector.shape_cast %add3A_351 : vector<16xi32> to vector<16xi32>
      tpu.vector_store %arg9[%swap3A_352], %swap3A_355 {strides = array<i32>} : memref<64xi32, #tpu.memory_space<vmem>>, vector<16xi32>,
      %mul3A_356 = arith.constant 64 : i32
      %mul3A_357 = arith.muli %add3A_324, %mul3A_356 : i32
      %add3A_358 = arith.constant 32 : i32
      %add3A_359 = arith.addi %mul3A_357, %add3A_358 : i32
      %get3A_360 = arith.index_cast %add3A_359 : i32 to index
      %get3A_361 = tpu.vector_load %arg6[%get3A_360] {strides = array<i32>} : memref<5120xi32, #tpu.memory_space<vmem>>, vector<16xi32>,
      %get3A_362 = vector.shape_cast %get3A_361 : vector<16xi32> to vector<16xi32>
      %add3A_363 = vector.broadcast %mul3A_0 : i32 to vector<16xi32>
      %add3A_364 = arith.addi %get3A_362, %add3A_363 : vector<16xi32>
      %swap3A_365 = arith.constant 32 : index
      %swap3A_366 = tpu.vector_load %arg9[%swap3A_365] {strides = array<i32>} : memref<64xi32, #tpu.memory_space<vmem>>, vector<16xi32>,
      %swap3A_367 = vector.shape_cast %swap3A_366 : vector<16xi32> to vector<16xi32>
      %swap3A_368 = vector.shape_cast %add3A_364 : vector<16xi32> to vector<16xi32>
      tpu.vector_store %arg9[%swap3A_365], %swap3A_368 {strides = array<i32>} : memref<64xi32, #tpu.memory_space<vmem>>, vector<16xi32>,
      %mul3A_369 = arith.constant 64 : i32
      %mul3A_370 = arith.muli %add3A_324, %mul3A_369 : i32
      %add3A_371 = arith.constant 48 : i32
      %add3A_372 = arith.addi %mul3A_370, %add3A_371 : i32
      %get3A_373 = arith.index_cast %add3A_372 : i32 to index
      %get3A_374 = tpu.vector_load %arg6[%get3A_373] {strides = array<i32>} : memref<5120xi32, #tpu.memory_space<vmem>>, vector<16xi32>,
      %get3A_375 = vector.shape_cast %get3A_374 : vector<16xi32> to vector<16xi32>
      %add3A_376 = vector.broadcast %mul3A_0 : i32 to vector<16xi32>
      %add3A_377 = arith.addi %get3A_375, %add3A_376 : vector<16xi32>
      %swap3A_378 = arith.constant 48 : index
      %swap3A_379 = tpu.vector_load %arg9[%swap3A_378] {strides = array<i32>} : memref<64xi32, #tpu.memory_space<vmem>>, vector<16xi32>,
      %swap3A_380 = vector.shape_cast %swap3A_379 : vector<16xi32> to vector<16xi32>
      %swap3A_381 = vector.shape_cast %add3A_377 : vector<16xi32> to vector<16xi32>
      tpu.vector_store %arg9[%swap3A_378], %swap3A_381 {strides = array<i32>} : memref<64xi32, #tpu.memory_space<vmem>>, vector<16xi32>,
      %dma_start3A_382 = arith.constant 0 : i32
      %dma_start3A_383 = arith.constant 0 : i32
      %dma_start3A_384 = tpu.memref_slice %arg4[%dma_start3A_382, %dma_start3A_383] : memref<20000x128xf32, #tpu.memory_space<hbm>> -> memref<20000x128xf32, #tpu.memory_space<hbm>>
      tpu.enqueue_indirect_dma source(%dma_start3A_384 : memref<20000x128xf32, #tpu.memory_space<hbm>>) target(%arg13 : memref<64x128xf32, #tpu.memory_space<vmem>>) offsets(%arg9 : memref<64xi32, #tpu.memory_space<vmem>>) semaphore(%arg18 : memref<!tpu.dma_semaphore, #tpu.memory_space<semaphore_mem>>)
      %add3A_385 = arith.constant 2 : i32
      %add3A_386 = arith.addi %mul3A_264, %add3A_385 : i32
      %gt3A_387 = arith.constant 0 : i32
      %gt3A_388 = arith.cmpi sgt, %scan3A_262, %gt3A_387 : i32
      %convert_element_type3A_389 = arith.extui %gt3A_388 : i1 to i32
      %cond3A_390 = arith.constant 0 : i32
      %cond3A_391 = arith.cmpi ne, %convert_element_type3A_389, %cond3A_390 : i32
      scf.if %cond3A_391 {
        %dma_wait3A_553 = arith.constant 0 : i32
        %dma_wait3A_554 = tpu.memref_slice %arg7[%add3A_386, %dma_wait3A_553] : memref<80x64xi32, #tpu.memory_space<vmem>> -> memref<1x64xi32, #tpu.memory_space<vmem>>
        %dma_wait3A_555 = tpu.memref_squeeze %dma_wait3A_554 : memref<1x64xi32, #tpu.memory_space<vmem>> -> memref<64xi32, #tpu.memory_space<vmem>>
        %dma_wait3A_556 = arith.constant 0 : i32
        %dma_wait3A_557 = arith.constant 0 : i32
        %dma_wait3A_558 = tpu.memref_slice %arg16[%dma_wait3A_556, %dma_wait3A_557] : memref<10032x128xf32, #tpu.memory_space<vmem_shared>> -> memref<10032x128xf32, #tpu.memory_space<vmem_shared>>
        tpu.wait_indirect_dma semaphore(%arg23 : memref<!tpu.dma_semaphore, #tpu.memory_space<semaphore_mem>>) src(%arg14 : memref<64x128xf32, #tpu.memory_space<vmem>>) dst(%dma_wait3A_558 : memref<10032x128xf32, #tpu.memory_space<vmem_shared>>)
      } else {
      }
      %mul3A_392 = arith.constant 64 : i32
      %mul3A_393 = arith.muli %add3A_386, %mul3A_392 : i32
      %add3A_394 = arith.constant 0 : i32
      %add3A_395 = arith.addi %mul3A_393, %add3A_394 : i32
      %get3A_396 = arith.index_cast %add3A_395 : i32 to index
      %get3A_397 = tpu.vector_load %arg6[%get3A_396] {strides = array<i32>} : memref<5120xi32, #tpu.memory_space<vmem>>, vector<16xi32>,
      %get3A_398 = vector.shape_cast %get3A_397 : vector<16xi32> to vector<16xi32>
      %add3A_399 = vector.broadcast %mul3A_0 : i32 to vector<16xi32>
      %add3A_400 = arith.addi %get3A_398, %add3A_399 : vector<16xi32>
      %swap3A_401 = arith.constant 0 : index
      %swap3A_402 = tpu.vector_load %arg10[%swap3A_401] {strides = array<i32>} : memref<64xi32, #tpu.memory_space<vmem>>, vector<16xi32>,
      %swap3A_403 = vector.shape_cast %swap3A_402 : vector<16xi32> to vector<16xi32>
      %swap3A_404 = vector.shape_cast %add3A_400 : vector<16xi32> to vector<16xi32>
      tpu.vector_store %arg10[%swap3A_401], %swap3A_404 {strides = array<i32>} : memref<64xi32, #tpu.memory_space<vmem>>, vector<16xi32>,
      %mul3A_405 = arith.constant 64 : i32
      %mul3A_406 = arith.muli %add3A_386, %mul3A_405 : i32
      %add3A_407 = arith.constant 16 : i32
      %add3A_408 = arith.addi %mul3A_406, %add3A_407 : i32
      %get3A_409 = arith.index_cast %add3A_408 : i32 to index
      %get3A_410 = tpu.vector_load %arg6[%get3A_409] {strides = array<i32>} : memref<5120xi32, #tpu.memory_space<vmem>>, vector<16xi32>,
      %get3A_411 = vector.shape_cast %get3A_410 : vector<16xi32> to vector<16xi32>
      %add3A_412 = vector.broadcast %mul3A_0 : i32 to vector<16xi32>
      %add3A_413 = arith.addi %get3A_411, %add3A_412 : vector<16xi32>
      %swap3A_414 = arith.constant 16 : index
      %swap3A_415 = tpu.vector_load %arg10[%swap3A_414] {strides = array<i32>} : memref<64xi32, #tpu.memory_space<vmem>>, vector<16xi32>,
      %swap3A_416 = vector.shape_cast %swap3A_415 : vector<16xi32> to vector<16xi32>
      %swap3A_417 = vector.shape_cast %add3A_413 : vector<16xi32> to vector<16xi32>
      tpu.vector_store %arg10[%swap3A_414], %swap3A_417 {strides = array<i32>} : memref<64xi32, #tpu.memory_space<vmem>>, vector<16xi32>,
      %mul3A_418 = arith.constant 64 : i32
      %mul3A_419 = arith.muli %add3A_386, %mul3A_418 : i32
      %add3A_420 = arith.constant 32 : i32
      %add3A_421 = arith.addi %mul3A_419, %add3A_420 : i32
      %get3A_422 = arith.index_cast %add3A_421 : i32 to index
      %get3A_423 = tpu.vector_load %arg6[%get3A_422] {strides = array<i32>} : memref<5120xi32, #tpu.memory_space<vmem>>, vector<16xi32>,
      %get3A_424 = vector.shape_cast %get3A_423 : vector<16xi32> to vector<16xi32>
      %add3A_425 = vector.broadcast %mul3A_0 : i32 to vector<16xi32>
      %add3A_426 = arith.addi %get3A_424, %add3A_425 : vector<16xi32>
      %swap3A_427 = arith.constant 32 : index
      %swap3A_428 = tpu.vector_load %arg10[%swap3A_427] {strides = array<i32>} : memref<64xi32, #tpu.memory_space<vmem>>, vector<16xi32>,
      %swap3A_429 = vector.shape_cast %swap3A_428 : vector<16xi32> to vector<16xi32>
      %swap3A_430 = vector.shape_cast %add3A_426 : vector<16xi32> to vector<16xi32>
      tpu.vector_store %arg10[%swap3A_427], %swap3A_430 {strides = array<i32>} : memref<64xi32, #tpu.memory_space<vmem>>, vector<16xi32>,
      %mul3A_431 = arith.constant 64 : i32
      %mul3A_432 = arith.muli %add3A_386, %mul3A_431 : i32
      %add3A_433 = arith.constant 48 : i32
      %add3A_434 = arith.addi %mul3A_432, %add3A_433 : i32
      %get3A_435 = arith.index_cast %add3A_434 : i32 to index
      %get3A_436 = tpu.vector_load %arg6[%get3A_435] {strides = array<i32>} : memref<5120xi32, #tpu.memory_space<vmem>>, vector<16xi32>,
      %get3A_437 = vector.shape_cast %get3A_436 : vector<16xi32> to vector<16xi32>
      %add3A_438 = vector.broadcast %mul3A_0 : i32 to vector<16xi32>
      %add3A_439 = arith.addi %get3A_437, %add3A_438 : vector<16xi32>
      %swap3A_440 = arith.constant 48 : index
      %swap3A_441 = tpu.vector_load %arg10[%swap3A_440] {strides = array<i32>} : memref<64xi32, #tpu.memory_space<vmem>>, vector<16xi32>,
      %swap3A_442 = vector.shape_cast %swap3A_441 : vector<16xi32> to vector<16xi32>
      %swap3A_443 = vector.shape_cast %add3A_439 : vector<16xi32> to vector<16xi32>
      tpu.vector_store %arg10[%swap3A_440], %swap3A_443 {strides = array<i32>} : memref<64xi32, #tpu.memory_space<vmem>>, vector<16xi32>,
      %dma_start3A_444 = arith.constant 0 : i32
      %dma_start3A_445 = arith.constant 0 : i32
      %dma_start3A_446 = tpu.memref_slice %arg4[%dma_start3A_444, %dma_start3A_445] : memref<20000x128xf32, #tpu.memory_space<hbm>> -> memref<20000x128xf32, #tpu.memory_space<hbm>>
      tpu.enqueue_indirect_dma source(%dma_start3A_446 : memref<20000x128xf32, #tpu.memory_space<hbm>>) target(%arg14 : memref<64x128xf32, #tpu.memory_space<vmem>>) offsets(%arg10 : memref<64xi32, #tpu.memory_space<vmem>>) semaphore(%arg19 : memref<!tpu.dma_semaphore, #tpu.memory_space<semaphore_mem>>)
      %add3A_447 = arith.constant 3 : i32
      %add3A_448 = arith.addi %mul3A_264, %add3A_447 : i32
      %gt3A_449 = arith.constant 0 : i32
      %gt3A_450 = arith.cmpi sgt, %scan3A_262, %gt3A_449 : i32
      %convert_element_type3A_451 = arith.extui %gt3A_450 : i1 to i32
      %cond3A_452 = arith.constant 0 : i32
      %cond3A_453 = arith.cmpi ne, %convert_element_type3A_451, %cond3A_452 : i32
      scf.if %cond3A_453 {
        %dma_wait3A_553 = arith.constant 0 : i32
        %dma_wait3A_554 = tpu.memref_slice %arg7[%add3A_448, %dma_wait3A_553] : memref<80x64xi32, #tpu.memory_space<vmem>> -> memref<1x64xi32, #tpu.memory_space<vmem>>
        %dma_wait3A_555 = tpu.memref_squeeze %dma_wait3A_554 : memref<1x64xi32, #tpu.memory_space<vmem>> -> memref<64xi32, #tpu.memory_space<vmem>>
        %dma_wait3A_556 = arith.constant 0 : i32
        %dma_wait3A_557 = arith.constant 0 : i32
        %dma_wait3A_558 = tpu.memref_slice %arg16[%dma_wait3A_556, %dma_wait3A_557] : memref<10032x128xf32, #tpu.memory_space<vmem_shared>> -> memref<10032x128xf32, #tpu.memory_space<vmem_shared>>
        tpu.wait_indirect_dma semaphore(%arg24 : memref<!tpu.dma_semaphore, #tpu.memory_space<semaphore_mem>>) src(%arg15 : memref<64x128xf32, #tpu.memory_space<vmem>>) dst(%dma_wait3A_558 : memref<10032x128xf32, #tpu.memory_space<vmem_shared>>)
      } else {
      }
      %mul3A_454 = arith.constant 64 : i32
      %mul3A_455 = arith.muli %add3A_448, %mul3A_454 : i32
      %add3A_456 = arith.constant 0 : i32
      %add3A_457 = arith.addi %mul3A_455, %add3A_456 : i32
      %get3A_458 = arith.index_cast %add3A_457 : i32 to index
      %get3A_459 = tpu.vector_load %arg6[%get3A_458] {strides = array<i32>} : memref<5120xi32, #tpu.memory_space<vmem>>, vector<16xi32>,
      %get3A_460 = vector.shape_cast %get3A_459 : vector<16xi32> to vector<16xi32>
      %add3A_461 = vector.broadcast %mul3A_0 : i32 to vector<16xi32>
      %add3A_462 = arith.addi %get3A_460, %add3A_461 : vector<16xi32>
      %swap3A_463 = arith.constant 0 : index
      %swap3A_464 = tpu.vector_load %arg11[%swap3A_463] {strides = array<i32>} : memref<64xi32, #tpu.memory_space<vmem>>, vector<16xi32>,
      %swap3A_465 = vector.shape_cast %swap3A_464 : vector<16xi32> to vector<16xi32>
      %swap3A_466 = vector.shape_cast %add3A_462 : vector<16xi32> to vector<16xi32>
      tpu.vector_store %arg11[%swap3A_463], %swap3A_466 {strides = array<i32>} : memref<64xi32, #tpu.memory_space<vmem>>, vector<16xi32>,
      %mul3A_467 = arith.constant 64 : i32
      %mul3A_468 = arith.muli %add3A_448, %mul3A_467 : i32
      %add3A_469 = arith.constant 16 : i32
      %add3A_470 = arith.addi %mul3A_468, %add3A_469 : i32
      %get3A_471 = arith.index_cast %add3A_470 : i32 to index
      %get3A_472 = tpu.vector_load %arg6[%get3A_471] {strides = array<i32>} : memref<5120xi32, #tpu.memory_space<vmem>>, vector<16xi32>,
      %get3A_473 = vector.shape_cast %get3A_472 : vector<16xi32> to vector<16xi32>
      %add3A_474 = vector.broadcast %mul3A_0 : i32 to vector<16xi32>
      %add3A_475 = arith.addi %get3A_473, %add3A_474 : vector<16xi32>
      %swap3A_476 = arith.constant 16 : index
      %swap3A_477 = tpu.vector_load %arg11[%swap3A_476] {strides = array<i32>} : memref<64xi32, #tpu.memory_space<vmem>>, vector<16xi32>,
      %swap3A_478 = vector.shape_cast %swap3A_477 : vector<16xi32> to vector<16xi32>
      %swap3A_479 = vector.shape_cast %add3A_475 : vector<16xi32> to vector<16xi32>
      tpu.vector_store %arg11[%swap3A_476], %swap3A_479 {strides = array<i32>} : memref<64xi32, #tpu.memory_space<vmem>>, vector<16xi32>,
      %mul3A_480 = arith.constant 64 : i32
      %mul3A_481 = arith.muli %add3A_448, %mul3A_480 : i32
      %add3A_482 = arith.constant 32 : i32
      %add3A_483 = arith.addi %mul3A_481, %add3A_482 : i32
      %get3A_484 = arith.index_cast %add3A_483 : i32 to index
      %get3A_485 = tpu.vector_load %arg6[%get3A_484] {strides = array<i32>} : memref<5120xi32, #tpu.memory_space<vmem>>, vector<16xi32>,
      %get3A_486 = vector.shape_cast %get3A_485 : vector<16xi32> to vector<16xi32>
      %add3A_487 = vector.broadcast %mul3A_0 : i32 to vector<16xi32>
      %add3A_488 = arith.addi %get3A_486, %add3A_487 : vector<16xi32>
      %swap3A_489 = arith.constant 32 : index
      %swap3A_490 = tpu.vector_load %arg11[%swap3A_489] {strides = array<i32>} : memref<64xi32, #tpu.memory_space<vmem>>, vector<16xi32>,
      %swap3A_491 = vector.shape_cast %swap3A_490 : vector<16xi32> to vector<16xi32>
      %swap3A_492 = vector.shape_cast %add3A_488 : vector<16xi32> to vector<16xi32>
      tpu.vector_store %arg11[%swap3A_489], %swap3A_492 {strides = array<i32>} : memref<64xi32, #tpu.memory_space<vmem>>, vector<16xi32>,
      %mul3A_493 = arith.constant 64 : i32
      %mul3A_494 = arith.muli %add3A_448, %mul3A_493 : i32
      %add3A_495 = arith.constant 48 : i32
      %add3A_496 = arith.addi %mul3A_494, %add3A_495 : i32
      %get3A_497 = arith.index_cast %add3A_496 : i32 to index
      %get3A_498 = tpu.vector_load %arg6[%get3A_497] {strides = array<i32>} : memref<5120xi32, #tpu.memory_space<vmem>>, vector<16xi32>,
      %get3A_499 = vector.shape_cast %get3A_498 : vector<16xi32> to vector<16xi32>
      %add3A_500 = vector.broadcast %mul3A_0 : i32 to vector<16xi32>
      %add3A_501 = arith.addi %get3A_499, %add3A_500 : vector<16xi32>
      %swap3A_502 = arith.constant 48 : index
      %swap3A_503 = tpu.vector_load %arg11[%swap3A_502] {strides = array<i32>} : memref<64xi32, #tpu.memory_space<vmem>>, vector<16xi32>,
      %swap3A_504 = vector.shape_cast %swap3A_503 : vector<16xi32> to vector<16xi32>
      %swap3A_505 = vector.shape_cast %add3A_501 : vector<16xi32> to vector<16xi32>
      tpu.vector_store %arg11[%swap3A_502], %swap3A_505 {strides = array<i32>} : memref<64xi32, #tpu.memory_space<vmem>>, vector<16xi32>,
      %dma_start3A_506 = arith.constant 0 : i32
      %dma_start3A_507 = arith.constant 0 : i32
      %dma_start3A_508 = tpu.memref_slice %arg4[%dma_start3A_506, %dma_start3A_507] : memref<20000x128xf32, #tpu.memory_space<hbm>> -> memref<20000x128xf32, #tpu.memory_space<hbm>>
      tpu.enqueue_indirect_dma source(%dma_start3A_508 : memref<20000x128xf32, #tpu.memory_space<hbm>>) target(%arg15 : memref<64x128xf32, #tpu.memory_space<vmem>>) offsets(%arg11 : memref<64xi32, #tpu.memory_space<vmem>>) semaphore(%arg20 : memref<!tpu.dma_semaphore, #tpu.memory_space<semaphore_mem>>)
      %add3A_509 = arith.constant 0 : i32
      %add3A_510 = arith.addi %mul3A_264, %add3A_509 : i32
      %dma_wait3A_511 = arith.constant 0 : i32
      %dma_wait3A_512 = arith.constant 0 : i32
      %dma_wait3A_513 = tpu.memref_slice %arg4[%dma_wait3A_511, %dma_wait3A_512] : memref<20000x128xf32, #tpu.memory_space<hbm>> -> memref<20000x128xf32, #tpu.memory_space<hbm>>
      tpu.wait_indirect_dma semaphore(%arg17 : memref<!tpu.dma_semaphore, #tpu.memory_space<semaphore_mem>>) src(%dma_wait3A_513 : memref<20000x128xf32, #tpu.memory_space<hbm>>) dst(%arg12 : memref<64x128xf32, #tpu.memory_space<vmem>>)
      %dma_start3A_514 = arith.constant 0 : i32
      %dma_start3A_515 = tpu.memref_slice %arg7[%add3A_510, %dma_start3A_514] : memref<80x64xi32, #tpu.memory_space<vmem>> -> memref<1x64xi32, #tpu.memory_space<vmem>>
      %dma_start3A_516 = tpu.memref_squeeze %dma_start3A_515 : memref<1x64xi32, #tpu.memory_space<vmem>> -> memref<64xi32, #tpu.memory_space<vmem>>
      %dma_start3A_517 = arith.constant 0 : i32
      %dma_start3A_518 = arith.constant 0 : i32
      %dma_start3A_519 = tpu.memref_slice %arg16[%dma_start3A_517, %dma_start3A_518] : memref<10032x128xf32, #tpu.memory_space<vmem_shared>> -> memref<10032x128xf32, #tpu.memory_space<vmem_shared>>
      tpu.enqueue_indirect_dma source(%arg12 : memref<64x128xf32, #tpu.memory_space<vmem>>) target(%dma_start3A_519 : memref<10032x128xf32, #tpu.memory_space<vmem_shared>>) offsets(%dma_start3A_516 : memref<64xi32, #tpu.memory_space<vmem>>) semaphore(%arg21 : memref<!tpu.dma_semaphore, #tpu.memory_space<semaphore_mem>>) {add = true}
      %add3A_520 = arith.constant 1 : i32
      %add3A_521 = arith.addi %mul3A_264, %add3A_520 : i32
      %dma_wait3A_522 = arith.constant 0 : i32
      %dma_wait3A_523 = arith.constant 0 : i32
      %dma_wait3A_524 = tpu.memref_slice %arg4[%dma_wait3A_522, %dma_wait3A_523] : memref<20000x128xf32, #tpu.memory_space<hbm>> -> memref<20000x128xf32, #tpu.memory_space<hbm>>
      tpu.wait_indirect_dma semaphore(%arg18 : memref<!tpu.dma_semaphore, #tpu.memory_space<semaphore_mem>>) src(%dma_wait3A_524 : memref<20000x128xf32, #tpu.memory_space<hbm>>) dst(%arg13 : memref<64x128xf32, #tpu.memory_space<vmem>>)
      %dma_start3A_525 = arith.constant 0 : i32
      %dma_start3A_526 = tpu.memref_slice %arg7[%add3A_521, %dma_start3A_525] : memref<80x64xi32, #tpu.memory_space<vmem>> -> memref<1x64xi32, #tpu.memory_space<vmem>>
      %dma_start3A_527 = tpu.memref_squeeze %dma_start3A_526 : memref<1x64xi32, #tpu.memory_space<vmem>> -> memref<64xi32, #tpu.memory_space<vmem>>
      %dma_start3A_528 = arith.constant 0 : i32
      %dma_start3A_529 = arith.constant 0 : i32
      %dma_start3A_530 = tpu.memref_slice %arg16[%dma_start3A_528, %dma_start3A_529] : memref<10032x128xf32, #tpu.memory_space<vmem_shared>> -> memref<10032x128xf32, #tpu.memory_space<vmem_shared>>
      tpu.enqueue_indirect_dma source(%arg13 : memref<64x128xf32, #tpu.memory_space<vmem>>) target(%dma_start3A_530 : memref<10032x128xf32, #tpu.memory_space<vmem_shared>>) offsets(%dma_start3A_527 : memref<64xi32, #tpu.memory_space<vmem>>) semaphore(%arg22 : memref<!tpu.dma_semaphore, #tpu.memory_space<semaphore_mem>>) {add = true}
      %add3A_531 = arith.constant 2 : i32
      %add3A_532 = arith.addi %mul3A_264, %add3A_531 : i32
      %dma_wait3A_533 = arith.constant 0 : i32
      %dma_wait3A_534 = arith.constant 0 : i32
      %dma_wait3A_535 = tpu.memref_slice %arg4[%dma_wait3A_533, %dma_wait3A_534] : memref<20000x128xf32, #tpu.memory_space<hbm>> -> memref<20000x128xf32, #tpu.memory_space<hbm>>
      tpu.wait_indirect_dma semaphore(%arg19 : memref<!tpu.dma_semaphore, #tpu.memory_space<semaphore_mem>>) src(%dma_wait3A_535 : memref<20000x128xf32, #tpu.memory_space<hbm>>) dst(%arg14 : memref<64x128xf32, #tpu.memory_space<vmem>>)
      %dma_start3A_536 = arith.constant 0 : i32
      %dma_start3A_537 = tpu.memref_slice %arg7[%add3A_532, %dma_start3A_536] : memref<80x64xi32, #tpu.memory_space<vmem>> -> memref<1x64xi32, #tpu.memory_space<vmem>>
      %dma_start3A_538 = tpu.memref_squeeze %dma_start3A_537 : memref<1x64xi32, #tpu.memory_space<vmem>> -> memref<64xi32, #tpu.memory_space<vmem>>
      %dma_start3A_539 = arith.constant 0 : i32
      %dma_start3A_540 = arith.constant 0 : i32
      %dma_start3A_541 = tpu.memref_slice %arg16[%dma_start3A_539, %dma_start3A_540] : memref<10032x128xf32, #tpu.memory_space<vmem_shared>> -> memref<10032x128xf32, #tpu.memory_space<vmem_shared>>
      tpu.enqueue_indirect_dma source(%arg14 : memref<64x128xf32, #tpu.memory_space<vmem>>) target(%dma_start3A_541 : memref<10032x128xf32, #tpu.memory_space<vmem_shared>>) offsets(%dma_start3A_538 : memref<64xi32, #tpu.memory_space<vmem>>) semaphore(%arg23 : memref<!tpu.dma_semaphore, #tpu.memory_space<semaphore_mem>>) {add = true}
      %add3A_542 = arith.constant 3 : i32
      %add3A_543 = arith.addi %mul3A_264, %add3A_542 : i32
      %dma_wait3A_544 = arith.constant 0 : i32
      %dma_wait3A_545 = arith.constant 0 : i32
      %dma_wait3A_546 = tpu.memref_slice %arg4[%dma_wait3A_544, %dma_wait3A_545] : memref<20000x128xf32, #tpu.memory_space<hbm>> -> memref<20000x128xf32, #tpu.memory_space<hbm>>
      tpu.wait_indirect_dma semaphore(%arg20 : memref<!tpu.dma_semaphore, #tpu.memory_space<semaphore_mem>>) src(%dma_wait3A_546 : memref<20000x128xf32, #tpu.memory_space<hbm>>) dst(%arg15 : memref<64x128xf32, #tpu.memory_space<vmem>>)
      %dma_start3A_547 = arith.constant 0 : i32
      %dma_start3A_548 = tpu.memref_slice %arg7[%add3A_543, %dma_start3A_547] : memref<80x64xi32, #tpu.memory_space<vmem>> -> memref<1x64xi32, #tpu.memory_space<vmem>>
      %dma_start3A_549 = tpu.memref_squeeze %dma_start3A_548 : memref<1x64xi32, #tpu.memory_space<vmem>> -> memref<64xi32, #tpu.memory_space<vmem>>
      %dma_start3A_550 = arith.constant 0 : i32
      %dma_start3A_551 = arith.constant 0 : i32
      %dma_start3A_552 = tpu.memref_slice %arg16[%dma_start3A_550, %dma_start3A_551] : memref<10032x128xf32, #tpu.memory_space<vmem_shared>> -> memref<10032x128xf32, #tpu.memory_space<vmem_shared>>
      tpu.enqueue_indirect_dma source(%arg15 : memref<64x128xf32, #tpu.memory_space<vmem>>) target(%dma_start3A_552 : memref<10032x128xf32, #tpu.memory_space<vmem_shared>>) offsets(%dma_start3A_549 : memref<64xi32, #tpu.memory_space<vmem>>) semaphore(%arg24 : memref<!tpu.dma_semaphore, #tpu.memory_space<semaphore_mem>>) {add = true}
    }
    %scan3A_139 = arith.constant 20 : i32
    %dma_wait3A_140 = arith.constant 0 : i32
    %dma_wait3A_141 = arith.constant 0 : i32
    %dma_wait3A_142 = tpu.memref_slice %arg7[%dma_wait3A_140, %dma_wait3A_141] : memref<80x64xi32, #tpu.memory_space<vmem>> -> memref<1x64xi32, #tpu.memory_space<vmem>>
    %dma_wait3A_143 = tpu.memref_squeeze %dma_wait3A_142 : memref<1x64xi32, #tpu.memory_space<vmem>> -> memref<64xi32, #tpu.memory_space<vmem>>
    %dma_wait3A_144 = arith.constant 0 : i32
    %dma_wait3A_145 = arith.constant 0 : i32
    %dma_wait3A_146 = tpu.memref_slice %arg16[%dma_wait3A_144, %dma_wait3A_145] : memref<10032x128xf32, #tpu.memory_space<vmem_shared>> -> memref<10032x128xf32, #tpu.memory_space<vmem_shared>>
    tpu.wait_indirect_dma semaphore(%arg21 : memref<!tpu.dma_semaphore, #tpu.memory_space<semaphore_mem>>) src(%arg12 : memref<64x128xf32, #tpu.memory_space<vmem>>) dst(%dma_wait3A_146 : memref<10032x128xf32, #tpu.memory_space<vmem_shared>>)
    %dma_wait3A_147 = arith.constant 0 : i32
    %dma_wait3A_148 = arith.constant 0 : i32
    %dma_wait3A_149 = tpu.memref_slice %arg7[%dma_wait3A_147, %dma_wait3A_148] : memref<80x64xi32, #tpu.memory_space<vmem>> -> memref<1x64xi32, #tpu.memory_space<vmem>>
    %dma_wait3A_150 = tpu.memref_squeeze %dma_wait3A_149 : memref<1x64xi32, #tpu.memory_space<vmem>> -> memref<64xi32, #tpu.memory_space<vmem>>
    %dma_wait3A_151 = arith.constant 0 : i32
    %dma_wait3A_152 = arith.constant 0 : i32
    %dma_wait3A_153 = tpu.memref_slice %arg16[%dma_wait3A_151, %dma_wait3A_152] : memref<10032x128xf32, #tpu.memory_space<vmem_shared>> -> memref<10032x128xf32, #tpu.memory_space<vmem_shared>>
    tpu.wait_indirect_dma semaphore(%arg22 : memref<!tpu.dma_semaphore, #tpu.memory_space<semaphore_mem>>) src(%arg13 : memref<64x128xf32, #tpu.memory_space<vmem>>) dst(%dma_wait3A_153 : memref<10032x128xf32, #tpu.memory_space<vmem_shared>>)
    %dma_wait3A_154 = arith.constant 0 : i32
    %dma_wait3A_155 = arith.constant 0 : i32
    %dma_wait3A_156 = tpu.memref_slice %arg7[%dma_wait3A_154, %dma_wait3A_155] : memref<80x64xi32, #tpu.memory_space<vmem>> -> memref<1x64xi32, #tpu.memory_space<vmem>>
    %dma_wait3A_157 = tpu.memref_squeeze %dma_wait3A_156 : memref<1x64xi32, #tpu.memory_space<vmem>> -> memref<64xi32, #tpu.memory_space<vmem>>
    %dma_wait3A_158 = arith.constant 0 : i32
    %dma_wait3A_159 = arith.constant 0 : i32
    %dma_wait3A_160 = tpu.memref_slice %arg16[%dma_wait3A_158, %dma_wait3A_159] : memref<10032x128xf32, #tpu.memory_space<vmem_shared>> -> memref<10032x128xf32, #tpu.memory_space<vmem_shared>>
    tpu.wait_indirect_dma semaphore(%arg23 : memref<!tpu.dma_semaphore, #tpu.memory_space<semaphore_mem>>) src(%arg14 : memref<64x128xf32, #tpu.memory_space<vmem>>) dst(%dma_wait3A_160 : memref<10032x128xf32, #tpu.memory_space<vmem_shared>>)
    %dma_wait3A_161 = arith.constant 0 : i32
    %dma_wait3A_162 = arith.constant 0 : i32
    %dma_wait3A_163 = tpu.memref_slice %arg7[%dma_wait3A_161, %dma_wait3A_162] : memref<80x64xi32, #tpu.memory_space<vmem>> -> memref<1x64xi32, #tpu.memory_space<vmem>>
    %dma_wait3A_164 = tpu.memref_squeeze %dma_wait3A_163 : memref<1x64xi32, #tpu.memory_space<vmem>> -> memref<64xi32, #tpu.memory_space<vmem>>
    %dma_wait3A_165 = arith.constant 0 : i32
    %dma_wait3A_166 = arith.constant 0 : i32
    %dma_wait3A_167 = tpu.memref_slice %arg16[%dma_wait3A_165, %dma_wait3A_166] : memref<10032x128xf32, #tpu.memory_space<vmem_shared>> -> memref<10032x128xf32, #tpu.memory_space<vmem_shared>>
    tpu.wait_indirect_dma semaphore(%arg24 : memref<!tpu.dma_semaphore, #tpu.memory_space<semaphore_mem>>) src(%arg15 : memref<64x128xf32, #tpu.memory_space<vmem>>) dst(%dma_wait3A_167 : memref<10032x128xf32, #tpu.memory_space<vmem_shared>>)
    %add3A_168 = arith.constant 240 : i32
    %add3A_169 = arith.addi %mul3A_55, %add3A_168 : i32
    %mul3A_170 = arith.constant 64 : i32
    %mul3A_171 = arith.muli %add3A_169, %mul3A_170 : i32
    "tpu.region"() ({
      %run_scoped3A = tpu.sem_alloc : memref<!tpu.dma_semaphore, #tpu.memory_space<semaphore_mem>>
      %dma_start3A = arith.constant 0 : i32
      %dma_start3A_262 = tpu.memref_slice %arg6[%dma_start3A] : memref<5120xi32, #tpu.memory_space<vmem>> -> memref<5120xi32, #tpu.memory_space<vmem>>
      %dma_start3A_263 = tpu.memref_slice %arg2[%mul3A_171] : memref<327680xi32, #tpu.memory_space<hbm>> -> memref<5120xi32, #tpu.memory_space<hbm>>
      %dma_start3A_264 = arith.constant 0 : i32
      %dma_start3A_265 = tpu.memref_slice %arg6[%dma_start3A_264] : memref<5120xi32, #tpu.memory_space<vmem>> -> memref<5120xi32, #tpu.memory_space<vmem>>
      %dma_start3A_266 = tpu.memref_slice %arg2[%mul3A_171] : memref<327680xi32, #tpu.memory_space<hbm>> -> memref<5120xi32, #tpu.memory_space<hbm>>
      tpu.enqueue_dma source(%dma_start3A_266 : memref<5120xi32, #tpu.memory_space<hbm>>) target(%dma_start3A_265 : memref<5120xi32, #tpu.memory_space<vmem>>) target_semaphore(%run_scoped3A : memref<!tpu.dma_semaphore, #tpu.memory_space<semaphore_mem>>)
      %dma_wait3A_267 = arith.constant 0 : i32
      %dma_wait3A_268 = tpu.memref_slice %arg6[%dma_wait3A_267] : memref<5120xi32, #tpu.memory_space<vmem>> -> memref<5120xi32, #tpu.memory_space<vmem>>
      %dma_wait3A_269 = tpu.memref_slice %arg2[%mul3A_171] : memref<327680xi32, #tpu.memory_space<hbm>> -> memref<5120xi32, #tpu.memory_space<hbm>>
      %dma_wait3A_270 = arith.constant 0 : i32
      %dma_wait3A_271 = tpu.memref_slice %arg6[%dma_wait3A_270] : memref<5120xi32, #tpu.memory_space<vmem>> -> memref<5120xi32, #tpu.memory_space<vmem>>
      %dma_wait3A_272 = tpu.memref_slice %arg2[%mul3A_171] : memref<327680xi32, #tpu.memory_space<hbm>> -> memref<5120xi32, #tpu.memory_space<hbm>>
      tpu.wait_dma2 semaphore(%run_scoped3A : memref<!tpu.dma_semaphore, #tpu.memory_space<semaphore_mem>>) src(%dma_wait3A_272 : memref<5120xi32, #tpu.memory_space<hbm>>) dst(%dma_wait3A_271 : memref<5120xi32, #tpu.memory_space<vmem>>)
      tpu.yield
    }) : () -> ()
    "tpu.region"() ({
      %run_scoped3A = tpu.sem_alloc : memref<!tpu.dma_semaphore, #tpu.memory_space<semaphore_mem>>
      %dma_start3A = arith.constant 0 : i32
      %dma_start3A_262 = arith.constant 0 : i32
      %dma_start3A_263 = tpu.memref_slice %arg7[%dma_start3A, %dma_start3A_262] : memref<80x64xi32, #tpu.memory_space<vmem>> -> memref<80x64xi32, #tpu.memory_space<vmem>>
      %dma_start3A_264 = arith.constant 0 : i32
      %dma_start3A_265 = tpu.memref_slice %arg3[%add3A_169, %dma_start3A_264] : memref<5120x64xi32, #tpu.memory_space<hbm>> -> memref<80x64xi32, #tpu.memory_space<hbm>>
      %dma_start3A_266 = arith.constant 0 : i32
      %dma_start3A_267 = arith.constant 0 : i32
      %dma_start3A_268 = tpu.memref_slice %arg7[%dma_start3A_266, %dma_start3A_267] : memref<80x64xi32, #tpu.memory_space<vmem>> -> memref<80x64xi32, #tpu.memory_space<vmem>>
      %dma_start3A_269 = arith.constant 0 : i32
      %dma_start3A_270 = tpu.memref_slice %arg3[%add3A_169, %dma_start3A_269] : memref<5120x64xi32, #tpu.memory_space<hbm>> -> memref<80x64xi32, #tpu.memory_space<hbm>>
      tpu.enqueue_dma source(%dma_start3A_270 : memref<80x64xi32, #tpu.memory_space<hbm>>) target(%dma_start3A_268 : memref<80x64xi32, #tpu.memory_space<vmem>>) target_semaphore(%run_scoped3A : memref<!tpu.dma_semaphore, #tpu.memory_space<semaphore_mem>>)
      %dma_wait3A_271 = arith.constant 0 : i32
      %dma_wait3A_272 = arith.constant 0 : i32
      %dma_wait3A_273 = tpu.memref_slice %arg7[%dma_wait3A_271, %dma_wait3A_272] : memref<80x64xi32, #tpu.memory_space<vmem>> -> memref<80x64xi32, #tpu.memory_space<vmem>>
      %dma_wait3A_274 = arith.constant 0 : i32
      %dma_wait3A_275 = tpu.memref_slice %arg3[%add3A_169, %dma_wait3A_274] : memref<5120x64xi32, #tpu.memory_space<hbm>> -> memref<80x64xi32, #tpu.memory_space<hbm>>
      %dma_wait3A_276 = arith.constant 0 : i32
      %dma_wait3A_277 = arith.constant 0 : i32
      %dma_wait3A_278 = tpu.memref_slice %arg7[%dma_wait3A_276, %dma_wait3A_277] : memref<80x64xi32, #tpu.memory_space<vmem>> -> memref<80x64xi32, #tpu.memory_space<vmem>>
      %dma_wait3A_279 = arith.constant 0 : i32
      %dma_wait3A_280 = tpu.memref_slice %arg3[%add3A_169, %dma_wait3A_279] : memref<5120x64xi32, #tpu.memory_space<hbm>> -> memref<80x64xi32, #tpu.memory_space<hbm>>
      tpu.wait_dma2 semaphore(%run_scoped3A : memref<!tpu.dma_semaphore, #tpu.memory_space<semaphore_mem>>) src(%dma_wait3A_280 : memref<80x64xi32, #tpu.memory_space<hbm>>) dst(%dma_wait3A_278 : memref<80x64xi32, #tpu.memory_space<vmem>>)
      tpu.yield
    }) : () -> ()
    %scan3A_172 = arith.constant 0 : i32
    %scan3A_173 = arith.constant 0 : i32
    %scan3A_174 = arith.constant 20 : i32
    %scan3A_175 = arith.addi %scan3A_173, %scan3A_174 : i32
    %scan3A_176 = arith.constant 1 : i32
    scf.for %scan3A_262 = %scan3A_173 to %scan3A_175 step %scan3A_176  : i32 {
      %mul3A_263 = arith.constant 4 : i32
      %mul3A_264 = arith.muli %scan3A_262, %mul3A_263 : i32
      %add3A_265 = arith.constant 0 : i32
      %add3A_266 = arith.addi %mul3A_264, %add3A_265 : i32
      %gt3A = arith.constant 0 : i32
      %gt3A_267 = arith.cmpi sgt, %scan3A_262, %gt3A : i32
      %convert_element_type3A_268 = arith.extui %gt3A_267 : i1 to i32
      %cond3A_269 = arith.constant 0 : i32
      %cond3A_270 = arith.cmpi ne, %convert_element_type3A_268, %cond3A_269 : i32
      scf.if %cond3A_270 {
        %dma_wait3A_553 = arith.constant 0 : i32
        %dma_wait3A_554 = tpu.memref_slice %arg7[%add3A_266, %dma_wait3A_553] : memref<80x64xi32, #tpu.memory_space<vmem>> -> memref<1x64xi32, #tpu.memory_space<vmem>>
        %dma_wait3A_555 = tpu.memref_squeeze %dma_wait3A_554 : memref<1x64xi32, #tpu.memory_space<vmem>> -> memref<64xi32, #tpu.memory_space<vmem>>
        %dma_wait3A_556 = arith.constant 0 : i32
        %dma_wait3A_557 = arith.constant 0 : i32
        %dma_wait3A_558 = tpu.memref_slice %arg16[%dma_wait3A_556, %dma_wait3A_557] : memref<10032x128xf32, #tpu.memory_space<vmem_shared>> -> memref<10032x128xf32, #tpu.memory_space<vmem_shared>>
        tpu.wait_indirect_dma semaphore(%arg21 : memref<!tpu.dma_semaphore, #tpu.memory_space<semaphore_mem>>) src(%arg12 : memref<64x128xf32, #tpu.memory_space<vmem>>) dst(%dma_wait3A_558 : memref<10032x128xf32, #tpu.memory_space<vmem_shared>>)
      } else {
      }
      %mul3A_271 = arith.constant 64 : i32
      %mul3A_272 = arith.muli %add3A_266, %mul3A_271 : i32
      %add3A_273 = arith.constant 0 : i32
      %add3A_274 = arith.addi %mul3A_272, %add3A_273 : i32
      %get3A = arith.index_cast %add3A_274 : i32 to index
      %get3A_275 = tpu.vector_load %arg6[%get3A] {strides = array<i32>} : memref<5120xi32, #tpu.memory_space<vmem>>, vector<16xi32>,
      %get3A_276 = vector.shape_cast %get3A_275 : vector<16xi32> to vector<16xi32>
      %add3A_277 = vector.broadcast %mul3A_0 : i32 to vector<16xi32>
      %add3A_278 = arith.addi %get3A_276, %add3A_277 : vector<16xi32>
      %swap3A = arith.constant 0 : index
      %swap3A_279 = tpu.vector_load %arg8[%swap3A] {strides = array<i32>} : memref<64xi32, #tpu.memory_space<vmem>>, vector<16xi32>,
      %swap3A_280 = vector.shape_cast %swap3A_279 : vector<16xi32> to vector<16xi32>
      %swap3A_281 = vector.shape_cast %add3A_278 : vector<16xi32> to vector<16xi32>
      tpu.vector_store %arg8[%swap3A], %swap3A_281 {strides = array<i32>} : memref<64xi32, #tpu.memory_space<vmem>>, vector<16xi32>,
      %mul3A_282 = arith.constant 64 : i32
      %mul3A_283 = arith.muli %add3A_266, %mul3A_282 : i32
      %add3A_284 = arith.constant 16 : i32
      %add3A_285 = arith.addi %mul3A_283, %add3A_284 : i32
      %get3A_286 = arith.index_cast %add3A_285 : i32 to index
      %get3A_287 = tpu.vector_load %arg6[%get3A_286] {strides = array<i32>} : memref<5120xi32, #tpu.memory_space<vmem>>, vector<16xi32>,
      %get3A_288 = vector.shape_cast %get3A_287 : vector<16xi32> to vector<16xi32>
      %add3A_289 = vector.broadcast %mul3A_0 : i32 to vector<16xi32>
      %add3A_290 = arith.addi %get3A_288, %add3A_289 : vector<16xi32>
      %swap3A_291 = arith.constant 16 : index
      %swap3A_292 = tpu.vector_load %arg8[%swap3A_291] {strides = array<i32>} : memref<64xi32, #tpu.memory_space<vmem>>, vector<16xi32>,
      %swap3A_293 = vector.shape_cast %swap3A_292 : vector<16xi32> to vector<16xi32>
      %swap3A_294 = vector.shape_cast %add3A_290 : vector<16xi32> to vector<16xi32>
      tpu.vector_store %arg8[%swap3A_291], %swap3A_294 {strides = array<i32>} : memref<64xi32, #tpu.memory_space<vmem>>, vector<16xi32>,
      %mul3A_295 = arith.constant 64 : i32
      %mul3A_296 = arith.muli %add3A_266, %mul3A_295 : i32
      %add3A_297 = arith.constant 32 : i32
      %add3A_298 = arith.addi %mul3A_296, %add3A_297 : i32
      %get3A_299 = arith.index_cast %add3A_298 : i32 to index
      %get3A_300 = tpu.vector_load %arg6[%get3A_299] {strides = array<i32>} : memref<5120xi32, #tpu.memory_space<vmem>>, vector<16xi32>,
      %get3A_301 = vector.shape_cast %get3A_300 : vector<16xi32> to vector<16xi32>
      %add3A_302 = vector.broadcast %mul3A_0 : i32 to vector<16xi32>
      %add3A_303 = arith.addi %get3A_301, %add3A_302 : vector<16xi32>
      %swap3A_304 = arith.constant 32 : index
      %swap3A_305 = tpu.vector_load %arg8[%swap3A_304] {strides = array<i32>} : memref<64xi32, #tpu.memory_space<vmem>>, vector<16xi32>,
      %swap3A_306 = vector.shape_cast %swap3A_305 : vector<16xi32> to vector<16xi32>
      %swap3A_307 = vector.shape_cast %add3A_303 : vector<16xi32> to vector<16xi32>
      tpu.vector_store %arg8[%swap3A_304], %swap3A_307 {strides = array<i32>} : memref<64xi32, #tpu.memory_space<vmem>>, vector<16xi32>,
      %mul3A_308 = arith.constant 64 : i32
      %mul3A_309 = arith.muli %add3A_266, %mul3A_308 : i32
      %add3A_310 = arith.constant 48 : i32
      %add3A_311 = arith.addi %mul3A_309, %add3A_310 : i32
      %get3A_312 = arith.index_cast %add3A_311 : i32 to index
      %get3A_313 = tpu.vector_load %arg6[%get3A_312] {strides = array<i32>} : memref<5120xi32, #tpu.memory_space<vmem>>, vector<16xi32>,
      %get3A_314 = vector.shape_cast %get3A_313 : vector<16xi32> to vector<16xi32>
      %add3A_315 = vector.broadcast %mul3A_0 : i32 to vector<16xi32>
      %add3A_316 = arith.addi %get3A_314, %add3A_315 : vector<16xi32>
      %swap3A_317 = arith.constant 48 : index
      %swap3A_318 = tpu.vector_load %arg8[%swap3A_317] {strides = array<i32>} : memref<64xi32, #tpu.memory_space<vmem>>, vector<16xi32>,
      %swap3A_319 = vector.shape_cast %swap3A_318 : vector<16xi32> to vector<16xi32>
      %swap3A_320 = vector.shape_cast %add3A_316 : vector<16xi32> to vector<16xi32>
      tpu.vector_store %arg8[%swap3A_317], %swap3A_320 {strides = array<i32>} : memref<64xi32, #tpu.memory_space<vmem>>, vector<16xi32>,
      %dma_start3A = arith.constant 0 : i32
      %dma_start3A_321 = arith.constant 0 : i32
      %dma_start3A_322 = tpu.memref_slice %arg4[%dma_start3A, %dma_start3A_321] : memref<20000x128xf32, #tpu.memory_space<hbm>> -> memref<20000x128xf32, #tpu.memory_space<hbm>>
      tpu.enqueue_indirect_dma source(%dma_start3A_322 : memref<20000x128xf32, #tpu.memory_space<hbm>>) target(%arg12 : memref<64x128xf32, #tpu.memory_space<vmem>>) offsets(%arg8 : memref<64xi32, #tpu.memory_space<vmem>>) semaphore(%arg17 : memref<!tpu.dma_semaphore, #tpu.memory_space<semaphore_mem>>)
      %add3A_323 = arith.constant 1 : i32
      %add3A_324 = arith.addi %mul3A_264, %add3A_323 : i32
      %gt3A_325 = arith.constant 0 : i32
      %gt3A_326 = arith.cmpi sgt, %scan3A_262, %gt3A_325 : i32
      %convert_element_type3A_327 = arith.extui %gt3A_326 : i1 to i32
      %cond3A_328 = arith.constant 0 : i32
      %cond3A_329 = arith.cmpi ne, %convert_element_type3A_327, %cond3A_328 : i32
      scf.if %cond3A_329 {
        %dma_wait3A_553 = arith.constant 0 : i32
        %dma_wait3A_554 = tpu.memref_slice %arg7[%add3A_324, %dma_wait3A_553] : memref<80x64xi32, #tpu.memory_space<vmem>> -> memref<1x64xi32, #tpu.memory_space<vmem>>
        %dma_wait3A_555 = tpu.memref_squeeze %dma_wait3A_554 : memref<1x64xi32, #tpu.memory_space<vmem>> -> memref<64xi32, #tpu.memory_space<vmem>>
        %dma_wait3A_556 = arith.constant 0 : i32
        %dma_wait3A_557 = arith.constant 0 : i32
        %dma_wait3A_558 = tpu.memref_slice %arg16[%dma_wait3A_556, %dma_wait3A_557] : memref<10032x128xf32, #tpu.memory_space<vmem_shared>> -> memref<10032x128xf32, #tpu.memory_space<vmem_shared>>
        tpu.wait_indirect_dma semaphore(%arg22 : memref<!tpu.dma_semaphore, #tpu.memory_space<semaphore_mem>>) src(%arg13 : memref<64x128xf32, #tpu.memory_space<vmem>>) dst(%dma_wait3A_558 : memref<10032x128xf32, #tpu.memory_space<vmem_shared>>)
      } else {
      }
      %mul3A_330 = arith.constant 64 : i32
      %mul3A_331 = arith.muli %add3A_324, %mul3A_330 : i32
      %add3A_332 = arith.constant 0 : i32
      %add3A_333 = arith.addi %mul3A_331, %add3A_332 : i32
      %get3A_334 = arith.index_cast %add3A_333 : i32 to index
      %get3A_335 = tpu.vector_load %arg6[%get3A_334] {strides = array<i32>} : memref<5120xi32, #tpu.memory_space<vmem>>, vector<16xi32>,
      %get3A_336 = vector.shape_cast %get3A_335 : vector<16xi32> to vector<16xi32>
      %add3A_337 = vector.broadcast %mul3A_0 : i32 to vector<16xi32>
      %add3A_338 = arith.addi %get3A_336, %add3A_337 : vector<16xi32>
      %swap3A_339 = arith.constant 0 : index
      %swap3A_340 = tpu.vector_load %arg9[%swap3A_339] {strides = array<i32>} : memref<64xi32, #tpu.memory_space<vmem>>, vector<16xi32>,
      %swap3A_341 = vector.shape_cast %swap3A_340 : vector<16xi32> to vector<16xi32>
      %swap3A_342 = vector.shape_cast %add3A_338 : vector<16xi32> to vector<16xi32>
      tpu.vector_store %arg9[%swap3A_339], %swap3A_342 {strides = array<i32>} : memref<64xi32, #tpu.memory_space<vmem>>, vector<16xi32>,
      %mul3A_343 = arith.constant 64 : i32
      %mul3A_344 = arith.muli %add3A_324, %mul3A_343 : i32
      %add3A_345 = arith.constant 16 : i32
      %add3A_346 = arith.addi %mul3A_344, %add3A_345 : i32
      %get3A_347 = arith.index_cast %add3A_346 : i32 to index
      %get3A_348 = tpu.vector_load %arg6[%get3A_347] {strides = array<i32>} : memref<5120xi32, #tpu.memory_space<vmem>>, vector<16xi32>,
      %get3A_349 = vector.shape_cast %get3A_348 : vector<16xi32> to vector<16xi32>
      %add3A_350 = vector.broadcast %mul3A_0 : i32 to vector<16xi32>
      %add3A_351 = arith.addi %get3A_349, %add3A_350 : vector<16xi32>
      %swap3A_352 = arith.constant 16 : index
      %swap3A_353 = tpu.vector_load %arg9[%swap3A_352] {strides = array<i32>} : memref<64xi32, #tpu.memory_space<vmem>>, vector<16xi32>,
      %swap3A_354 = vector.shape_cast %swap3A_353 : vector<16xi32> to vector<16xi32>
      %swap3A_355 = vector.shape_cast %add3A_351 : vector<16xi32> to vector<16xi32>
      tpu.vector_store %arg9[%swap3A_352], %swap3A_355 {strides = array<i32>} : memref<64xi32, #tpu.memory_space<vmem>>, vector<16xi32>,
      %mul3A_356 = arith.constant 64 : i32
      %mul3A_357 = arith.muli %add3A_324, %mul3A_356 : i32
      %add3A_358 = arith.constant 32 : i32
      %add3A_359 = arith.addi %mul3A_357, %add3A_358 : i32
      %get3A_360 = arith.index_cast %add3A_359 : i32 to index
      %get3A_361 = tpu.vector_load %arg6[%get3A_360] {strides = array<i32>} : memref<5120xi32, #tpu.memory_space<vmem>>, vector<16xi32>,
      %get3A_362 = vector.shape_cast %get3A_361 : vector<16xi32> to vector<16xi32>
      %add3A_363 = vector.broadcast %mul3A_0 : i32 to vector<16xi32>
      %add3A_364 = arith.addi %get3A_362, %add3A_363 : vector<16xi32>
      %swap3A_365 = arith.constant 32 : index
      %swap3A_366 = tpu.vector_load %arg9[%swap3A_365] {strides = array<i32>} : memref<64xi32, #tpu.memory_space<vmem>>, vector<16xi32>,
      %swap3A_367 = vector.shape_cast %swap3A_366 : vector<16xi32> to vector<16xi32>
      %swap3A_368 = vector.shape_cast %add3A_364 : vector<16xi32> to vector<16xi32>
      tpu.vector_store %arg9[%swap3A_365], %swap3A_368 {strides = array<i32>} : memref<64xi32, #tpu.memory_space<vmem>>, vector<16xi32>,
      %mul3A_369 = arith.constant 64 : i32
      %mul3A_370 = arith.muli %add3A_324, %mul3A_369 : i32
      %add3A_371 = arith.constant 48 : i32
      %add3A_372 = arith.addi %mul3A_370, %add3A_371 : i32
      %get3A_373 = arith.index_cast %add3A_372 : i32 to index
      %get3A_374 = tpu.vector_load %arg6[%get3A_373] {strides = array<i32>} : memref<5120xi32, #tpu.memory_space<vmem>>, vector<16xi32>,
      %get3A_375 = vector.shape_cast %get3A_374 : vector<16xi32> to vector<16xi32>
      %add3A_376 = vector.broadcast %mul3A_0 : i32 to vector<16xi32>
      %add3A_377 = arith.addi %get3A_375, %add3A_376 : vector<16xi32>
      %swap3A_378 = arith.constant 48 : index
      %swap3A_379 = tpu.vector_load %arg9[%swap3A_378] {strides = array<i32>} : memref<64xi32, #tpu.memory_space<vmem>>, vector<16xi32>,
      %swap3A_380 = vector.shape_cast %swap3A_379 : vector<16xi32> to vector<16xi32>
      %swap3A_381 = vector.shape_cast %add3A_377 : vector<16xi32> to vector<16xi32>
      tpu.vector_store %arg9[%swap3A_378], %swap3A_381 {strides = array<i32>} : memref<64xi32, #tpu.memory_space<vmem>>, vector<16xi32>,
      %dma_start3A_382 = arith.constant 0 : i32
      %dma_start3A_383 = arith.constant 0 : i32
      %dma_start3A_384 = tpu.memref_slice %arg4[%dma_start3A_382, %dma_start3A_383] : memref<20000x128xf32, #tpu.memory_space<hbm>> -> memref<20000x128xf32, #tpu.memory_space<hbm>>
      tpu.enqueue_indirect_dma source(%dma_start3A_384 : memref<20000x128xf32, #tpu.memory_space<hbm>>) target(%arg13 : memref<64x128xf32, #tpu.memory_space<vmem>>) offsets(%arg9 : memref<64xi32, #tpu.memory_space<vmem>>) semaphore(%arg18 : memref<!tpu.dma_semaphore, #tpu.memory_space<semaphore_mem>>)
      %add3A_385 = arith.constant 2 : i32
      %add3A_386 = arith.addi %mul3A_264, %add3A_385 : i32
      %gt3A_387 = arith.constant 0 : i32
      %gt3A_388 = arith.cmpi sgt, %scan3A_262, %gt3A_387 : i32
      %convert_element_type3A_389 = arith.extui %gt3A_388 : i1 to i32
      %cond3A_390 = arith.constant 0 : i32
      %cond3A_391 = arith.cmpi ne, %convert_element_type3A_389, %cond3A_390 : i32
      scf.if %cond3A_391 {
        %dma_wait3A_553 = arith.constant 0 : i32
        %dma_wait3A_554 = tpu.memref_slice %arg7[%add3A_386, %dma_wait3A_553] : memref<80x64xi32, #tpu.memory_space<vmem>> -> memref<1x64xi32, #tpu.memory_space<vmem>>
        %dma_wait3A_555 = tpu.memref_squeeze %dma_wait3A_554 : memref<1x64xi32, #tpu.memory_space<vmem>> -> memref<64xi32, #tpu.memory_space<vmem>>
        %dma_wait3A_556 = arith.constant 0 : i32
        %dma_wait3A_557 = arith.constant 0 : i32
        %dma_wait3A_558 = tpu.memref_slice %arg16[%dma_wait3A_556, %dma_wait3A_557] : memref<10032x128xf32, #tpu.memory_space<vmem_shared>> -> memref<10032x128xf32, #tpu.memory_space<vmem_shared>>
        tpu.wait_indirect_dma semaphore(%arg23 : memref<!tpu.dma_semaphore, #tpu.memory_space<semaphore_mem>>) src(%arg14 : memref<64x128xf32, #tpu.memory_space<vmem>>) dst(%dma_wait3A_558 : memref<10032x128xf32, #tpu.memory_space<vmem_shared>>)
      } else {
      }
      %mul3A_392 = arith.constant 64 : i32
      %mul3A_393 = arith.muli %add3A_386, %mul3A_392 : i32
      %add3A_394 = arith.constant 0 : i32
      %add3A_395 = arith.addi %mul3A_393, %add3A_394 : i32
      %get3A_396 = arith.index_cast %add3A_395 : i32 to index
      %get3A_397 = tpu.vector_load %arg6[%get3A_396] {strides = array<i32>} : memref<5120xi32, #tpu.memory_space<vmem>>, vector<16xi32>,
      %get3A_398 = vector.shape_cast %get3A_397 : vector<16xi32> to vector<16xi32>
      %add3A_399 = vector.broadcast %mul3A_0 : i32 to vector<16xi32>
      %add3A_400 = arith.addi %get3A_398, %add3A_399 : vector<16xi32>
      %swap3A_401 = arith.constant 0 : index
      %swap3A_402 = tpu.vector_load %arg10[%swap3A_401] {strides = array<i32>} : memref<64xi32, #tpu.memory_space<vmem>>, vector<16xi32>,
      %swap3A_403 = vector.shape_cast %swap3A_402 : vector<16xi32> to vector<16xi32>
      %swap3A_404 = vector.shape_cast %add3A_400 : vector<16xi32> to vector<16xi32>
      tpu.vector_store %arg10[%swap3A_401], %swap3A_404 {strides = array<i32>} : memref<64xi32, #tpu.memory_space<vmem>>, vector<16xi32>,
      %mul3A_405 = arith.constant 64 : i32
      %mul3A_406 = arith.muli %add3A_386, %mul3A_405 : i32
      %add3A_407 = arith.constant 16 : i32
      %add3A_408 = arith.addi %mul3A_406, %add3A_407 : i32
      %get3A_409 = arith.index_cast %add3A_408 : i32 to index
      %get3A_410 = tpu.vector_load %arg6[%get3A_409] {strides = array<i32>} : memref<5120xi32, #tpu.memory_space<vmem>>, vector<16xi32>,
      %get3A_411 = vector.shape_cast %get3A_410 : vector<16xi32> to vector<16xi32>
      %add3A_412 = vector.broadcast %mul3A_0 : i32 to vector<16xi32>
      %add3A_413 = arith.addi %get3A_411, %add3A_412 : vector<16xi32>
      %swap3A_414 = arith.constant 16 : index
      %swap3A_415 = tpu.vector_load %arg10[%swap3A_414] {strides = array<i32>} : memref<64xi32, #tpu.memory_space<vmem>>, vector<16xi32>,
      %swap3A_416 = vector.shape_cast %swap3A_415 : vector<16xi32> to vector<16xi32>
      %swap3A_417 = vector.shape_cast %add3A_413 : vector<16xi32> to vector<16xi32>
      tpu.vector_store %arg10[%swap3A_414], %swap3A_417 {strides = array<i32>} : memref<64xi32, #tpu.memory_space<vmem>>, vector<16xi32>,
      %mul3A_418 = arith.constant 64 : i32
      %mul3A_419 = arith.muli %add3A_386, %mul3A_418 : i32
      %add3A_420 = arith.constant 32 : i32
      %add3A_421 = arith.addi %mul3A_419, %add3A_420 : i32
      %get3A_422 = arith.index_cast %add3A_421 : i32 to index
      %get3A_423 = tpu.vector_load %arg6[%get3A_422] {strides = array<i32>} : memref<5120xi32, #tpu.memory_space<vmem>>, vector<16xi32>,
      %get3A_424 = vector.shape_cast %get3A_423 : vector<16xi32> to vector<16xi32>
      %add3A_425 = vector.broadcast %mul3A_0 : i32 to vector<16xi32>
      %add3A_426 = arith.addi %get3A_424, %add3A_425 : vector<16xi32>
      %swap3A_427 = arith.constant 32 : index
      %swap3A_428 = tpu.vector_load %arg10[%swap3A_427] {strides = array<i32>} : memref<64xi32, #tpu.memory_space<vmem>>, vector<16xi32>,
      %swap3A_429 = vector.shape_cast %swap3A_428 : vector<16xi32> to vector<16xi32>
      %swap3A_430 = vector.shape_cast %add3A_426 : vector<16xi32> to vector<16xi32>
      tpu.vector_store %arg10[%swap3A_427], %swap3A_430 {strides = array<i32>} : memref<64xi32, #tpu.memory_space<vmem>>, vector<16xi32>,
      %mul3A_431 = arith.constant 64 : i32
      %mul3A_432 = arith.muli %add3A_386, %mul3A_431 : i32
      %add3A_433 = arith.constant 48 : i32
      %add3A_434 = arith.addi %mul3A_432, %add3A_433 : i32
      %get3A_435 = arith.index_cast %add3A_434 : i32 to index
      %get3A_436 = tpu.vector_load %arg6[%get3A_435] {strides = array<i32>} : memref<5120xi32, #tpu.memory_space<vmem>>, vector<16xi32>,
      %get3A_437 = vector.shape_cast %get3A_436 : vector<16xi32> to vector<16xi32>
      %add3A_438 = vector.broadcast %mul3A_0 : i32 to vector<16xi32>
      %add3A_439 = arith.addi %get3A_437, %add3A_438 : vector<16xi32>
      %swap3A_440 = arith.constant 48 : index
      %swap3A_441 = tpu.vector_load %arg10[%swap3A_440] {strides = array<i32>} : memref<64xi32, #tpu.memory_space<vmem>>, vector<16xi32>,
      %swap3A_442 = vector.shape_cast %swap3A_441 : vector<16xi32> to vector<16xi32>
      %swap3A_443 = vector.shape_cast %add3A_439 : vector<16xi32> to vector<16xi32>
      tpu.vector_store %arg10[%swap3A_440], %swap3A_443 {strides = array<i32>} : memref<64xi32, #tpu.memory_space<vmem>>, vector<16xi32>,
      %dma_start3A_444 = arith.constant 0 : i32
      %dma_start3A_445 = arith.constant 0 : i32
      %dma_start3A_446 = tpu.memref_slice %arg4[%dma_start3A_444, %dma_start3A_445] : memref<20000x128xf32, #tpu.memory_space<hbm>> -> memref<20000x128xf32, #tpu.memory_space<hbm>>
      tpu.enqueue_indirect_dma source(%dma_start3A_446 : memref<20000x128xf32, #tpu.memory_space<hbm>>) target(%arg14 : memref<64x128xf32, #tpu.memory_space<vmem>>) offsets(%arg10 : memref<64xi32, #tpu.memory_space<vmem>>) semaphore(%arg19 : memref<!tpu.dma_semaphore, #tpu.memory_space<semaphore_mem>>)
      %add3A_447 = arith.constant 3 : i32
      %add3A_448 = arith.addi %mul3A_264, %add3A_447 : i32
      %gt3A_449 = arith.constant 0 : i32
      %gt3A_450 = arith.cmpi sgt, %scan3A_262, %gt3A_449 : i32
      %convert_element_type3A_451 = arith.extui %gt3A_450 : i1 to i32
      %cond3A_452 = arith.constant 0 : i32
      %cond3A_453 = arith.cmpi ne, %convert_element_type3A_451, %cond3A_452 : i32
      scf.if %cond3A_453 {
        %dma_wait3A_553 = arith.constant 0 : i32
        %dma_wait3A_554 = tpu.memref_slice %arg7[%add3A_448, %dma_wait3A_553] : memref<80x64xi32, #tpu.memory_space<vmem>> -> memref<1x64xi32, #tpu.memory_space<vmem>>
        %dma_wait3A_555 = tpu.memref_squeeze %dma_wait3A_554 : memref<1x64xi32, #tpu.memory_space<vmem>> -> memref<64xi32, #tpu.memory_space<vmem>>
        %dma_wait3A_556 = arith.constant 0 : i32
        %dma_wait3A_557 = arith.constant 0 : i32
        %dma_wait3A_558 = tpu.memref_slice %arg16[%dma_wait3A_556, %dma_wait3A_557] : memref<10032x128xf32, #tpu.memory_space<vmem_shared>> -> memref<10032x128xf32, #tpu.memory_space<vmem_shared>>
        tpu.wait_indirect_dma semaphore(%arg24 : memref<!tpu.dma_semaphore, #tpu.memory_space<semaphore_mem>>) src(%arg15 : memref<64x128xf32, #tpu.memory_space<vmem>>) dst(%dma_wait3A_558 : memref<10032x128xf32, #tpu.memory_space<vmem_shared>>)
      } else {
      }
      %mul3A_454 = arith.constant 64 : i32
      %mul3A_455 = arith.muli %add3A_448, %mul3A_454 : i32
      %add3A_456 = arith.constant 0 : i32
      %add3A_457 = arith.addi %mul3A_455, %add3A_456 : i32
      %get3A_458 = arith.index_cast %add3A_457 : i32 to index
      %get3A_459 = tpu.vector_load %arg6[%get3A_458] {strides = array<i32>} : memref<5120xi32, #tpu.memory_space<vmem>>, vector<16xi32>,
      %get3A_460 = vector.shape_cast %get3A_459 : vector<16xi32> to vector<16xi32>
      %add3A_461 = vector.broadcast %mul3A_0 : i32 to vector<16xi32>
      %add3A_462 = arith.addi %get3A_460, %add3A_461 : vector<16xi32>
      %swap3A_463 = arith.constant 0 : index
      %swap3A_464 = tpu.vector_load %arg11[%swap3A_463] {strides = array<i32>} : memref<64xi32, #tpu.memory_space<vmem>>, vector<16xi32>,
      %swap3A_465 = vector.shape_cast %swap3A_464 : vector<16xi32> to vector<16xi32>
      %swap3A_466 = vector.shape_cast %add3A_462 : vector<16xi32> to vector<16xi32>
      tpu.vector_store %arg11[%swap3A_463], %swap3A_466 {strides = array<i32>} : memref<64xi32, #tpu.memory_space<vmem>>, vector<16xi32>,
      %mul3A_467 = arith.constant 64 : i32
      %mul3A_468 = arith.muli %add3A_448, %mul3A_467 : i32
      %add3A_469 = arith.constant 16 : i32
      %add3A_470 = arith.addi %mul3A_468, %add3A_469 : i32
      %get3A_471 = arith.index_cast %add3A_470 : i32 to index
      %get3A_472 = tpu.vector_load %arg6[%get3A_471] {strides = array<i32>} : memref<5120xi32, #tpu.memory_space<vmem>>, vector<16xi32>,
      %get3A_473 = vector.shape_cast %get3A_472 : vector<16xi32> to vector<16xi32>
      %add3A_474 = vector.broadcast %mul3A_0 : i32 to vector<16xi32>
      %add3A_475 = arith.addi %get3A_473, %add3A_474 : vector<16xi32>
      %swap3A_476 = arith.constant 16 : index
      %swap3A_477 = tpu.vector_load %arg11[%swap3A_476] {strides = array<i32>} : memref<64xi32, #tpu.memory_space<vmem>>, vector<16xi32>,
      %swap3A_478 = vector.shape_cast %swap3A_477 : vector<16xi32> to vector<16xi32>
      %swap3A_479 = vector.shape_cast %add3A_475 : vector<16xi32> to vector<16xi32>
      tpu.vector_store %arg11[%swap3A_476], %swap3A_479 {strides = array<i32>} : memref<64xi32, #tpu.memory_space<vmem>>, vector<16xi32>,
      %mul3A_480 = arith.constant 64 : i32
      %mul3A_481 = arith.muli %add3A_448, %mul3A_480 : i32
      %add3A_482 = arith.constant 32 : i32
      %add3A_483 = arith.addi %mul3A_481, %add3A_482 : i32
      %get3A_484 = arith.index_cast %add3A_483 : i32 to index
      %get3A_485 = tpu.vector_load %arg6[%get3A_484] {strides = array<i32>} : memref<5120xi32, #tpu.memory_space<vmem>>, vector<16xi32>,
      %get3A_486 = vector.shape_cast %get3A_485 : vector<16xi32> to vector<16xi32>
      %add3A_487 = vector.broadcast %mul3A_0 : i32 to vector<16xi32>
      %add3A_488 = arith.addi %get3A_486, %add3A_487 : vector<16xi32>
      %swap3A_489 = arith.constant 32 : index
      %swap3A_490 = tpu.vector_load %arg11[%swap3A_489] {strides = array<i32>} : memref<64xi32, #tpu.memory_space<vmem>>, vector<16xi32>,
      %swap3A_491 = vector.shape_cast %swap3A_490 : vector<16xi32> to vector<16xi32>
      %swap3A_492 = vector.shape_cast %add3A_488 : vector<16xi32> to vector<16xi32>
      tpu.vector_store %arg11[%swap3A_489], %swap3A_492 {strides = array<i32>} : memref<64xi32, #tpu.memory_space<vmem>>, vector<16xi32>,
      %mul3A_493 = arith.constant 64 : i32
      %mul3A_494 = arith.muli %add3A_448, %mul3A_493 : i32
      %add3A_495 = arith.constant 48 : i32
      %add3A_496 = arith.addi %mul3A_494, %add3A_495 : i32
      %get3A_497 = arith.index_cast %add3A_496 : i32 to index
      %get3A_498 = tpu.vector_load %arg6[%get3A_497] {strides = array<i32>} : memref<5120xi32, #tpu.memory_space<vmem>>, vector<16xi32>,
      %get3A_499 = vector.shape_cast %get3A_498 : vector<16xi32> to vector<16xi32>
      %add3A_500 = vector.broadcast %mul3A_0 : i32 to vector<16xi32>
      %add3A_501 = arith.addi %get3A_499, %add3A_500 : vector<16xi32>
      %swap3A_502 = arith.constant 48 : index
      %swap3A_503 = tpu.vector_load %arg11[%swap3A_502] {strides = array<i32>} : memref<64xi32, #tpu.memory_space<vmem>>, vector<16xi32>,
      %swap3A_504 = vector.shape_cast %swap3A_503 : vector<16xi32> to vector<16xi32>
      %swap3A_505 = vector.shape_cast %add3A_501 : vector<16xi32> to vector<16xi32>
      tpu.vector_store %arg11[%swap3A_502], %swap3A_505 {strides = array<i32>} : memref<64xi32, #tpu.memory_space<vmem>>, vector<16xi32>,
      %dma_start3A_506 = arith.constant 0 : i32
      %dma_start3A_507 = arith.constant 0 : i32
      %dma_start3A_508 = tpu.memref_slice %arg4[%dma_start3A_506, %dma_start3A_507] : memref<20000x128xf32, #tpu.memory_space<hbm>> -> memref<20000x128xf32, #tpu.memory_space<hbm>>
      tpu.enqueue_indirect_dma source(%dma_start3A_508 : memref<20000x128xf32, #tpu.memory_space<hbm>>) target(%arg15 : memref<64x128xf32, #tpu.memory_space<vmem>>) offsets(%arg11 : memref<64xi32, #tpu.memory_space<vmem>>) semaphore(%arg20 : memref<!tpu.dma_semaphore, #tpu.memory_space<semaphore_mem>>)
      %add3A_509 = arith.constant 0 : i32
      %add3A_510 = arith.addi %mul3A_264, %add3A_509 : i32
      %dma_wait3A_511 = arith.constant 0 : i32
      %dma_wait3A_512 = arith.constant 0 : i32
      %dma_wait3A_513 = tpu.memref_slice %arg4[%dma_wait3A_511, %dma_wait3A_512] : memref<20000x128xf32, #tpu.memory_space<hbm>> -> memref<20000x128xf32, #tpu.memory_space<hbm>>
      tpu.wait_indirect_dma semaphore(%arg17 : memref<!tpu.dma_semaphore, #tpu.memory_space<semaphore_mem>>) src(%dma_wait3A_513 : memref<20000x128xf32, #tpu.memory_space<hbm>>) dst(%arg12 : memref<64x128xf32, #tpu.memory_space<vmem>>)
      %dma_start3A_514 = arith.constant 0 : i32
      %dma_start3A_515 = tpu.memref_slice %arg7[%add3A_510, %dma_start3A_514] : memref<80x64xi32, #tpu.memory_space<vmem>> -> memref<1x64xi32, #tpu.memory_space<vmem>>
      %dma_start3A_516 = tpu.memref_squeeze %dma_start3A_515 : memref<1x64xi32, #tpu.memory_space<vmem>> -> memref<64xi32, #tpu.memory_space<vmem>>
      %dma_start3A_517 = arith.constant 0 : i32
      %dma_start3A_518 = arith.constant 0 : i32
      %dma_start3A_519 = tpu.memref_slice %arg16[%dma_start3A_517, %dma_start3A_518] : memref<10032x128xf32, #tpu.memory_space<vmem_shared>> -> memref<10032x128xf32, #tpu.memory_space<vmem_shared>>
      tpu.enqueue_indirect_dma source(%arg12 : memref<64x128xf32, #tpu.memory_space<vmem>>) target(%dma_start3A_519 : memref<10032x128xf32, #tpu.memory_space<vmem_shared>>) offsets(%dma_start3A_516 : memref<64xi32, #tpu.memory_space<vmem>>) semaphore(%arg21 : memref<!tpu.dma_semaphore, #tpu.memory_space<semaphore_mem>>) {add = true}
      %add3A_520 = arith.constant 1 : i32
      %add3A_521 = arith.addi %mul3A_264, %add3A_520 : i32
      %dma_wait3A_522 = arith.constant 0 : i32
      %dma_wait3A_523 = arith.constant 0 : i32
      %dma_wait3A_524 = tpu.memref_slice %arg4[%dma_wait3A_522, %dma_wait3A_523] : memref<20000x128xf32, #tpu.memory_space<hbm>> -> memref<20000x128xf32, #tpu.memory_space<hbm>>
      tpu.wait_indirect_dma semaphore(%arg18 : memref<!tpu.dma_semaphore, #tpu.memory_space<semaphore_mem>>) src(%dma_wait3A_524 : memref<20000x128xf32, #tpu.memory_space<hbm>>) dst(%arg13 : memref<64x128xf32, #tpu.memory_space<vmem>>)
      %dma_start3A_525 = arith.constant 0 : i32
      %dma_start3A_526 = tpu.memref_slice %arg7[%add3A_521, %dma_start3A_525] : memref<80x64xi32, #tpu.memory_space<vmem>> -> memref<1x64xi32, #tpu.memory_space<vmem>>
      %dma_start3A_527 = tpu.memref_squeeze %dma_start3A_526 : memref<1x64xi32, #tpu.memory_space<vmem>> -> memref<64xi32, #tpu.memory_space<vmem>>
      %dma_start3A_528 = arith.constant 0 : i32
      %dma_start3A_529 = arith.constant 0 : i32
      %dma_start3A_530 = tpu.memref_slice %arg16[%dma_start3A_528, %dma_start3A_529] : memref<10032x128xf32, #tpu.memory_space<vmem_shared>> -> memref<10032x128xf32, #tpu.memory_space<vmem_shared>>
      tpu.enqueue_indirect_dma source(%arg13 : memref<64x128xf32, #tpu.memory_space<vmem>>) target(%dma_start3A_530 : memref<10032x128xf32, #tpu.memory_space<vmem_shared>>) offsets(%dma_start3A_527 : memref<64xi32, #tpu.memory_space<vmem>>) semaphore(%arg22 : memref<!tpu.dma_semaphore, #tpu.memory_space<semaphore_mem>>) {add = true}
      %add3A_531 = arith.constant 2 : i32
      %add3A_532 = arith.addi %mul3A_264, %add3A_531 : i32
      %dma_wait3A_533 = arith.constant 0 : i32
      %dma_wait3A_534 = arith.constant 0 : i32
      %dma_wait3A_535 = tpu.memref_slice %arg4[%dma_wait3A_533, %dma_wait3A_534] : memref<20000x128xf32, #tpu.memory_space<hbm>> -> memref<20000x128xf32, #tpu.memory_space<hbm>>
      tpu.wait_indirect_dma semaphore(%arg19 : memref<!tpu.dma_semaphore, #tpu.memory_space<semaphore_mem>>) src(%dma_wait3A_535 : memref<20000x128xf32, #tpu.memory_space<hbm>>) dst(%arg14 : memref<64x128xf32, #tpu.memory_space<vmem>>)
      %dma_start3A_536 = arith.constant 0 : i32
      %dma_start3A_537 = tpu.memref_slice %arg7[%add3A_532, %dma_start3A_536] : memref<80x64xi32, #tpu.memory_space<vmem>> -> memref<1x64xi32, #tpu.memory_space<vmem>>
      %dma_start3A_538 = tpu.memref_squeeze %dma_start3A_537 : memref<1x64xi32, #tpu.memory_space<vmem>> -> memref<64xi32, #tpu.memory_space<vmem>>
      %dma_start3A_539 = arith.constant 0 : i32
      %dma_start3A_540 = arith.constant 0 : i32
      %dma_start3A_541 = tpu.memref_slice %arg16[%dma_start3A_539, %dma_start3A_540] : memref<10032x128xf32, #tpu.memory_space<vmem_shared>> -> memref<10032x128xf32, #tpu.memory_space<vmem_shared>>
      tpu.enqueue_indirect_dma source(%arg14 : memref<64x128xf32, #tpu.memory_space<vmem>>) target(%dma_start3A_541 : memref<10032x128xf32, #tpu.memory_space<vmem_shared>>) offsets(%dma_start3A_538 : memref<64xi32, #tpu.memory_space<vmem>>) semaphore(%arg23 : memref<!tpu.dma_semaphore, #tpu.memory_space<semaphore_mem>>) {add = true}
      %add3A_542 = arith.constant 3 : i32
      %add3A_543 = arith.addi %mul3A_264, %add3A_542 : i32
      %dma_wait3A_544 = arith.constant 0 : i32
      %dma_wait3A_545 = arith.constant 0 : i32
      %dma_wait3A_546 = tpu.memref_slice %arg4[%dma_wait3A_544, %dma_wait3A_545] : memref<20000x128xf32, #tpu.memory_space<hbm>> -> memref<20000x128xf32, #tpu.memory_space<hbm>>
      tpu.wait_indirect_dma semaphore(%arg20 : memref<!tpu.dma_semaphore, #tpu.memory_space<semaphore_mem>>) src(%dma_wait3A_546 : memref<20000x128xf32, #tpu.memory_space<hbm>>) dst(%arg15 : memref<64x128xf32, #tpu.memory_space<vmem>>)
      %dma_start3A_547 = arith.constant 0 : i32
      %dma_start3A_548 = tpu.memref_slice %arg7[%add3A_543, %dma_start3A_547] : memref<80x64xi32, #tpu.memory_space<vmem>> -> memref<1x64xi32, #tpu.memory_space<vmem>>
      %dma_start3A_549 = tpu.memref_squeeze %dma_start3A_548 : memref<1x64xi32, #tpu.memory_space<vmem>> -> memref<64xi32, #tpu.memory_space<vmem>>
      %dma_start3A_550 = arith.constant 0 : i32
      %dma_start3A_551 = arith.constant 0 : i32
      %dma_start3A_552 = tpu.memref_slice %arg16[%dma_start3A_550, %dma_start3A_551] : memref<10032x128xf32, #tpu.memory_space<vmem_shared>> -> memref<10032x128xf32, #tpu.memory_space<vmem_shared>>
      tpu.enqueue_indirect_dma source(%arg15 : memref<64x128xf32, #tpu.memory_space<vmem>>) target(%dma_start3A_552 : memref<10032x128xf32, #tpu.memory_space<vmem_shared>>) offsets(%dma_start3A_549 : memref<64xi32, #tpu.memory_space<vmem>>) semaphore(%arg24 : memref<!tpu.dma_semaphore, #tpu.memory_space<semaphore_mem>>) {add = true}
    }
    %scan3A_177 = arith.constant 20 : i32
    %dma_wait3A_178 = arith.constant 0 : i32
    %dma_wait3A_179 = arith.constant 0 : i32
    %dma_wait3A_180 = tpu.memref_slice %arg7[%dma_wait3A_178, %dma_wait3A_179] : memref<80x64xi32, #tpu.memory_space<vmem>> -> memref<1x64xi32, #tpu.memory_space<vmem>>
    %dma_wait3A_181 = tpu.memref_squeeze %dma_wait3A_180 : memref<1x64xi32, #tpu.memory_space<vmem>> -> memref<64xi32, #tpu.memory_space<vmem>>
    %dma_wait3A_182 = arith.constant 0 : i32
    %dma_wait3A_183 = arith.constant 0 : i32
    %dma_wait3A_184 = tpu.memref_slice %arg16[%dma_wait3A_182, %dma_wait3A_183] : memref<10032x128xf32, #tpu.memory_space<vmem_shared>> -> memref<10032x128xf32, #tpu.memory_space<vmem_shared>>
    tpu.wait_indirect_dma semaphore(%arg21 : memref<!tpu.dma_semaphore, #tpu.memory_space<semaphore_mem>>) src(%arg12 : memref<64x128xf32, #tpu.memory_space<vmem>>) dst(%dma_wait3A_184 : memref<10032x128xf32, #tpu.memory_space<vmem_shared>>)
    %dma_wait3A_185 = arith.constant 0 : i32
    %dma_wait3A_186 = arith.constant 0 : i32
    %dma_wait3A_187 = tpu.memref_slice %arg7[%dma_wait3A_185, %dma_wait3A_186] : memref<80x64xi32, #tpu.memory_space<vmem>> -> memref<1x64xi32, #tpu.memory_space<vmem>>
    %dma_wait3A_188 = tpu.memref_squeeze %dma_wait3A_187 : memref<1x64xi32, #tpu.memory_space<vmem>> -> memref<64xi32, #tpu.memory_space<vmem>>
    %dma_wait3A_189 = arith.constant 0 : i32
    %dma_wait3A_190 = arith.constant 0 : i32
    %dma_wait3A_191 = tpu.memref_slice %arg16[%dma_wait3A_189, %dma_wait3A_190] : memref<10032x128xf32, #tpu.memory_space<vmem_shared>> -> memref<10032x128xf32, #tpu.memory_space<vmem_shared>>
    tpu.wait_indirect_dma semaphore(%arg22 : memref<!tpu.dma_semaphore, #tpu.memory_space<semaphore_mem>>) src(%arg13 : memref<64x128xf32, #tpu.memory_space<vmem>>) dst(%dma_wait3A_191 : memref<10032x128xf32, #tpu.memory_space<vmem_shared>>)
    %dma_wait3A_192 = arith.constant 0 : i32
    %dma_wait3A_193 = arith.constant 0 : i32
    %dma_wait3A_194 = tpu.memref_slice %arg7[%dma_wait3A_192, %dma_wait3A_193] : memref<80x64xi32, #tpu.memory_space<vmem>> -> memref<1x64xi32, #tpu.memory_space<vmem>>
    %dma_wait3A_195 = tpu.memref_squeeze %dma_wait3A_194 : memref<1x64xi32, #tpu.memory_space<vmem>> -> memref<64xi32, #tpu.memory_space<vmem>>
    %dma_wait3A_196 = arith.constant 0 : i32
    %dma_wait3A_197 = arith.constant 0 : i32
    %dma_wait3A_198 = tpu.memref_slice %arg16[%dma_wait3A_196, %dma_wait3A_197] : memref<10032x128xf32, #tpu.memory_space<vmem_shared>> -> memref<10032x128xf32, #tpu.memory_space<vmem_shared>>
    tpu.wait_indirect_dma semaphore(%arg23 : memref<!tpu.dma_semaphore, #tpu.memory_space<semaphore_mem>>) src(%arg14 : memref<64x128xf32, #tpu.memory_space<vmem>>) dst(%dma_wait3A_198 : memref<10032x128xf32, #tpu.memory_space<vmem_shared>>)
    %dma_wait3A_199 = arith.constant 0 : i32
    %dma_wait3A_200 = arith.constant 0 : i32
    %dma_wait3A_201 = tpu.memref_slice %arg7[%dma_wait3A_199, %dma_wait3A_200] : memref<80x64xi32, #tpu.memory_space<vmem>> -> memref<1x64xi32, #tpu.memory_space<vmem>>
    %dma_wait3A_202 = tpu.memref_squeeze %dma_wait3A_201 : memref<1x64xi32, #tpu.memory_space<vmem>> -> memref<64xi32, #tpu.memory_space<vmem>>
    %dma_wait3A_203 = arith.constant 0 : i32
    %dma_wait3A_204 = arith.constant 0 : i32
    %dma_wait3A_205 = tpu.memref_slice %arg16[%dma_wait3A_203, %dma_wait3A_204] : memref<10032x128xf32, #tpu.memory_space<vmem_shared>> -> memref<10032x128xf32, #tpu.memory_space<vmem_shared>>
    tpu.wait_indirect_dma semaphore(%arg24 : memref<!tpu.dma_semaphore, #tpu.memory_space<semaphore_mem>>) src(%arg15 : memref<64x128xf32, #tpu.memory_space<vmem>>) dst(%dma_wait3A_205 : memref<10032x128xf32, #tpu.memory_space<vmem_shared>>)
    %barrier3A_206 = arith.constant 0 : index
    tpu.barrier barrier_id(%barrier3A_206)
    %add3A_207 = arith.constant 0 : i32
    %add3A_208 = arith.addi %mul3A_2, %add3A_207 : i32
    "tpu.region"() ({
      %run_scoped3A = tpu.sem_alloc : memref<!tpu.dma_semaphore, #tpu.memory_space<semaphore_mem>>
      %dma_start3A = arith.constant 0 : i32
      %dma_start3A_262 = tpu.memref_slice %arg16[%add3A_208, %dma_start3A] : memref<10032x128xf32, #tpu.memory_space<vmem_shared>> -> memref<64x128xf32, #tpu.memory_space<vmem_shared>>
      %dma_start3A_263 = arith.constant 0 : i32
      %dma_start3A_264 = tpu.memref_slice %arg16[%add3A_208, %dma_start3A_263] : memref<10032x128xf32, #tpu.memory_space<vmem_shared>> -> memref<64x128xf32, #tpu.memory_space<vmem_shared>>
      tpu.enqueue_dma source(%dma_start3A_264 : memref<64x128xf32, #tpu.memory_space<vmem_shared>>) target(%arg12 : memref<64x128xf32, #tpu.memory_space<vmem>>) target_semaphore(%run_scoped3A : memref<!tpu.dma_semaphore, #tpu.memory_space<semaphore_mem>>)
      %dma_wait3A_265 = arith.constant 0 : i32
      %dma_wait3A_266 = tpu.memref_slice %arg16[%add3A_208, %dma_wait3A_265] : memref<10032x128xf32, #tpu.memory_space<vmem_shared>> -> memref<64x128xf32, #tpu.memory_space<vmem_shared>>
      %dma_wait3A_267 = arith.constant 0 : i32
      %dma_wait3A_268 = tpu.memref_slice %arg16[%add3A_208, %dma_wait3A_267] : memref<10032x128xf32, #tpu.memory_space<vmem_shared>> -> memref<64x128xf32, #tpu.memory_space<vmem_shared>>
      tpu.wait_dma2 semaphore(%run_scoped3A : memref<!tpu.dma_semaphore, #tpu.memory_space<semaphore_mem>>) src(%dma_wait3A_268 : memref<64x128xf32, #tpu.memory_space<vmem_shared>>) dst(%arg12 : memref<64x128xf32, #tpu.memory_space<vmem>>)
      tpu.yield
    }) : () -> ()
    %add3A_209 = arith.addi %mul3A_0, %mul3A_2 : i32
    %add3A_210 = arith.constant 0 : i32
    %add3A_211 = arith.addi %add3A_209, %add3A_210 : i32
    "tpu.region"() ({
      %run_scoped3A = tpu.sem_alloc : memref<!tpu.dma_semaphore, #tpu.memory_space<semaphore_mem>>
      %dma_start3A = arith.constant 0 : i32
      %dma_start3A_262 = tpu.memref_slice %arg5[%add3A_211, %dma_start3A] : memref<20000x128xf32, #tpu.memory_space<hbm>> -> memref<64x128xf32, #tpu.memory_space<hbm>>
      %dma_start3A_263 = arith.constant 0 : i32
      %dma_start3A_264 = tpu.memref_slice %arg5[%add3A_211, %dma_start3A_263] : memref<20000x128xf32, #tpu.memory_space<hbm>> -> memref<64x128xf32, #tpu.memory_space<hbm>>
      tpu.enqueue_dma source(%arg12 : memref<64x128xf32, #tpu.memory_space<vmem>>) target(%dma_start3A_264 : memref<64x128xf32, #tpu.memory_space<hbm>>) target_semaphore(%run_scoped3A : memref<!tpu.dma_semaphore, #tpu.memory_space<semaphore_mem>>)
      %dma_wait3A_265 = arith.constant 0 : i32
      %dma_wait3A_266 = tpu.memref_slice %arg5[%add3A_211, %dma_wait3A_265] : memref<20000x128xf32, #tpu.memory_space<hbm>> -> memref<64x128xf32, #tpu.memory_space<hbm>>
      %dma_wait3A_267 = arith.constant 0 : i32
      %dma_wait3A_268 = tpu.memref_slice %arg5[%add3A_211, %dma_wait3A_267] : memref<20000x128xf32, #tpu.memory_space<hbm>> -> memref<64x128xf32, #tpu.memory_space<hbm>>
      tpu.wait_dma2 semaphore(%run_scoped3A : memref<!tpu.dma_semaphore, #tpu.memory_space<semaphore_mem>>) src(%arg12 : memref<64x128xf32, #tpu.memory_space<vmem>>) dst(%dma_wait3A_268 : memref<64x128xf32, #tpu.memory_space<hbm>>)
      tpu.yield
    }) : () -> ()
    %add3A_212 = arith.constant 64 : i32
    %add3A_213 = arith.addi %mul3A_2, %add3A_212 : i32
    "tpu.region"() ({
      %run_scoped3A = tpu.sem_alloc : memref<!tpu.dma_semaphore, #tpu.memory_space<semaphore_mem>>
      %dma_start3A = arith.constant 0 : i32
      %dma_start3A_262 = tpu.memref_slice %arg16[%add3A_213, %dma_start3A] : memref<10032x128xf32, #tpu.memory_space<vmem_shared>> -> memref<64x128xf32, #tpu.memory_space<vmem_shared>>
      %dma_start3A_263 = arith.constant 0 : i32
      %dma_start3A_264 = tpu.memref_slice %arg16[%add3A_213, %dma_start3A_263] : memref<10032x128xf32, #tpu.memory_space<vmem_shared>> -> memref<64x128xf32, #tpu.memory_space<vmem_shared>>
      tpu.enqueue_dma source(%dma_start3A_264 : memref<64x128xf32, #tpu.memory_space<vmem_shared>>) target(%arg12 : memref<64x128xf32, #tpu.memory_space<vmem>>) target_semaphore(%run_scoped3A : memref<!tpu.dma_semaphore, #tpu.memory_space<semaphore_mem>>)
      %dma_wait3A_265 = arith.constant 0 : i32
      %dma_wait3A_266 = tpu.memref_slice %arg16[%add3A_213, %dma_wait3A_265] : memref<10032x128xf32, #tpu.memory_space<vmem_shared>> -> memref<64x128xf32, #tpu.memory_space<vmem_shared>>
      %dma_wait3A_267 = arith.constant 0 : i32
      %dma_wait3A_268 = tpu.memref_slice %arg16[%add3A_213, %dma_wait3A_267] : memref<10032x128xf32, #tpu.memory_space<vmem_shared>> -> memref<64x128xf32, #tpu.memory_space<vmem_shared>>
      tpu.wait_dma2 semaphore(%run_scoped3A : memref<!tpu.dma_semaphore, #tpu.memory_space<semaphore_mem>>) src(%dma_wait3A_268 : memref<64x128xf32, #tpu.memory_space<vmem_shared>>) dst(%arg12 : memref<64x128xf32, #tpu.memory_space<vmem>>)
      tpu.yield
    }) : () -> ()
    %add3A_214 = arith.addi %mul3A_0, %mul3A_2 : i32
    %add3A_215 = arith.constant 64 : i32
    %add3A_216 = arith.addi %add3A_214, %add3A_215 : i32
    "tpu.region"() ({
      %run_scoped3A = tpu.sem_alloc : memref<!tpu.dma_semaphore, #tpu.memory_space<semaphore_mem>>
      %dma_start3A = arith.constant 0 : i32
      %dma_start3A_262 = tpu.memref_slice %arg5[%add3A_216, %dma_start3A] : memref<20000x128xf32, #tpu.memory_space<hbm>> -> memref<64x128xf32, #tpu.memory_space<hbm>>
      %dma_start3A_263 = arith.constant 0 : i32
      %dma_start3A_264 = tpu.memref_slice %arg5[%add3A_216, %dma_start3A_263] : memref<20000x128xf32, #tpu.memory_space<hbm>> -> memref<64x128xf32, #tpu.memory_space<hbm>>
      tpu.enqueue_dma source(%arg12 : memref<64x128xf32, #tpu.memory_space<vmem>>) target(%dma_start3A_264 : memref<64x128xf32, #tpu.memory_space<hbm>>) target_semaphore(%run_scoped3A : memref<!tpu.dma_semaphore, #tpu.memory_space<semaphore_mem>>)
      %dma_wait3A_265 = arith.constant 0 : i32
      %dma_wait3A_266 = tpu.memref_slice %arg5[%add3A_216, %dma_wait3A_265] : memref<20000x128xf32, #tpu.memory_space<hbm>> -> memref<64x128xf32, #tpu.memory_space<hbm>>
      %dma_wait3A_267 = arith.constant 0 : i32
      %dma_wait3A_268 = tpu.memref_slice %arg5[%add3A_216, %dma_wait3A_267] : memref<20000x128xf32, #tpu.memory_space<hbm>> -> memref<64x128xf32, #tpu.memory_space<hbm>>
      tpu.wait_dma2 semaphore(%run_scoped3A : memref<!tpu.dma_semaphore, #tpu.memory_space<semaphore_mem>>) src(%arg12 : memref<64x128xf32, #tpu.memory_space<vmem>>) dst(%dma_wait3A_268 : memref<64x128xf32, #tpu.memory_space<hbm>>)
      tpu.yield
    }) : () -> ()
    %add3A_217 = arith.constant 128 : i32
    %add3A_218 = arith.addi %mul3A_2, %add3A_217 : i32
    "tpu.region"() ({
      %run_scoped3A = tpu.sem_alloc : memref<!tpu.dma_semaphore, #tpu.memory_space<semaphore_mem>>
      %dma_start3A = arith.constant 0 : i32
      %dma_start3A_262 = tpu.memref_slice %arg16[%add3A_218, %dma_start3A] : memref<10032x128xf32, #tpu.memory_space<vmem_shared>> -> memref<64x128xf32, #tpu.memory_space<vmem_shared>>
      %dma_start3A_263 = arith.constant 0 : i32
      %dma_start3A_264 = tpu.memref_slice %arg16[%add3A_218, %dma_start3A_263] : memref<10032x128xf32, #tpu.memory_space<vmem_shared>> -> memref<64x128xf32, #tpu.memory_space<vmem_shared>>
      tpu.enqueue_dma source(%dma_start3A_264 : memref<64x128xf32, #tpu.memory_space<vmem_shared>>) target(%arg12 : memref<64x128xf32, #tpu.memory_space<vmem>>) target_semaphore(%run_scoped3A : memref<!tpu.dma_semaphore, #tpu.memory_space<semaphore_mem>>)
      %dma_wait3A_265 = arith.constant 0 : i32
      %dma_wait3A_266 = tpu.memref_slice %arg16[%add3A_218, %dma_wait3A_265] : memref<10032x128xf32, #tpu.memory_space<vmem_shared>> -> memref<64x128xf32, #tpu.memory_space<vmem_shared>>
      %dma_wait3A_267 = arith.constant 0 : i32
      %dma_wait3A_268 = tpu.memref_slice %arg16[%add3A_218, %dma_wait3A_267] : memref<10032x128xf32, #tpu.memory_space<vmem_shared>> -> memref<64x128xf32, #tpu.memory_space<vmem_shared>>
      tpu.wait_dma2 semaphore(%run_scoped3A : memref<!tpu.dma_semaphore, #tpu.memory_space<semaphore_mem>>) src(%dma_wait3A_268 : memref<64x128xf32, #tpu.memory_space<vmem_shared>>) dst(%arg12 : memref<64x128xf32, #tpu.memory_space<vmem>>)
      tpu.yield
    }) : () -> ()
    %add3A_219 = arith.addi %mul3A_0, %mul3A_2 : i32
    %add3A_220 = arith.constant 128 : i32
    %add3A_221 = arith.addi %add3A_219, %add3A_220 : i32
    "tpu.region"() ({
      %run_scoped3A = tpu.sem_alloc : memref<!tpu.dma_semaphore, #tpu.memory_space<semaphore_mem>>
      %dma_start3A = arith.constant 0 : i32
      %dma_start3A_262 = tpu.memref_slice %arg5[%add3A_221, %dma_start3A] : memref<20000x128xf32, #tpu.memory_space<hbm>> -> memref<64x128xf32, #tpu.memory_space<hbm>>
      %dma_start3A_263 = arith.constant 0 : i32
      %dma_start3A_264 = tpu.memref_slice %arg5[%add3A_221, %dma_start3A_263] : memref<20000x128xf32, #tpu.memory_space<hbm>> -> memref<64x128xf32, #tpu.memory_space<hbm>>
      tpu.enqueue_dma source(%arg12 : memref<64x128xf32, #tpu.memory_space<vmem>>) target(%dma_start3A_264 : memref<64x128xf32, #tpu.memory_space<hbm>>) target_semaphore(%run_scoped3A : memref<!tpu.dma_semaphore, #tpu.memory_space<semaphore_mem>>)
      %dma_wait3A_265 = arith.constant 0 : i32
      %dma_wait3A_266 = tpu.memref_slice %arg5[%add3A_221, %dma_wait3A_265] : memref<20000x128xf32, #tpu.memory_space<hbm>> -> memref<64x128xf32, #tpu.memory_space<hbm>>
      %dma_wait3A_267 = arith.constant 0 : i32
      %dma_wait3A_268 = tpu.memref_slice %arg5[%add3A_221, %dma_wait3A_267] : memref<20000x128xf32, #tpu.memory_space<hbm>> -> memref<64x128xf32, #tpu.memory_space<hbm>>
      tpu.wait_dma2 semaphore(%run_scoped3A : memref<!tpu.dma_semaphore, #tpu.memory_space<semaphore_mem>>) src(%arg12 : memref<64x128xf32, #tpu.memory_space<vmem>>) dst(%dma_wait3A_268 : memref<64x128xf32, #tpu.memory_space<hbm>>)
      tpu.yield
    }) : () -> ()
    %add3A_222 = arith.constant 192 : i32
    %add3A_223 = arith.addi %mul3A_2, %add3A_222 : i32
    "tpu.region"() ({
      %run_scoped3A = tpu.sem_alloc : memref<!tpu.dma_semaphore, #tpu.memory_space<semaphore_mem>>
      %dma_start3A = arith.constant 0 : i32
      %dma_start3A_262 = tpu.memref_slice %arg16[%add3A_223, %dma_start3A] : memref<10032x128xf32, #tpu.memory_space<vmem_shared>> -> memref<64x128xf32, #tpu.memory_space<vmem_shared>>
      %dma_start3A_263 = arith.constant 0 : i32
      %dma_start3A_264 = tpu.memref_slice %arg16[%add3A_223, %dma_start3A_263] : memref<10032x128xf32, #tpu.memory_space<vmem_shared>> -> memref<64x128xf32, #tpu.memory_space<vmem_shared>>
      tpu.enqueue_dma source(%dma_start3A_264 : memref<64x128xf32, #tpu.memory_space<vmem_shared>>) target(%arg12 : memref<64x128xf32, #tpu.memory_space<vmem>>) target_semaphore(%run_scoped3A : memref<!tpu.dma_semaphore, #tpu.memory_space<semaphore_mem>>)
      %dma_wait3A_265 = arith.constant 0 : i32
      %dma_wait3A_266 = tpu.memref_slice %arg16[%add3A_223, %dma_wait3A_265] : memref<10032x128xf32, #tpu.memory_space<vmem_shared>> -> memref<64x128xf32, #tpu.memory_space<vmem_shared>>
      %dma_wait3A_267 = arith.constant 0 : i32
      %dma_wait3A_268 = tpu.memref_slice %arg16[%add3A_223, %dma_wait3A_267] : memref<10032x128xf32, #tpu.memory_space<vmem_shared>> -> memref<64x128xf32, #tpu.memory_space<vmem_shared>>
      tpu.wait_dma2 semaphore(%run_scoped3A : memref<!tpu.dma_semaphore, #tpu.memory_space<semaphore_mem>>) src(%dma_wait3A_268 : memref<64x128xf32, #tpu.memory_space<vmem_shared>>) dst(%arg12 : memref<64x128xf32, #tpu.memory_space<vmem>>)
      tpu.yield
    }) : () -> ()
    %add3A_224 = arith.addi %mul3A_0, %mul3A_2 : i32
    %add3A_225 = arith.constant 192 : i32
    %add3A_226 = arith.addi %add3A_224, %add3A_225 : i32
    "tpu.region"() ({
      %run_scoped3A = tpu.sem_alloc : memref<!tpu.dma_semaphore, #tpu.memory_space<semaphore_mem>>
      %dma_start3A = arith.constant 0 : i32
      %dma_start3A_262 = tpu.memref_slice %arg5[%add3A_226, %dma_start3A] : memref<20000x128xf32, #tpu.memory_space<hbm>> -> memref<64x128xf32, #tpu.memory_space<hbm>>
      %dma_start3A_263 = arith.constant 0 : i32
      %dma_start3A_264 = tpu.memref_slice %arg5[%add3A_226, %dma_start3A_263] : memref<20000x128xf32, #tpu.memory_space<hbm>> -> memref<64x128xf32, #tpu.memory_space<hbm>>
      tpu.enqueue_dma source(%arg12 : memref<64x128xf32, #tpu.memory_space<vmem>>) target(%dma_start3A_264 : memref<64x128xf32, #tpu.memory_space<hbm>>) target_semaphore(%run_scoped3A : memref<!tpu.dma_semaphore, #tpu.memory_space<semaphore_mem>>)
      %dma_wait3A_265 = arith.constant 0 : i32
      %dma_wait3A_266 = tpu.memref_slice %arg5[%add3A_226, %dma_wait3A_265] : memref<20000x128xf32, #tpu.memory_space<hbm>> -> memref<64x128xf32, #tpu.memory_space<hbm>>
      %dma_wait3A_267 = arith.constant 0 : i32
      %dma_wait3A_268 = tpu.memref_slice %arg5[%add3A_226, %dma_wait3A_267] : memref<20000x128xf32, #tpu.memory_space<hbm>> -> memref<64x128xf32, #tpu.memory_space<hbm>>
      tpu.wait_dma2 semaphore(%run_scoped3A : memref<!tpu.dma_semaphore, #tpu.memory_space<semaphore_mem>>) src(%arg12 : memref<64x128xf32, #tpu.memory_space<vmem>>) dst(%dma_wait3A_268 : memref<64x128xf32, #tpu.memory_space<hbm>>)
      tpu.yield
    }) : () -> ()
    %add3A_227 = arith.constant 256 : i32
    %add3A_228 = arith.addi %mul3A_2, %add3A_227 : i32
    "tpu.region"() ({
      %run_scoped3A = tpu.sem_alloc : memref<!tpu.dma_semaphore, #tpu.memory_space<semaphore_mem>>
      %dma_start3A = arith.constant 0 : i32
      %dma_start3A_262 = tpu.memref_slice %arg16[%add3A_228, %dma_start3A] : memref<10032x128xf32, #tpu.memory_space<vmem_shared>> -> memref<64x128xf32, #tpu.memory_space<vmem_shared>>
      %dma_start3A_263 = arith.constant 0 : i32
      %dma_start3A_264 = tpu.memref_slice %arg16[%add3A_228, %dma_start3A_263] : memref<10032x128xf32, #tpu.memory_space<vmem_shared>> -> memref<64x128xf32, #tpu.memory_space<vmem_shared>>
      tpu.enqueue_dma source(%dma_start3A_264 : memref<64x128xf32, #tpu.memory_space<vmem_shared>>) target(%arg12 : memref<64x128xf32, #tpu.memory_space<vmem>>) target_semaphore(%run_scoped3A : memref<!tpu.dma_semaphore, #tpu.memory_space<semaphore_mem>>)
      %dma_wait3A_265 = arith.constant 0 : i32
      %dma_wait3A_266 = tpu.memref_slice %arg16[%add3A_228, %dma_wait3A_265] : memref<10032x128xf32, #tpu.memory_space<vmem_shared>> -> memref<64x128xf32, #tpu.memory_space<vmem_shared>>
      %dma_wait3A_267 = arith.constant 0 : i32
      %dma_wait3A_268 = tpu.memref_slice %arg16[%add3A_228, %dma_wait3A_267] : memref<10032x128xf32, #tpu.memory_space<vmem_shared>> -> memref<64x128xf32, #tpu.memory_space<vmem_shared>>
      tpu.wait_dma2 semaphore(%run_scoped3A : memref<!tpu.dma_semaphore, #tpu.memory_space<semaphore_mem>>) src(%dma_wait3A_268 : memref<64x128xf32, #tpu.memory_space<vmem_shared>>) dst(%arg12 : memref<64x128xf32, #tpu.memory_space<vmem>>)
      tpu.yield
    }) : () -> ()
    %add3A_229 = arith.addi %mul3A_0, %mul3A_2 : i32
    %add3A_230 = arith.constant 256 : i32
    %add3A_231 = arith.addi %add3A_229, %add3A_230 : i32
    "tpu.region"() ({
      %run_scoped3A = tpu.sem_alloc : memref<!tpu.dma_semaphore, #tpu.memory_space<semaphore_mem>>
      %dma_start3A = arith.constant 0 : i32
      %dma_start3A_262 = tpu.memref_slice %arg5[%add3A_231, %dma_start3A] : memref<20000x128xf32, #tpu.memory_space<hbm>> -> memref<64x128xf32, #tpu.memory_space<hbm>>
      %dma_start3A_263 = arith.constant 0 : i32
      %dma_start3A_264 = tpu.memref_slice %arg5[%add3A_231, %dma_start3A_263] : memref<20000x128xf32, #tpu.memory_space<hbm>> -> memref<64x128xf32, #tpu.memory_space<hbm>>
      tpu.enqueue_dma source(%arg12 : memref<64x128xf32, #tpu.memory_space<vmem>>) target(%dma_start3A_264 : memref<64x128xf32, #tpu.memory_space<hbm>>) target_semaphore(%run_scoped3A : memref<!tpu.dma_semaphore, #tpu.memory_space<semaphore_mem>>)
      %dma_wait3A_265 = arith.constant 0 : i32
      %dma_wait3A_266 = tpu.memref_slice %arg5[%add3A_231, %dma_wait3A_265] : memref<20000x128xf32, #tpu.memory_space<hbm>> -> memref<64x128xf32, #tpu.memory_space<hbm>>
      %dma_wait3A_267 = arith.constant 0 : i32
      %dma_wait3A_268 = tpu.memref_slice %arg5[%add3A_231, %dma_wait3A_267] : memref<20000x128xf32, #tpu.memory_space<hbm>> -> memref<64x128xf32, #tpu.memory_space<hbm>>
      tpu.wait_dma2 semaphore(%run_scoped3A : memref<!tpu.dma_semaphore, #tpu.memory_space<semaphore_mem>>) src(%arg12 : memref<64x128xf32, #tpu.memory_space<vmem>>) dst(%dma_wait3A_268 : memref<64x128xf32, #tpu.memory_space<hbm>>)
      tpu.yield
    }) : () -> ()
    %add3A_232 = arith.constant 320 : i32
    %add3A_233 = arith.addi %mul3A_2, %add3A_232 : i32
    "tpu.region"() ({
      %run_scoped3A = tpu.sem_alloc : memref<!tpu.dma_semaphore, #tpu.memory_space<semaphore_mem>>
      %dma_start3A = arith.constant 0 : i32
      %dma_start3A_262 = tpu.memref_slice %arg16[%add3A_233, %dma_start3A] : memref<10032x128xf32, #tpu.memory_space<vmem_shared>> -> memref<64x128xf32, #tpu.memory_space<vmem_shared>>
      %dma_start3A_263 = arith.constant 0 : i32
      %dma_start3A_264 = tpu.memref_slice %arg16[%add3A_233, %dma_start3A_263] : memref<10032x128xf32, #tpu.memory_space<vmem_shared>> -> memref<64x128xf32, #tpu.memory_space<vmem_shared>>
      tpu.enqueue_dma source(%dma_start3A_264 : memref<64x128xf32, #tpu.memory_space<vmem_shared>>) target(%arg12 : memref<64x128xf32, #tpu.memory_space<vmem>>) target_semaphore(%run_scoped3A : memref<!tpu.dma_semaphore, #tpu.memory_space<semaphore_mem>>)
      %dma_wait3A_265 = arith.constant 0 : i32
      %dma_wait3A_266 = tpu.memref_slice %arg16[%add3A_233, %dma_wait3A_265] : memref<10032x128xf32, #tpu.memory_space<vmem_shared>> -> memref<64x128xf32, #tpu.memory_space<vmem_shared>>
      %dma_wait3A_267 = arith.constant 0 : i32
      %dma_wait3A_268 = tpu.memref_slice %arg16[%add3A_233, %dma_wait3A_267] : memref<10032x128xf32, #tpu.memory_space<vmem_shared>> -> memref<64x128xf32, #tpu.memory_space<vmem_shared>>
      tpu.wait_dma2 semaphore(%run_scoped3A : memref<!tpu.dma_semaphore, #tpu.memory_space<semaphore_mem>>) src(%dma_wait3A_268 : memref<64x128xf32, #tpu.memory_space<vmem_shared>>) dst(%arg12 : memref<64x128xf32, #tpu.memory_space<vmem>>)
      tpu.yield
    }) : () -> ()
    %add3A_234 = arith.addi %mul3A_0, %mul3A_2 : i32
    %add3A_235 = arith.constant 320 : i32
    %add3A_236 = arith.addi %add3A_234, %add3A_235 : i32
    "tpu.region"() ({
      %run_scoped3A = tpu.sem_alloc : memref<!tpu.dma_semaphore, #tpu.memory_space<semaphore_mem>>
      %dma_start3A = arith.constant 0 : i32
      %dma_start3A_262 = tpu.memref_slice %arg5[%add3A_236, %dma_start3A] : memref<20000x128xf32, #tpu.memory_space<hbm>> -> memref<64x128xf32, #tpu.memory_space<hbm>>
      %dma_start3A_263 = arith.constant 0 : i32
      %dma_start3A_264 = tpu.memref_slice %arg5[%add3A_236, %dma_start3A_263] : memref<20000x128xf32, #tpu.memory_space<hbm>> -> memref<64x128xf32, #tpu.memory_space<hbm>>
      tpu.enqueue_dma source(%arg12 : memref<64x128xf32, #tpu.memory_space<vmem>>) target(%dma_start3A_264 : memref<64x128xf32, #tpu.memory_space<hbm>>) target_semaphore(%run_scoped3A : memref<!tpu.dma_semaphore, #tpu.memory_space<semaphore_mem>>)
      %dma_wait3A_265 = arith.constant 0 : i32
      %dma_wait3A_266 = tpu.memref_slice %arg5[%add3A_236, %dma_wait3A_265] : memref<20000x128xf32, #tpu.memory_space<hbm>> -> memref<64x128xf32, #tpu.memory_space<hbm>>
      %dma_wait3A_267 = arith.constant 0 : i32
      %dma_wait3A_268 = tpu.memref_slice %arg5[%add3A_236, %dma_wait3A_267] : memref<20000x128xf32, #tpu.memory_space<hbm>> -> memref<64x128xf32, #tpu.memory_space<hbm>>
      tpu.wait_dma2 semaphore(%run_scoped3A : memref<!tpu.dma_semaphore, #tpu.memory_space<semaphore_mem>>) src(%arg12 : memref<64x128xf32, #tpu.memory_space<vmem>>) dst(%dma_wait3A_268 : memref<64x128xf32, #tpu.memory_space<hbm>>)
      tpu.yield
    }) : () -> ()
    %add3A_237 = arith.constant 384 : i32
    %add3A_238 = arith.addi %mul3A_2, %add3A_237 : i32
    "tpu.region"() ({
      %run_scoped3A = tpu.sem_alloc : memref<!tpu.dma_semaphore, #tpu.memory_space<semaphore_mem>>
      %dma_start3A = arith.constant 0 : i32
      %dma_start3A_262 = tpu.memref_slice %arg16[%add3A_238, %dma_start3A] : memref<10032x128xf32, #tpu.memory_space<vmem_shared>> -> memref<64x128xf32, #tpu.memory_space<vmem_shared>>
      %dma_start3A_263 = arith.constant 0 : i32
      %dma_start3A_264 = tpu.memref_slice %arg16[%add3A_238, %dma_start3A_263] : memref<10032x128xf32, #tpu.memory_space<vmem_shared>> -> memref<64x128xf32, #tpu.memory_space<vmem_shared>>
      tpu.enqueue_dma source(%dma_start3A_264 : memref<64x128xf32, #tpu.memory_space<vmem_shared>>) target(%arg12 : memref<64x128xf32, #tpu.memory_space<vmem>>) target_semaphore(%run_scoped3A : memref<!tpu.dma_semaphore, #tpu.memory_space<semaphore_mem>>)
      %dma_wait3A_265 = arith.constant 0 : i32
      %dma_wait3A_266 = tpu.memref_slice %arg16[%add3A_238, %dma_wait3A_265] : memref<10032x128xf32, #tpu.memory_space<vmem_shared>> -> memref<64x128xf32, #tpu.memory_space<vmem_shared>>
      %dma_wait3A_267 = arith.constant 0 : i32
      %dma_wait3A_268 = tpu.memref_slice %arg16[%add3A_238, %dma_wait3A_267] : memref<10032x128xf32, #tpu.memory_space<vmem_shared>> -> memref<64x128xf32, #tpu.memory_space<vmem_shared>>
      tpu.wait_dma2 semaphore(%run_scoped3A : memref<!tpu.dma_semaphore, #tpu.memory_space<semaphore_mem>>) src(%dma_wait3A_268 : memref<64x128xf32, #tpu.memory_space<vmem_shared>>) dst(%arg12 : memref<64x128xf32, #tpu.memory_space<vmem>>)
      tpu.yield
    }) : () -> ()
    %add3A_239 = arith.addi %mul3A_0, %mul3A_2 : i32
    %add3A_240 = arith.constant 384 : i32
    %add3A_241 = arith.addi %add3A_239, %add3A_240 : i32
    "tpu.region"() ({
      %run_scoped3A = tpu.sem_alloc : memref<!tpu.dma_semaphore, #tpu.memory_space<semaphore_mem>>
      %dma_start3A = arith.constant 0 : i32
      %dma_start3A_262 = tpu.memref_slice %arg5[%add3A_241, %dma_start3A] : memref<20000x128xf32, #tpu.memory_space<hbm>> -> memref<64x128xf32, #tpu.memory_space<hbm>>
      %dma_start3A_263 = arith.constant 0 : i32
      %dma_start3A_264 = tpu.memref_slice %arg5[%add3A_241, %dma_start3A_263] : memref<20000x128xf32, #tpu.memory_space<hbm>> -> memref<64x128xf32, #tpu.memory_space<hbm>>
      tpu.enqueue_dma source(%arg12 : memref<64x128xf32, #tpu.memory_space<vmem>>) target(%dma_start3A_264 : memref<64x128xf32, #tpu.memory_space<hbm>>) target_semaphore(%run_scoped3A : memref<!tpu.dma_semaphore, #tpu.memory_space<semaphore_mem>>)
      %dma_wait3A_265 = arith.constant 0 : i32
      %dma_wait3A_266 = tpu.memref_slice %arg5[%add3A_241, %dma_wait3A_265] : memref<20000x128xf32, #tpu.memory_space<hbm>> -> memref<64x128xf32, #tpu.memory_space<hbm>>
      %dma_wait3A_267 = arith.constant 0 : i32
      %dma_wait3A_268 = tpu.memref_slice %arg5[%add3A_241, %dma_wait3A_267] : memref<20000x128xf32, #tpu.memory_space<hbm>> -> memref<64x128xf32, #tpu.memory_space<hbm>>
      tpu.wait_dma2 semaphore(%run_scoped3A : memref<!tpu.dma_semaphore, #tpu.memory_space<semaphore_mem>>) src(%arg12 : memref<64x128xf32, #tpu.memory_space<vmem>>) dst(%dma_wait3A_268 : memref<64x128xf32, #tpu.memory_space<hbm>>)
      tpu.yield
    }) : () -> ()
    %add3A_242 = arith.constant 448 : i32
    %add3A_243 = arith.addi %mul3A_2, %add3A_242 : i32
    "tpu.region"() ({
      %run_scoped3A = tpu.sem_alloc : memref<!tpu.dma_semaphore, #tpu.memory_space<semaphore_mem>>
      %dma_start3A = arith.constant 0 : i32
      %dma_start3A_262 = tpu.memref_slice %arg16[%add3A_243, %dma_start3A] : memref<10032x128xf32, #tpu.memory_space<vmem_shared>> -> memref<64x128xf32, #tpu.memory_space<vmem_shared>>
      %dma_start3A_263 = arith.constant 0 : i32
      %dma_start3A_264 = tpu.memref_slice %arg16[%add3A_243, %dma_start3A_263] : memref<10032x128xf32, #tpu.memory_space<vmem_shared>> -> memref<64x128xf32, #tpu.memory_space<vmem_shared>>
      tpu.enqueue_dma source(%dma_start3A_264 : memref<64x128xf32, #tpu.memory_space<vmem_shared>>) target(%arg12 : memref<64x128xf32, #tpu.memory_space<vmem>>) target_semaphore(%run_scoped3A : memref<!tpu.dma_semaphore, #tpu.memory_space<semaphore_mem>>)
      %dma_wait3A_265 = arith.constant 0 : i32
      %dma_wait3A_266 = tpu.memref_slice %arg16[%add3A_243, %dma_wait3A_265] : memref<10032x128xf32, #tpu.memory_space<vmem_shared>> -> memref<64x128xf32, #tpu.memory_space<vmem_shared>>
      %dma_wait3A_267 = arith.constant 0 : i32
      %dma_wait3A_268 = tpu.memref_slice %arg16[%add3A_243, %dma_wait3A_267] : memref<10032x128xf32, #tpu.memory_space<vmem_shared>> -> memref<64x128xf32, #tpu.memory_space<vmem_shared>>
      tpu.wait_dma2 semaphore(%run_scoped3A : memref<!tpu.dma_semaphore, #tpu.memory_space<semaphore_mem>>) src(%dma_wait3A_268 : memref<64x128xf32, #tpu.memory_space<vmem_shared>>) dst(%arg12 : memref<64x128xf32, #tpu.memory_space<vmem>>)
      tpu.yield
    }) : () -> ()
    %add3A_244 = arith.addi %mul3A_0, %mul3A_2 : i32
    %add3A_245 = arith.constant 448 : i32
    %add3A_246 = arith.addi %add3A_244, %add3A_245 : i32
    "tpu.region"() ({
      %run_scoped3A = tpu.sem_alloc : memref<!tpu.dma_semaphore, #tpu.memory_space<semaphore_mem>>
      %dma_start3A = arith.constant 0 : i32
      %dma_start3A_262 = tpu.memref_slice %arg5[%add3A_246, %dma_start3A] : memref<20000x128xf32, #tpu.memory_space<hbm>> -> memref<64x128xf32, #tpu.memory_space<hbm>>
      %dma_start3A_263 = arith.constant 0 : i32
      %dma_start3A_264 = tpu.memref_slice %arg5[%add3A_246, %dma_start3A_263] : memref<20000x128xf32, #tpu.memory_space<hbm>> -> memref<64x128xf32, #tpu.memory_space<hbm>>
      tpu.enqueue_dma source(%arg12 : memref<64x128xf32, #tpu.memory_space<vmem>>) target(%dma_start3A_264 : memref<64x128xf32, #tpu.memory_space<hbm>>) target_semaphore(%run_scoped3A : memref<!tpu.dma_semaphore, #tpu.memory_space<semaphore_mem>>)
      %dma_wait3A_265 = arith.constant 0 : i32
      %dma_wait3A_266 = tpu.memref_slice %arg5[%add3A_246, %dma_wait3A_265] : memref<20000x128xf32, #tpu.memory_space<hbm>> -> memref<64x128xf32, #tpu.memory_space<hbm>>
      %dma_wait3A_267 = arith.constant 0 : i32
      %dma_wait3A_268 = tpu.memref_slice %arg5[%add3A_246, %dma_wait3A_267] : memref<20000x128xf32, #tpu.memory_space<hbm>> -> memref<64x128xf32, #tpu.memory_space<hbm>>
      tpu.wait_dma2 semaphore(%run_scoped3A : memref<!tpu.dma_semaphore, #tpu.memory_space<semaphore_mem>>) src(%arg12 : memref<64x128xf32, #tpu.memory_space<vmem>>) dst(%dma_wait3A_268 : memref<64x128xf32, #tpu.memory_space<hbm>>)
      tpu.yield
    }) : () -> ()
    %add3A_247 = arith.constant 512 : i32
    %add3A_248 = arith.addi %mul3A_2, %add3A_247 : i32
    "tpu.region"() ({
      %run_scoped3A = tpu.sem_alloc : memref<!tpu.dma_semaphore, #tpu.memory_space<semaphore_mem>>
      %dma_start3A = arith.constant 0 : i32
      %dma_start3A_262 = tpu.memref_slice %arg16[%add3A_248, %dma_start3A] : memref<10032x128xf32, #tpu.memory_space<vmem_shared>> -> memref<64x128xf32, #tpu.memory_space<vmem_shared>>
      %dma_start3A_263 = arith.constant 0 : i32
      %dma_start3A_264 = tpu.memref_slice %arg16[%add3A_248, %dma_start3A_263] : memref<10032x128xf32, #tpu.memory_space<vmem_shared>> -> memref<64x128xf32, #tpu.memory_space<vmem_shared>>
      tpu.enqueue_dma source(%dma_start3A_264 : memref<64x128xf32, #tpu.memory_space<vmem_shared>>) target(%arg12 : memref<64x128xf32, #tpu.memory_space<vmem>>) target_semaphore(%run_scoped3A : memref<!tpu.dma_semaphore, #tpu.memory_space<semaphore_mem>>)
      %dma_wait3A_265 = arith.constant 0 : i32
      %dma_wait3A_266 = tpu.memref_slice %arg16[%add3A_248, %dma_wait3A_265] : memref<10032x128xf32, #tpu.memory_space<vmem_shared>> -> memref<64x128xf32, #tpu.memory_space<vmem_shared>>
      %dma_wait3A_267 = arith.constant 0 : i32
      %dma_wait3A_268 = tpu.memref_slice %arg16[%add3A_248, %dma_wait3A_267] : memref<10032x128xf32, #tpu.memory_space<vmem_shared>> -> memref<64x128xf32, #tpu.memory_space<vmem_shared>>
      tpu.wait_dma2 semaphore(%run_scoped3A : memref<!tpu.dma_semaphore, #tpu.memory_space<semaphore_mem>>) src(%dma_wait3A_268 : memref<64x128xf32, #tpu.memory_space<vmem_shared>>) dst(%arg12 : memref<64x128xf32, #tpu.memory_space<vmem>>)
      tpu.yield
    }) : () -> ()
    %add3A_249 = arith.addi %mul3A_0, %mul3A_2 : i32
    %add3A_250 = arith.constant 512 : i32
    %add3A_251 = arith.addi %add3A_249, %add3A_250 : i32
    "tpu.region"() ({
      %run_scoped3A = tpu.sem_alloc : memref<!tpu.dma_semaphore, #tpu.memory_space<semaphore_mem>>
      %dma_start3A = arith.constant 0 : i32
      %dma_start3A_262 = tpu.memref_slice %arg5[%add3A_251, %dma_start3A] : memref<20000x128xf32, #tpu.memory_space<hbm>> -> memref<64x128xf32, #tpu.memory_space<hbm>>
      %dma_start3A_263 = arith.constant 0 : i32
      %dma_start3A_264 = tpu.memref_slice %arg5[%add3A_251, %dma_start3A_263] : memref<20000x128xf32, #tpu.memory_space<hbm>> -> memref<64x128xf32, #tpu.memory_space<hbm>>
      tpu.enqueue_dma source(%arg12 : memref<64x128xf32, #tpu.memory_space<vmem>>) target(%dma_start3A_264 : memref<64x128xf32, #tpu.memory_space<hbm>>) target_semaphore(%run_scoped3A : memref<!tpu.dma_semaphore, #tpu.memory_space<semaphore_mem>>)
      %dma_wait3A_265 = arith.constant 0 : i32
      %dma_wait3A_266 = tpu.memref_slice %arg5[%add3A_251, %dma_wait3A_265] : memref<20000x128xf32, #tpu.memory_space<hbm>> -> memref<64x128xf32, #tpu.memory_space<hbm>>
      %dma_wait3A_267 = arith.constant 0 : i32
      %dma_wait3A_268 = tpu.memref_slice %arg5[%add3A_251, %dma_wait3A_267] : memref<20000x128xf32, #tpu.memory_space<hbm>> -> memref<64x128xf32, #tpu.memory_space<hbm>>
      tpu.wait_dma2 semaphore(%run_scoped3A : memref<!tpu.dma_semaphore, #tpu.memory_space<semaphore_mem>>) src(%arg12 : memref<64x128xf32, #tpu.memory_space<vmem>>) dst(%dma_wait3A_268 : memref<64x128xf32, #tpu.memory_space<hbm>>)
      tpu.yield
    }) : () -> ()
    %add3A_252 = arith.constant 576 : i32
    %add3A_253 = arith.addi %mul3A_2, %add3A_252 : i32
    "tpu.region"() ({
      %run_scoped3A = tpu.sem_alloc : memref<!tpu.dma_semaphore, #tpu.memory_space<semaphore_mem>>
      %dma_start3A = arith.constant 0 : i32
      %dma_start3A_262 = arith.constant 0 : i32
      %dma_start3A_263 = tpu.memref_slice %arg12[%dma_start3A, %dma_start3A_262] : memref<64x128xf32, #tpu.memory_space<vmem>> -> memref<48x128xf32, #tpu.memory_space<vmem>>
      %dma_start3A_264 = arith.constant 0 : i32
      %dma_start3A_265 = tpu.memref_slice %arg16[%add3A_253, %dma_start3A_264] : memref<10032x128xf32, #tpu.memory_space<vmem_shared>> -> memref<48x128xf32, #tpu.memory_space<vmem_shared>>
      %dma_start3A_266 = arith.constant 0 : i32
      %dma_start3A_267 = arith.constant 0 : i32
      %dma_start3A_268 = tpu.memref_slice %arg12[%dma_start3A_266, %dma_start3A_267] : memref<64x128xf32, #tpu.memory_space<vmem>> -> memref<48x128xf32, #tpu.memory_space<vmem>>
      %dma_start3A_269 = arith.constant 0 : i32
      %dma_start3A_270 = tpu.memref_slice %arg16[%add3A_253, %dma_start3A_269] : memref<10032x128xf32, #tpu.memory_space<vmem_shared>> -> memref<48x128xf32, #tpu.memory_space<vmem_shared>>
      tpu.enqueue_dma source(%dma_start3A_270 : memref<48x128xf32, #tpu.memory_space<vmem_shared>>) target(%dma_start3A_268 : memref<48x128xf32, #tpu.memory_space<vmem>>) target_semaphore(%run_scoped3A : memref<!tpu.dma_semaphore, #tpu.memory_space<semaphore_mem>>)
      %dma_wait3A_271 = arith.constant 0 : i32
      %dma_wait3A_272 = arith.constant 0 : i32
      %dma_wait3A_273 = tpu.memref_slice %arg12[%dma_wait3A_271, %dma_wait3A_272] : memref<64x128xf32, #tpu.memory_space<vmem>> -> memref<48x128xf32, #tpu.memory_space<vmem>>
      %dma_wait3A_274 = arith.constant 0 : i32
      %dma_wait3A_275 = tpu.memref_slice %arg16[%add3A_253, %dma_wait3A_274] : memref<10032x128xf32, #tpu.memory_space<vmem_shared>> -> memref<48x128xf32, #tpu.memory_space<vmem_shared>>
      %dma_wait3A_276 = arith.constant 0 : i32
      %dma_wait3A_277 = arith.constant 0 : i32
      %dma_wait3A_278 = tpu.memref_slice %arg12[%dma_wait3A_276, %dma_wait3A_277] : memref<64x128xf32, #tpu.memory_space<vmem>> -> memref<48x128xf32, #tpu.memory_space<vmem>>
      %dma_wait3A_279 = arith.constant 0 : i32
      %dma_wait3A_280 = tpu.memref_slice %arg16[%add3A_253, %dma_wait3A_279] : memref<10032x128xf32, #tpu.memory_space<vmem_shared>> -> memref<48x128xf32, #tpu.memory_space<vmem_shared>>
      tpu.wait_dma2 semaphore(%run_scoped3A : memref<!tpu.dma_semaphore, #tpu.memory_space<semaphore_mem>>) src(%dma_wait3A_280 : memref<48x128xf32, #tpu.memory_space<vmem_shared>>) dst(%dma_wait3A_278 : memref<48x128xf32, #tpu.memory_space<vmem>>)
      tpu.yield
    }) : () -> ()
    %add3A_254 = arith.addi %mul3A_0, %mul3A_2 : i32
    %add3A_255 = arith.constant 576 : i32
    %add3A_256 = arith.addi %add3A_254, %add3A_255 : i32
    "tpu.region"() ({
      %run_scoped3A = tpu.sem_alloc : memref<!tpu.dma_semaphore, #tpu.memory_space<semaphore_mem>>
      %dma_start3A = arith.constant 0 : i32
      %dma_start3A_262 = arith.constant 0 : i32
      %dma_start3A_263 = tpu.memref_slice %arg12[%dma_start3A, %dma_start3A_262] : memref<64x128xf32, #tpu.memory_space<vmem>> -> memref<48x128xf32, #tpu.memory_space<vmem>>
      %dma_start3A_264 = arith.constant 0 : i32
      %dma_start3A_265 = tpu.memref_slice %arg5[%add3A_256, %dma_start3A_264] : memref<20000x128xf32, #tpu.memory_space<hbm>> -> memref<48x128xf32, #tpu.memory_space<hbm>>
      %dma_start3A_266 = arith.constant 0 : i32
      %dma_start3A_267 = tpu.memref_slice %arg5[%add3A_256, %dma_start3A_266] : memref<20000x128xf32, #tpu.memory_space<hbm>> -> memref<48x128xf32, #tpu.memory_space<hbm>>
      %dma_start3A_268 = arith.constant 0 : i32
      %dma_start3A_269 = arith.constant 0 : i32
      %dma_start3A_270 = tpu.memref_slice %arg12[%dma_start3A_268, %dma_start3A_269] : memref<64x128xf32, #tpu.memory_space<vmem>> -> memref<48x128xf32, #tpu.memory_space<vmem>>
      tpu.enqueue_dma source(%dma_start3A_270 : memref<48x128xf32, #tpu.memory_space<vmem>>) target(%dma_start3A_267 : memref<48x128xf32, #tpu.memory_space<hbm>>) target_semaphore(%run_scoped3A : memref<!tpu.dma_semaphore, #tpu.memory_space<semaphore_mem>>)
      %dma_wait3A_271 = arith.constant 0 : i32
      %dma_wait3A_272 = arith.constant 0 : i32
      %dma_wait3A_273 = tpu.memref_slice %arg12[%dma_wait3A_271, %dma_wait3A_272] : memref<64x128xf32, #tpu.memory_space<vmem>> -> memref<48x128xf32, #tpu.memory_space<vmem>>
      %dma_wait3A_274 = arith.constant 0 : i32
      %dma_wait3A_275 = tpu.memref_slice %arg5[%add3A_256, %dma_wait3A_274] : memref<20000x128xf32, #tpu.memory_space<hbm>> -> memref<48x128xf32, #tpu.memory_space<hbm>>
      %dma_wait3A_276 = arith.constant 0 : i32
      %dma_wait3A_277 = tpu.memref_slice %arg5[%add3A_256, %dma_wait3A_276] : memref<20000x128xf32, #tpu.memory_space<hbm>> -> memref<48x128xf32, #tpu.memory_space<hbm>>
      %dma_wait3A_278 = arith.constant 0 : i32
      %dma_wait3A_279 = arith.constant 0 : i32
      %dma_wait3A_280 = tpu.memref_slice %arg12[%dma_wait3A_278, %dma_wait3A_279] : memref<64x128xf32, #tpu.memory_space<vmem>> -> memref<48x128xf32, #tpu.memory_space<vmem>>
      tpu.wait_dma2 semaphore(%run_scoped3A : memref<!tpu.dma_semaphore, #tpu.memory_space<semaphore_mem>>) src(%dma_wait3A_280 : memref<48x128xf32, #tpu.memory_space<vmem>>) dst(%dma_wait3A_277 : memref<48x128xf32, #tpu.memory_space<hbm>>)
      tpu.yield
    }) : () -> ()
    %eq3A_257 = arith.constant 15 : i32
    %eq3A_258 = arith.cmpi eq, %arg1, %eq3A_257 : i32
    %convert_element_type3A_259 = arith.extui %eq3A_258 : i1 to i32
    %cond3A_260 = arith.constant 0 : i32
    %cond3A_261 = arith.cmpi ne, %convert_element_type3A_259, %cond3A_260 : i32
    scf.if %cond3A_261 {
      "tpu.region"() ({
        %run_scoped3A = tpu.sem_alloc : memref<!tpu.dma_semaphore, #tpu.memory_space<semaphore_mem>>
        %dma_start3A = arith.constant 0 : i32
        %dma_start3A_264 = arith.constant 0 : i32
        %dma_start3A_265 = tpu.memref_slice %arg12[%dma_start3A, %dma_start3A_264] : memref<64x128xf32, #tpu.memory_space<vmem>> -> memref<16x128xf32, #tpu.memory_space<vmem>>
        %dma_start3A_266 = arith.constant 9984 : i32
        %dma_start3A_267 = arith.constant 0 : i32
        %dma_start3A_268 = tpu.memref_slice %arg16[%dma_start3A_266, %dma_start3A_267] : memref<10032x128xf32, #tpu.memory_space<vmem_shared>> -> memref<16x128xf32, #tpu.memory_space<vmem_shared>>
        %dma_start3A_269 = arith.constant 0 : i32
        %dma_start3A_270 = arith.constant 0 : i32
        %dma_start3A_271 = tpu.memref_slice %arg12[%dma_start3A_269, %dma_start3A_270] : memref<64x128xf32, #tpu.memory_space<vmem>> -> memref<16x128xf32, #tpu.memory_space<vmem>>
        %dma_start3A_272 = arith.constant 9984 : i32
        %dma_start3A_273 = arith.constant 0 : i32
        %dma_start3A_274 = tpu.memref_slice %arg16[%dma_start3A_272, %dma_start3A_273] : memref<10032x128xf32, #tpu.memory_space<vmem_shared>> -> memref<16x128xf32, #tpu.memory_space<vmem_shared>>
        tpu.enqueue_dma source(%dma_start3A_274 : memref<16x128xf32, #tpu.memory_space<vmem_shared>>) target(%dma_start3A_271 : memref<16x128xf32, #tpu.memory_space<vmem>>) target_semaphore(%run_scoped3A : memref<!tpu.dma_semaphore, #tpu.memory_space<semaphore_mem>>)
        %dma_wait3A_275 = arith.constant 0 : i32
        %dma_wait3A_276 = arith.constant 0 : i32
        %dma_wait3A_277 = tpu.memref_slice %arg12[%dma_wait3A_275, %dma_wait3A_276] : memref<64x128xf32, #tpu.memory_space<vmem>> -> memref<16x128xf32, #tpu.memory_space<vmem>>
        %dma_wait3A_278 = arith.constant 9984 : i32
        %dma_wait3A_279 = arith.constant 0 : i32
        %dma_wait3A_280 = tpu.memref_slice %arg16[%dma_wait3A_278, %dma_wait3A_279] : memref<10032x128xf32, #tpu.memory_space<vmem_shared>> -> memref<16x128xf32, #tpu.memory_space<vmem_shared>>
        %dma_wait3A_281 = arith.constant 0 : i32
        %dma_wait3A_282 = arith.constant 0 : i32
        %dma_wait3A_283 = tpu.memref_slice %arg12[%dma_wait3A_281, %dma_wait3A_282] : memref<64x128xf32, #tpu.memory_space<vmem>> -> memref<16x128xf32, #tpu.memory_space<vmem>>
        %dma_wait3A_284 = arith.constant 9984 : i32
        %dma_wait3A_285 = arith.constant 0 : i32
        %dma_wait3A_286 = tpu.memref_slice %arg16[%dma_wait3A_284, %dma_wait3A_285] : memref<10032x128xf32, #tpu.memory_space<vmem_shared>> -> memref<16x128xf32, #tpu.memory_space<vmem_shared>>
        tpu.wait_dma2 semaphore(%run_scoped3A : memref<!tpu.dma_semaphore, #tpu.memory_space<semaphore_mem>>) src(%dma_wait3A_286 : memref<16x128xf32, #tpu.memory_space<vmem_shared>>) dst(%dma_wait3A_283 : memref<16x128xf32, #tpu.memory_space<vmem>>)
        tpu.yield
      }) : () -> ()
      %add3A_262 = arith.constant 9984 : i32
      %add3A_263 = arith.addi %mul3A_0, %add3A_262 : i32
      "tpu.region"() ({
        %run_scoped3A = tpu.sem_alloc : memref<!tpu.dma_semaphore, #tpu.memory_space<semaphore_mem>>
        %dma_start3A = arith.constant 0 : i32
        %dma_start3A_264 = arith.constant 0 : i32
        %dma_start3A_265 = tpu.memref_slice %arg12[%dma_start3A, %dma_start3A_264] : memref<64x128xf32, #tpu.memory_space<vmem>> -> memref<16x128xf32, #tpu.memory_space<vmem>>
        %dma_start3A_266 = arith.constant 0 : i32
        %dma_start3A_267 = tpu.memref_slice %arg5[%add3A_263, %dma_start3A_266] : memref<20000x128xf32, #tpu.memory_space<hbm>> -> memref<16x128xf32, #tpu.memory_space<hbm>>
        %dma_start3A_268 = arith.constant 0 : i32
        %dma_start3A_269 = tpu.memref_slice %arg5[%add3A_263, %dma_start3A_268] : memref<20000x128xf32, #tpu.memory_space<hbm>> -> memref<16x128xf32, #tpu.memory_space<hbm>>
        %dma_start3A_270 = arith.constant 0 : i32
        %dma_start3A_271 = arith.constant 0 : i32
        %dma_start3A_272 = tpu.memref_slice %arg12[%dma_start3A_270, %dma_start3A_271] : memref<64x128xf32, #tpu.memory_space<vmem>> -> memref<16x128xf32, #tpu.memory_space<vmem>>
        tpu.enqueue_dma source(%dma_start3A_272 : memref<16x128xf32, #tpu.memory_space<vmem>>) target(%dma_start3A_269 : memref<16x128xf32, #tpu.memory_space<hbm>>) target_semaphore(%run_scoped3A : memref<!tpu.dma_semaphore, #tpu.memory_space<semaphore_mem>>)
        %dma_wait3A_273 = arith.constant 0 : i32
        %dma_wait3A_274 = arith.constant 0 : i32
        %dma_wait3A_275 = tpu.memref_slice %arg12[%dma_wait3A_273, %dma_wait3A_274] : memref<64x128xf32, #tpu.memory_space<vmem>> -> memref<16x128xf32, #tpu.memory_space<vmem>>
        %dma_wait3A_276 = arith.constant 0 : i32
        %dma_wait3A_277 = tpu.memref_slice %arg5[%add3A_263, %dma_wait3A_276] : memref<20000x128xf32, #tpu.memory_space<hbm>> -> memref<16x128xf32, #tpu.memory_space<hbm>>
        %dma_wait3A_278 = arith.constant 0 : i32
        %dma_wait3A_279 = tpu.memref_slice %arg5[%add3A_263, %dma_wait3A_278] : memref<20000x128xf32, #tpu.memory_space<hbm>> -> memref<16x128xf32, #tpu.memory_space<hbm>>
        %dma_wait3A_280 = arith.constant 0 : i32
        %dma_wait3A_281 = arith.constant 0 : i32
        %dma_wait3A_282 = tpu.memref_slice %arg12[%dma_wait3A_280, %dma_wait3A_281] : memref<64x128xf32, #tpu.memory_space<vmem>> -> memref<16x128xf32, #tpu.memory_space<vmem>>
        tpu.wait_dma2 semaphore(%run_scoped3A : memref<!tpu.dma_semaphore, #tpu.memory_space<semaphore_mem>>) src(%dma_wait3A_282 : memref<16x128xf32, #tpu.memory_space<vmem>>) dst(%dma_wait3A_279 : memref<16x128xf32, #tpu.memory_space<hbm>>)
        tpu.yield
      }) : () -> ()
    } else {
    }
    return
  }
}

module attributes {stable_mosaic.version = 14 : i64} {
  func.func @_tc_encode_body(%arg0: memref<10000x128xf32, #tpu.memory_space<vmem>>, %arg1: memref<10000x128xf32, #tpu.memory_space<vmem>>, %arg2: memref<10000x1xf32, #tpu.memory_space<vmem>>, %arg3: memref<128x128xf32, #tpu.memory_space<vmem>>, %arg4: memref<20000x128xf32, #tpu.memory_space<vmem>>, %arg5: memref<10000x1xf32, #tpu.memory_space<vmem>>) attributes {dimension_semantics = [], scalar_prefetch = 0 : i64, scratch_operands = 0 : i64, tpu.core_type = #tpu.core_type<tc>} {
    %get3A = arith.constant 0 : index
    %get3A_0 = arith.constant 0 : index
    %get3A_1 = vector.load %arg2[%get3A, %get3A_0] : memref<10000x1xf32, #tpu.memory_space<vmem>>, vector<10000x1xf32>
    %add3A = arith.constant 1.000000e+00 : f32
    %add3A_2 = vector.broadcast %add3A : f32 to vector<10000x1xf32>
    %add3A_3 = arith.addf %get3A_1, %add3A_2 : vector<10000x1xf32>
    %sqrt3A = math.sqrt %add3A_3 : vector<10000x1xf32>
    %div3A = arith.constant 1.000000e+00 : f32
    %div3A_4 = vector.broadcast %div3A : f32 to vector<10000x1xf32>
    %div3A_5 = arith.divf %div3A_4, %sqrt3A : vector<10000x1xf32>
    %get3A_6 = arith.constant 0 : index
    %get3A_7 = arith.constant 0 : index
    %get3A_8 = vector.load %arg0[%get3A_6, %get3A_7] : memref<10000x128xf32, #tpu.memory_space<vmem>>, vector<10000x128xf32>
    %get3A_9 = arith.constant 0 : index
    %get3A_10 = arith.constant 0 : index
    %get3A_11 = vector.load %arg3[%get3A_9, %get3A_10] : memref<128x128xf32, #tpu.memory_space<vmem>>, vector<128x128xf32>
    %dot_general3A = arith.constant dense<0.000000e+00> : vector<10000x128xf32>
    %dot_general3A_12 = tpu.matmul %get3A_8, %get3A_11, %dot_general3A {dimension_numbers = #tpu.dot_dimension_numbers<[1], [0], [0], [1], [0, 0, 1, 1], [], []>, transpose_lhs_hint = false} : vector<10000x128xf32>, vector<128x128xf32>, vector<10000x128xf32> -> vector<10000x128xf32>
    %get3A_13 = arith.constant 0 : index
    %get3A_14 = arith.constant 0 : index
    %get3A_15 = vector.load %arg1[%get3A_13, %get3A_14] : memref<10000x128xf32, #tpu.memory_space<vmem>>, vector<10000x128xf32>
    %get3A_16 = arith.constant 0 : index
    %get3A_17 = arith.constant 0 : index
    %get3A_18 = vector.load %arg3[%get3A_16, %get3A_17] : memref<128x128xf32, #tpu.memory_space<vmem>>, vector<128x128xf32>
    %dot_general3A_19 = arith.constant dense<0.000000e+00> : vector<10000x128xf32>
    %dot_general3A_20 = tpu.matmul %get3A_15, %get3A_18, %dot_general3A_19 {dimension_numbers = #tpu.dot_dimension_numbers<[1], [0], [0], [1], [0, 0, 1, 1], [], []>, transpose_lhs_hint = false} : vector<10000x128xf32>, vector<128x128xf32>, vector<10000x128xf32> -> vector<10000x128xf32>
    %mul3A = vector.broadcast %div3A_5 : vector<10000x1xf32> to vector<10000x128xf32>
    %mul3A_21 = arith.mulf %dot_general3A_12, %mul3A : vector<10000x128xf32>
    %swap3A = arith.constant 0 : index
    %swap3A_22 = arith.constant 0 : index
    %swap3A_23 = vector.load %arg4[%swap3A, %swap3A_22] : memref<20000x128xf32, #tpu.memory_space<vmem>>, vector<10000x128xf32>
    tpu.vector_store %arg4[%swap3A, %swap3A_22], %mul3A_21 {strides = array<i32>} : memref<20000x128xf32, #tpu.memory_space<vmem>>, vector<10000x128xf32>,
    %mul3A_24 = vector.broadcast %div3A_5 : vector<10000x1xf32> to vector<10000x128xf32>
    %mul3A_25 = arith.mulf %dot_general3A_20, %mul3A_24 : vector<10000x128xf32>
    %swap3A_26 = arith.constant 10000 : index
    %swap3A_27 = arith.constant 0 : index
    %swap3A_28 = vector.load %arg4[%swap3A_26, %swap3A_27] : memref<20000x128xf32, #tpu.memory_space<vmem>>, vector<10000x128xf32>
    tpu.vector_store %arg4[%swap3A_26, %swap3A_27], %mul3A_25 {strides = array<i32>} : memref<20000x128xf32, #tpu.memory_space<vmem>>, vector<10000x128xf32>,
    %swap3A_29 = arith.constant 0 : index
    %swap3A_30 = arith.constant 0 : index
    %swap3A_31 = vector.load %arg5[%swap3A_29, %swap3A_30] : memref<10000x1xf32, #tpu.memory_space<vmem>>, vector<10000x1xf32>
    tpu.vector_store %arg5[%swap3A_29, %swap3A_30], %div3A_5 {strides = array<i32>} : memref<10000x1xf32, #tpu.memory_space<vmem>>, vector<10000x1xf32>,
    return
  }
}

module attributes {stable_mosaic.version = 14 : i64} {
  func.func @_tc_finish_body(%arg0: memref<20000x128xf32, #tpu.memory_space<vmem>>, %arg1: memref<10000x1xf32, #tpu.memory_space<vmem>>, %arg2: memref<1x128xf32, #tpu.memory_space<vmem>>, %arg3: memref<128x128xf32, #tpu.memory_space<vmem>>, %arg4: memref<100x10000xf32, #tpu.memory_space<vmem>>, %arg5: memref<10000x100xf32, #tpu.memory_space<vmem>>, %arg6: memref<100x1xf32, #tpu.memory_space<vmem>>, %arg7: memref<1x1xf32, #tpu.memory_space<vmem>>, %arg8: memref<1x1xf32, #tpu.memory_space<vmem>>) attributes {dimension_semantics = [], scalar_prefetch = 0 : i64, scratch_operands = 0 : i64, tpu.core_type = #tpu.core_type<tc>} {
    %get3A = arith.constant 0 : index
    %get3A_0 = arith.constant 0 : index
    %get3A_1 = vector.load %arg1[%get3A, %get3A_0] : memref<10000x1xf32, #tpu.memory_space<vmem>>, vector<10000x1xf32>
    %get3A_2 = arith.constant 0 : index
    %get3A_3 = arith.constant 0 : index
    %get3A_4 = vector.load %arg2[%get3A_2, %get3A_3] : memref<1x128xf32, #tpu.memory_space<vmem>>, vector<1x128xf32>
    %get3A_5 = arith.constant 0 : index
    %get3A_6 = arith.constant 0 : index
    %get3A_7 = vector.load %arg0[%get3A_5, %get3A_6] : memref<20000x128xf32, #tpu.memory_space<vmem>>, vector<10000x128xf32>
    %mul3A = vector.broadcast %get3A_1 : vector<10000x1xf32> to vector<10000x128xf32>
    %mul3A_8 = arith.mulf %get3A_7, %mul3A : vector<10000x128xf32>
    %add3A = vector.broadcast %get3A_4 : vector<1x128xf32> to vector<10000x128xf32>
    %add3A_9 = arith.addf %mul3A_8, %add3A : vector<10000x128xf32>
    %max3A = arith.constant 0.000000e+00 : f32
    %max3A_10 = vector.broadcast %max3A : f32 to vector<10000x128xf32>
    %max3A_11 = arith.maximumf %add3A_9, %max3A_10 : vector<10000x128xf32>
    %get3A_12 = arith.constant 10000 : index
    %get3A_13 = arith.constant 0 : index
    %get3A_14 = vector.load %arg0[%get3A_12, %get3A_13] : memref<20000x128xf32, #tpu.memory_space<vmem>>, vector<10000x128xf32>
    %mul3A_15 = vector.broadcast %get3A_1 : vector<10000x1xf32> to vector<10000x128xf32>
    %mul3A_16 = arith.mulf %get3A_14, %mul3A_15 : vector<10000x128xf32>
    %add3A_17 = vector.broadcast %get3A_4 : vector<1x128xf32> to vector<10000x128xf32>
    %add3A_18 = arith.addf %mul3A_16, %add3A_17 : vector<10000x128xf32>
    %max3A_19 = arith.constant 0.000000e+00 : f32
    %max3A_20 = vector.broadcast %max3A_19 : f32 to vector<10000x128xf32>
    %max3A_21 = arith.maximumf %add3A_18, %max3A_20 : vector<10000x128xf32>
    %get3A_22 = arith.constant 0 : index
    %get3A_23 = arith.constant 0 : index
    %get3A_24 = vector.load %arg4[%get3A_22, %get3A_23] : memref<100x10000xf32, #tpu.memory_space<vmem>>, vector<100x10000xf32>
    %dot_general3A = arith.constant dense<0.000000e+00> : vector<100x128xf32>
    %dot_general3A_25 = tpu.matmul %get3A_24, %max3A_11, %dot_general3A {dimension_numbers = #tpu.dot_dimension_numbers<[1], [0], [0], [1], [0, 0, 1, 1], [], []>, transpose_lhs_hint = false} : vector<100x10000xf32>, vector<10000x128xf32>, vector<100x128xf32> -> vector<100x128xf32>
    %neg3A = arith.constant 0.000000e+00 : f32
    %neg3A_26 = vector.broadcast %neg3A : f32 to vector<100x128xf32>
    %neg3A_27 = arith.subf %neg3A_26, %dot_general3A_25 : vector<100x128xf32>
    %get3A_28 = arith.constant 0 : index
    %get3A_29 = arith.constant 0 : index
    %get3A_30 = vector.load %arg6[%get3A_28, %get3A_29] : memref<100x1xf32, #tpu.memory_space<vmem>>, vector<100x1xf32>
    %div3A = vector.broadcast %get3A_30 : vector<100x1xf32> to vector<100x128xf32>
    %div3A_31 = arith.divf %neg3A_27, %div3A : vector<100x128xf32>
    %exp3A = math.exp %div3A_31 : vector<100x128xf32>
    %add3A_32 = arith.constant 1.000000e+00 : f32
    %add3A_33 = vector.broadcast %add3A_32 : f32 to vector<100x128xf32>
    %add3A_34 = arith.addf %add3A_33, %exp3A : vector<100x128xf32>
    %div3A_35 = arith.constant 1.000000e+00 : f32
    %div3A_36 = vector.broadcast %div3A_35 : f32 to vector<100x128xf32>
    %div3A_37 = arith.divf %div3A_36, %add3A_34 : vector<100x128xf32>
    %get3A_38 = arith.constant 0 : index
    %get3A_39 = arith.constant 0 : index
    %get3A_40 = vector.load %arg5[%get3A_38, %get3A_39] : memref<10000x100xf32, #tpu.memory_space<vmem>>, vector<10000x100xf32>
    %dot_general3A_41 = arith.constant dense<0.000000e+00> : vector<10000x128xf32>
    %dot_general3A_42 = tpu.matmul %get3A_40, %div3A_37, %dot_general3A_41 {dimension_numbers = #tpu.dot_dimension_numbers<[1], [0], [0], [1], [0, 0, 1, 1], [], []>, transpose_lhs_hint = false} : vector<10000x100xf32>, vector<100x128xf32>, vector<10000x128xf32> -> vector<10000x128xf32>
    %get3A_43 = arith.constant 0 : index
    %get3A_44 = arith.constant 0 : index
    %get3A_45 = vector.load %arg3[%get3A_43, %get3A_44] : memref<128x128xf32, #tpu.memory_space<vmem>>, vector<128x128xf32>
    %dot_general3A_46 = arith.constant dense<0.000000e+00> : vector<10000x128xf32>
    %dot_general3A_47 = tpu.matmul %max3A_11, %get3A_45, %dot_general3A_46 {dimension_numbers = #tpu.dot_dimension_numbers<[1], [0], [0], [1], [0, 0, 1, 1], [], []>, transpose_lhs_hint = false} : vector<10000x128xf32>, vector<128x128xf32>, vector<10000x128xf32> -> vector<10000x128xf32>
    %get3A_48 = arith.constant 0 : index
    %get3A_49 = arith.constant 0 : index
    %get3A_50 = vector.load %arg3[%get3A_48, %get3A_49] : memref<128x128xf32, #tpu.memory_space<vmem>>, vector<128x128xf32>
    %dot_general3A_51 = arith.constant dense<0.000000e+00> : vector<10000x128xf32>
    %dot_general3A_52 = tpu.matmul %max3A_21, %get3A_50, %dot_general3A_51 {dimension_numbers = #tpu.dot_dimension_numbers<[1], [0], [0], [1], [0, 0, 1, 1], [], []>, transpose_lhs_hint = false} : vector<10000x128xf32>, vector<128x128xf32>, vector<10000x128xf32> -> vector<10000x128xf32>
    %mul3A_53 = arith.mulf %dot_general3A_47, %dot_general3A_42 : vector<10000x128xf32>
    %reduce_sum3A = arith.constant dense<0.000000e+00> : vector<10000xf32>
    %reduce_sum3A_54 = vector.multi_reduction <add>, %mul3A_53, %reduce_sum3A [1] : vector<10000x128xf32> to vector<10000xf32>
    %broadcast_in_dim3A = vector.shape_cast %reduce_sum3A_54 : vector<10000xf32> to vector<10000x1xf32>
    %mul3A_55 = arith.mulf %dot_general3A_52, %dot_general3A_42 : vector<10000x128xf32>
    %reduce_sum3A_56 = arith.constant dense<0.000000e+00> : vector<10000xf32>
    %reduce_sum3A_57 = vector.multi_reduction <add>, %mul3A_55, %reduce_sum3A_56 [1] : vector<10000x128xf32> to vector<10000xf32>
    %broadcast_in_dim3A_58 = vector.shape_cast %reduce_sum3A_57 : vector<10000xf32> to vector<10000x1xf32>
    %max3A_59 = arith.constant 0.000000e+00 : f32
    %max3A_60 = vector.broadcast %max3A_59 : f32 to vector<10000x1xf32>
    %max3A_61 = arith.maximumf %broadcast_in_dim3A, %max3A_60 : vector<10000x1xf32>
    %sub3A = arith.subf %max3A_61, %broadcast_in_dim3A : vector<10000x1xf32>
    %abs3A = math.absf %broadcast_in_dim3A : vector<10000x1xf32>
    %neg3A_62 = arith.constant 0.000000e+00 : f32
    %neg3A_63 = vector.broadcast %neg3A_62 : f32 to vector<10000x1xf32>
    %neg3A_64 = arith.subf %neg3A_63, %abs3A : vector<10000x1xf32>
    %exp3A_65 = math.exp %neg3A_64 : vector<10000x1xf32>
    %log1p3A = math.log1p %exp3A_65 : vector<10000x1xf32>
    %add3A_66 = arith.addf %sub3A, %log1p3A : vector<10000x1xf32>
    %reduce_sum3A_67 = vector.shape_cast %add3A_66 : vector<10000x1xf32> to vector<1x10000x1xf32>
    %reduce_sum3A_68 = arith.constant dense<0.000000e+00> : vector<1xf32>
    %reduce_sum3A_69 = vector.multi_reduction <add>, %reduce_sum3A_67, %reduce_sum3A_68 [1, 2] : vector<1x10000x1xf32> to vector<1xf32>
    %reduce_sum3A_70 = vector.shape_cast %reduce_sum3A_69 : vector<1xf32> to vector<1x1x1xf32>
    %reduce_sum3A_71 = vector.extract %reduce_sum3A_70[0, 0, 0] : f32 from vector<1x1x1xf32>
    %div3A_72 = arith.constant 1.000000e+04 : f32
    %div3A_73 = arith.divf %reduce_sum3A_71, %div3A_72 : f32
    %max3A_74 = arith.constant 0.000000e+00 : f32
    %max3A_75 = vector.broadcast %max3A_74 : f32 to vector<10000x1xf32>
    %max3A_76 = arith.maximumf %broadcast_in_dim3A_58, %max3A_75 : vector<10000x1xf32>
    %abs3A_77 = math.absf %broadcast_in_dim3A_58 : vector<10000x1xf32>
    %neg3A_78 = arith.constant 0.000000e+00 : f32
    %neg3A_79 = vector.broadcast %neg3A_78 : f32 to vector<10000x1xf32>
    %neg3A_80 = arith.subf %neg3A_79, %abs3A_77 : vector<10000x1xf32>
    %exp3A_81 = math.exp %neg3A_80 : vector<10000x1xf32>
    %log1p3A_82 = math.log1p %exp3A_81 : vector<10000x1xf32>
    %add3A_83 = arith.addf %max3A_76, %log1p3A_82 : vector<10000x1xf32>
    %reduce_sum3A_84 = vector.shape_cast %add3A_83 : vector<10000x1xf32> to vector<1x10000x1xf32>
    %reduce_sum3A_85 = arith.constant dense<0.000000e+00> : vector<1xf32>
    %reduce_sum3A_86 = vector.multi_reduction <add>, %reduce_sum3A_84, %reduce_sum3A_85 [1, 2] : vector<1x10000x1xf32> to vector<1xf32>
    %reduce_sum3A_87 = vector.shape_cast %reduce_sum3A_86 : vector<1xf32> to vector<1x1x1xf32>
    %reduce_sum3A_88 = vector.extract %reduce_sum3A_87[0, 0, 0] : f32 from vector<1x1x1xf32>
    %div3A_89 = arith.constant 1.000000e+04 : f32
    %div3A_90 = arith.divf %reduce_sum3A_88, %div3A_89 : f32
    %reshape3A = vector.broadcast %div3A_73 : f32 to vector<1x1xf32>
    %swap3A = arith.constant 0 : index
    %swap3A_91 = arith.constant 0 : index
    %swap3A_92 = vector.load %arg7[%swap3A, %swap3A_91] : memref<1x1xf32, #tpu.memory_space<vmem>>, vector<1x1xf32>
    tpu.vector_store %arg7[%swap3A, %swap3A_91], %reshape3A {strides = array<i32>} : memref<1x1xf32, #tpu.memory_space<vmem>>, vector<1x1xf32>,
    %reshape3A_93 = vector.broadcast %div3A_90 : f32 to vector<1x1xf32>
    %swap3A_94 = arith.constant 0 : index
    %swap3A_95 = arith.constant 0 : index
    %swap3A_96 = vector.load %arg8[%swap3A_94, %swap3A_95] : memref<1x1xf32, #tpu.memory_space<vmem>>, vector<1x1xf32>
    tpu.vector_store %arg8[%swap3A_94, %swap3A_95], %reshape3A_93 {strides = array<i32>} : memref<1x1xf32, #tpu.memory_space<vmem>>, vector<1x1xf32>,
    return
  }
}

</mosaic_0001>

<sc_bundles>
// kernel: kernel.6.cloned.1.call-start
scs
__scs_entry_jumppad:
0x0: {  	(pc) =	sbr.rel $0x88, $3  }
0x1: {  	(tag) =	ssettag $0x0;
	lr =	simm.s32 $0x1  }
0x2: {  	[smem:$0x3F99] =	sst lr;
	_ =	strace $0xD0000000  }
0x3: {  	_ = 	snop  }
0x4: {  	_ = 	snop  }
0x5: {  	_ = 	snop  }
0x6: {  	_ = 	snop  }
0x7: {  	_ = 	snop  }
__scs_overlays_trampoline_lowered:
0x8: {  	[smem:$0x3FA8] =	sst s0  }
0x9: {  	[smem:$0x3FA9] =	sst s1  }
0xa: {  	[smem:$0x3FAA] =	sst s2  }
0xb: {  	[smem:$0x3FAB] =	sst s3  }
0xc: {  	[smem:$0x3FAC] =	sst s4  }
0xd: {  	[smem:$0x3FAD] =	sst s5  }
0xe: {  	[smem:$0x3FAE] =	sst s6  }
0xf: {  	[smem:$0x3FAF] =	sst s7  }
0x10: {  	[smem:$0x3FB0] =	sst s8  }
0x11: {  	[smem:$0x3FB1] =	sst s9;
	s0 =	simm.s32 @!p0 $0x0  }
0x12: {  	s1 =	sld [smem:$0x3F97];
	s0 =	simm.s32 @p0 $0x1  }
0x13: {  	[smem:$0x3FB2] =	sst s0;
	s0 =	simm.s32 @!p1 $0x0  }
0x14: {  	s2 =	sld [smem:$0x3F96];
	s0 =	simm.s32 @p1 $0x1  }
0x15: {  	[smem:$0x3FB3] =	sst s0;
	s0 =	simm.s32 @!p2 $0x0  }
0x16: {  	s3 =	sld [smem:$0x3FDB];
	s0 =	simm.s32 @p2 $0x1  }
0x17: {  	s4 =	simm.s32 $0x1BF5;
	[smem:$0x3FB5] =	sst s0  }
0x18: {  	s0 =	sld [smem:$0x3F98];
	_ =	swait.ge [sflag:s4], $0x0  }
0x19: {  	s7 =	sld [smem:$0x3F99]  }
0x1a: {  	s8 =	sadd.s32 $0xFFFFE003, lr  }
0x1b: {  	s9 =	sadd.s32 $0xFFFFFEF7, lr;
	s5 =	simm.s32 $0xFFFFFFFF;
	p2 =	slt.u32 s8, $0xFFFFF086  }
0x1c: {  	p1 =	slt.u32 s9, $0xF7A;
	s5 =	simm.s32 @!p2 $0x0  }
0x1d: {  	s5 =	simm.s32 @p1 $0x1;
	p0 =	seq.s32 s7, s2  }
0x1e: {  	s7 =	smul.u32 @!p0 $0xF7A, s2;
	p2 =	seq.s32 @!p0 s5, $0x0  }
0x1f: {  	s9 =	smul.u32 $0xF7A, s1;
	s8 =	simm.s32 @!p0 $0x1BF5;
	p2 =	por !p2, p0  }
0x20: {  	[sflag:s8] =	ssyncset.s32 @!p0 $0xFFFFF086;
	s6 =	sadd.s32 @!p0 s3, s7;
	s7 =	simm.s32 @!p0 $0x108  }
0x21: {  	s3 =	sadd.s32 s3, s9;
	s6 =	sadd.s32 @!p0 $0x88, s6;
	s7 =	simm.s32 @p2 $0x1082  }
0x22: {  	[simem:s7], [sflag:s8] =	dma.local @!p0 [hbm:s6], $0xF7A  }
0x23: {  	s9 =	sor.u32 $0xD0000000, s2;
	s6 =	simm.s32 $0x108;
	_ =	swait.ge @!p0 [sflag:s8], $0x0  }
0x24: {  	s3 =	sadd.s32 $0x88, s3;
	s6 =	simm.s32 @!p1 $0x1082;
	[sflag:s4] =	ssyncset.s32 $0xFFFFF086  }
0x25: {  	[simem:s6], [sflag:s4] =	dma.local [hbm:s3], $0xF7A  }
0x26: {  	[smem:$0x3F99] =	sst s1;
	(tag) =	ssettag s2;
	_ =	strace s9  }
0x27: {  	s1 =	sld [smem:$0x3FA9]  }
0x28: {  	s2 =	sld [smem:$0x3FAA]  }
0x29: {  	s4 =	sld [smem:$0x3FAC]  }
0x2a: {  	p0 =	seq.s32 s5, $0x0;
	s5 =	sld [smem:$0x3FAD]  }
0x2b: {  	s6 =	sld [smem:$0x3FAE]  }
0x2c: {  	s7 =	sld [smem:$0x3FAF]  }
0x2d: {  	s3 =	simm.s32 $0x108;
	s8 =	sld [smem:$0x3FB0]  }
0x2e: {  	s3 =	simm.s32 @!p0 $0x1082;
	s9 =	sld [smem:$0x3FB1]  }
0x2f: {  	lr =	sadd.s32 s0, s3;
	s0 =	sld [smem:$0x3FA8]  }
0x30: {  	s3 =	sld [smem:$0x3FAB]  }
0x31: {  	[smem:$0x3FB4] =	sst s10  }
0x32: {  	s10 =	sld [smem:$0x3FB2];
	_ =	sdelay $0x3  }
0x33: {  	p0 =	seq.s32 s10, $0x1;
	s10 =	sld [smem:$0x3FB4];
	_ =	sdelay $0x3  }
0x34: {  	[smem:$0x3FB4] =	sst s10  }
0x35: {  	s10 =	sld [smem:$0x3FB3];
	_ =	sdelay $0x3  }
0x36: {  	p1 =	seq.s32 s10, $0x1;
	s10 =	sld [smem:$0x3FB4];
	_ =	sdelay $0x3  }
0x37: {  	[smem:$0x3FB4] =	sst s10  }
0x38: {  	s10 =	sld [smem:$0x3FB5]  }
0x39: {  	_ = 	snop;
	(pc) =	sbr.ind lr, $3  }
0x3a: {  	_ = 	snop  }
0x3b: {  	_ = 	snop  }
0x3c: {  	p2 =	seq.s32 s10, $0x1;
	s10 =	sld [smem:$0x3FB4]  }
0x3d: {  	_ =	shalt  }
0x3e: {  	_ =	shalt  }
0x3f: {  	_ =	shalt  }
0x40: {  	_ =	shalt  }
0x41: {  	_ =	shalt  }
0x42: {  	_ =	shalt  }
0x43: {  	_ =	shalt  }
0x44: {  	_ =	shalt  }
0x45: {  	_ =	shalt  }
0x46: {  	_ =	shalt  }
0x47: {  	_ =	shalt  }
0x48: {  	_ =	shalt  }
0x49: {  	_ =	shalt  }
0x4a: {  	_ =	shalt  }
0x4b: {  	_ =	shalt  }
0x4c: {  	_ =	shalt  }
0x4d: {  	_ =	shalt  }
0x4e: {  	_ =	shalt  }
0x4f: {  	_ =	shalt  }
0x50: {  	_ =	shalt  }
0x51: {  	_ =	shalt  }
0x52: {  	_ =	shalt  }
0x53: {  	_ =	shalt  }
0x54: {  	_ =	shalt  }
0x55: {  	_ =	shalt  }
0x56: {  	_ =	shalt  }
0x57: {  	_ =	shalt  }
0x58: {  	_ =	shalt  }
0x59: {  	_ =	shalt  }
0x5a: {  	_ =	shalt  }
0x5b: {  	_ =	shalt  }
0x5c: {  	_ =	shalt  }
0x5d: {  	_ =	shalt  }
0x5e: {  	_ =	shalt  }
0x5f: {  	_ =	shalt  }
0x60: {  	_ =	shalt  }
0x61: {  	_ =	shalt  }
0x62: {  	_ =	shalt  }
0x63: {  	_ =	shalt  }
0x64: {  	_ =	shalt  }
0x65: {  	_ =	shalt  }
0x66: {  	_ =	shalt  }
0x67: {  	_ =	shalt  }
0x68: {  	_ =	shalt  }
0x69: {  	_ =	shalt  }
0x6a: {  	_ =	shalt  }
0x6b: {  	_ =	shalt  }
0x6c: {  	_ =	shalt  }
0x6d: {  	_ =	shalt  }
0x6e: {  	_ =	shalt  }
0x6f: {  	_ =	shalt  }
0x70: {  	_ =	shalt  }
0x71: {  	_ =	shalt  }
0x72: {  	_ =	shalt  }
0x73: {  	_ =	shalt  }
0x74: {  	_ =	shalt  }
0x75: {  	_ =	shalt  }
0x76: {  	_ =	shalt  }
0x77: {  	_ =	shalt  }
0x78: {  	_ =	shalt  }
0x79: {  	_ =	shalt  }
0x7a: {  	_ =	shalt  }
0x7b: {  	_ =	shalt  }
0x7c: {  	_ =	shalt  }
0x7d: {  	_ =	shalt  }
0x7e: {  	_ =	shalt  }
0x7f: {  	_ =	shalt  }
0x80: {  	_ =	shalt  }
0x81: {  	_ =	shalt  }
0x82: {  	_ =	shalt  }
0x83: {  	_ =	shalt  }
0x84: {  	_ =	shalt  }
0x85: {  	_ =	shalt  }
0x86: {  	_ =	shalt  }
0x87: {  	_ =	shalt  }
.Lfunc_end0:
.L_simem_size_0:
called_computation_lowered:
.L_overlay_start_0:
0x88: {  	s2 =	sld [smem:$0x3FD9]  }
0x89: {  	s3 =	sld [smem:$0x3FFE];
	_ =	sdelay $0x1  }
0x8a: {  	s1 =	srdreg.scid  }
0x8b: {  	s0 =	sand.u32 $0x1, s1  }
0x8c: {  	s17 =	sshll.u32 s0, $0xA;
	s2 =	sadd.s32 s3, s2  }
0x8d: {  	s2 =	sadd.s32 s2, s17  }
0x8e: {  	[smem:$0x3FC0] =	sst s2  }
0x8f: {  	_ = 	snop  }
0x90: {  	s2 =	sld [smem:$0x3FC9]  }
0x91: {  	s18 =	sld [smem:$0x3FC5];
	(tm) =	ssettm $0x1  }
0x92: {  	s4 =	sld [smem:$0x3FFB];
	_ =	sdelay $0x3  }
0x93: {  	_ =	strace s4  }
0x94: {  	s4 =	sld [smem:$0x3FFC];
	_ =	sdelay $0x3  }
0x95: {  	_ =	strace s4  }
0x96: {  	s4 =	sld [smem:$0x3FFD];
	_ =	sdelay $0x3  }
0x97: {  	_ =	strace s4  }
0x98: {  	_ =	strace $0x8FFFFFFF  }
0x99: {  	s19 =	sld [smem:$0x3FDB];
	_ =	sdelay $0x1  }
0x9a: {  	s5 =	simm.s32 $_scs_section_size  }
0x9b: {  	s6 =	simm.s32 $_size__tile_overlayer_lowered;
	s7 =	simm.s32 $_tile_overlayer_lowered  }
0x9c: {  	s22 =	simm.s32 $0x1BFF;
	s21 =	sshll.u32 s7, $0x1;
	s4 =	sadd.s32 s5, s19  }
0x9d: {  	s8 =	simm.s32 $0x0;
	s20 =	sshll.u32 s6, $0x1;
	s6 =	sadd.s32 s21, s4  }
0x9e: {  	[timem:s8], [sflag:s22] =	dma.local [hbm:s6], s20  }
0x9f: {  	_ =	swait.ge [sflag:s22], s20  }
0xa0: {  	s5 =	ssub.s32 $0x0, s20;
	[sflag:s22] =	ssyncset.done $0x0  }
0xa1: {  	[sflag:s22] =	ssyncadd.s32 s5;
	_ =	sdelay $0x1  }
0xa2: {  	s23 =	simm.s32 $0x1B8B  }
0xa3: {  	_ =	swait.ge [sflag:s23], $0x1  }
0xa4: {  	[sflag:s23] =	ssyncset.done $0x0  }
0xa5: {  	s25 =	simm.s32 $0x1B8E;
	s24 =	sld [smem:$0x3FFE];
	[sflag:s23] =	ssyncadd.s32 $0xFFFFFFFF  }
0xa6: {  	s26 =	simm.s32 $execute0_lowered;
	[smem:$0x3FD2] =	sst s25  }
0xa7: {  	s6 =	sshll.u32 s26, $0x1;
	_ =	strace $0x80000046;
	[dreg:$0x1] =	wrdreg $0xFFFFFFFF  }
0xa8: {  	s28 =	simm.s32 $_size_execute0_lowered;
	s4 =	sadd.s32 s4, s6;
	[dreg:$0x0] =	wrdreg $0x0  }
0xa9: {  	s6 =	sshll.u32 s28, $0x1;
	[dreg:$0x2] =	wrdreg s4  }
0xaa: {  	[dreg:$0x3] =	wrdreg s6  }
0xab: {  	[dreg:$0x4] =	wrdreg $0xC0  }
0xac: {  	_ =	task [dreg:s8], $0x5FFFF  }
0xad: {  	[dreg:$0x1] =	wrdreg $0xFFFFFFFF  }
0xae: {  	[dreg:$0x0] =	wrdreg $0x60  }
0xaf: {  	[dreg:$0x2] =	wrdreg s2  }
0xb0: {  	[dreg:$0x3] =	wrdreg s18  }
0xb1: {  	[dreg:$0x4] =	wrdreg s24  }
0xb2: {  	[dreg:$0x5] =	wrdreg $0xAE800  }
0xb3: {  	[dreg:$0x6] =	wrdreg $0x9  }
0xb4: {  	_ =	task.clear_ibuf [dreg:s8], $0x7FFFF;
	_ =	strace $0x90000046  }
0xb5: {  	s29 =	simm.s32 $0x9;
	_ =	strace $0x80000048  }
0xb6: {  	_ =	swait.ge [sflag:s29], $0x1  }
0xb7: {  	[sflag:s29] =	ssyncadd.s32 $0xFFFFFFFF  }
0xb8: {  	_ =	strace $0x90000048  }
0xb9: {  	_ =	sfence  }
0xba: {  	s30 =	sld [smem:$0x0];
	_ =	sdelay $0x2  }
0xbb: {  	s31 =	sshll.u32 s1, $0xD;
	s1 =	sshrl.u32 s1, $0x2  }
0xbc: {  	s3 =	sand.u32 $0x4000, s31;
	s1 =	sadd.s32 s1, s30  }
0xbd: {  	s0 =	sor.u32 s3, s0;
	s1 =	sshll.u32 s1, $0x11  }
0xbe: {  	s0 =	sor.u32 s1, s0  }
0xbf: {  	s0 =	sadd.s32 $0x8F2B, s0  }
0xc0: {  	[sflag:s0] =	ssyncadd.remote.s32 $0x1  }
0xc1: {  	_ =	sfence.sel $0xFFFF  }
0xc2: {  	[dreg:$0x0] =	wrdreg $0xFFFFFFFF;
	(pc) =	sbr.abs _section_cstart, $3  }
0xc3: {  	[dreg:$0x1] =	wrdreg $0xFFFFFFFF  }
0xc4: {  	_ =	task.clear_ibuf [dreg:s8], $0x2FFFF;
	_ =	strace $0x9FFFFFFF  }
0xc5: {  	(tm) =	ssettm $0x7FFFFFFF  }
tec
execute0_lowered:
.L_overlay_start_1:
0x0: {  	(tag) =	ssettag $0x1  }
0x1: {  	s1 =	rddreg [dreg:$0x0]  }
0x2: {  	s0 =	rddreg [dreg:$0x1]  }
0x3: {  	s15 =	rddreg [dreg:$0x2]  }
0x4: {  	s2 =	rddreg [dreg:$0x3];
	s4 =	simm.s32 $0x0;
	s3 =	stileid.u32  }
0x5: {  	s6 =	srdreg.scid;
	s18 =	simm.s32 $0x3;
	s19 =	simm.s32 $0x10  }
0x6: {  	s20 =	simm.s32 $0x280;
	s21 =	simm.s32 $0x1;
	s23 =	simm.s32 $0x3680  }
0x7: {  	s24 =	simm.s32 $0x7D;
	s25 =	simm.s32 $0xAE00;
	s5 =	smul.u32 $0xA00, s3  }
0x8: {  	s26 =	simm.s32 $0x2;
	s28 =	simm.s32 $0x0;
	s31 =	smul.u32 $0x4E, s3  }
0x9: {  	[smem:$0x7FF] =	sst s4;
	s16 =	sand.u32 $0x1, s6;
	s8 =	smul.u32 $0x13800, s3  }
0xa: {  	s9 =	sadd.s32 $0xCA00, s15;
	s11 =	smul.u32 $0x2700, s3;
	p1 =	seq.s32 s3, $0x0  }
0xb: {  	s14 =	sadd.s32 $0x492, s0;
	_ =	strace $0x80000047;
	s7 =	ssub.s32 $0x2, s16  }
0xc: {  	p0 =	seq.s32 s16, $0x1;
	p2 =	sne.s32 s16, $0x0;
	s13 =	sadd.s32 s5, s15  }
0xd: {  	s10 =	sshrl.u32 s7, $0x1;
	s5 =	sadd.s32 $0xC400, s15;
	s8 =	sshrl.u32 s8, $0x3  }
0xe: {  	s6 =	sadd.s32 s0, s31;
	p1 =	por !p1, !p0;
	s15 =	sadd.s32 $0x31300, s15  }
.Ltmp0:
0xf: {  	p3 =	sne.s32 @!p2 s3, $0xF;
	s17 =	ssub.s32 s7, s10;
	(pc) =	sbr.rel .LBB2_1-.Ltmp0, $4  }
0x10: {  	s7 =	sadd.s32 s9, s11;
	s12 =	sadd.s32 s9, s8;
	p1 =	por !p1, !p1  }
0x11: {  	s13 =	sadd.s32 $0x2400, s13;
	p3 =	por p2, p3;
	s8 =	sadd.s32 $0x680, s12  }
0x12: {  	s9 =	sadd.s32 $0xD00, s12;
	s10 =	sadd.s32 $0x1380, s12;
	s11 =	sadd.s32 $0x1A00, s12  }
0x13: {  	v0 =	vimm.f32 $0.0e+00;
	v1 =	vimm.f32 $1.000000000e+00;
	s12 =	sadd.s32 $0x2080, s12;
	s16 =	smax.u32 s17, $0x1;
	s17 =	simm.s32 $0x270  }
.LBB2_2:
0x14: {  	[tilespmem:s17], [sflag:$0x3] =	stream.linear.gather [hbm4b:s14+s4], $0x10, $0x38;
	[tilespmem:$0xB0F8] =	vst v63  }
0x15: {  	_ =	swait.ge [sflag:s18], $0x10  }
0x16: {  	[sflag:s18] =	ssyncset.done $0x0  }
0x17: {  	[sflag:s18] =	ssyncadd.s32 $0xFFFFFFF0  }
0x18: {  	[tilespmem:s20], [sflag:$0x1] =	stream.indirect.gather [hbm4b:s1+s19], $0x80, s17, s19, $0xb8;
	[tilespmem:$0xB0F8] =	vst v63  }
0x19: {  	_ =	swait.ge [sflag:s21], $0x800  }
0x1a: {  	[sflag:s21] =	ssyncset.done $0x0  }
0x1b: {  	[sflag:s21] =	ssyncadd.s32 $0xFFFFF800  }
0x1c: {  	[hbm4b:s15+s4] =	stream.linear.scatter [tilespmem:s20], [sflag:$0x3], $0x800, $0x38;
	[tilespmem:$0xB0F8] =	vst v63  }
0x1d: {  	_ =	swait.ge [sflag:s18], $0x800  }
0x1e: {  	[sflag:s18] =	ssyncset.done $0x0  }
0x1f: {  	[sflag:s18] =	ssyncadd.s32 $0xFFFFF800  }
0x20: {  	[bflag:$0x0] =	sbarrier.arrive $0xFFFF  }
.LBB2_3:
0x21: {  	[bflag:$0x0] =	sbarrier.arrive $0xFFFF  }
.LBB2_12:
0x22: {  	s28 =	sadd.s32 $0x1, s28  }
0x23: {  	p4 =	sne.s32 s28, s16  }
.Ltmp1:
0x24: {  	_ = 	snop;
	(pc) =	sbr.rel @!p4 .LBB2_13-.Ltmp1, $1  }
0x25: {  	_ =	sdelay $0x3  }
.LBB2_1:
0x26: {  	s0 =	simm.s32 @!p2 $0x0;
	s29 =	simm.s32 @!p2 $0x3  }
0x27: {  	[tilespmem:s0], [sflag:$0x3] =	stream.linear.gather @!p2 [hbm4b:s6+s0], $0x270, $0x38;
	[tilespmem:$0xB0F8] =	vst v63  }
0x28: {  	_ =	swait.ge @!p2 [sflag:s29], $0x270  }
0x29: {  	s30 =	simm.s32 @!p2 $0x68;
	[sflag:s29] =	ssyncset.done @!p2 $0x0  }
0x2a: {  	s31 =	simm.s32 @!p2 $0x280;
	s3 =	simm.s32 @!p2 $0x1;
	[sflag:s29] =	ssyncadd.s32 @!p2 $0xFFFFFD90  }
0x2b: {  	[tilespmem:s31], [sflag:$0x1] =	stream.indirect.gather @!p2 [hbm4b:s1+s30], $0x80, s0, s30, $0xb8;
	[tilespmem:$0xB0F8] =	vst v63  }
0x2c: {  	_ =	swait.ge @!p2 [sflag:s3], $0x3400  }
0x2d: {  	[sflag:s3] =	ssyncset.done @!p2 $0x0  }
0x2e: {  	[sflag:s3] =	ssyncadd.s32 @!p2 $0xFFFFCC00  }
0x2f: {  	[hbm4b:s7+s0] =	stream.linear.scatter @!p2 [tilespmem:s31], [sflag:$0x3], $0x3400, $0x38;
	[tilespmem:$0xB0F8] =	vst v63  }
0x30: {  	_ =	swait.ge @!p2 [sflag:s29], $0x3400  }
0x31: {  	[sflag:s29] =	ssyncset.done @!p2 $0x0  }
0x32: {  	[sflag:s29] =	ssyncadd.s32 @!p2 $0xFFFFCC00  }
0x33: {  	[tilespmem:s31], [sflag:$0x1] =	stream.indirect.gather @!p2 [hbm4b:s1+s30], $0x80, s30, s30, $0xb8;
	[tilespmem:$0xB0F8] =	vst v63  }
0x34: {  	_ =	swait.ge @!p2 [sflag:s3], $0x3400  }
0x35: {  	[sflag:s3] =	ssyncset.done @!p2 $0x0  }
0x36: {  	[sflag:s3] =	ssyncadd.s32 @!p2 $0xFFFFCC00  }
0x37: {  	[hbm4b:s8+s0] =	stream.linear.scatter @!p2 [tilespmem:s31], [sflag:$0x3], $0x3400, $0x38;
	[tilespmem:$0xB0F8] =	vst v63  }
0x38: {  	_ =	swait.ge @!p2 [sflag:s29], $0x3400  }
0x39: {  	[sflag:s29] =	ssyncset.done @!p2 $0x0  }
0x3a: {  	s22 =	simm.s32 @!p2 $0xD0;
	[sflag:s29] =	ssyncadd.s32 @!p2 $0xFFFFCC00  }
0x3b: {  	[tilespmem:s31], [sflag:$0x1] =	stream.indirect.gather @!p2 [hbm4b:s1+s30], $0x80, s22, s30, $0xb8;
	[tilespmem:$0xB0F8] =	vst v63  }
0x3c: {  	_ =	swait.ge @!p2 [sflag:s3], $0x3400  }
0x3d: {  	[sflag:s3] =	ssyncset.done @!p2 $0x0  }
0x3e: {  	[sflag:s3] =	ssyncadd.s32 @!p2 $0xFFFFCC00  }
0x3f: {  	[hbm4b:s9+s0] =	stream.linear.scatter @!p2 [tilespmem:s31], [sflag:$0x3], $0x3400, $0x38;
	[tilespmem:$0xB0F8] =	vst v63  }
0x40: {  	_ =	swait.ge @!p2 [sflag:s29], $0x3400  }
0x41: {  	[sflag:s29] =	ssyncset.done @!p2 $0x0  }
0x42: {  	s22 =	simm.s32 @!p2 $0x138;
	[sflag:s29] =	ssyncadd.s32 @!p2 $0xFFFFCC00  }
0x43: {  	[tilespmem:s31], [sflag:$0x1] =	stream.indirect.gather @!p2 [hbm4b:s1+s30], $0x80, s22, s30, $0xb8;
	[tilespmem:$0xB0F8] =	vst v63  }
0x44: {  	_ =	swait.ge @!p2 [sflag:s3], $0x3400  }
0x45: {  	[sflag:s3] =	ssyncset.done @!p2 $0x0  }
0x46: {  	[sflag:s3] =	ssyncadd.s32 @!p2 $0xFFFFCC00  }
0x47: {  	[hbm4b:s10+s0] =	stream.linear.scatter @!p2 [tilespmem:s31], [sflag:$0x3], $0x3400, $0x38;
	[tilespmem:$0xB0F8] =	vst v63  }
0x48: {  	_ =	swait.ge @!p2 [sflag:s29], $0x3400  }
0x49: {  	[sflag:s29] =	ssyncset.done @!p2 $0x0  }
0x4a: {  	s22 =	simm.s32 @!p2 $0x1A0;
	[sflag:s29] =	ssyncadd.s32 @!p2 $0xFFFFCC00  }
0x4b: {  	[tilespmem:s31], [sflag:$0x1] =	stream.indirect.gather @!p2 [hbm4b:s1+s30], $0x80, s22, s30, $0xb8;
	[tilespmem:$0xB0F8] =	vst v63  }
0x4c: {  	_ =	swait.ge @!p2 [sflag:s3], $0x3400  }
0x4d: {  	[sflag:s3] =	ssyncset.done @!p2 $0x0  }
0x4e: {  	[sflag:s3] =	ssyncadd.s32 @!p2 $0xFFFFCC00  }
0x4f: {  	[hbm4b:s11+s0] =	stream.linear.scatter @!p2 [tilespmem:s31], [sflag:$0x3], $0x3400, $0x38;
	[tilespmem:$0xB0F8] =	vst v63  }
0x50: {  	_ =	swait.ge @!p2 [sflag:s29], $0x3400  }
0x51: {  	[sflag:s29] =	ssyncset.done @!p2 $0x0  }
0x52: {  	s22 =	simm.s32 @!p2 $0x208;
	[sflag:s29] =	ssyncadd.s32 @!p2 $0xFFFFCC00  }
0x53: {  	[tilespmem:s31], [sflag:$0x1] =	stream.indirect.gather @!p2 [hbm4b:s1+s30], $0x80, s22, s30, $0xb8;
	[tilespmem:$0xB0F8] =	vst v63  }
0x54: {  	_ =	swait.ge @!p2 [sflag:s3], $0x3400  }
0x55: {  	[sflag:s3] =	ssyncset.done @!p2 $0x0  }
.Ltmp2:
0x56: {  	[sflag:s3] =	ssyncadd.s32 @!p2 $0xFFFFCC00;
	(pc) =	sbr.rel @!p3 .LBB2_2-.Ltmp2, $4  }
0x57: {  	[hbm4b:s12+s0] =	stream.linear.scatter @!p2 [tilespmem:s31], [sflag:$0x3], $0x3400, $0x38;
	[tilespmem:$0xB0F8] =	vst v63  }
0x58: {  	_ =	swait.ge @!p2 [sflag:s29], $0x3400  }
0x59: {  	[sflag:s29] =	ssyncset.done @!p2 $0x0  }
0x5a: {  	[sflag:s29] =	ssyncadd.s32 @!p2 $0xFFFFCC00  }
.Ltmp3:
0x5b: {  	(pc) =	sbr.rel @!p1 .LBB2_8-.Ltmp3, $1  }
0x5c: {  	_ =	sdelay $0x3  }
0x5d: {  	s29 =	simm.s32 $0x40;
	s0 =	simm.s32 $0x0  }
.LBB2_6:
0x5e: {  	p4 =	sne.s32 s29, $0x9C00;
	[tilespmem:s0+$0x8680] =	vst v0;
	s0 =	smov.u32 s29;
	s29 =	sadd.s32 $0x40, s29  }
.Ltmp4:
0x5f: {  	(pc) =	sbr.rel @p4 .LBB2_6-.Ltmp4, $2  }
0x60: {  	_ =	sdelay $0x2  }
0x61: {  	s0 =	sshra.s32 s0, $0x2  }
0x62: {  	[tilespmem:s0+$0x8680] =	vst v0;
	s31 =	simm.s32 $0x8680  }
0x63: {  	[spmem:s2] =	stream.linear.scatter [tilespmem:s31], [sflag:$0x3], $0x2780, $0x38;
	[tilespmem:$0xB0F8] =	vst v63  }
.Ltmp5:
0x64: {  	_ =	swait.ge [sflag:s18], $0x2780;
	(pc) =	sbr.rel .LBB2_9-.Ltmp5, $3  }
0x65: {  	[sflag:s18] =	ssyncset.done $0x0  }
0x66: {  	[sflag:s18] =	ssyncadd.s32 $0xFFFFD880  }
0x67: {  	[bflag:$0x0] =	sbarrier.arrive $0xFFFF;
	_ =	sdelay $0x1  }
.LBB2_8:
.Ltmp6:
0x68: {  	(pc) =	sbr.rel @!p0 .LBB2_3-.Ltmp6, $2  }
0x69: {  	_ =	sdelay $0x1  }
0x6a: {  	[bflag:$0x0] =	sbarrier.arrive $0xFFFF;
	_ =	sdelay $0x1  }
.LBB2_9:
0x6b: {  	[tilespmem:$0xAE00] =	vst v1  }
0x6c: {  	[tilespmem:$0xAE10] =	vst v1  }
0x6d: {  	[tilespmem:$0xAE20] =	vst v1  }
0x6e: {  	[tilespmem:$0xAE30] =	vst v1  }
0x6f: {  	[tilespmem:$0xAE40] =	vst v1  }
0x70: {  	[tilespmem:$0xAE50] =	vst v1  }
0x71: {  	[tilespmem:$0xAE60] =	vst v1  }
0x72: {  	[tilespmem:$0xAE70] =	vst v1;
	s0 =	simm.s32 $0x0  }
0x73: {  	[tilespmem:s23], [sflag:$0x3] =	stream.linear.gather [hbm4b:s13+s0], $0x5000, $0x38;
	[tilespmem:$0xB0F8] =	vst v63  }
0x74: {  	_ =	swait.ge [sflag:s18], $0x5000  }
0x75: {  	[sflag:s18] =	ssyncset.done $0x0  }
0x76: {  	s30 =	simm.s32 $0x3680;
	[sflag:s18] =	ssyncadd.s32 $0xFFFFB000  }
0x77: {  	[spmem:s2] =	stream.indirect.scatter.add.f32 [tilespmem:s25], [sflag:$0x2], $0x1, s30, s24, $0xb8;
	[tilespmem:$0xB0F8] =	vst v63  }
0x78: {  	s3 =	simm.s32 $0x3700  }
0x79: {  	[spmem:s2] =	stream.indirect.scatter.add.f32 [tilespmem:s25], [sflag:$0x2], $0x1, s3, s24, $0xb8;
	[tilespmem:$0xB0F8] =	vst v63  }
0x7a: {  	s22 =	simm.s32 $0x3780  }
0x7b: {  	[spmem:s2] =	stream.indirect.scatter.add.f32 [tilespmem:s25], [sflag:$0x2], $0x1, s22, s24, $0xb8;
	[tilespmem:$0xB0F8] =	vst v63  }
0x7c: {  	s30 =	simm.s32 $0x3800  }
0x7d: {  	[spmem:s2] =	stream.indirect.scatter.add.f32 [tilespmem:s25], [sflag:$0x2], $0x1, s30, s24, $0xb8;
	[tilespmem:$0xB0F8] =	vst v63  }
0x7e: {  	s3 =	simm.s32 $0x3880  }
0x7f: {  	[spmem:s2] =	stream.indirect.scatter.add.f32 [tilespmem:s25], [sflag:$0x2], $0x1, s3, s24, $0xb8;
	[tilespmem:$0xB0F8] =	vst v63  }
0x80: {  	s22 =	simm.s32 $0x3900  }
0x81: {  	[spmem:s2] =	stream.indirect.scatter.add.f32 [tilespmem:s25], [sflag:$0x2], $0x1, s22, s24, $0xb8;
	[tilespmem:$0xB0F8] =	vst v63  }
0x82: {  	s30 =	simm.s32 $0x3980  }
0x83: {  	[spmem:s2] =	stream.indirect.scatter.add.f32 [tilespmem:s25], [sflag:$0x2], $0x1, s30, s24, $0xb8;
	[tilespmem:$0xB0F8] =	vst v63  }
0x84: {  	s3 =	simm.s32 $0x3A00  }
0x85: {  	[spmem:s2] =	stream.indirect.scatter.add.f32 [tilespmem:s25], [sflag:$0x2], $0x1, s3, s24, $0xb8;
	[tilespmem:$0xB0F8] =	vst v63  }
0x86: {  	s22 =	simm.s32 $0x3A80  }
0x87: {  	[spmem:s2] =	stream.indirect.scatter.add.f32 [tilespmem:s25], [sflag:$0x2], $0x1, s22, s24, $0xb8;
	[tilespmem:$0xB0F8] =	vst v63  }
0x88: {  	s30 =	simm.s32 $0x3B00  }
0x89: {  	[spmem:s2] =	stream.indirect.scatter.add.f32 [tilespmem:s25], [sflag:$0x2], $0x1, s30, s24, $0xb8;
	[tilespmem:$0xB0F8] =	vst v63  }
0x8a: {  	s3 =	simm.s32 $0x3B80  }
0x8b: {  	[spmem:s2] =	stream.indirect.scatter.add.f32 [tilespmem:s25], [sflag:$0x2], $0x1, s3, s24, $0xb8;
	[tilespmem:$0xB0F8] =	vst v63  }
0x8c: {  	s22 =	simm.s32 $0x3C00  }
0x8d: {  	[spmem:s2] =	stream.indirect.scatter.add.f32 [tilespmem:s25], [sflag:$0x2], $0x1, s22, s24, $0xb8;
	[tilespmem:$0xB0F8] =	vst v63  }
0x8e: {  	s30 =	simm.s32 $0x3C80  }
0x8f: {  	[spmem:s2] =	stream.indirect.scatter.add.f32 [tilespmem:s25], [sflag:$0x2], $0x1, s30, s24, $0xb8;
	[tilespmem:$0xB0F8] =	vst v63  }
0x90: {  	s3 =	simm.s32 $0x3D00  }
0x91: {  	[spmem:s2] =	stream.indirect.scatter.add.f32 [tilespmem:s25], [sflag:$0x2], $0x1, s3, s24, $0xb8;
	[tilespmem:$0xB0F8] =	vst v63  }
0x92: {  	s22 =	simm.s32 $0x3D80  }
0x93: {  	[spmem:s2] =	stream.indirect.scatter.add.f32 [tilespmem:s25], [sflag:$0x2], $0x1, s22, s24, $0xb8;
	[tilespmem:$0xB0F8] =	vst v63  }
0x94: {  	s30 =	simm.s32 $0x3E00  }
0x95: {  	[spmem:s2] =	stream.indirect.scatter.add.f32 [tilespmem:s25], [sflag:$0x2], $0x1, s30, s24, $0xb8;
	[tilespmem:$0xB0F8] =	vst v63  }
0x96: {  	_ =	swait.ge [sflag:s26], $0x7D  }
0x97: {  	[sflag:s26] =	ssyncset.done $0x0  }
0x98: {  	[sflag:s26] =	ssyncadd.s32 $0xFFFFFF83  }
0x99: {  	_ =	swait.ge [sflag:s26], $0x7D  }
0x9a: {  	[sflag:s26] =	ssyncset.done $0x0  }
0x9b: {  	[sflag:s26] =	ssyncadd.s32 $0xFFFFFF83  }
0x9c: {  	_ =	swait.ge [sflag:s26], $0x7D  }
0x9d: {  	[sflag:s26] =	ssyncset.done $0x0  }
0x9e: {  	[sflag:s26] =	ssyncadd.s32 $0xFFFFFF83  }
0x9f: {  	_ =	swait.ge [sflag:s26], $0x7D  }
0xa0: {  	[sflag:s26] =	ssyncset.done $0x0  }
0xa1: {  	[sflag:s26] =	ssyncadd.s32 $0xFFFFFF83  }
0xa2: {  	_ =	swait.ge [sflag:s26], $0x7D  }
0xa3: {  	[sflag:s26] =	ssyncset.done $0x0  }
0xa4: {  	[sflag:s26] =	ssyncadd.s32 $0xFFFFFF83  }
0xa5: {  	_ =	swait.ge [sflag:s26], $0x7D  }
0xa6: {  	[sflag:s26] =	ssyncset.done $0x0  }
0xa7: {  	[sflag:s26] =	ssyncadd.s32 $0xFFFFFF83  }
0xa8: {  	_ =	swait.ge [sflag:s26], $0x7D  }
0xa9: {  	[sflag:s26] =	ssyncset.done $0x0  }
0xaa: {  	[sflag:s26] =	ssyncadd.s32 $0xFFFFFF83  }
0xab: {  	_ =	swait.ge [sflag:s26], $0x7D  }
0xac: {  	[sflag:s26] =	ssyncset.done $0x0  }
0xad: {  	[sflag:s26] =	ssyncadd.s32 $0xFFFFFF83  }
0xae: {  	_ =	swait.ge [sflag:s26], $0x7D  }
0xaf: {  	[sflag:s26] =	ssyncset.done $0x0  }
0xb0: {  	[sflag:s26] =	ssyncadd.s32 $0xFFFFFF83  }
0xb1: {  	_ =	swait.ge [sflag:s26], $0x7D  }
0xb2: {  	[sflag:s26] =	ssyncset.done $0x0  }
0xb3: {  	[sflag:s26] =	ssyncadd.s32 $0xFFFFFF83  }
0xb4: {  	_ =	swait.ge [sflag:s26], $0x7D  }
0xb5: {  	[sflag:s26] =	ssyncset.done $0x0  }
0xb6: {  	[sflag:s26] =	ssyncadd.s32 $0xFFFFFF83  }
0xb7: {  	_ =	swait.ge [sflag:s26], $0x7D  }
0xb8: {  	[sflag:s26] =	ssyncset.done $0x0  }
0xb9: {  	[sflag:s26] =	ssyncadd.s32 $0xFFFFFF83  }
0xba: {  	_ =	swait.ge [sflag:s26], $0x7D  }
0xbb: {  	[sflag:s26] =	ssyncset.done $0x0  }
0xbc: {  	[sflag:s26] =	ssyncadd.s32 $0xFFFFFF83  }
0xbd: {  	_ =	swait.ge [sflag:s26], $0x7D  }
0xbe: {  	[sflag:s26] =	ssyncset.done $0x0  }
0xbf: {  	[sflag:s26] =	ssyncadd.s32 $0xFFFFFF83  }
0xc0: {  	_ =	swait.ge [sflag:s26], $0x7D  }
0xc1: {  	[sflag:s26] =	ssyncset.done $0x0  }
0xc2: {  	[sflag:s26] =	ssyncadd.s32 $0xFFFFFF83  }
0xc3: {  	_ =	swait.ge [sflag:s26], $0x7D  }
0xc4: {  	s29 =	simm.s32 $0x4000;
	s31 =	simm.s32 $0x800;
	[sflag:s26] =	ssyncset.done $0x0  }
.LBB2_10:
0xc5: {  	s3 =	sadd.s32 $0x3680, s31  }
0xc6: {  	[sflag:s26] =	ssyncadd.s32 $0xFFFFFF83;
	s30 =	smov.u32 s29;
	s0 =	sadd.s32 $0x2000, s29  }
0xc7: {  	[spmem:s2] =	stream.indirect.scatter.add.f32 [tilespmem:s25], [sflag:$0x2], $0x1, s3, s24, $0xb8;
	[tilespmem:$0xB0F8] =	vst v63  }
0xc8: {  	p4 =	seq.s32 s29, $0x12000;
	s3 =	sadd.s32 $0x3700, s31  }
0xc9: {  	[spmem:s2] =	stream.indirect.scatter.add.f32 [tilespmem:s25], [sflag:$0x2], $0x1, s3, s24, $0xb8;
	[tilespmem:$0xB0F8] =	vst v63  }
0xca: {  	s3 =	sadd.s32 $0x3780, s31  }
0xcb: {  	[spmem:s2] =	stream.indirect.scatter.add.f32 [tilespmem:s25], [sflag:$0x2], $0x1, s3, s24, $0xb8;
	[tilespmem:$0xB0F8] =	vst v63  }
0xcc: {  	s3 =	sadd.s32 $0x3800, s31  }
0xcd: {  	[spmem:s2] =	stream.indirect.scatter.add.f32 [tilespmem:s25], [sflag:$0x2], $0x1, s3, s24, $0xb8;
	[tilespmem:$0xB0F8] =	vst v63  }
0xce: {  	s3 =	sadd.s32 $0x3880, s31  }
0xcf: {  	[spmem:s2] =	stream.indirect.scatter.add.f32 [tilespmem:s25], [sflag:$0x2], $0x1, s3, s24, $0xb8;
	[tilespmem:$0xB0F8] =	vst v63  }
0xd0: {  	s3 =	sadd.s32 $0x3900, s31  }
0xd1: {  	[spmem:s2] =	stream.indirect.scatter.add.f32 [tilespmem:s25], [sflag:$0x2], $0x1, s3, s24, $0xb8;
	[tilespmem:$0xB0F8] =	vst v63  }
0xd2: {  	s3 =	sadd.s32 $0x3980, s31  }
0xd3: {  	[spmem:s2] =	stream.indirect.scatter.add.f32 [tilespmem:s25], [sflag:$0x2], $0x1, s3, s24, $0xb8;
	[tilespmem:$0xB0F8] =	vst v63  }
0xd4: {  	s3 =	sadd.s32 $0x3A00, s31  }
0xd5: {  	[spmem:s2] =	stream.indirect.scatter.add.f32 [tilespmem:s25], [sflag:$0x2], $0x1, s3, s24, $0xb8;
	[tilespmem:$0xB0F8] =	vst v63  }
0xd6: {  	s3 =	sadd.s32 $0x3A80, s31  }
0xd7: {  	[spmem:s2] =	stream.indirect.scatter.add.f32 [tilespmem:s25], [sflag:$0x2], $0x1, s3, s24, $0xb8;
	[tilespmem:$0xB0F8] =	vst v63  }
0xd8: {  	s3 =	sadd.s32 $0x3B00, s31  }
0xd9: {  	[spmem:s2] =	stream.indirect.scatter.add.f32 [tilespmem:s25], [sflag:$0x2], $0x1, s3, s24, $0xb8;
	[tilespmem:$0xB0F8] =	vst v63  }
0xda: {  	s3 =	sadd.s32 $0x3B80, s31  }
0xdb: {  	[spmem:s2] =	stream.indirect.scatter.add.f32 [tilespmem:s25], [sflag:$0x2], $0x1, s3, s24, $0xb8;
	[tilespmem:$0xB0F8] =	vst v63  }
0xdc: {  	s3 =	sadd.s32 $0x3C00, s31  }
0xdd: {  	[spmem:s2] =	stream.indirect.scatter.add.f32 [tilespmem:s25], [sflag:$0x2], $0x1, s3, s24, $0xb8;
	[tilespmem:$0xB0F8] =	vst v63  }
0xde: {  	s3 =	sadd.s32 $0x3C80, s31  }
0xdf: {  	[spmem:s2] =	stream.indirect.scatter.add.f32 [tilespmem:s25], [sflag:$0x2], $0x1, s3, s24, $0xb8;
	[tilespmem:$0xB0F8] =	vst v63  }
0xe0: {  	s3 =	sadd.s32 $0x3D00, s31  }
0xe1: {  	[spmem:s2] =	stream.indirect.scatter.add.f32 [tilespmem:s25], [sflag:$0x2], $0x1, s3, s24, $0xb8;
	[tilespmem:$0xB0F8] =	vst v63  }
0xe2: {  	s3 =	sadd.s32 $0x3D80, s31  }
0xe3: {  	[spmem:s2] =	stream.indirect.scatter.add.f32 [tilespmem:s25], [sflag:$0x2], $0x1, s3, s24, $0xb8;
	[tilespmem:$0xB0F8] =	vst v63  }
0xe4: {  	s3 =	sadd.s32 $0x3E00, s31  }
0xe5: {  	[spmem:s2] =	stream.indirect.scatter.add.f32 [tilespmem:s25], [sflag:$0x2], $0x1, s3, s24, $0xb8;
	[tilespmem:$0xB0F8] =	vst v63  }
0xe6: {  	_ =	swait.ge [sflag:s26], $0x7D  }
0xe7: {  	[sflag:s26] =	ssyncset.done $0x0  }
0xe8: {  	[sflag:s26] =	ssyncadd.s32 $0xFFFFFF83  }
0xe9: {  	_ =	swait.ge [sflag:s26], $0x7D  }
0xea: {  	[sflag:s26] =	ssyncset.done $0x0  }
0xeb: {  	[sflag:s26] =	ssyncadd.s32 $0xFFFFFF83  }
0xec: {  	_ =	swait.ge [sflag:s26], $0x7D  }
0xed: {  	[sflag:s26] =	ssyncset.done $0x0  }
0xee: {  	[sflag:s26] =	ssyncadd.s32 $0xFFFFFF83  }
0xef: {  	_ =	swait.ge [sflag:s26], $0x7D  }
0xf0: {  	[sflag:s26] =	ssyncset.done $0x0  }
0xf1: {  	[sflag:s26] =	ssyncadd.s32 $0xFFFFFF83  }
0xf2: {  	_ =	swait.ge [sflag:s26], $0x7D  }
0xf3: {  	[sflag:s26] =	ssyncset.done $0x0  }
0xf4: {  	[sflag:s26] =	ssyncadd.s32 $0xFFFFFF83  }
0xf5: {  	_ =	swait.ge [sflag:s26], $0x7D  }
0xf6: {  	[sflag:s26] =	ssyncset.done $0x0  }
0xf7: {  	[sflag:s26] =	ssyncadd.s32 $0xFFFFFF83  }
0xf8: {  	_ =	swait.ge [sflag:s26], $0x7D  }
0xf9: {  	[sflag:s26] =	ssyncset.done $0x0  }
0xfa: {  	[sflag:s26] =	ssyncadd.s32 $0xFFFFFF83  }
0xfb: {  	_ =	swait.ge [sflag:s26], $0x7D  }
0xfc: {  	[sflag:s26] =	ssyncset.done $0x0  }
0xfd: {  	[sflag:s26] =	ssyncadd.s32 $0xFFFFFF83  }
0xfe: {  	_ =	swait.ge [sflag:s26], $0x7D  }
0xff: {  	[sflag:s26] =	ssyncset.done $0x0  }
0x100: {  	[sflag:s26] =	ssyncadd.s32 $0xFFFFFF83  }
0x101: {  	_ =	swait.ge [sflag:s26], $0x7D  }
0x102: {  	[sflag:s26] =	ssyncset.done $0x0  }
0x103: {  	[sflag:s26] =	ssyncadd.s32 $0xFFFFFF83  }
0x104: {  	_ =	swait.ge [sflag:s26], $0x7D  }
0x105: {  	[sflag:s26] =	ssyncset.done $0x0  }
0x106: {  	[sflag:s26] =	ssyncadd.s32 $0xFFFFFF83  }
0x107: {  	_ =	swait.ge [sflag:s26], $0x7D  }
0x108: {  	[sflag:s26] =	ssyncset.done $0x0  }
0x109: {  	[sflag:s26] =	ssyncadd.s32 $0xFFFFFF83  }
0x10a: {  	_ =	swait.ge [sflag:s26], $0x7D  }
0x10b: {  	[sflag:s26] =	ssyncset.done $0x0  }
0x10c: {  	[sflag:s26] =	ssyncadd.s32 $0xFFFFFF83  }
0x10d: {  	_ =	swait.ge [sflag:s26], $0x7D  }
0x10e: {  	[sflag:s26] =	ssyncset.done $0x0  }
0x10f: {  	[sflag:s26] =	ssyncadd.s32 $0xFFFFFF83  }
.Ltmp7:
0x110: {  	_ =	swait.ge [sflag:s26], $0x7D;
	(pc) =	sbr.rel @!p4 .LBB2_10-.Ltmp7, $4  }
0x111: {  	[sflag:s26] =	ssyncset.done $0x0  }
0x112: {  	[sflag:s26] =	ssyncadd.s32 $0xFFFFFF83  }
0x113: {  	_ =	swait.ge [sflag:s26], $0x7D  }
0x114: {  	s29 =	smov.u32 s0;
	s31 =	sshra.s32 s30, $0x2;
	[sflag:s26] =	ssyncset.done $0x0  }
0x115: {  	s0 =	sadd.s32 $0x3680, s31;
	[sflag:s26] =	ssyncadd.s32 $0xFFFFFF83  }
0x116: {  	[spmem:s2] =	stream.indirect.scatter.add.f32 [tilespmem:s25], [sflag:$0x2], $0x1, s0, s24, $0xb8;
	[tilespmem:$0xB0F8] =	vst v63  }
0x117: {  	s29 =	sadd.s32 $0x3700, s31  }
0x118: {  	[spmem:s2] =	stream.indirect.scatter.add.f32 [tilespmem:s25], [sflag:$0x2], $0x1, s29, s24, $0xb8;
	[tilespmem:$0xB0F8] =	vst v63  }
0x119: {  	s30 =	sadd.s32 $0x3780, s31  }
0x11a: {  	[spmem:s2] =	stream.indirect.scatter.add.f32 [tilespmem:s25], [sflag:$0x2], $0x1, s30, s24, $0xb8;
	[tilespmem:$0xB0F8] =	vst v63  }
0x11b: {  	s3 =	sadd.s32 $0x3800, s31  }
0x11c: {  	[spmem:s2] =	stream.indirect.scatter.add.f32 [tilespmem:s25], [sflag:$0x2], $0x1, s3, s24, $0xb8;
	[tilespmem:$0xB0F8] =	vst v63  }
0x11d: {  	s22 =	sadd.s32 $0x3880, s31  }
0x11e: {  	[spmem:s2] =	stream.indirect.scatter.add.f32 [tilespmem:s25], [sflag:$0x2], $0x1, s22, s24, $0xb8;
	[tilespmem:$0xB0F8] =	vst v63  }
0x11f: {  	s29 =	sadd.s32 $0x3900, s31  }
0x120: {  	[spmem:s2] =	stream.indirect.scatter.add.f32 [tilespmem:s25], [sflag:$0x2], $0x1, s29, s24, $0xb8;
	[tilespmem:$0xB0F8] =	vst v63  }
0x121: {  	s30 =	sadd.s32 $0x3980, s31  }
0x122: {  	[spmem:s2] =	stream.indirect.scatter.add.f32 [tilespmem:s25], [sflag:$0x2], $0x1, s30, s24, $0xb8;
	[tilespmem:$0xB0F8] =	vst v63  }
0x123: {  	s3 =	sadd.s32 $0x3A00, s31  }
0x124: {  	[spmem:s2] =	stream.indirect.scatter.add.f32 [tilespmem:s25], [sflag:$0x2], $0x1, s3, s24, $0xb8;
	[tilespmem:$0xB0F8] =	vst v63  }
0x125: {  	s22 =	sadd.s32 $0x3A80, s31  }
0x126: {  	[spmem:s2] =	stream.indirect.scatter.add.f32 [tilespmem:s25], [sflag:$0x2], $0x1, s22, s24, $0xb8;
	[tilespmem:$0xB0F8] =	vst v63  }
0x127: {  	s29 =	sadd.s32 $0x3B00, s31  }
0x128: {  	[spmem:s2] =	stream.indirect.scatter.add.f32 [tilespmem:s25], [sflag:$0x2], $0x1, s29, s24, $0xb8;
	[tilespmem:$0xB0F8] =	vst v63  }
0x129: {  	s30 =	sadd.s32 $0x3B80, s31  }
0x12a: {  	[spmem:s2] =	stream.indirect.scatter.add.f32 [tilespmem:s25], [sflag:$0x2], $0x1, s30, s24, $0xb8;
	[tilespmem:$0xB0F8] =	vst v63  }
0x12b: {  	s3 =	sadd.s32 $0x3C00, s31  }
0x12c: {  	[spmem:s2] =	stream.indirect.scatter.add.f32 [tilespmem:s25], [sflag:$0x2], $0x1, s3, s24, $0xb8;
	[tilespmem:$0xB0F8] =	vst v63  }
0x12d: {  	s22 =	sadd.s32 $0x3C80, s31  }
0x12e: {  	[spmem:s2] =	stream.indirect.scatter.add.f32 [tilespmem:s25], [sflag:$0x2], $0x1, s22, s24, $0xb8;
	[tilespmem:$0xB0F8] =	vst v63  }
0x12f: {  	s29 =	sadd.s32 $0x3D00, s31  }
0x130: {  	[spmem:s2] =	stream.indirect.scatter.add.f32 [tilespmem:s25], [sflag:$0x2], $0x1, s29, s24, $0xb8;
	[tilespmem:$0xB0F8] =	vst v63  }
0x131: {  	s30 =	sadd.s32 $0x3D80, s31  }
0x132: {  	[spmem:s2] =	stream.indirect.scatter.add.f32 [tilespmem:s25], [sflag:$0x2], $0x1, s30, s24, $0xb8;
	[tilespmem:$0xB0F8] =	vst v63  }
0x133: {  	s31 =	sadd.s32 $0x3E00, s31  }
0x134: {  	[spmem:s2] =	stream.indirect.scatter.add.f32 [tilespmem:s25], [sflag:$0x2], $0x1, s31, s24, $0xb8;
	[tilespmem:$0xB0F8] =	vst v63  }
0x135: {  	_ =	swait.ge [sflag:s26], $0x7D  }
0x136: {  	[sflag:s26] =	ssyncset.done $0x0  }
0x137: {  	[sflag:s26] =	ssyncadd.s32 $0xFFFFFF83  }
0x138: {  	_ =	swait.ge [sflag:s26], $0x7D  }
0x139: {  	[sflag:s26] =	ssyncset.done $0x0  }
0x13a: {  	[sflag:s26] =	ssyncadd.s32 $0xFFFFFF83  }
0x13b: {  	_ =	swait.ge [sflag:s26], $0x7D  }
0x13c: {  	[sflag:s26] =	ssyncset.done $0x0  }
0x13d: {  	[sflag:s26] =	ssyncadd.s32 $0xFFFFFF83  }
0x13e: {  	_ =	swait.ge [sflag:s26], $0x7D  }
0x13f: {  	[sflag:s26] =	ssyncset.done $0x0  }
0x140: {  	[sflag:s26] =	ssyncadd.s32 $0xFFFFFF83  }
0x141: {  	_ =	swait.ge [sflag:s26], $0x7D  }
0x142: {  	[sflag:s26] =	ssyncset.done $0x0  }
0x143: {  	[sflag:s26] =	ssyncadd.s32 $0xFFFFFF83  }
0x144: {  	_ =	swait.ge [sflag:s26], $0x7D  }
0x145: {  	[sflag:s26] =	ssyncset.done $0x0  }
0x146: {  	[sflag:s26] =	ssyncadd.s32 $0xFFFFFF83  }
0x147: {  	_ =	swait.ge [sflag:s26], $0x7D  }
0x148: {  	[sflag:s26] =	ssyncset.done $0x0  }
0x149: {  	[sflag:s26] =	ssyncadd.s32 $0xFFFFFF83  }
0x14a: {  	_ =	swait.ge [sflag:s26], $0x7D  }
0x14b: {  	[sflag:s26] =	ssyncset.done $0x0  }
0x14c: {  	[sflag:s26] =	ssyncadd.s32 $0xFFFFFF83  }
0x14d: {  	_ =	swait.ge [sflag:s26], $0x7D  }
0x14e: {  	[sflag:s26] =	ssyncset.done $0x0  }
0x14f: {  	[sflag:s26] =	ssyncadd.s32 $0xFFFFFF83  }
0x150: {  	_ =	swait.ge [sflag:s26], $0x7D  }
0x151: {  	[sflag:s26] =	ssyncset.done $0x0  }
0x152: {  	[sflag:s26] =	ssyncadd.s32 $0xFFFFFF83  }
0x153: {  	_ =	swait.ge [sflag:s26], $0x7D  }
0x154: {  	[sflag:s26] =	ssyncset.done $0x0  }
0x155: {  	[sflag:s26] =	ssyncadd.s32 $0xFFFFFF83  }
0x156: {  	_ =	swait.ge [sflag:s26], $0x7D  }
0x157: {  	[sflag:s26] =	ssyncset.done $0x0  }
0x158: {  	[sflag:s26] =	ssyncadd.s32 $0xFFFFFF83  }
0x159: {  	_ =	swait.ge [sflag:s26], $0x7D  }
0x15a: {  	[sflag:s26] =	ssyncset.done $0x0  }
0x15b: {  	[sflag:s26] =	ssyncadd.s32 $0xFFFFFF83  }
0x15c: {  	_ =	swait.ge [sflag:s26], $0x7D  }
0x15d: {  	[sflag:s26] =	ssyncset.done $0x0  }
0x15e: {  	[sflag:s26] =	ssyncadd.s32 $0xFFFFFF83  }
0x15f: {  	_ =	swait.ge [sflag:s26], $0x7D  }
0x160: {  	[sflag:s26] =	ssyncset.done $0x0  }
0x161: {  	[sflag:s26] =	ssyncadd.s32 $0xFFFFFF83  }
0x162: {  	_ =	swait.ge [sflag:s26], $0x7D  }
0x163: {  	[sflag:s26] =	ssyncset.done $0x0  }
0x164: {  	[sflag:s26] =	ssyncadd.s32 $0xFFFFFF83  }
0x165: {  	s0 =	simm.s32 @p1 $0x8680;
	s3 =	simm.s32 @p1 $0x3;
	[bflag:$0x0] =	sbarrier.arrive $0xFFFF  }
0x166: {  	[tilespmem:s0], [sflag:$0x3] =	stream.linear.gather @p1 [spmem:s2], $0x2780, $0x38;
	[tilespmem:$0xB0F8] =	vst v63  }
0x167: {  	_ =	swait.ge @p1 [sflag:s3], $0x2780  }
0x168: {  	[sflag:s3] =	ssyncset.done @p1 $0x0  }
.Ltmp8:
0x169: {  	s22 =	simm.s32 @p1 $0x0;
	[sflag:s3] =	ssyncadd.s32 @p1 $0xFFFFD880;
	(pc) =	sbr.rel .LBB2_12-.Ltmp8, $4  }
0x16a: {  	[hbm4b:s5+s22] =	stream.linear.scatter @p1 [tilespmem:s0], [sflag:$0x3], $0x2780, $0x38;
	[tilespmem:$0xB0F8] =	vst v63  }
0x16b: {  	_ =	swait.ge @p1 [sflag:s3], $0x2780  }
0x16c: {  	[sflag:s3] =	ssyncset.done @p1 $0x0  }
0x16d: {  	[sflag:s3] =	ssyncadd.s32 @p1 $0xFFFFD880  }
.LBB2_13:
0x16e: {  	_ =	sfence.sel $0x180000  }
0x16f: {  	[bflag:$0x0] =	sbarrier.arrive $0xFFFF  }
0x170: {  	_ =	strace $0x90000047  }
0x171: {  	s0 =	stileid.u32;
	[bflag:$0x2] =	sbarrier.arrive $0xFFFF  }
0x172: {  	p0 =	sne.s32 s0, $0x0;
	s0 =	rddreg [dreg:$0x4]  }
0x173: {  	s0 =	sadd.s32 @!p0 $0x100000, s0  }
0x174: {  	[sflag:s0] =	ssyncadd.tile.s32 @!p0 $0x1;
	_ =	shalt  }
.Lfunc_end2:
_tile_overlayer_lowered:
.L_overlay_start_2:
0x175: {  	(tag) =	ssettag $0x2  }
0x176: {  	s0 =	rddreg [dreg:$0x0];
	s2 =	stileid.u32  }
0x177: {  	s1 =	rddreg [dreg:$0x1];
	p0 =	sne.s32 s2, $0x0  }
0x178: {  	s3 =	rddreg [dreg:$0x2];
	[bflag:$0x3] =	sbarrier.arrive $0xFFFF;
	s2 =	simm.s32 @!p0 $0x1C03  }
0x179: {  	[timem:s3], [sflag:s2] =	dma.local @!p0 [hbm:s0], s1  }
0x17a: {  	s0 =	simm.s32 @!p0 $0x3  }
0x17b: {  	_ =	swait.ge @!p0 [sflag:s0], s1  }
0x17c: {  	s1 =	ssub.s32 @!p0 $0x0, s1;
	[sflag:s0] =	ssyncset.done @!p0 $0x0  }
0x17d: {  	[sflag:s0] =	ssyncadd.s32 @!p0 s1  }
0x17e: {  	[bflag:$0x3] =	sbarrier.arrive $0xFFFF  }
0x17f: {  	_ =	shalt  }

// kernel: kernel.9.cloned.1.call-start
scs
__scs_entry_jumppad:
0x0: {  	(pc) =	sbr.rel $0x88, $3  }
0x1: {  	(tag) =	ssettag $0x0;
	lr =	simm.s32 $0x1  }
0x2: {  	[smem:$0x3F99] =	sst lr;
	_ =	strace $0xD0000000  }
0x3: {  	_ = 	snop  }
0x4: {  	_ = 	snop  }
0x5: {  	_ = 	snop  }
0x6: {  	_ = 	snop  }
0x7: {  	_ = 	snop  }
__scs_overlays_trampoline_lowered:
0x8: {  	[smem:$0x3FA8] =	sst s0  }
0x9: {  	[smem:$0x3FA9] =	sst s1  }
0xa: {  	[smem:$0x3FAA] =	sst s2  }
0xb: {  	[smem:$0x3FAB] =	sst s3  }
0xc: {  	[smem:$0x3FAC] =	sst s4  }
0xd: {  	[smem:$0x3FAD] =	sst s5  }
0xe: {  	[smem:$0x3FAE] =	sst s6  }
0xf: {  	[smem:$0x3FAF] =	sst s7  }
0x10: {  	[smem:$0x3FB0] =	sst s8  }
0x11: {  	[smem:$0x3FB1] =	sst s9;
	s0 =	simm.s32 @!p0 $0x0  }
0x12: {  	s1 =	sld [smem:$0x3F97];
	s0 =	simm.s32 @p0 $0x1  }
0x13: {  	[smem:$0x3FB2] =	sst s0;
	s0 =	simm.s32 @!p1 $0x0  }
0x14: {  	s2 =	sld [smem:$0x3F96];
	s0 =	simm.s32 @p1 $0x1  }
0x15: {  	[smem:$0x3FB3] =	sst s0;
	s0 =	simm.s32 @!p2 $0x0  }
0x16: {  	s3 =	sld [smem:$0x3FDB];
	s0 =	simm.s32 @p2 $0x1  }
0x17: {  	s4 =	simm.s32 $0x1BF5;
	[smem:$0x3FB5] =	sst s0  }
0x18: {  	s0 =	sld [smem:$0x3F98];
	_ =	swait.ge [sflag:s4], $0x0  }
0x19: {  	s7 =	sld [smem:$0x3F99]  }
0x1a: {  	s8 =	sadd.s32 $0xFFFFE003, lr  }
0x1b: {  	s9 =	sadd.s32 $0xFFFFFEF7, lr;
	s5 =	simm.s32 $0xFFFFFFFF;
	p2 =	slt.u32 s8, $0xFFFFF086  }
0x1c: {  	p1 =	slt.u32 s9, $0xF7A;
	s5 =	simm.s32 @!p2 $0x0  }
0x1d: {  	s5 =	simm.s32 @p1 $0x1;
	p0 =	seq.s32 s7, s2  }
0x1e: {  	s7 =	smul.u32 @!p0 $0xF7A, s2;
	p2 =	seq.s32 @!p0 s5, $0x0  }
0x1f: {  	s9 =	smul.u32 $0xF7A, s1;
	s8 =	simm.s32 @!p0 $0x1BF5;
	p2 =	por !p2, p0  }
0x20: {  	[sflag:s8] =	ssyncset.s32 @!p0 $0xFFFFF086;
	s6 =	sadd.s32 @!p0 s3, s7;
	s7 =	simm.s32 @!p0 $0x108  }
0x21: {  	s3 =	sadd.s32 s3, s9;
	s6 =	sadd.s32 @!p0 $0x88, s6;
	s7 =	simm.s32 @p2 $0x1082  }
0x22: {  	[simem:s7], [sflag:s8] =	dma.local @!p0 [hbm:s6], $0xF7A  }
0x23: {  	s9 =	sor.u32 $0xD0000000, s2;
	s6 =	simm.s32 $0x108;
	_ =	swait.ge @!p0 [sflag:s8], $0x0  }
0x24: {  	s3 =	sadd.s32 $0x88, s3;
	s6 =	simm.s32 @!p1 $0x1082;
	[sflag:s4] =	ssyncset.s32 $0xFFFFF086  }
0x25: {  	[simem:s6], [sflag:s4] =	dma.local [hbm:s3], $0xF7A  }
0x26: {  	[smem:$0x3F99] =	sst s1;
	(tag) =	ssettag s2;
	_ =	strace s9  }
0x27: {  	s1 =	sld [smem:$0x3FA9]  }
0x28: {  	s2 =	sld [smem:$0x3FAA]  }
0x29: {  	s4 =	sld [smem:$0x3FAC]  }
0x2a: {  	p0 =	seq.s32 s5, $0x0;
	s5 =	sld [smem:$0x3FAD]  }
0x2b: {  	s6 =	sld [smem:$0x3FAE]  }
0x2c: {  	s7 =	sld [smem:$0x3FAF]  }
0x2d: {  	s3 =	simm.s32 $0x108;
	s8 =	sld [smem:$0x3FB0]  }
0x2e: {  	s3 =	simm.s32 @!p0 $0x1082;
	s9 =	sld [smem:$0x3FB1]  }
0x2f: {  	lr =	sadd.s32 s0, s3;
	s0 =	sld [smem:$0x3FA8]  }
0x30: {  	s3 =	sld [smem:$0x3FAB]  }
0x31: {  	[smem:$0x3FB4] =	sst s10  }
0x32: {  	s10 =	sld [smem:$0x3FB2];
	_ =	sdelay $0x3  }
0x33: {  	p0 =	seq.s32 s10, $0x1;
	s10 =	sld [smem:$0x3FB4];
	_ =	sdelay $0x3  }
0x34: {  	[smem:$0x3FB4] =	sst s10  }
0x35: {  	s10 =	sld [smem:$0x3FB3];
	_ =	sdelay $0x3  }
0x36: {  	p1 =	seq.s32 s10, $0x1;
	s10 =	sld [smem:$0x3FB4];
	_ =	sdelay $0x3  }
0x37: {  	[smem:$0x3FB4] =	sst s10  }
0x38: {  	s10 =	sld [smem:$0x3FB5]  }
0x39: {  	_ = 	snop;
	(pc) =	sbr.ind lr, $3  }
0x3a: {  	_ = 	snop  }
0x3b: {  	_ = 	snop  }
0x3c: {  	p2 =	seq.s32 s10, $0x1;
	s10 =	sld [smem:$0x3FB4]  }
0x3d: {  	_ =	shalt  }
0x3e: {  	_ =	shalt  }
0x3f: {  	_ =	shalt  }
0x40: {  	_ =	shalt  }
0x41: {  	_ =	shalt  }
0x42: {  	_ =	shalt  }
0x43: {  	_ =	shalt  }
0x44: {  	_ =	shalt  }
0x45: {  	_ =	shalt  }
0x46: {  	_ =	shalt  }
0x47: {  	_ =	shalt  }
0x48: {  	_ =	shalt  }
0x49: {  	_ =	shalt  }
0x4a: {  	_ =	shalt  }
0x4b: {  	_ =	shalt  }
0x4c: {  	_ =	shalt  }
0x4d: {  	_ =	shalt  }
0x4e: {  	_ =	shalt  }
0x4f: {  	_ =	shalt  }
0x50: {  	_ =	shalt  }
0x51: {  	_ =	shalt  }
0x52: {  	_ =	shalt  }
0x53: {  	_ =	shalt  }
0x54: {  	_ =	shalt  }
0x55: {  	_ =	shalt  }
0x56: {  	_ =	shalt  }
0x57: {  	_ =	shalt  }
0x58: {  	_ =	shalt  }
0x59: {  	_ =	shalt  }
0x5a: {  	_ =	shalt  }
0x5b: {  	_ =	shalt  }
0x5c: {  	_ =	shalt  }
0x5d: {  	_ =	shalt  }
0x5e: {  	_ =	shalt  }
0x5f: {  	_ =	shalt  }
0x60: {  	_ =	shalt  }
0x61: {  	_ =	shalt  }
0x62: {  	_ =	shalt  }
0x63: {  	_ =	shalt  }
0x64: {  	_ =	shalt  }
0x65: {  	_ =	shalt  }
0x66: {  	_ =	shalt  }
0x67: {  	_ =	shalt  }
0x68: {  	_ =	shalt  }
0x69: {  	_ =	shalt  }
0x6a: {  	_ =	shalt  }
0x6b: {  	_ =	shalt  }
0x6c: {  	_ =	shalt  }
0x6d: {  	_ =	shalt  }
0x6e: {  	_ =	shalt  }
0x6f: {  	_ =	shalt  }
0x70: {  	_ =	shalt  }
0x71: {  	_ =	shalt  }
0x72: {  	_ =	shalt  }
0x73: {  	_ =	shalt  }
0x74: {  	_ =	shalt  }
0x75: {  	_ =	shalt  }
0x76: {  	_ =	shalt  }
0x77: {  	_ =	shalt  }
0x78: {  	_ =	shalt  }
0x79: {  	_ =	shalt  }
0x7a: {  	_ =	shalt  }
0x7b: {  	_ =	shalt  }
0x7c: {  	_ =	shalt  }
0x7d: {  	_ =	shalt  }
0x7e: {  	_ =	shalt  }
0x7f: {  	_ =	shalt  }
0x80: {  	_ =	shalt  }
0x81: {  	_ =	shalt  }
0x82: {  	_ =	shalt  }
0x83: {  	_ =	shalt  }
0x84: {  	_ =	shalt  }
0x85: {  	_ =	shalt  }
0x86: {  	_ =	shalt  }
0x87: {  	_ =	shalt  }
.Lfunc_end0:
.L_simem_size_0:
called_computation.1_lowered:
.L_overlay_start_0:
0x88: {  	s2 =	sld [smem:$0x3FD9]  }
0x89: {  	s3 =	sld [smem:$0x3FFE];
	_ =	sdelay $0x1  }
0x8a: {  	s1 =	srdreg.scid  }
0x8b: {  	s0 =	sand.u32 $0x1, s1  }
0x8c: {  	s16 =	sshll.u32 s0, $0xA;
	s2 =	sadd.s32 s3, s2  }
0x8d: {  	s2 =	sadd.s32 s2, s16  }
0x8e: {  	[smem:$0x3FC0] =	sst s2  }
0x8f: {  	_ = 	snop  }
0x90: {  	(tm) =	ssettm $0x1  }
0x91: {  	s17 =	sld [smem:$0x3FFB];
	_ =	sdelay $0x3  }
0x92: {  	_ =	strace s17  }
0x93: {  	s2 =	sld [smem:$0x3FFC];
	_ =	sdelay $0x3  }
0x94: {  	_ =	strace s2  }
0x95: {  	s2 =	sld [smem:$0x3FFD];
	_ =	sdelay $0x3  }
0x96: {  	_ =	strace s2  }
0x97: {  	_ =	strace $0x8FFFFFFF  }
0x98: {  	s18 =	sld [smem:$0x3FDB];
	_ =	sdelay $0x1  }
0x99: {  	s19 =	simm.s32 $_scs_section_size  }
0x9a: {  	s4 =	simm.s32 $_size__tile_overlayer_lowered;
	s5 =	simm.s32 $_tile_overlayer_lowered  }
0x9b: {  	s22 =	simm.s32 $0x1BFF;
	s21 =	sshll.u32 s5, $0x1;
	s2 =	sadd.s32 s19, s18  }
0x9c: {  	s6 =	simm.s32 $0x0;
	s20 =	sshll.u32 s4, $0x1;
	s4 =	sadd.s32 s21, s2  }
0x9d: {  	[timem:s6], [sflag:s22] =	dma.local [hbm:s4], s20  }
0x9e: {  	_ =	swait.ge [sflag:s22], s20  }
0x9f: {  	s3 =	ssub.s32 $0x0, s20;
	[sflag:s22] =	ssyncset.done $0x0  }
0xa0: {  	[sflag:s22] =	ssyncadd.s32 s3;
	_ =	sdelay $0x1  }
0xa1: {  	s23 =	simm.s32 $0x1B8B  }
0xa2: {  	_ =	swait.ge [sflag:s23], $0x1  }
0xa3: {  	[sflag:s23] =	ssyncset.done $0x0  }
0xa4: {  	s25 =	simm.s32 $0x1B8E;
	s24 =	sld [smem:$0x3FFE];
	[sflag:s23] =	ssyncadd.s32 $0xFFFFFFFF  }
0xa5: {  	s26 =	simm.s32 $execute0_lowered;
	[smem:$0x3FD2] =	sst s25  }
0xa6: {  	s4 =	sshll.u32 s26, $0x1;
	_ =	strace $0x80000049;
	[dreg:$0x1] =	wrdreg $0xFFFFFFFF  }
0xa7: {  	s28 =	simm.s32 $_size_execute0_lowered;
	s2 =	sadd.s32 s2, s4;
	[dreg:$0x0] =	wrdreg $0x0  }
0xa8: {  	s4 =	sshll.u32 s28, $0x1;
	[dreg:$0x2] =	wrdreg s2  }
0xa9: {  	[dreg:$0x3] =	wrdreg s4  }
0xaa: {  	[dreg:$0x4] =	wrdreg $0xC0  }
0xab: {  	_ =	task [dreg:s6], $0x5FFFF  }
0xac: {  	[dreg:$0x1] =	wrdreg $0xFFFFFFFF  }
0xad: {  	[dreg:$0x0] =	wrdreg $0x60  }
0xae: {  	[dreg:$0x2] =	wrdreg s24  }
0xaf: {  	[dreg:$0x3] =	wrdreg $0xBE000  }
0xb0: {  	[dreg:$0x4] =	wrdreg $0x9  }
0xb1: {  	_ =	task.clear_ibuf [dreg:s6], $0x5FFFF;
	_ =	strace $0x90000049  }
0xb2: {  	s29 =	simm.s32 $0x9;
	_ =	strace $0x8000004B  }
0xb3: {  	_ =	swait.ge [sflag:s29], $0x1  }
0xb4: {  	[sflag:s29] =	ssyncadd.s32 $0xFFFFFFFF  }
0xb5: {  	_ =	strace $0x9000004B  }
0xb6: {  	_ =	sfence  }
0xb7: {  	s30 =	sld [smem:$0x0];
	_ =	sdelay $0x2  }
0xb8: {  	s31 =	sshll.u32 s1, $0xD;
	s1 =	sshrl.u32 s1, $0x2  }
0xb9: {  	s3 =	sand.u32 $0x4000, s31;
	s1 =	sadd.s32 s1, s30  }
0xba: {  	s0 =	sor.u32 s3, s0;
	s1 =	sshll.u32 s1, $0x11  }
0xbb: {  	s0 =	sor.u32 s1, s0  }
0xbc: {  	s0 =	sadd.s32 $0x8F2B, s0  }
0xbd: {  	[sflag:s0] =	ssyncadd.remote.s32 $0x1  }
0xbe: {  	_ =	sfence.sel $0xFFFF  }
0xbf: {  	[dreg:$0x0] =	wrdreg $0xFFFFFFFF;
	(pc) =	sbr.abs _section_cstart, $3  }
0xc0: {  	[dreg:$0x1] =	wrdreg $0xFFFFFFFF  }
0xc1: {  	_ =	task.clear_ibuf [dreg:s6], $0x2FFFF;
	_ =	strace $0x9FFFFFFF  }
0xc2: {  	(tm) =	ssettm $0x7FFFFFFF  }
0xc3: {  	_ =	shalt  }
tec
execute0_lowered:
.L_overlay_start_1:
0x0: {  	(tag) =	ssettag $0x1  }
0x1: {  	s0 =	rddreg [dreg:$0x0];
	s21 =	stileid.u32  }
0x2: {  	s1 =	rddreg [dreg:$0x1];
	s6 =	smul.u32 $0x270, s21  }
0x3: {  	s3 =	simm.s32 $0x0;
	s2 =	srdreg.scid;
	s11 =	smul.u32 $0x4E000, s21  }
0x4: {  	[smem:$0x7FF] =	sst s3;
	s20 =	smul.u32 $0x140, s21  }
0x5: {  	s2 =	sand.u32 $0x1, s2;
	s5 =	sadd.s32 $0x33C00, s0;
	s13 =	smul.u32 $0xA00, s21  }
0x6: {  	s7 =	sadd.s32 $0x3DC00, s0;
	s4 =	sadd.s32 $0x51C00, s0;
	s22 =	smul.u32 $0x1400, s21  }
0x7: {  	s0 =	sadd.s32 $0x9FE00, s0;
	s10 =	smul.u32 $0x2710, s2;
	s8 =	ssub.s32 $0x2, s2  }
0x8: {  	_ =	strace $0x8000004A;
	s9 =	sshrl.u32 s8, $0x1;
	s19 =	sshrl.u32 s11, $0x2  }
0x9: {  	s13 =	sadd.s32 s5, s13;
	s17 =	sadd.s32 $0x50, s20;
	s6 =	sadd.s32 s6, s10  }
0xa: {  	s8 =	ssub.s32 s8, s9;
	[dreg:$0x4] =	wrdreg s13;
	s18 =	sshll.u32 s17, $0x3  }
0xb: {  	s13 =	sadd.s32 s7, s22;
	s24 =	sshll.u32 s17, $0x4;
	s26 =	sshll.u32 s6, $0x4  }
0xc: {  	s18 =	sadd.s32 s5, s18;
	[dreg:$0x8] =	wrdreg s13;
	s13 =	sadd.s32 s7, s24  }
0xd: {  	s6 =	sadd.s32 s4, s26;
	s14 =	sadd.s32 $0x800, s26;
	[dreg:$0x5] =	wrdreg s18  }
0xe: {  	s15 =	sadd.s32 $0xC00, s26;
	s16 =	sadd.s32 $0x1000, s26;
	[dreg:$0x9] =	wrdreg s13  }
0xf: {  	s9 =	sadd.s32 s0, s26;
	[dreg:$0x3] =	wrdreg s6;
	s6 =	sadd.s32 s19, s1  }
0x10: {  	s19 =	sadd.s32 $0xA0, s20;
	[dreg:$0xc] =	wrdreg s9;
	s22 =	sadd.s32 s4, s15  }
0x11: {  	s24 =	sadd.s32 s4, s16;
	s23 =	sshll.u32 s19, $0x3;
	[dreg:$0x11] =	wrdreg s22  }
0x12: {  	s25 =	sshll.u32 s19, $0x4;
	s19 =	sadd.s32 s4, s14;
	[dreg:$0x13] =	wrdreg s24  }
0x13: {  	s11 =	sadd.s32 $0xF0, s20;
	s24 =	smax.u32 s8, $0x1;
	[dreg:$0xf] =	wrdreg s19  }
0x14: {  	s20 =	sshll.u32 s11, $0x3;
	s18 =	sadd.s32 s5, s23;
	[smem:$0x7F4] =	sst s24  }
0x15: {  	s12 =	sadd.s32 $0x400, s26;
	s5 =	sadd.s32 s5, s20;
	[dreg:$0x6] =	wrdreg s18  }
0x16: {  	s11 =	sshll.u32 s11, $0x4;
	s13 =	sadd.s32 s7, s25;
	[dreg:$0x7] =	wrdreg s5  }
0x17: {  	s17 =	sadd.s32 $0x2400, s26;
	s7 =	sadd.s32 s7, s11;
	[dreg:$0xa] =	wrdreg s13  }
0x18: {  	s11 =	sadd.s32 $0x1C00, s26;
	s20 =	sadd.s32 s0, s14;
	[dreg:$0xb] =	wrdreg s7  }
0x19: {  	s23 =	sadd.s32 s0, s15;
	s25 =	sadd.s32 s0, s16;
	[dreg:$0x10] =	wrdreg s20  }
0x1a: {  	s5 =	sadd.s32 $0x1400, s26;
	s7 =	sadd.s32 $0x1800, s26;
	[dreg:$0x12] =	wrdreg s23  }
0x1b: {  	s13 =	sadd.s32 $0x2000, s26;
	s26 =	sadd.s32 s4, s12;
	[dreg:$0x14] =	wrdreg s25  }
0x1c: {  	s2 =	smul.u32 $0x138800, s2;
	s18 =	sadd.s32 s0, s12;
	[dreg:$0xd] =	wrdreg s26  }
0x1d: {  	s14 =	sadd.s32 s4, s11;
	[dreg:$0xe] =	wrdreg s18  }
0x1e: {  	s2 =	sshrl.u32 s2, $0x3;
	s15 =	sadd.s32 s0, s11;
	[dreg:$0x19] =	wrdreg s14  }
0x1f: {  	s19 =	sadd.s32 s4, s2;
	s20 =	sadd.s32 s4, s17;
	[dreg:$0x1a] =	wrdreg s15  }
0x20: {  	s2 =	sadd.s32 s0, s2;
	s22 =	sadd.s32 $0x24900, s19;
	[dreg:$0x1e] =	wrdreg s20  }
0x21: {  	s28 =	simm.s32 $0x5E00;
	s23 =	sadd.s32 $0x27000, s2;
	[dreg:$0x1f] =	wrdreg s22  }
0x22: {  	s29 =	simm.s32 $0x3D00;
	s25 =	sadd.s32 $0x124800, s1;
	[smem:$0x7F3] =	sst s23  }
0x23: {  	s30 =	simm.s32 $0x7E00;
	s19 =	sadd.s32 $0x10000, s6;
	[smem:$0x7F5] =	sst s25  }
0x24: {  	s31 =	simm.s32 $0x3D80;
	s26 =	sadd.s32 s4, s5;
	[smem:$0x7FC] =	sst s19  }
0x25: {  	p0 =	sne.s32 s21, $0xF;
	s5 =	sadd.s32 s0, s5;
	[dreg:$0x15] =	wrdreg s26  }
0x26: {  	s21 =	simm.s32 $0x3E00;
	s9 =	sadd.s32 s4, s7;
	[dreg:$0x16] =	wrdreg s5  }
0x27: {  	v0 =	vmov s10;
	s10 =	simm.s32 $0x0;
	s12 =	sadd.s32 s0, s7;
	[dreg:$0x17] =	wrdreg s9  }
0x28: {  	s8 =	simm.s32 $0x4;
	s16 =	sadd.s32 s4, s13;
	[dreg:$0x18] =	wrdreg s12  }
0x29: {  	s24 =	simm.s32 $0x40;
	s18 =	sadd.s32 s0, s13;
	[dreg:$0x1b] =	wrdreg s16  }
0x2a: {  	s2 =	simm.s32 $0x1;
	s0 =	sadd.s32 s0, s17;
	[dreg:$0x1c] =	wrdreg s18  }
0x2b: {  	s15 =	sadd.s32 $0x2000, s6;
	s17 =	sadd.s32 $0x6000, s6;
	[dreg:$0x1d] =	wrdreg s0  }
0x2c: {  	s13 =	sadd.s32 $0xA000, s6;
	s14 =	sadd.s32 $0xE000, s6;
	[smem:$0x7F8] =	sst s17  }
0x2d: {  	s20 =	sadd.s32 $0x12000, s6;
	s22 =	simm.s32 $0x9;
	[smem:$0x7FA] =	sst s13  }
0x2e: {  	s23 =	simm.s32 $0x1400;
	s25 =	simm.s32 $0x3C00;
	[smem:$0x7FB] =	sst s14  }
0x2f: {  	s7 =	simm.s32 $0x3;
	s26 =	sadd.s32 $0x138000, s1;
	[smem:$0x7FD] =	sst s20  }
0x30: {  	s16 =	sadd.s32 $0x4000, s6;
	s12 =	sadd.s32 $0x8000, s6;
	[smem:$0x7F6] =	sst s26  }
0x31: {  	s9 =	sadd.s32 $0xC000, s6;
	s0 =	simm.s32 $0x9E00;
	[smem:$0x7F7] =	sst s16  }
0x32: {  	s5 =	simm.s32 $0x2;
	s26 =	simm.s32 $0x3C80;
	[smem:$0x7F9] =	sst s12  }
.LBB2_1:
0x33: {  	[smem:$0x7F2] =	sst s10  }
0x34: {  	s11 =	rddreg [dreg:$0x3]  }
0x35: {  	[tilespmem:s21], [sflag:$0x9] =	stream.linear.gather [hbm4b:s11+s3], $0x2000, $0x38;
	[tilespmem:$0x1F780] =	vst v63  }
0x36: {  	_ =	swait.ge [sflag:s22], $0x2000  }
0x37: {  	[sflag:s22] =	ssyncset.done $0x0  }
0x38: {  	[sflag:s22] =	ssyncadd.s32 $0xFFFFE000  }
0x39: {  	[spmem:s6] =	stream.linear.scatter [tilespmem:s21], [sflag:$0x9], $0x2000, $0x38;
	[tilespmem:$0x1F780] =	vst v63  }
0x3a: {  	_ =	swait.ge [sflag:s22], $0x2000  }
0x3b: {  	[sflag:s22] =	ssyncset.done $0x0  }
0x3c: {  	s18 =	rddreg [dreg:$0xd];
	[sflag:s22] =	ssyncadd.s32 $0xFFFFE000  }
0x3d: {  	[tilespmem:s21], [sflag:$0x9] =	stream.linear.gather [hbm4b:s18+s3], $0x2000, $0x38;
	[tilespmem:$0x1F780] =	vst v63  }
0x3e: {  	_ =	swait.ge [sflag:s22], $0x2000  }
0x3f: {  	[sflag:s22] =	ssyncset.done $0x0  }
0x40: {  	[sflag:s22] =	ssyncadd.s32 $0xFFFFE000  }
0x41: {  	[spmem:s15] =	stream.linear.scatter [tilespmem:s21], [sflag:$0x9], $0x2000, $0x38;
	[tilespmem:$0x1F780] =	vst v63  }
0x42: {  	_ =	swait.ge [sflag:s22], $0x2000  }
0x43: {  	[sflag:s22] =	ssyncset.done $0x0  }
0x44: {  	s10 =	rddreg [dreg:$0xf];
	[sflag:s22] =	ssyncadd.s32 $0xFFFFE000  }
0x45: {  	[tilespmem:s21], [sflag:$0x9] =	stream.linear.gather [hbm4b:s10+s3], $0x2000, $0x38;
	[tilespmem:$0x1F780] =	vst v63  }
0x46: {  	_ =	swait.ge [sflag:s22], $0x2000  }
0x47: {  	[sflag:s22] =	ssyncset.done $0x0  }
0x48: {  	[sflag:s22] =	ssyncadd.s32 $0xFFFFE000  }
0x49: {  	[spmem:s16] =	stream.linear.scatter [tilespmem:s21], [sflag:$0x9], $0x2000, $0x38;
	[tilespmem:$0x1F780] =	vst v63  }
0x4a: {  	_ =	swait.ge [sflag:s22], $0x2000  }
0x4b: {  	[sflag:s22] =	ssyncset.done $0x0  }
0x4c: {  	s18 =	smov.u32 s15;
	s15 =	rddreg [dreg:$0x11];
	[sflag:s22] =	ssyncadd.s32 $0xFFFFE000  }
0x4d: {  	[tilespmem:s21], [sflag:$0x9] =	stream.linear.gather [hbm4b:s15+s3], $0x2000, $0x38;
	[tilespmem:$0x1F780] =	vst v63  }
0x4e: {  	_ =	swait.ge [sflag:s22], $0x2000  }
0x4f: {  	[sflag:s22] =	ssyncset.done $0x0  }
0x50: {  	[sflag:s22] =	ssyncadd.s32 $0xFFFFE000  }
0x51: {  	[spmem:s17] =	stream.linear.scatter [tilespmem:s21], [sflag:$0x9], $0x2000, $0x38;
	[tilespmem:$0x1F780] =	vst v63  }
0x52: {  	_ =	swait.ge [sflag:s22], $0x2000  }
0x53: {  	[sflag:s22] =	ssyncset.done $0x0  }
0x54: {  	s16 =	rddreg [dreg:$0x13];
	[sflag:s22] =	ssyncadd.s32 $0xFFFFE000  }
0x55: {  	[tilespmem:s21], [sflag:$0x9] =	stream.linear.gather [hbm4b:s16+s3], $0x2000, $0x38;
	[tilespmem:$0x1F780] =	vst v63  }
0x56: {  	_ =	swait.ge [sflag:s22], $0x2000  }
0x57: {  	[sflag:s22] =	ssyncset.done $0x0  }
0x58: {  	[sflag:s22] =	ssyncadd.s32 $0xFFFFE000  }
0x59: {  	[spmem:s12] =	stream.linear.scatter [tilespmem:s21], [sflag:$0x9], $0x2000, $0x38;
	[tilespmem:$0x1F780] =	vst v63  }
0x5a: {  	_ =	swait.ge [sflag:s22], $0x2000  }
0x5b: {  	[sflag:s22] =	ssyncset.done $0x0  }
0x5c: {  	s17 =	rddreg [dreg:$0x15];
	[sflag:s22] =	ssyncadd.s32 $0xFFFFE000  }
0x5d: {  	[tilespmem:s21], [sflag:$0x9] =	stream.linear.gather [hbm4b:s17+s3], $0x2000, $0x38;
	[tilespmem:$0x1F780] =	vst v63  }
0x5e: {  	_ =	swait.ge [sflag:s22], $0x2000  }
0x5f: {  	[sflag:s22] =	ssyncset.done $0x0  }
0x60: {  	[sflag:s22] =	ssyncadd.s32 $0xFFFFE000  }
0x61: {  	[spmem:s13] =	stream.linear.scatter [tilespmem:s21], [sflag:$0x9], $0x2000, $0x38;
	[tilespmem:$0x1F780] =	vst v63  }
0x62: {  	_ =	swait.ge [sflag:s22], $0x2000  }
0x63: {  	[sflag:s22] =	ssyncset.done $0x0  }
0x64: {  	s10 =	rddreg [dreg:$0x17];
	[sflag:s22] =	ssyncadd.s32 $0xFFFFE000  }
0x65: {  	[tilespmem:s21], [sflag:$0x9] =	stream.linear.gather [hbm4b:s10+s3], $0x2000, $0x38;
	[tilespmem:$0x1F780] =	vst v63  }
0x66: {  	_ =	swait.ge [sflag:s22], $0x2000  }
0x67: {  	[sflag:s22] =	ssyncset.done $0x0  }
0x68: {  	[sflag:s22] =	ssyncadd.s32 $0xFFFFE000  }
0x69: {  	[spmem:s9] =	stream.linear.scatter [tilespmem:s21], [sflag:$0x9], $0x2000, $0x38;
	[tilespmem:$0x1F780] =	vst v63  }
0x6a: {  	_ =	swait.ge [sflag:s22], $0x2000  }
0x6b: {  	[sflag:s22] =	ssyncset.done $0x0  }
0x6c: {  	s12 =	rddreg [dreg:$0x19];
	[sflag:s22] =	ssyncadd.s32 $0xFFFFE000  }
0x6d: {  	[tilespmem:s21], [sflag:$0x9] =	stream.linear.gather [hbm4b:s12+s3], $0x2000, $0x38;
	[tilespmem:$0x1F780] =	vst v63  }
0x6e: {  	_ =	swait.ge [sflag:s22], $0x2000  }
0x6f: {  	[sflag:s22] =	ssyncset.done $0x0  }
0x70: {  	[sflag:s22] =	ssyncadd.s32 $0xFFFFE000  }
0x71: {  	[spmem:s14] =	stream.linear.scatter [tilespmem:s21], [sflag:$0x9], $0x2000, $0x38;
	[tilespmem:$0x1F780] =	vst v63  }
0x72: {  	_ =	swait.ge [sflag:s22], $0x2000  }
0x73: {  	[sflag:s22] =	ssyncset.done $0x0  }
0x74: {  	s13 =	rddreg [dreg:$0x1b];
	[sflag:s22] =	ssyncadd.s32 $0xFFFFE000  }
0x75: {  	[tilespmem:s21], [sflag:$0x9] =	stream.linear.gather [hbm4b:s13+s3], $0x2000, $0x38;
	[tilespmem:$0x1F780] =	vst v63  }
0x76: {  	_ =	swait.ge [sflag:s22], $0x2000  }
0x77: {  	[sflag:s22] =	ssyncset.done $0x0  }
0x78: {  	[sflag:s22] =	ssyncadd.s32 $0xFFFFE000  }
0x79: {  	[spmem:s19] =	stream.linear.scatter [tilespmem:s21], [sflag:$0x9], $0x2000, $0x38;
	[tilespmem:$0x1F780] =	vst v63  }
0x7a: {  	_ =	swait.ge [sflag:s22], $0x2000  }
0x7b: {  	[sflag:s22] =	ssyncset.done $0x0  }
0x7c: {  	s14 =	rddreg [dreg:$0x1e];
	[sflag:s22] =	ssyncadd.s32 $0xFFFFE000  }
0x7d: {  	[tilespmem:s21], [sflag:$0x9] =	stream.linear.gather [hbm4b:s14+s3], $0x1800, $0x38;
	[tilespmem:$0x1F780] =	vst v63  }
0x7e: {  	_ =	swait.ge [sflag:s22], $0x1800  }
0x7f: {  	[sflag:s22] =	ssyncset.done $0x0  }
0x80: {  	[sflag:s22] =	ssyncadd.s32 $0xFFFFE800  }
0x81: {  	[spmem:s20] =	stream.linear.scatter [tilespmem:s21], [sflag:$0x9], $0x1800, $0x38;
	[tilespmem:$0x1F780] =	vst v63  }
0x82: {  	_ =	swait.ge [sflag:s22], $0x1800  }
0x83: {  	s11 =	simm.s32 @!p0 $0x0;
	[sflag:s22] =	ssyncset.done $0x0  }
0x84: {  	s12 =	simm.s32 @!p0 $0x3E00;
	s13 =	rddreg [dreg:$0x1f];
	[sflag:s22] =	ssyncadd.s32 $0xFFFFE800  }
0x85: {  	[tilespmem:s12], [sflag:$0x9] =	stream.linear.gather @!p0 [hbm4b:s13+s11], $0x800, $0x38;
	[tilespmem:$0x1F780] =	vst v63  }
0x86: {  	s11 =	simm.s32 @!p0 $0x9  }
0x87: {  	_ =	swait.ge @!p0 [sflag:s11], $0x800  }
0x88: {  	s10 =	sld [smem:$0x7F5]  }
0x89: {  	[sflag:s11] =	ssyncset.done @!p0 $0x0  }
0x8a: {  	[sflag:s11] =	ssyncadd.s32 @!p0 $0xFFFFF800  }
0x8b: {  	[spmem:s10] =	stream.linear.scatter @!p0 [tilespmem:s12], [sflag:$0x9], $0x800, $0x38;
	[tilespmem:$0x1F780] =	vst v63  }
0x8c: {  	_ =	swait.ge @!p0 [sflag:s11], $0x800  }
0x8d: {  	[sflag:s11] =	ssyncset.done @!p0 $0x0  }
0x8e: {  	[sflag:s11] =	ssyncadd.s32 @!p0 $0xFFFFF800  }
0x8f: {  	[bflag:$0x0] =	sbarrier.arrive $0xFFFF  }
0x90: {  	s15 =	rddreg [dreg:$0x4]  }
0x91: {  	[tilespmem:s3], [sflag:$0x9] =	stream.linear.gather [hbm4b:s15+s3], $0x1400, $0x38;
	[tilespmem:$0x1F780] =	vst v63  }
0x92: {  	_ =	swait.ge [sflag:s22], $0x1400  }
0x93: {  	[sflag:s22] =	ssyncset.done $0x0  }
0x94: {  	s16 =	rddreg [dreg:$0x8];
	[sflag:s22] =	ssyncadd.s32 $0xFFFFEC00  }
0x95: {  	[tilespmem:s23], [sflag:$0x9] =	stream.linear.gather [hbm4b:s16+s3], $0x2800, $0x38;
	[tilespmem:$0x1F780] =	vst v63  }
0x96: {  	_ =	swait.ge [sflag:s22], $0x2800  }
0x97: {  	p1 =	por $0x1, $0x1;
	[sflag:s22] =	ssyncset.done $0x0  }
0x98: {  	s11 =	simm.s32 @!p1 $0x5;
	[sflag:s22] =	ssyncadd.s32 $0xFFFFD800  }
0x99: {  	_ =	swait.ge @!p1 [sflag:s11], $0x2000  }
0x9a: {  	[sflag:s11] =	ssyncset.done @!p1 $0x0  }
0x9b: {  	s17 =	simm.s32 $0x80;
	[sflag:s11] =	ssyncadd.s32 @!p1 $0xFFFFE000  }
0x9c: {  	v1 =	vld [tilespmem:s17+$0xFFFFFF80];
	_ =	sdelay $0x4  }
0x9d: {  	v1 =	vadd.s32 v0, v1  }
0x9e: {  	[tilespmem:$0x3C00] =	vst v1  }
0x9f: {  	v1 =	vld [tilespmem:s17+$0xFFFFFF90];
	_ =	sdelay $0x4  }
0xa0: {  	v1 =	vadd.s32 v0, v1  }
0xa1: {  	[tilespmem:$0x3C10] =	vst v1  }
0xa2: {  	v1 =	vld [tilespmem:s17+$0xFFFFFFA0];
	_ =	sdelay $0x4  }
0xa3: {  	v1 =	vadd.s32 v0, v1  }
0xa4: {  	[tilespmem:$0x3C20] =	vst v1  }
0xa5: {  	v1 =	vld [tilespmem:s17+$0xFFFFFFB0];
	_ =	sdelay $0x4  }
0xa6: {  	v1 =	vadd.s32 v0, v1  }
0xa7: {  	s11 =	simm.s32 @!p1 $0x6;
	[tilespmem:$0x3C30] =	vst v1  }
0xa8: {  	[tilespmem:s21], [sflag:$0x1] =	stream.indirect.gather [hbm4b:s4+s24], $0x80, s25, s24, $0xb8;
	[tilespmem:$0x1F780] =	vst v63  }
0xa9: {  	_ =	swait.ge @!p1 [sflag:s11], $0x2000  }
0xaa: {  	[sflag:s11] =	ssyncset.done @!p1 $0x0  }
0xab: {  	[sflag:s11] =	ssyncadd.s32 @!p1 $0xFFFFE000  }
0xac: {  	v1 =	vld [tilespmem:s17+$0xFFFFFFC0];
	_ =	sdelay $0x4  }
0xad: {  	s19 =	simm.s32 $0x40;
	v1 =	vadd.s32 v0, v1  }
0xae: {  	s20 =	sor.u32 $0x50, s19;
	[tilespmem:$0x3C80] =	vst v1  }
0xaf: {  	v1 =	vld [tilespmem:s20+$0x0];
	_ =	sdelay $0x4  }
0xb0: {  	v1 =	vadd.s32 v0, v1  }
0xb1: {  	s10 =	sor.u32 $0x60, s19;
	[tilespmem:$0x3C90] =	vst v1  }
0xb2: {  	v1 =	vld [tilespmem:s10+$0x0];
	_ =	sdelay $0x4  }
0xb3: {  	v1 =	vadd.s32 v0, v1  }
0xb4: {  	s11 =	sor.u32 $0x70, s19;
	[tilespmem:$0x3CA0] =	vst v1  }
0xb5: {  	v1 =	vld [tilespmem:s11+$0x0];
	_ =	sdelay $0x4  }
0xb6: {  	v1 =	vadd.s32 v0, v1  }
0xb7: {  	s11 =	simm.s32 @!p1 $0x7;
	[tilespmem:$0x3CB0] =	vst v1  }
0xb8: {  	[tilespmem:s28], [sflag:$0x2] =	stream.indirect.gather [hbm4b:s4+s24], $0x80, s26, s24, $0xb8;
	[tilespmem:$0x1F780] =	vst v63  }
0xb9: {  	_ =	swait.ge @!p1 [sflag:s11], $0x2000  }
0xba: {  	[sflag:s11] =	ssyncset.done @!p1 $0x0  }
0xbb: {  	[sflag:s11] =	ssyncadd.s32 @!p1 $0xFFFFE000  }
0xbc: {  	v1 =	vld [tilespmem:s17+$0x0];
	_ =	sdelay $0x4  }
0xbd: {  	v1 =	vadd.s32 v0, v1  }
0xbe: {  	[tilespmem:$0x3D00] =	vst v1  }
0xbf: {  	v1 =	vld [tilespmem:s17+$0x10];
	_ =	sdelay $0x4  }
0xc0: {  	v1 =	vadd.s32 v0, v1  }
0xc1: {  	[tilespmem:$0x3D10] =	vst v1  }
0xc2: {  	v1 =	vld [tilespmem:s17+$0x20];
	_ =	sdelay $0x4  }
0xc3: {  	v1 =	vadd.s32 v0, v1  }
0xc4: {  	[tilespmem:$0x3D20] =	vst v1  }
0xc5: {  	v1 =	vld [tilespmem:s17+$0x30];
	_ =	sdelay $0x4  }
0xc6: {  	v1 =	vadd.s32 v0, v1  }
0xc7: {  	s11 =	simm.s32 @!p1 $0x8;
	[tilespmem:$0x3D30] =	vst v1  }
0xc8: {  	[tilespmem:s30], [sflag:$0x3] =	stream.indirect.gather [hbm4b:s4+s24], $0x80, s29, s24, $0xb8;
	[tilespmem:$0x1F780] =	vst v63  }
0xc9: {  	_ =	swait.ge @!p1 [sflag:s11], $0x2000  }
0xca: {  	[sflag:s11] =	ssyncset.done @!p1 $0x0  }
0xcb: {  	[sflag:s11] =	ssyncadd.s32 @!p1 $0xFFFFE000  }
0xcc: {  	v1 =	vld [tilespmem:s17+$0x40];
	_ =	sdelay $0x4  }
0xcd: {  	s14 =	simm.s32 $0xC0;
	v1 =	vadd.s32 v0, v1  }
0xce: {  	s15 =	sor.u32 $0x50, s14;
	[tilespmem:$0x3D80] =	vst v1  }
0xcf: {  	v1 =	vld [tilespmem:s15+$0x0];
	_ =	sdelay $0x4  }
0xd0: {  	v1 =	vadd.s32 v0, v1  }
0xd1: {  	s16 =	sor.u32 $0x60, s14;
	[tilespmem:$0x3D90] =	vst v1  }
0xd2: {  	v1 =	vld [tilespmem:s16+$0x0];
	_ =	sdelay $0x4  }
0xd3: {  	v1 =	vadd.s32 v0, v1  }
0xd4: {  	s11 =	sor.u32 $0x70, s14;
	[tilespmem:$0x3DA0] =	vst v1  }
0xd5: {  	v1 =	vld [tilespmem:s11+$0x0];
	_ =	sdelay $0x4  }
0xd6: {  	v1 =	vadd.s32 v0, v1  }
0xd7: {  	[tilespmem:$0x3DB0] =	vst v1  }
0xd8: {  	[tilespmem:s0], [sflag:$0x4] =	stream.indirect.gather [hbm4b:s4+s24], $0x80, s31, s24, $0xb8;
	[tilespmem:$0x1F780] =	vst v63  }
0xd9: {  	_ =	swait.ge [sflag:s2], $0x2000  }
0xda: {  	[sflag:s2] =	ssyncset.done $0x0  }
0xdb: {  	s17 =	simm.s32 $0x1400;
	[sflag:s2] =	ssyncadd.s32 $0xFFFFE000  }
0xdc: {  	[spmem:s1] =	stream.indirect.scatter.add.f32 [tilespmem:s21], [sflag:$0x5], $0x80, s17, s24, $0xb8;
	[tilespmem:$0x1F780] =	vst v63  }
0xdd: {  	_ =	swait.ge [sflag:s5], $0x2000  }
0xde: {  	[sflag:s5] =	ssyncset.done $0x0  }
0xdf: {  	s19 =	simm.s32 $0x1480;
	[sflag:s5] =	ssyncadd.s32 $0xFFFFE000  }
0xe0: {  	[spmem:s1] =	stream.indirect.scatter.add.f32 [tilespmem:s28], [sflag:$0x6], $0x80, s19, s24, $0xb8;
	[tilespmem:$0x1F780] =	vst v63  }
0xe1: {  	_ =	swait.ge [sflag:s7], $0x2000  }
0xe2: {  	p2 =	por $0x0, $0x0;
	[sflag:s7] =	ssyncset.done $0x0  }
0xe3: {  	s13 =	simm.s32 $0x180;
	s20 =	simm.s32 $0x1500;
	[sflag:s7] =	ssyncadd.s32 $0xFFFFE000  }
0xe4: {  	[spmem:s1] =	stream.indirect.scatter.add.f32 [tilespmem:s30], [sflag:$0x7], $0x80, s20, s24, $0xb8;
	[tilespmem:$0x1F780] =	vst v63  }
0xe5: {  	s12 =	simm.s32 $0x1C0;
	s14 =	simm.s32 $0x1000;
	_ =	swait.ge [sflag:s8], $0x2000  }
0xe6: {  	s16 =	simm.s32 $0x1580;
	s11 =	simm.s32 $0x800;
	[sflag:s8] =	ssyncset.done $0x0  }
.LBB2_2:
0xe7: {  	s17 =	simm.s32 @!p2 $0x5  }
0xe8: {  	[sflag:s8] =	ssyncadd.s32 $0xFFFFE000;
	s15 =	smov.u32 s14;
	s14 =	sadd.s32 $0x800, s14  }
0xe9: {  	[spmem:s1] =	stream.indirect.scatter.add.f32 [tilespmem:s0], [sflag:$0x8], $0x80, s16, s24, $0xb8;
	[tilespmem:$0x1F780] =	vst v63  }
0xea: {  	p1 =	sne.s32 s14, $0xA000;
	_ =	swait.ge @!p2 [sflag:s17], $0x2000  }
0xeb: {  	[sflag:s17] =	ssyncset.done @!p2 $0x0  }
0xec: {  	[sflag:s17] =	ssyncadd.s32 @!p2 $0xFFFFE000  }
0xed: {  	v1 =	vld [tilespmem:s13+$0xFFFFFF80];
	_ =	sdelay $0x4  }
0xee: {  	v1 =	vadd.s32 v0, v1  }
0xef: {  	[tilespmem:$0x3C00] =	vst v1  }
0xf0: {  	v1 =	vld [tilespmem:s13+$0xFFFFFF90];
	_ =	sdelay $0x4  }
0xf1: {  	v1 =	vadd.s32 v0, v1  }
0xf2: {  	[tilespmem:$0x3C10] =	vst v1  }
0xf3: {  	v1 =	vld [tilespmem:s13+$0xFFFFFFA0];
	_ =	sdelay $0x4  }
0xf4: {  	v1 =	vadd.s32 v0, v1  }
0xf5: {  	[tilespmem:$0x3C20] =	vst v1  }
0xf6: {  	v1 =	vld [tilespmem:s13+$0xFFFFFFB0];
	_ =	sdelay $0x4  }
0xf7: {  	v1 =	vadd.s32 v0, v1  }
0xf8: {  	s16 =	simm.s32 @!p2 $0x6;
	[tilespmem:$0x3C30] =	vst v1  }
0xf9: {  	[tilespmem:s21], [sflag:$0x1] =	stream.indirect.gather [hbm4b:s4+s24], $0x80, s25, s24, $0xb8;
	[tilespmem:$0x1F780] =	vst v63  }
0xfa: {  	_ =	swait.ge @!p2 [sflag:s16], $0x2000  }
0xfb: {  	[sflag:s16] =	ssyncset.done @!p2 $0x0  }
0xfc: {  	[sflag:s16] =	ssyncadd.s32 @!p2 $0xFFFFE000  }
0xfd: {  	v1 =	vld [tilespmem:s13+$0xFFFFFFC0];
	_ =	sdelay $0x4  }
0xfe: {  	s16 =	sadd.s32 $0xFFFFFF80, s12;
	v1 =	vadd.s32 v0, v1  }
0xff: {  	s17 =	sor.u32 $0x50, s16;
	[tilespmem:$0x3C80] =	vst v1  }
0x100: {  	v1 =	vld [tilespmem:s17+$0x0];
	_ =	sdelay $0x4  }
0x101: {  	v1 =	vadd.s32 v0, v1  }
0x102: {  	s17 =	sor.u32 $0x60, s16;
	[tilespmem:$0x3C90] =	vst v1  }
0x103: {  	v1 =	vld [tilespmem:s17+$0x0];
	_ =	sdelay $0x4  }
0x104: {  	v1 =	vadd.s32 v0, v1  }
0x105: {  	s16 =	sor.u32 $0x70, s16;
	[tilespmem:$0x3CA0] =	vst v1  }
0x106: {  	v1 =	vld [tilespmem:s16+$0x0];
	_ =	sdelay $0x4  }
0x107: {  	v1 =	vadd.s32 v0, v1  }
0x108: {  	s16 =	simm.s32 @!p2 $0x7;
	[tilespmem:$0x3CB0] =	vst v1  }
0x109: {  	[tilespmem:s28], [sflag:$0x2] =	stream.indirect.gather [hbm4b:s4+s24], $0x80, s26, s24, $0xb8;
	[tilespmem:$0x1F780] =	vst v63  }
0x10a: {  	_ =	swait.ge @!p2 [sflag:s16], $0x2000  }
0x10b: {  	[sflag:s16] =	ssyncset.done @!p2 $0x0  }
0x10c: {  	[sflag:s16] =	ssyncadd.s32 @!p2 $0xFFFFE000  }
0x10d: {  	v1 =	vld [tilespmem:s13+$0x0];
	_ =	sdelay $0x4  }
0x10e: {  	v1 =	vadd.s32 v0, v1  }
0x10f: {  	[tilespmem:$0x3D00] =	vst v1  }
0x110: {  	v1 =	vld [tilespmem:s13+$0x10];
	_ =	sdelay $0x4  }
0x111: {  	v1 =	vadd.s32 v0, v1  }
0x112: {  	[tilespmem:$0x3D10] =	vst v1  }
0x113: {  	v1 =	vld [tilespmem:s13+$0x20];
	_ =	sdelay $0x4  }
0x114: {  	v1 =	vadd.s32 v0, v1  }
0x115: {  	[tilespmem:$0x3D20] =	vst v1  }
0x116: {  	v1 =	vld [tilespmem:s13+$0x30];
	_ =	sdelay $0x4  }
0x117: {  	v1 =	vadd.s32 v0, v1  }
0x118: {  	s16 =	simm.s32 @!p2 $0x8;
	[tilespmem:$0x3D30] =	vst v1  }
0x119: {  	[tilespmem:s30], [sflag:$0x3] =	stream.indirect.gather [hbm4b:s4+s24], $0x80, s29, s24, $0xb8;
	[tilespmem:$0x1F780] =	vst v63  }
0x11a: {  	_ =	swait.ge @!p2 [sflag:s16], $0x2000  }
0x11b: {  	[sflag:s16] =	ssyncset.done @!p2 $0x0  }
0x11c: {  	[sflag:s16] =	ssyncadd.s32 @!p2 $0xFFFFE000  }
0x11d: {  	v1 =	vld [tilespmem:s13+$0x40];
	_ =	sdelay $0x4  }
0x11e: {  	v1 =	vadd.s32 v0, v1  }
0x11f: {  	s16 =	sor.u32 $0x50, s12;
	[tilespmem:$0x3D80] =	vst v1  }
0x120: {  	v1 =	vld [tilespmem:s16+$0x0];
	_ =	sdelay $0x4  }
0x121: {  	v1 =	vadd.s32 v0, v1  }
0x122: {  	s16 =	sor.u32 $0x60, s12;
	[tilespmem:$0x3D90] =	vst v1  }
0x123: {  	v1 =	vld [tilespmem:s16+$0x0];
	_ =	sdelay $0x4  }
0x124: {  	v1 =	vadd.s32 v0, v1  }
0x125: {  	s16 =	sor.u32 $0x70, s12;
	[tilespmem:$0x3DA0] =	vst v1  }
0x126: {  	v1 =	vld [tilespmem:s16+$0x0];
	_ =	sdelay $0x4  }
0x127: {  	v1 =	vadd.s32 v0, v1  }
0x128: {  	[tilespmem:$0x3DB0] =	vst v1  }
0x129: {  	[tilespmem:s0], [sflag:$0x4] =	stream.indirect.gather [hbm4b:s4+s24], $0x80, s31, s24, $0xb8;
	[tilespmem:$0x1F780] =	vst v63  }
0x12a: {  	_ =	swait.ge [sflag:s2], $0x2000  }
0x12b: {  	s16 =	sshra.s32 s11, $0x2;
	s11 =	smov.u32 s15;
	[sflag:s2] =	ssyncset.done $0x0  }
0x12c: {  	s15 =	sadd.s32 $0x1400, s16;
	[sflag:s2] =	ssyncadd.s32 $0xFFFFE000  }
0x12d: {  	[spmem:s1] =	stream.indirect.scatter.add.f32 [tilespmem:s21], [sflag:$0x5], $0x80, s15, s24, $0xb8;
	[tilespmem:$0x1F780] =	vst v63  }
0x12e: {  	_ =	swait.ge [sflag:s5], $0x2000  }
0x12f: {  	[sflag:s5] =	ssyncset.done $0x0  }
0x130: {  	s15 =	sadd.s32 $0x1480, s16;
	[sflag:s5] =	ssyncadd.s32 $0xFFFFE000  }
0x131: {  	[spmem:s1] =	stream.indirect.scatter.add.f32 [tilespmem:s28], [sflag:$0x6], $0x80, s15, s24, $0xb8;
	[tilespmem:$0x1F780] =	vst v63  }
0x132: {  	_ =	swait.ge [sflag:s7], $0x2000  }
.Ltmp0:
0x133: {  	[sflag:s7] =	ssyncset.done $0x0;
	(pc) =	sbr.rel @p1 .LBB2_2-.Ltmp0, $4  }
0x134: {  	s15 =	sadd.s32 $0x1500, s16;
	[sflag:s7] =	ssyncadd.s32 $0xFFFFE000  }
0x135: {  	[spmem:s1] =	stream.indirect.scatter.add.f32 [tilespmem:s30], [sflag:$0x7], $0x80, s15, s24, $0xb8;
	[tilespmem:$0x1F780] =	vst v63  }
0x136: {  	s13 =	sadd.s32 $0x100, s13;
	s12 =	sadd.s32 $0x100, s12;
	_ =	swait.ge [sflag:s8], $0x2000  }
0x137: {  	p2 =	seq.s32 s11, $0x0;
	s16 =	sadd.s32 $0x1580, s16;
	[sflag:s8] =	ssyncset.done $0x0  }
0x138: {  	s14 =	simm.s32 @!p2 $0x5;
	[sflag:s8] =	ssyncadd.s32 $0xFFFFE000  }
0x139: {  	[spmem:s1] =	stream.indirect.scatter.add.f32 [tilespmem:s0], [sflag:$0x8], $0x80, s16, s24, $0xb8;
	[tilespmem:$0x1F780] =	vst v63  }
0x13a: {  	_ =	swait.ge @!p2 [sflag:s14], $0x2000  }
0x13b: {  	[sflag:s14] =	ssyncset.done @!p2 $0x0  }
0x13c: {  	[sflag:s14] =	ssyncadd.s32 @!p2 $0xFFFFE000  }
0x13d: {  	v1 =	vld [tilespmem:s13+$0xFFFFFF80];
	_ =	sdelay $0x4  }
0x13e: {  	v1 =	vadd.s32 v0, v1  }
0x13f: {  	[tilespmem:$0x3C00] =	vst v1  }
0x140: {  	v1 =	vld [tilespmem:s13+$0xFFFFFF90];
	_ =	sdelay $0x4  }
0x141: {  	v1 =	vadd.s32 v0, v1  }
0x142: {  	[tilespmem:$0x3C10] =	vst v1  }
0x143: {  	v1 =	vld [tilespmem:s13+$0xFFFFFFA0];
	_ =	sdelay $0x4  }
0x144: {  	v1 =	vadd.s32 v0, v1  }
0x145: {  	[tilespmem:$0x3C20] =	vst v1  }
0x146: {  	v1 =	vld [tilespmem:s13+$0xFFFFFFB0];
	_ =	sdelay $0x4  }
0x147: {  	v1 =	vadd.s32 v0, v1  }
0x148: {  	s14 =	simm.s32 @!p2 $0x6;
	[tilespmem:$0x3C30] =	vst v1  }
0x149: {  	[tilespmem:s21], [sflag:$0x1] =	stream.indirect.gather [hbm4b:s4+s24], $0x80, s25, s24, $0xb8;
	[tilespmem:$0x1F780] =	vst v63  }
0x14a: {  	_ =	swait.ge @!p2 [sflag:s14], $0x2000  }
0x14b: {  	[sflag:s14] =	ssyncset.done @!p2 $0x0  }
0x14c: {  	[sflag:s14] =	ssyncadd.s32 @!p2 $0xFFFFE000  }
0x14d: {  	v1 =	vld [tilespmem:s13+$0xFFFFFFC0];
	_ =	sdelay $0x4  }
0x14e: {  	s17 =	sadd.s32 $0xFFFFFF80, s12;
	v1 =	vadd.s32 v0, v1  }
0x14f: {  	s15 =	sor.u32 $0x50, s17;
	[tilespmem:$0x3C80] =	vst v1  }
0x150: {  	v1 =	vld [tilespmem:s15+$0x0];
	_ =	sdelay $0x4  }
0x151: {  	v1 =	vadd.s32 v0, v1  }
0x152: {  	s19 =	sor.u32 $0x60, s17;
	[tilespmem:$0x3C90] =	vst v1  }
0x153: {  	v1 =	vld [tilespmem:s19+$0x0];
	_ =	sdelay $0x4  }
0x154: {  	v1 =	vadd.s32 v0, v1  }
0x155: {  	s14 =	sor.u32 $0x70, s17;
	[tilespmem:$0x3CA0] =	vst v1  }
0x156: {  	v1 =	vld [tilespmem:s14+$0x0];
	_ =	sdelay $0x4  }
0x157: {  	v1 =	vadd.s32 v0, v1  }
0x158: {  	s14 =	simm.s32 @!p2 $0x7;
	[tilespmem:$0x3CB0] =	vst v1  }
0x159: {  	[tilespmem:s28], [sflag:$0x2] =	stream.indirect.gather [hbm4b:s4+s24], $0x80, s26, s24, $0xb8;
	[tilespmem:$0x1F780] =	vst v63  }
0x15a: {  	_ =	swait.ge @!p2 [sflag:s14], $0x2000  }
0x15b: {  	[sflag:s14] =	ssyncset.done @!p2 $0x0  }
0x15c: {  	[sflag:s14] =	ssyncadd.s32 @!p2 $0xFFFFE000  }
0x15d: {  	v1 =	vld [tilespmem:s13+$0x0];
	_ =	sdelay $0x4  }
0x15e: {  	v1 =	vadd.s32 v0, v1  }
0x15f: {  	[tilespmem:$0x3D00] =	vst v1  }
0x160: {  	v1 =	vld [tilespmem:s13+$0x10];
	_ =	sdelay $0x4  }
0x161: {  	v1 =	vadd.s32 v0, v1  }
0x162: {  	[tilespmem:$0x3D10] =	vst v1  }
0x163: {  	v1 =	vld [tilespmem:s13+$0x20];
	_ =	sdelay $0x4  }
0x164: {  	v1 =	vadd.s32 v0, v1  }
0x165: {  	[tilespmem:$0x3D20] =	vst v1  }
0x166: {  	v1 =	vld [tilespmem:s13+$0x30];
	_ =	sdelay $0x4  }
0x167: {  	v1 =	vadd.s32 v0, v1  }
0x168: {  	s14 =	simm.s32 @!p2 $0x8;
	[tilespmem:$0x3D30] =	vst v1  }
0x169: {  	[tilespmem:s30], [sflag:$0x3] =	stream.indirect.gather [hbm4b:s4+s24], $0x80, s29, s24, $0xb8;
	[tilespmem:$0x1F780] =	vst v63  }
0x16a: {  	_ =	swait.ge @!p2 [sflag:s14], $0x2000  }
0x16b: {  	[sflag:s14] =	ssyncset.done @!p2 $0x0  }
0x16c: {  	[sflag:s14] =	ssyncadd.s32 @!p2 $0xFFFFE000  }
0x16d: {  	v1 =	vld [tilespmem:s13+$0x40];
	_ =	sdelay $0x4  }
0x16e: {  	v1 =	vadd.s32 v0, v1  }
0x16f: {  	s20 =	sor.u32 $0x50, s12;
	[tilespmem:$0x3D80] =	vst v1  }
0x170: {  	v1 =	vld [tilespmem:s20+$0x0];
	_ =	sdelay $0x4  }
0x171: {  	v1 =	vadd.s32 v0, v1  }
0x172: {  	s10 =	sor.u32 $0x60, s12;
	[tilespmem:$0x3D90] =	vst v1  }
0x173: {  	v1 =	vld [tilespmem:s10+$0x0];
	_ =	sdelay $0x4  }
0x174: {  	v1 =	vadd.s32 v0, v1  }
0x175: {  	s14 =	sor.u32 $0x70, s12;
	[tilespmem:$0x3DA0] =	vst v1  }
0x176: {  	v1 =	vld [tilespmem:s14+$0x0];
	_ =	sdelay $0x4  }
0x177: {  	v1 =	vadd.s32 v0, v1  }
0x178: {  	[tilespmem:$0x3DB0] =	vst v1  }
0x179: {  	[tilespmem:s0], [sflag:$0x4] =	stream.indirect.gather [hbm4b:s4+s24], $0x80, s31, s24, $0xb8;
	[tilespmem:$0x1F780] =	vst v63  }
0x17a: {  	_ =	swait.ge [sflag:s2], $0x2000  }
0x17b: {  	s11 =	sshra.s32 s11, $0x2;
	[sflag:s2] =	ssyncset.done $0x0  }
0x17c: {  	s15 =	sadd.s32 $0x1400, s11;
	[sflag:s2] =	ssyncadd.s32 $0xFFFFE000  }
0x17d: {  	[spmem:s1] =	stream.indirect.scatter.add.f32 [tilespmem:s21], [sflag:$0x5], $0x80, s15, s24, $0xb8;
	[tilespmem:$0x1F780] =	vst v63  }
0x17e: {  	_ =	swait.ge [sflag:s5], $0x2000  }
0x17f: {  	[sflag:s5] =	ssyncset.done $0x0  }
0x180: {  	s16 =	sadd.s32 $0x1480, s11;
	[sflag:s5] =	ssyncadd.s32 $0xFFFFE000  }
0x181: {  	[spmem:s1] =	stream.indirect.scatter.add.f32 [tilespmem:s28], [sflag:$0x6], $0x80, s16, s24, $0xb8;
	[tilespmem:$0x1F780] =	vst v63  }
0x182: {  	_ =	swait.ge [sflag:s7], $0x2000  }
0x183: {  	[sflag:s7] =	ssyncset.done $0x0  }
0x184: {  	s17 =	sadd.s32 $0x1500, s11;
	[sflag:s7] =	ssyncadd.s32 $0xFFFFE000  }
0x185: {  	[spmem:s1] =	stream.indirect.scatter.add.f32 [tilespmem:s30], [sflag:$0x7], $0x80, s17, s24, $0xb8;
	[tilespmem:$0x1F780] =	vst v63  }
0x186: {  	_ =	swait.ge [sflag:s8], $0x2000  }
0x187: {  	[sflag:s8] =	ssyncset.done $0x0  }
0x188: {  	s11 =	sadd.s32 $0x1580, s11;
	s10 =	simm.s32 $0x5;
	[sflag:s8] =	ssyncadd.s32 $0xFFFFE000  }
0x189: {  	[spmem:s1] =	stream.indirect.scatter.add.f32 [tilespmem:s0], [sflag:$0x8], $0x80, s11, s24, $0xb8;
	[tilespmem:$0x1F780] =	vst v63  }
0x18a: {  	_ =	swait.ge [sflag:s10], $0x2000  }
0x18b: {  	[sflag:s10] =	ssyncset.done $0x0  }
0x18c: {  	s19 =	simm.s32 $0x6;
	[sflag:s10] =	ssyncadd.s32 $0xFFFFE000  }
0x18d: {  	_ =	swait.ge [sflag:s19], $0x2000  }
0x18e: {  	[sflag:s19] =	ssyncset.done $0x0  }
0x18f: {  	s20 =	simm.s32 $0x7;
	[sflag:s19] =	ssyncadd.s32 $0xFFFFE000  }
0x190: {  	_ =	swait.ge [sflag:s20], $0x2000  }
0x191: {  	[sflag:s20] =	ssyncset.done $0x0  }
0x192: {  	s12 =	simm.s32 $0x8;
	[sflag:s20] =	ssyncadd.s32 $0xFFFFE000  }
0x193: {  	_ =	swait.ge [sflag:s12], $0x2000  }
0x194: {  	[sflag:s12] =	ssyncset.done $0x0  }
0x195: {  	s13 =	simm.s32 $0x0;
	s14 =	rddreg [dreg:$0x5];
	[sflag:s12] =	ssyncadd.s32 $0xFFFFE000  }
0x196: {  	[tilespmem:s13], [sflag:$0x9] =	stream.linear.gather [hbm4b:s14+s13], $0x1400, $0x38;
	[tilespmem:$0x1F780] =	vst v63  }
0x197: {  	_ =	swait.ge [sflag:s22], $0x1400  }
0x198: {  	[sflag:s22] =	ssyncset.done $0x0  }
0x199: {  	s15 =	rddreg [dreg:$0x9];
	[sflag:s22] =	ssyncadd.s32 $0xFFFFEC00  }
0x19a: {  	[tilespmem:s23], [sflag:$0x9] =	stream.linear.gather [hbm4b:s15+s13], $0x2800, $0x38;
	[tilespmem:$0x1F780] =	vst v63  }
0x19b: {  	_ =	swait.ge [sflag:s22], $0x2800  }
0x19c: {  	p1 =	por $0x1, $0x1;
	[sflag:s22] =	ssyncset.done $0x0  }
0x19d: {  	s11 =	simm.s32 @!p1 $0x5;
	[sflag:s22] =	ssyncadd.s32 $0xFFFFD800  }
0x19e: {  	_ =	swait.ge @!p1 [sflag:s11], $0x2000  }
0x19f: {  	[sflag:s11] =	ssyncset.done @!p1 $0x0  }
0x1a0: {  	s16 =	simm.s32 $0x80;
	[sflag:s11] =	ssyncadd.s32 @!p1 $0xFFFFE000  }
0x1a1: {  	v1 =	vld [tilespmem:s16+$0xFFFFFF80];
	_ =	sdelay $0x4  }
0x1a2: {  	v1 =	vadd.s32 v0, v1  }
0x1a3: {  	[tilespmem:$0x3C00] =	vst v1  }
0x1a4: {  	v1 =	vld [tilespmem:s16+$0xFFFFFF90];
	_ =	sdelay $0x4  }
0x1a5: {  	v1 =	vadd.s32 v0, v1  }
0x1a6: {  	[tilespmem:$0x3C10] =	vst v1  }
0x1a7: {  	v1 =	vld [tilespmem:s16+$0xFFFFFFA0];
	_ =	sdelay $0x4  }
0x1a8: {  	v1 =	vadd.s32 v0, v1  }
0x1a9: {  	[tilespmem:$0x3C20] =	vst v1  }
0x1aa: {  	v1 =	vld [tilespmem:s16+$0xFFFFFFB0];
	_ =	sdelay $0x4  }
0x1ab: {  	v1 =	vadd.s32 v0, v1  }
0x1ac: {  	s11 =	simm.s32 @!p1 $0x6;
	[tilespmem:$0x3C30] =	vst v1  }
0x1ad: {  	[tilespmem:s21], [sflag:$0x1] =	stream.indirect.gather [hbm4b:s4+s24], $0x80, s25, s24, $0xb8;
	[tilespmem:$0x1F780] =	vst v63  }
0x1ae: {  	_ =	swait.ge @!p1 [sflag:s11], $0x2000  }
0x1af: {  	[sflag:s11] =	ssyncset.done @!p1 $0x0  }
0x1b0: {  	[sflag:s11] =	ssyncadd.s32 @!p1 $0xFFFFE000  }
0x1b1: {  	v1 =	vld [tilespmem:s16+$0xFFFFFFC0];
	_ =	sdelay $0x4  }
0x1b2: {  	s17 =	simm.s32 $0x40;
	v1 =	vadd.s32 v0, v1  }
0x1b3: {  	s19 =	sor.u32 $0x50, s17;
	[tilespmem:$0x3C80] =	vst v1  }
0x1b4: {  	v1 =	vld [tilespmem:s19+$0x0];
	_ =	sdelay $0x4  }
0x1b5: {  	v1 =	vadd.s32 v0, v1  }
0x1b6: {  	s20 =	sor.u32 $0x60, s17;
	[tilespmem:$0x3C90] =	vst v1  }
0x1b7: {  	v1 =	vld [tilespmem:s20+$0x0];
	_ =	sdelay $0x4  }
0x1b8: {  	v1 =	vadd.s32 v0, v1  }
0x1b9: {  	s11 =	sor.u32 $0x70, s17;
	[tilespmem:$0x3CA0] =	vst v1  }
0x1ba: {  	v1 =	vld [tilespmem:s11+$0x0];
	_ =	sdelay $0x4  }
0x1bb: {  	v1 =	vadd.s32 v0, v1  }
0x1bc: {  	s11 =	simm.s32 @!p1 $0x7;
	[tilespmem:$0x3CB0] =	vst v1  }
0x1bd: {  	[tilespmem:s28], [sflag:$0x2] =	stream.indirect.gather [hbm4b:s4+s24], $0x80, s26, s24, $0xb8;
	[tilespmem:$0x1F780] =	vst v63  }
0x1be: {  	_ =	swait.ge @!p1 [sflag:s11], $0x2000  }
0x1bf: {  	[sflag:s11] =	ssyncset.done @!p1 $0x0  }
0x1c0: {  	[sflag:s11] =	ssyncadd.s32 @!p1 $0xFFFFE000  }
0x1c1: {  	v1 =	vld [tilespmem:s16+$0x0];
	_ =	sdelay $0x4  }
0x1c2: {  	v1 =	vadd.s32 v0, v1  }
0x1c3: {  	[tilespmem:$0x3D00] =	vst v1  }
0x1c4: {  	v1 =	vld [tilespmem:s16+$0x10];
	_ =	sdelay $0x4  }
0x1c5: {  	v1 =	vadd.s32 v0, v1  }
0x1c6: {  	[tilespmem:$0x3D10] =	vst v1  }
0x1c7: {  	v1 =	vld [tilespmem:s16+$0x20];
	_ =	sdelay $0x4  }
0x1c8: {  	v1 =	vadd.s32 v0, v1  }
0x1c9: {  	[tilespmem:$0x3D20] =	vst v1  }
0x1ca: {  	v1 =	vld [tilespmem:s16+$0x30];
	_ =	sdelay $0x4  }
0x1cb: {  	v1 =	vadd.s32 v0, v1  }
0x1cc: {  	s11 =	simm.s32 @!p1 $0x8;
	[tilespmem:$0x3D30] =	vst v1  }
0x1cd: {  	[tilespmem:s30], [sflag:$0x3] =	stream.indirect.gather [hbm4b:s4+s24], $0x80, s29, s24, $0xb8;
	[tilespmem:$0x1F780] =	vst v63  }
0x1ce: {  	_ =	swait.ge @!p1 [sflag:s11], $0x2000  }
0x1cf: {  	[sflag:s11] =	ssyncset.done @!p1 $0x0  }
0x1d0: {  	[sflag:s11] =	ssyncadd.s32 @!p1 $0xFFFFE000  }
0x1d1: {  	v1 =	vld [tilespmem:s16+$0x40];
	_ =	sdelay $0x4  }
0x1d2: {  	s14 =	simm.s32 $0xC0;
	v1 =	vadd.s32 v0, v1  }
0x1d3: {  	s15 =	sor.u32 $0x50, s14;
	[tilespmem:$0x3D80] =	vst v1  }
0x1d4: {  	v1 =	vld [tilespmem:s15+$0x0];
	_ =	sdelay $0x4  }
0x1d5: {  	v1 =	vadd.s32 v0, v1  }
0x1d6: {  	s16 =	sor.u32 $0x60, s14;
	[tilespmem:$0x3D90] =	vst v1  }
0x1d7: {  	v1 =	vld [tilespmem:s16+$0x0];
	_ =	sdelay $0x4  }
0x1d8: {  	v1 =	vadd.s32 v0, v1  }
0x1d9: {  	s11 =	sor.u32 $0x70, s14;
	[tilespmem:$0x3DA0] =	vst v1  }
0x1da: {  	v1 =	vld [tilespmem:s11+$0x0];
	_ =	sdelay $0x4  }
0x1db: {  	v1 =	vadd.s32 v0, v1  }
0x1dc: {  	[tilespmem:$0x3DB0] =	vst v1  }
0x1dd: {  	[tilespmem:s0], [sflag:$0x4] =	stream.indirect.gather [hbm4b:s4+s24], $0x80, s31, s24, $0xb8;
	[tilespmem:$0x1F780] =	vst v63  }
0x1de: {  	_ =	swait.ge [sflag:s2], $0x2000  }
0x1df: {  	[sflag:s2] =	ssyncset.done $0x0  }
0x1e0: {  	s17 =	simm.s32 $0x1400;
	[sflag:s2] =	ssyncadd.s32 $0xFFFFE000  }
0x1e1: {  	[spmem:s1] =	stream.indirect.scatter.add.f32 [tilespmem:s21], [sflag:$0x5], $0x80, s17, s24, $0xb8;
	[tilespmem:$0x1F780] =	vst v63  }
0x1e2: {  	_ =	swait.ge [sflag:s5], $0x2000  }
0x1e3: {  	[sflag:s5] =	ssyncset.done $0x0  }
0x1e4: {  	s19 =	simm.s32 $0x1480;
	[sflag:s5] =	ssyncadd.s32 $0xFFFFE000  }
0x1e5: {  	[spmem:s1] =	stream.indirect.scatter.add.f32 [tilespmem:s28], [sflag:$0x6], $0x80, s19, s24, $0xb8;
	[tilespmem:$0x1F780] =	vst v63  }
0x1e6: {  	_ =	swait.ge [sflag:s7], $0x2000  }
0x1e7: {  	p2 =	por $0x0, $0x0;
	[sflag:s7] =	ssyncset.done $0x0  }
0x1e8: {  	s12 =	simm.s32 $0x1C0;
	s20 =	simm.s32 $0x1500;
	[sflag:s7] =	ssyncadd.s32 $0xFFFFE000  }
0x1e9: {  	[spmem:s1] =	stream.indirect.scatter.add.f32 [tilespmem:s30], [sflag:$0x7], $0x80, s20, s24, $0xb8;
	[tilespmem:$0x1F780] =	vst v63  }
0x1ea: {  	s13 =	simm.s32 $0x180;
	s14 =	simm.s32 $0x1000;
	_ =	swait.ge [sflag:s8], $0x2000  }
0x1eb: {  	s16 =	simm.s32 $0x1580;
	s11 =	simm.s32 $0x800;
	[sflag:s8] =	ssyncset.done $0x0  }
.LBB2_4:
0x1ec: {  	s17 =	simm.s32 @!p2 $0x5  }
0x1ed: {  	[sflag:s8] =	ssyncadd.s32 $0xFFFFE000;
	s15 =	smov.u32 s14;
	s14 =	sadd.s32 $0x800, s14  }
0x1ee: {  	[spmem:s1] =	stream.indirect.scatter.add.f32 [tilespmem:s0], [sflag:$0x8], $0x80, s16, s24, $0xb8;
	[tilespmem:$0x1F780] =	vst v63  }
0x1ef: {  	p1 =	sne.s32 s14, $0xA000;
	_ =	swait.ge @!p2 [sflag:s17], $0x2000  }
0x1f0: {  	[sflag:s17] =	ssyncset.done @!p2 $0x0  }
0x1f1: {  	[sflag:s17] =	ssyncadd.s32 @!p2 $0xFFFFE000  }
0x1f2: {  	v1 =	vld [tilespmem:s13+$0xFFFFFF80];
	_ =	sdelay $0x4  }
0x1f3: {  	v1 =	vadd.s32 v0, v1  }
0x1f4: {  	[tilespmem:$0x3C00] =	vst v1  }
0x1f5: {  	v1 =	vld [tilespmem:s13+$0xFFFFFF90];
	_ =	sdelay $0x4  }
0x1f6: {  	v1 =	vadd.s32 v0, v1  }
0x1f7: {  	[tilespmem:$0x3C10] =	vst v1  }
0x1f8: {  	v1 =	vld [tilespmem:s13+$0xFFFFFFA0];
	_ =	sdelay $0x4  }
0x1f9: {  	v1 =	vadd.s32 v0, v1  }
0x1fa: {  	[tilespmem:$0x3C20] =	vst v1  }
0x1fb: {  	v1 =	vld [tilespmem:s13+$0xFFFFFFB0];
	_ =	sdelay $0x4  }
0x1fc: {  	v1 =	vadd.s32 v0, v1  }
0x1fd: {  	s16 =	simm.s32 @!p2 $0x6;
	[tilespmem:$0x3C30] =	vst v1  }
0x1fe: {  	[tilespmem:s21], [sflag:$0x1] =	stream.indirect.gather [hbm4b:s4+s24], $0x80, s25, s24, $0xb8;
	[tilespmem:$0x1F780] =	vst v63  }
0x1ff: {  	_ =	swait.ge @!p2 [sflag:s16], $0x2000  }
0x200: {  	[sflag:s16] =	ssyncset.done @!p2 $0x0  }
0x201: {  	[sflag:s16] =	ssyncadd.s32 @!p2 $0xFFFFE000  }
0x202: {  	v1 =	vld [tilespmem:s13+$0xFFFFFFC0];
	_ =	sdelay $0x4  }
0x203: {  	s16 =	sadd.s32 $0xFFFFFF80, s12;
	v1 =	vadd.s32 v0, v1  }
0x204: {  	s17 =	sor.u32 $0x50, s16;
	[tilespmem:$0x3C80] =	vst v1  }
0x205: {  	v1 =	vld [tilespmem:s17+$0x0];
	_ =	sdelay $0x4  }
0x206: {  	v1 =	vadd.s32 v0, v1  }
0x207: {  	s17 =	sor.u32 $0x60, s16;
	[tilespmem:$0x3C90] =	vst v1  }
0x208: {  	v1 =	vld [tilespmem:s17+$0x0];
	_ =	sdelay $0x4  }
0x209: {  	v1 =	vadd.s32 v0, v1  }
0x20a: {  	s16 =	sor.u32 $0x70, s16;
	[tilespmem:$0x3CA0] =	vst v1  }
0x20b: {  	v1 =	vld [tilespmem:s16+$0x0];
	_ =	sdelay $0x4  }
0x20c: {  	v1 =	vadd.s32 v0, v1  }
0x20d: {  	s16 =	simm.s32 @!p2 $0x7;
	[tilespmem:$0x3CB0] =	vst v1  }
0x20e: {  	[tilespmem:s28], [sflag:$0x2] =	stream.indirect.gather [hbm4b:s4+s24], $0x80, s26, s24, $0xb8;
	[tilespmem:$0x1F780] =	vst v63  }
0x20f: {  	_ =	swait.ge @!p2 [sflag:s16], $0x2000  }
0x210: {  	[sflag:s16] =	ssyncset.done @!p2 $0x0  }
0x211: {  	[sflag:s16] =	ssyncadd.s32 @!p2 $0xFFFFE000  }
0x212: {  	v1 =	vld [tilespmem:s13+$0x0];
	_ =	sdelay $0x4  }
0x213: {  	v1 =	vadd.s32 v0, v1  }
0x214: {  	[tilespmem:$0x3D00] =	vst v1  }
0x215: {  	v1 =	vld [tilespmem:s13+$0x10];
	_ =	sdelay $0x4  }
0x216: {  	v1 =	vadd.s32 v0, v1  }
0x217: {  	[tilespmem:$0x3D10] =	vst v1  }
0x218: {  	v1 =	vld [tilespmem:s13+$0x20];
	_ =	sdelay $0x4  }
0x219: {  	v1 =	vadd.s32 v0, v1  }
0x21a: {  	[tilespmem:$0x3D20] =	vst v1  }
0x21b: {  	v1 =	vld [tilespmem:s13+$0x30];
	_ =	sdelay $0x4  }
0x21c: {  	v1 =	vadd.s32 v0, v1  }
0x21d: {  	s16 =	simm.s32 @!p2 $0x8;
	[tilespmem:$0x3D30] =	vst v1  }
0x21e: {  	[tilespmem:s30], [sflag:$0x3] =	stream.indirect.gather [hbm4b:s4+s24], $0x80, s29, s24, $0xb8;
	[tilespmem:$0x1F780] =	vst v63  }
0x21f: {  	_ =	swait.ge @!p2 [sflag:s16], $0x2000  }
0x220: {  	[sflag:s16] =	ssyncset.done @!p2 $0x0  }
0x221: {  	[sflag:s16] =	ssyncadd.s32 @!p2 $0xFFFFE000  }
0x222: {  	v1 =	vld [tilespmem:s13+$0x40];
	_ =	sdelay $0x4  }
0x223: {  	v1 =	vadd.s32 v0, v1  }
0x224: {  	s16 =	sor.u32 $0x50, s12;
	[tilespmem:$0x3D80] =	vst v1  }
0x225: {  	v1 =	vld [tilespmem:s16+$0x0];
	_ =	sdelay $0x4  }
0x226: {  	v1 =	vadd.s32 v0, v1  }
0x227: {  	s16 =	sor.u32 $0x60, s12;
	[tilespmem:$0x3D90] =	vst v1  }
0x228: {  	v1 =	vld [tilespmem:s16+$0x0];
	_ =	sdelay $0x4  }
0x229: {  	v1 =	vadd.s32 v0, v1  }
0x22a: {  	s16 =	sor.u32 $0x70, s12;
	[tilespmem:$0x3DA0] =	vst v1  }
0x22b: {  	v1 =	vld [tilespmem:s16+$0x0];
	_ =	sdelay $0x4  }
0x22c: {  	v1 =	vadd.s32 v0, v1  }
0x22d: {  	[tilespmem:$0x3DB0] =	vst v1  }
0x22e: {  	[tilespmem:s0], [sflag:$0x4] =	stream.indirect.gather [hbm4b:s4+s24], $0x80, s31, s24, $0xb8;
	[tilespmem:$0x1F780] =	vst v63  }
0x22f: {  	_ =	swait.ge [sflag:s2], $0x2000  }
0x230: {  	s16 =	sshra.s32 s11, $0x2;
	s11 =	smov.u32 s15;
	[sflag:s2] =	ssyncset.done $0x0  }
0x231: {  	s15 =	sadd.s32 $0x1400, s16;
	[sflag:s2] =	ssyncadd.s32 $0xFFFFE000  }
0x232: {  	[spmem:s1] =	stream.indirect.scatter.add.f32 [tilespmem:s21], [sflag:$0x5], $0x80, s15, s24, $0xb8;
	[tilespmem:$0x1F780] =	vst v63  }
0x233: {  	_ =	swait.ge [sflag:s5], $0x2000  }
0x234: {  	[sflag:s5] =	ssyncset.done $0x0  }
0x235: {  	s15 =	sadd.s32 $0x1480, s16;
	[sflag:s5] =	ssyncadd.s32 $0xFFFFE000  }
0x236: {  	[spmem:s1] =	stream.indirect.scatter.add.f32 [tilespmem:s28], [sflag:$0x6], $0x80, s15, s24, $0xb8;
	[tilespmem:$0x1F780] =	vst v63  }
0x237: {  	_ =	swait.ge [sflag:s7], $0x2000  }
.Ltmp1:
0x238: {  	[sflag:s7] =	ssyncset.done $0x0;
	(pc) =	sbr.rel @p1 .LBB2_4-.Ltmp1, $4  }
0x239: {  	s15 =	sadd.s32 $0x1500, s16;
	[sflag:s7] =	ssyncadd.s32 $0xFFFFE000  }
0x23a: {  	[spmem:s1] =	stream.indirect.scatter.add.f32 [tilespmem:s30], [sflag:$0x7], $0x80, s15, s24, $0xb8;
	[tilespmem:$0x1F780] =	vst v63  }
0x23b: {  	s13 =	sadd.s32 $0x100, s13;
	s12 =	sadd.s32 $0x100, s12;
	_ =	swait.ge [sflag:s8], $0x2000  }
0x23c: {  	p2 =	seq.s32 s11, $0x0;
	s16 =	sadd.s32 $0x1580, s16;
	[sflag:s8] =	ssyncset.done $0x0  }
0x23d: {  	s14 =	simm.s32 @!p2 $0x5;
	[sflag:s8] =	ssyncadd.s32 $0xFFFFE000  }
0x23e: {  	[spmem:s1] =	stream.indirect.scatter.add.f32 [tilespmem:s0], [sflag:$0x8], $0x80, s16, s24, $0xb8;
	[tilespmem:$0x1F780] =	vst v63  }
0x23f: {  	_ =	swait.ge @!p2 [sflag:s14], $0x2000  }
0x240: {  	[sflag:s14] =	ssyncset.done @!p2 $0x0  }
0x241: {  	[sflag:s14] =	ssyncadd.s32 @!p2 $0xFFFFE000  }
0x242: {  	v1 =	vld [tilespmem:s13+$0xFFFFFF80];
	_ =	sdelay $0x4  }
0x243: {  	v1 =	vadd.s32 v0, v1  }
0x244: {  	[tilespmem:$0x3C00] =	vst v1  }
0x245: {  	v1 =	vld [tilespmem:s13+$0xFFFFFF90];
	_ =	sdelay $0x4  }
0x246: {  	v1 =	vadd.s32 v0, v1  }
0x247: {  	[tilespmem:$0x3C10] =	vst v1  }
0x248: {  	v1 =	vld [tilespmem:s13+$0xFFFFFFA0];
	_ =	sdelay $0x4  }
0x249: {  	v1 =	vadd.s32 v0, v1  }
0x24a: {  	[tilespmem:$0x3C20] =	vst v1  }
0x24b: {  	v1 =	vld [tilespmem:s13+$0xFFFFFFB0];
	_ =	sdelay $0x4  }
0x24c: {  	v1 =	vadd.s32 v0, v1  }
0x24d: {  	s14 =	simm.s32 @!p2 $0x6;
	[tilespmem:$0x3C30] =	vst v1  }
0x24e: {  	[tilespmem:s21], [sflag:$0x1] =	stream.indirect.gather [hbm4b:s4+s24], $0x80, s25, s24, $0xb8;
	[tilespmem:$0x1F780] =	vst v63  }
0x24f: {  	_ =	swait.ge @!p2 [sflag:s14], $0x2000  }
0x250: {  	[sflag:s14] =	ssyncset.done @!p2 $0x0  }
0x251: {  	[sflag:s14] =	ssyncadd.s32 @!p2 $0xFFFFE000  }
0x252: {  	v1 =	vld [tilespmem:s13+$0xFFFFFFC0];
	_ =	sdelay $0x4  }
0x253: {  	s16 =	sadd.s32 $0xFFFFFF80, s12;
	v1 =	vadd.s32 v0, v1  }
0x254: {  	s15 =	sor.u32 $0x50, s16;
	[tilespmem:$0x3C80] =	vst v1  }
0x255: {  	v1 =	vld [tilespmem:s15+$0x0];
	_ =	sdelay $0x4  }
0x256: {  	v1 =	vadd.s32 v0, v1  }
0x257: {  	s17 =	sor.u32 $0x60, s16;
	[tilespmem:$0x3C90] =	vst v1  }
0x258: {  	v1 =	vld [tilespmem:s17+$0x0];
	_ =	sdelay $0x4  }
0x259: {  	v1 =	vadd.s32 v0, v1  }
0x25a: {  	s14 =	sor.u32 $0x70, s16;
	[tilespmem:$0x3CA0] =	vst v1  }
0x25b: {  	v1 =	vld [tilespmem:s14+$0x0];
	_ =	sdelay $0x4  }
0x25c: {  	v1 =	vadd.s32 v0, v1  }
0x25d: {  	s14 =	simm.s32 @!p2 $0x7;
	[tilespmem:$0x3CB0] =	vst v1  }
0x25e: {  	[tilespmem:s28], [sflag:$0x2] =	stream.indirect.gather [hbm4b:s4+s24], $0x80, s26, s24, $0xb8;
	[tilespmem:$0x1F780] =	vst v63  }
0x25f: {  	_ =	swait.ge @!p2 [sflag:s14], $0x2000  }
0x260: {  	[sflag:s14] =	ssyncset.done @!p2 $0x0  }
0x261: {  	[sflag:s14] =	ssyncadd.s32 @!p2 $0xFFFFE000  }
0x262: {  	v1 =	vld [tilespmem:s13+$0x0];
	_ =	sdelay $0x4  }
0x263: {  	v1 =	vadd.s32 v0, v1  }
0x264: {  	[tilespmem:$0x3D00] =	vst v1  }
0x265: {  	v1 =	vld [tilespmem:s13+$0x10];
	_ =	sdelay $0x4  }
0x266: {  	v1 =	vadd.s32 v0, v1  }
0x267: {  	[tilespmem:$0x3D10] =	vst v1  }
0x268: {  	v1 =	vld [tilespmem:s13+$0x20];
	_ =	sdelay $0x4  }
0x269: {  	v1 =	vadd.s32 v0, v1  }
0x26a: {  	[tilespmem:$0x3D20] =	vst v1  }
0x26b: {  	v1 =	vld [tilespmem:s13+$0x30];
	_ =	sdelay $0x4  }
0x26c: {  	v1 =	vadd.s32 v0, v1  }
0x26d: {  	s14 =	simm.s32 @!p2 $0x8;
	[tilespmem:$0x3D30] =	vst v1  }
0x26e: {  	[tilespmem:s30], [sflag:$0x3] =	stream.indirect.gather [hbm4b:s4+s24], $0x80, s29, s24, $0xb8;
	[tilespmem:$0x1F780] =	vst v63  }
0x26f: {  	_ =	swait.ge @!p2 [sflag:s14], $0x2000  }
0x270: {  	[sflag:s14] =	ssyncset.done @!p2 $0x0  }
0x271: {  	[sflag:s14] =	ssyncadd.s32 @!p2 $0xFFFFE000  }
0x272: {  	v1 =	vld [tilespmem:s13+$0x40];
	_ =	sdelay $0x4  }
0x273: {  	v1 =	vadd.s32 v0, v1  }
0x274: {  	s19 =	sor.u32 $0x50, s12;
	[tilespmem:$0x3D80] =	vst v1  }
0x275: {  	v1 =	vld [tilespmem:s19+$0x0];
	_ =	sdelay $0x4  }
0x276: {  	v1 =	vadd.s32 v0, v1  }
0x277: {  	s20 =	sor.u32 $0x60, s12;
	[tilespmem:$0x3D90] =	vst v1  }
0x278: {  	v1 =	vld [tilespmem:s20+$0x0];
	_ =	sdelay $0x4  }
0x279: {  	v1 =	vadd.s32 v0, v1  }
0x27a: {  	s14 =	sor.u32 $0x70, s12;
	[tilespmem:$0x3DA0] =	vst v1  }
0x27b: {  	v1 =	vld [tilespmem:s14+$0x0];
	_ =	sdelay $0x4  }
0x27c: {  	v1 =	vadd.s32 v0, v1  }
0x27d: {  	[tilespmem:$0x3DB0] =	vst v1  }
0x27e: {  	[tilespmem:s0], [sflag:$0x4] =	stream.indirect.gather [hbm4b:s4+s24], $0x80, s31, s24, $0xb8;
	[tilespmem:$0x1F780] =	vst v63  }
0x27f: {  	_ =	swait.ge [sflag:s2], $0x2000  }
0x280: {  	s11 =	sshra.s32 s11, $0x2;
	[sflag:s2] =	ssyncset.done $0x0  }
0x281: {  	s15 =	sadd.s32 $0x1400, s11;
	[sflag:s2] =	ssyncadd.s32 $0xFFFFE000  }
0x282: {  	[spmem:s1] =	stream.indirect.scatter.add.f32 [tilespmem:s21], [sflag:$0x5], $0x80, s15, s24, $0xb8;
	[tilespmem:$0x1F780] =	vst v63  }
0x283: {  	_ =	swait.ge [sflag:s5], $0x2000  }
0x284: {  	[sflag:s5] =	ssyncset.done $0x0  }
0x285: {  	s16 =	sadd.s32 $0x1480, s11;
	[sflag:s5] =	ssyncadd.s32 $0xFFFFE000  }
0x286: {  	[spmem:s1] =	stream.indirect.scatter.add.f32 [tilespmem:s28], [sflag:$0x6], $0x80, s16, s24, $0xb8;
	[tilespmem:$0x1F780] =	vst v63  }
0x287: {  	_ =	swait.ge [sflag:s7], $0x2000  }
0x288: {  	[sflag:s7] =	ssyncset.done $0x0  }
0x289: {  	s17 =	sadd.s32 $0x1500, s11;
	[sflag:s7] =	ssyncadd.s32 $0xFFFFE000  }
0x28a: {  	[spmem:s1] =	stream.indirect.scatter.add.f32 [tilespmem:s30], [sflag:$0x7], $0x80, s17, s24, $0xb8;
	[tilespmem:$0x1F780] =	vst v63  }
0x28b: {  	_ =	swait.ge [sflag:s8], $0x2000  }
0x28c: {  	[sflag:s8] =	ssyncset.done $0x0  }
0x28d: {  	s11 =	sadd.s32 $0x1580, s11;
	[sflag:s8] =	ssyncadd.s32 $0xFFFFE000  }
0x28e: {  	[spmem:s1] =	stream.indirect.scatter.add.f32 [tilespmem:s0], [sflag:$0x8], $0x80, s11, s24, $0xb8;
	[tilespmem:$0x1F780] =	vst v63  }
0x28f: {  	_ =	swait.ge [sflag:s10], $0x2000  }
0x290: {  	[sflag:s10] =	ssyncset.done $0x0  }
0x291: {  	s19 =	simm.s32 $0x6;
	[sflag:s10] =	ssyncadd.s32 $0xFFFFE000  }
0x292: {  	_ =	swait.ge [sflag:s19], $0x2000  }
0x293: {  	[sflag:s19] =	ssyncset.done $0x0  }
0x294: {  	s20 =	simm.s32 $0x7;
	[sflag:s19] =	ssyncadd.s32 $0xFFFFE000  }
0x295: {  	_ =	swait.ge [sflag:s20], $0x2000  }
0x296: {  	[sflag:s20] =	ssyncset.done $0x0  }
0x297: {  	s12 =	simm.s32 $0x8;
	[sflag:s20] =	ssyncadd.s32 $0xFFFFE000  }
0x298: {  	_ =	swait.ge [sflag:s12], $0x2000  }
0x299: {  	[sflag:s12] =	ssyncset.done $0x0  }
0x29a: {  	s13 =	simm.s32 $0x0;
	s14 =	rddreg [dreg:$0x6];
	[sflag:s12] =	ssyncadd.s32 $0xFFFFE000  }
0x29b: {  	[tilespmem:s13], [sflag:$0x9] =	stream.linear.gather [hbm4b:s14+s13], $0x1400, $0x38;
	[tilespmem:$0x1F780] =	vst v63  }
0x29c: {  	_ =	swait.ge [sflag:s22], $0x1400  }
0x29d: {  	[sflag:s22] =	ssyncset.done $0x0  }
0x29e: {  	s15 =	rddreg [dreg:$0xa];
	[sflag:s22] =	ssyncadd.s32 $0xFFFFEC00  }
0x29f: {  	[tilespmem:s23], [sflag:$0x9] =	stream.linear.gather [hbm4b:s15+s13], $0x2800, $0x38;
	[tilespmem:$0x1F780] =	vst v63  }
0x2a0: {  	_ =	swait.ge [sflag:s22], $0x2800  }
0x2a1: {  	p1 =	por $0x1, $0x1;
	[sflag:s22] =	ssyncset.done $0x0  }
0x2a2: {  	s11 =	simm.s32 @!p1 $0x5;
	[sflag:s22] =	ssyncadd.s32 $0xFFFFD800  }
0x2a3: {  	_ =	swait.ge @!p1 [sflag:s11], $0x2000  }
0x2a4: {  	[sflag:s11] =	ssyncset.done @!p1 $0x0  }
0x2a5: {  	s16 =	simm.s32 $0x80;
	[sflag:s11] =	ssyncadd.s32 @!p1 $0xFFFFE000  }
0x2a6: {  	v1 =	vld [tilespmem:s16+$0xFFFFFF80];
	_ =	sdelay $0x4  }
0x2a7: {  	v1 =	vadd.s32 v0, v1  }
0x2a8: {  	[tilespmem:$0x3C00] =	vst v1  }
0x2a9: {  	v1 =	vld [tilespmem:s16+$0xFFFFFF90];
	_ =	sdelay $0x4  }
0x2aa: {  	v1 =	vadd.s32 v0, v1  }
0x2ab: {  	[tilespmem:$0x3C10] =	vst v1  }
0x2ac: {  	v1 =	vld [tilespmem:s16+$0xFFFFFFA0];
	_ =	sdelay $0x4  }
0x2ad: {  	v1 =	vadd.s32 v0, v1  }
0x2ae: {  	[tilespmem:$0x3C20] =	vst v1  }
0x2af: {  	v1 =	vld [tilespmem:s16+$0xFFFFFFB0];
	_ =	sdelay $0x4  }
0x2b0: {  	v1 =	vadd.s32 v0, v1  }
0x2b1: {  	s11 =	simm.s32 @!p1 $0x6;
	[tilespmem:$0x3C30] =	vst v1  }
0x2b2: {  	[tilespmem:s21], [sflag:$0x1] =	stream.indirect.gather [hbm4b:s4+s24], $0x80, s25, s24, $0xb8;
	[tilespmem:$0x1F780] =	vst v63  }
0x2b3: {  	_ =	swait.ge @!p1 [sflag:s11], $0x2000  }
0x2b4: {  	[sflag:s11] =	ssyncset.done @!p1 $0x0  }
0x2b5: {  	[sflag:s11] =	ssyncadd.s32 @!p1 $0xFFFFE000  }
0x2b6: {  	v1 =	vld [tilespmem:s16+$0xFFFFFFC0];
	_ =	sdelay $0x4  }
0x2b7: {  	s17 =	simm.s32 $0x40;
	v1 =	vadd.s32 v0, v1  }
0x2b8: {  	s19 =	sor.u32 $0x50, s17;
	[tilespmem:$0x3C80] =	vst v1  }
0x2b9: {  	v1 =	vld [tilespmem:s19+$0x0];
	_ =	sdelay $0x4  }
0x2ba: {  	v1 =	vadd.s32 v0, v1  }
0x2bb: {  	s20 =	sor.u32 $0x60, s17;
	[tilespmem:$0x3C90] =	vst v1  }
0x2bc: {  	v1 =	vld [tilespmem:s20+$0x0];
	_ =	sdelay $0x4  }
0x2bd: {  	v1 =	vadd.s32 v0, v1  }
0x2be: {  	s11 =	sor.u32 $0x70, s17;
	[tilespmem:$0x3CA0] =	vst v1  }
0x2bf: {  	v1 =	vld [tilespmem:s11+$0x0];
	_ =	sdelay $0x4  }
0x2c0: {  	v1 =	vadd.s32 v0, v1  }
0x2c1: {  	s11 =	simm.s32 @!p1 $0x7;
	[tilespmem:$0x3CB0] =	vst v1  }
0x2c2: {  	[tilespmem:s28], [sflag:$0x2] =	stream.indirect.gather [hbm4b:s4+s24], $0x80, s26, s24, $0xb8;
	[tilespmem:$0x1F780] =	vst v63  }
0x2c3: {  	_ =	swait.ge @!p1 [sflag:s11], $0x2000  }
0x2c4: {  	[sflag:s11] =	ssyncset.done @!p1 $0x0  }
0x2c5: {  	[sflag:s11] =	ssyncadd.s32 @!p1 $0xFFFFE000  }
0x2c6: {  	v1 =	vld [tilespmem:s16+$0x0];
	_ =	sdelay $0x4  }
0x2c7: {  	v1 =	vadd.s32 v0, v1  }
0x2c8: {  	[tilespmem:$0x3D00] =	vst v1  }
0x2c9: {  	v1 =	vld [tilespmem:s16+$0x10];
	_ =	sdelay $0x4  }
0x2ca: {  	v1 =	vadd.s32 v0, v1  }
0x2cb: {  	[tilespmem:$0x3D10] =	vst v1  }
0x2cc: {  	v1 =	vld [tilespmem:s16+$0x20];
	_ =	sdelay $0x4  }
0x2cd: {  	v1 =	vadd.s32 v0, v1  }
0x2ce: {  	[tilespmem:$0x3D20] =	vst v1  }
0x2cf: {  	v1 =	vld [tilespmem:s16+$0x30];
	_ =	sdelay $0x4  }
0x2d0: {  	v1 =	vadd.s32 v0, v1  }
0x2d1: {  	s11 =	simm.s32 @!p1 $0x8;
	[tilespmem:$0x3D30] =	vst v1  }
0x2d2: {  	[tilespmem:s30], [sflag:$0x3] =	stream.indirect.gather [hbm4b:s4+s24], $0x80, s29, s24, $0xb8;
	[tilespmem:$0x1F780] =	vst v63  }
0x2d3: {  	_ =	swait.ge @!p1 [sflag:s11], $0x2000  }
0x2d4: {  	[sflag:s11] =	ssyncset.done @!p1 $0x0  }
0x2d5: {  	[sflag:s11] =	ssyncadd.s32 @!p1 $0xFFFFE000  }
0x2d6: {  	v1 =	vld [tilespmem:s16+$0x40];
	_ =	sdelay $0x4  }
0x2d7: {  	s14 =	simm.s32 $0xC0;
	v1 =	vadd.s32 v0, v1  }
0x2d8: {  	s15 =	sor.u32 $0x50, s14;
	[tilespmem:$0x3D80] =	vst v1  }
0x2d9: {  	v1 =	vld [tilespmem:s15+$0x0];
	_ =	sdelay $0x4  }
0x2da: {  	v1 =	vadd.s32 v0, v1  }
0x2db: {  	s16 =	sor.u32 $0x60, s14;
	[tilespmem:$0x3D90] =	vst v1  }
0x2dc: {  	v1 =	vld [tilespmem:s16+$0x0];
	_ =	sdelay $0x4  }
0x2dd: {  	v1 =	vadd.s32 v0, v1  }
0x2de: {  	s11 =	sor.u32 $0x70, s14;
	[tilespmem:$0x3DA0] =	vst v1  }
0x2df: {  	v1 =	vld [tilespmem:s11+$0x0];
	_ =	sdelay $0x4  }
0x2e0: {  	v1 =	vadd.s32 v0, v1  }
0x2e1: {  	[tilespmem:$0x3DB0] =	vst v1  }
0x2e2: {  	[tilespmem:s0], [sflag:$0x4] =	stream.indirect.gather [hbm4b:s4+s24], $0x80, s31, s24, $0xb8;
	[tilespmem:$0x1F780] =	vst v63  }
0x2e3: {  	_ =	swait.ge [sflag:s2], $0x2000  }
0x2e4: {  	[sflag:s2] =	ssyncset.done $0x0  }
0x2e5: {  	s17 =	simm.s32 $0x1400;
	[sflag:s2] =	ssyncadd.s32 $0xFFFFE000  }
0x2e6: {  	[spmem:s1] =	stream.indirect.scatter.add.f32 [tilespmem:s21], [sflag:$0x5], $0x80, s17, s24, $0xb8;
	[tilespmem:$0x1F780] =	vst v63  }
0x2e7: {  	_ =	swait.ge [sflag:s5], $0x2000  }
0x2e8: {  	[sflag:s5] =	ssyncset.done $0x0  }
0x2e9: {  	s19 =	simm.s32 $0x1480;
	[sflag:s5] =	ssyncadd.s32 $0xFFFFE000  }
0x2ea: {  	[spmem:s1] =	stream.indirect.scatter.add.f32 [tilespmem:s28], [sflag:$0x6], $0x80, s19, s24, $0xb8;
	[tilespmem:$0x1F780] =	vst v63  }
0x2eb: {  	_ =	swait.ge [sflag:s7], $0x2000  }
0x2ec: {  	p2 =	por $0x0, $0x0;
	[sflag:s7] =	ssyncset.done $0x0  }
0x2ed: {  	s12 =	simm.s32 $0x1C0;
	s20 =	simm.s32 $0x1500;
	[sflag:s7] =	ssyncadd.s32 $0xFFFFE000  }
0x2ee: {  	[spmem:s1] =	stream.indirect.scatter.add.f32 [tilespmem:s30], [sflag:$0x7], $0x80, s20, s24, $0xb8;
	[tilespmem:$0x1F780] =	vst v63  }
0x2ef: {  	s13 =	simm.s32 $0x180;
	s14 =	simm.s32 $0x1000;
	_ =	swait.ge [sflag:s8], $0x2000  }
0x2f0: {  	s16 =	simm.s32 $0x1580;
	s11 =	simm.s32 $0x800;
	[sflag:s8] =	ssyncset.done $0x0  }
.LBB2_6:
0x2f1: {  	s17 =	simm.s32 @!p2 $0x5  }
0x2f2: {  	[sflag:s8] =	ssyncadd.s32 $0xFFFFE000;
	s15 =	smov.u32 s14;
	s14 =	sadd.s32 $0x800, s14  }
0x2f3: {  	[spmem:s1] =	stream.indirect.scatter.add.f32 [tilespmem:s0], [sflag:$0x8], $0x80, s16, s24, $0xb8;
	[tilespmem:$0x1F780] =	vst v63  }
0x2f4: {  	p1 =	sne.s32 s14, $0xA000;
	_ =	swait.ge @!p2 [sflag:s17], $0x2000  }
0x2f5: {  	[sflag:s17] =	ssyncset.done @!p2 $0x0  }
0x2f6: {  	[sflag:s17] =	ssyncadd.s32 @!p2 $0xFFFFE000  }
0x2f7: {  	v1 =	vld [tilespmem:s13+$0xFFFFFF80];
	_ =	sdelay $0x4  }
0x2f8: {  	v1 =	vadd.s32 v0, v1  }
0x2f9: {  	[tilespmem:$0x3C00] =	vst v1  }
0x2fa: {  	v1 =	vld [tilespmem:s13+$0xFFFFFF90];
	_ =	sdelay $0x4  }
0x2fb: {  	v1 =	vadd.s32 v0, v1  }
0x2fc: {  	[tilespmem:$0x3C10] =	vst v1  }
0x2fd: {  	v1 =	vld [tilespmem:s13+$0xFFFFFFA0];
	_ =	sdelay $0x4  }
0x2fe: {  	v1 =	vadd.s32 v0, v1  }
0x2ff: {  	[tilespmem:$0x3C20] =	vst v1  }
0x300: {  	v1 =	vld [tilespmem:s13+$0xFFFFFFB0];
	_ =	sdelay $0x4  }
0x301: {  	v1 =	vadd.s32 v0, v1  }
0x302: {  	s16 =	simm.s32 @!p2 $0x6;
	[tilespmem:$0x3C30] =	vst v1  }
0x303: {  	[tilespmem:s21], [sflag:$0x1] =	stream.indirect.gather [hbm4b:s4+s24], $0x80, s25, s24, $0xb8;
	[tilespmem:$0x1F780] =	vst v63  }
0x304: {  	_ =	swait.ge @!p2 [sflag:s16], $0x2000  }
0x305: {  	[sflag:s16] =	ssyncset.done @!p2 $0x0  }
0x306: {  	[sflag:s16] =	ssyncadd.s32 @!p2 $0xFFFFE000  }
0x307: {  	v1 =	vld [tilespmem:s13+$0xFFFFFFC0];
	_ =	sdelay $0x4  }
0x308: {  	s16 =	sadd.s32 $0xFFFFFF80, s12;
	v1 =	vadd.s32 v0, v1  }
0x309: {  	s17 =	sor.u32 $0x50, s16;
	[tilespmem:$0x3C80] =	vst v1  }
0x30a: {  	v1 =	vld [tilespmem:s17+$0x0];
	_ =	sdelay $0x4  }
0x30b: {  	v1 =	vadd.s32 v0, v1  }
0x30c: {  	s17 =	sor.u32 $0x60, s16;
	[tilespmem:$0x3C90] =	vst v1  }
0x30d: {  	v1 =	vld [tilespmem:s17+$0x0];
	_ =	sdelay $0x4  }
0x30e: {  	v1 =	vadd.s32 v0, v1  }
0x30f: {  	s16 =	sor.u32 $0x70, s16;
	[tilespmem:$0x3CA0] =	vst v1  }
0x310: {  	v1 =	vld [tilespmem:s16+$0x0];
	_ =	sdelay $0x4  }
0x311: {  	v1 =	vadd.s32 v0, v1  }
0x312: {  	s16 =	simm.s32 @!p2 $0x7;
	[tilespmem:$0x3CB0] =	vst v1  }
0x313: {  	[tilespmem:s28], [sflag:$0x2] =	stream.indirect.gather [hbm4b:s4+s24], $0x80, s26, s24, $0xb8;
	[tilespmem:$0x1F780] =	vst v63  }
0x314: {  	_ =	swait.ge @!p2 [sflag:s16], $0x2000  }
0x315: {  	[sflag:s16] =	ssyncset.done @!p2 $0x0  }
0x316: {  	[sflag:s16] =	ssyncadd.s32 @!p2 $0xFFFFE000  }
0x317: {  	v1 =	vld [tilespmem:s13+$0x0];
	_ =	sdelay $0x4  }
0x318: {  	v1 =	vadd.s32 v0, v1  }
0x319: {  	[tilespmem:$0x3D00] =	vst v1  }
0x31a: {  	v1 =	vld [tilespmem:s13+$0x10];
	_ =	sdelay $0x4  }
0x31b: {  	v1 =	vadd.s32 v0, v1  }
0x31c: {  	[tilespmem:$0x3D10] =	vst v1  }
0x31d: {  	v1 =	vld [tilespmem:s13+$0x20];
	_ =	sdelay $0x4  }
0x31e: {  	v1 =	vadd.s32 v0, v1  }
0x31f: {  	[tilespmem:$0x3D20] =	vst v1  }
0x320: {  	v1 =	vld [tilespmem:s13+$0x30];
	_ =	sdelay $0x4  }
0x321: {  	v1 =	vadd.s32 v0, v1  }
0x322: {  	s16 =	simm.s32 @!p2 $0x8;
	[tilespmem:$0x3D30] =	vst v1  }
0x323: {  	[tilespmem:s30], [sflag:$0x3] =	stream.indirect.gather [hbm4b:s4+s24], $0x80, s29, s24, $0xb8;
	[tilespmem:$0x1F780] =	vst v63  }
0x324: {  	_ =	swait.ge @!p2 [sflag:s16], $0x2000  }
0x325: {  	[sflag:s16] =	ssyncset.done @!p2 $0x0  }
0x326: {  	[sflag:s16] =	ssyncadd.s32 @!p2 $0xFFFFE000  }
0x327: {  	v1 =	vld [tilespmem:s13+$0x40];
	_ =	sdelay $0x4  }
0x328: {  	v1 =	vadd.s32 v0, v1  }
0x329: {  	s16 =	sor.u32 $0x50, s12;
	[tilespmem:$0x3D80] =	vst v1  }
0x32a: {  	v1 =	vld [tilespmem:s16+$0x0];
	_ =	sdelay $0x4  }
0x32b: {  	v1 =	vadd.s32 v0, v1  }
0x32c: {  	s16 =	sor.u32 $0x60, s12;
	[tilespmem:$0x3D90] =	vst v1  }
0x32d: {  	v1 =	vld [tilespmem:s16+$0x0];
	_ =	sdelay $0x4  }
0x32e: {  	v1 =	vadd.s32 v0, v1  }
0x32f: {  	s16 =	sor.u32 $0x70, s12;
	[tilespmem:$0x3DA0] =	vst v1  }
0x330: {  	v1 =	vld [tilespmem:s16+$0x0];
	_ =	sdelay $0x4  }
0x331: {  	v1 =	vadd.s32 v0, v1  }
0x332: {  	[tilespmem:$0x3DB0] =	vst v1  }
0x333: {  	[tilespmem:s0], [sflag:$0x4] =	stream.indirect.gather [hbm4b:s4+s24], $0x80, s31, s24, $0xb8;
	[tilespmem:$0x1F780] =	vst v63  }
0x334: {  	_ =	swait.ge [sflag:s2], $0x2000  }
0x335: {  	s16 =	sshra.s32 s11, $0x2;
	s11 =	smov.u32 s15;
	[sflag:s2] =	ssyncset.done $0x0  }
0x336: {  	s15 =	sadd.s32 $0x1400, s16;
	[sflag:s2] =	ssyncadd.s32 $0xFFFFE000  }
0x337: {  	[spmem:s1] =	stream.indirect.scatter.add.f32 [tilespmem:s21], [sflag:$0x5], $0x80, s15, s24, $0xb8;
	[tilespmem:$0x1F780] =	vst v63  }
0x338: {  	_ =	swait.ge [sflag:s5], $0x2000  }
0x339: {  	[sflag:s5] =	ssyncset.done $0x0  }
0x33a: {  	s15 =	sadd.s32 $0x1480, s16;
	[sflag:s5] =	ssyncadd.s32 $0xFFFFE000  }
0x33b: {  	[spmem:s1] =	stream.indirect.scatter.add.f32 [tilespmem:s28], [sflag:$0x6], $0x80, s15, s24, $0xb8;
	[tilespmem:$0x1F780] =	vst v63  }
0x33c: {  	_ =	swait.ge [sflag:s7], $0x2000  }
.Ltmp2:
0x33d: {  	[sflag:s7] =	ssyncset.done $0x0;
	(pc) =	sbr.rel @p1 .LBB2_6-.Ltmp2, $4  }
0x33e: {  	s15 =	sadd.s32 $0x1500, s16;
	[sflag:s7] =	ssyncadd.s32 $0xFFFFE000  }
0x33f: {  	[spmem:s1] =	stream.indirect.scatter.add.f32 [tilespmem:s30], [sflag:$0x7], $0x80, s15, s24, $0xb8;
	[tilespmem:$0x1F780] =	vst v63  }
0x340: {  	s13 =	sadd.s32 $0x100, s13;
	s12 =	sadd.s32 $0x100, s12;
	_ =	swait.ge [sflag:s8], $0x2000  }
0x341: {  	p2 =	seq.s32 s11, $0x0;
	s16 =	sadd.s32 $0x1580, s16;
	[sflag:s8] =	ssyncset.done $0x0  }
0x342: {  	s14 =	simm.s32 @!p2 $0x5;
	[sflag:s8] =	ssyncadd.s32 $0xFFFFE000  }
0x343: {  	[spmem:s1] =	stream.indirect.scatter.add.f32 [tilespmem:s0], [sflag:$0x8], $0x80, s16, s24, $0xb8;
	[tilespmem:$0x1F780] =	vst v63  }
0x344: {  	_ =	swait.ge @!p2 [sflag:s14], $0x2000  }
0x345: {  	[sflag:s14] =	ssyncset.done @!p2 $0x0  }
0x346: {  	[sflag:s14] =	ssyncadd.s32 @!p2 $0xFFFFE000  }
0x347: {  	v1 =	vld [tilespmem:s13+$0xFFFFFF80];
	_ =	sdelay $0x4  }
0x348: {  	v1 =	vadd.s32 v0, v1  }
0x349: {  	[tilespmem:$0x3C00] =	vst v1  }
0x34a: {  	v1 =	vld [tilespmem:s13+$0xFFFFFF90];
	_ =	sdelay $0x4  }
0x34b: {  	v1 =	vadd.s32 v0, v1  }
0x34c: {  	[tilespmem:$0x3C10] =	vst v1  }
0x34d: {  	v1 =	vld [tilespmem:s13+$0xFFFFFFA0];
	_ =	sdelay $0x4  }
0x34e: {  	v1 =	vadd.s32 v0, v1  }
0x34f: {  	[tilespmem:$0x3C20] =	vst v1  }
0x350: {  	v1 =	vld [tilespmem:s13+$0xFFFFFFB0];
	_ =	sdelay $0x4  }
0x351: {  	v1 =	vadd.s32 v0, v1  }
0x352: {  	s14 =	simm.s32 @!p2 $0x6;
	[tilespmem:$0x3C30] =	vst v1  }
0x353: {  	[tilespmem:s21], [sflag:$0x1] =	stream.indirect.gather [hbm4b:s4+s24], $0x80, s25, s24, $0xb8;
	[tilespmem:$0x1F780] =	vst v63  }
0x354: {  	_ =	swait.ge @!p2 [sflag:s14], $0x2000  }
0x355: {  	[sflag:s14] =	ssyncset.done @!p2 $0x0  }
0x356: {  	[sflag:s14] =	ssyncadd.s32 @!p2 $0xFFFFE000  }
0x357: {  	v1 =	vld [tilespmem:s13+$0xFFFFFFC0];
	_ =	sdelay $0x4  }
0x358: {  	s20 =	sadd.s32 $0xFFFFFF80, s12;
	v1 =	vadd.s32 v0, v1  }
0x359: {  	s15 =	sor.u32 $0x50, s20;
	[tilespmem:$0x3C80] =	vst v1  }
0x35a: {  	v1 =	vld [tilespmem:s15+$0x0];
	_ =	sdelay $0x4  }
0x35b: {  	v1 =	vadd.s32 v0, v1  }
0x35c: {  	s19 =	smov.u32 s9;
	s9 =	sor.u32 $0x60, s20;
	[tilespmem:$0x3C90] =	vst v1  }
0x35d: {  	v1 =	vld [tilespmem:s9+$0x0];
	_ =	sdelay $0x4  }
0x35e: {  	v1 =	vadd.s32 v0, v1  }
0x35f: {  	s14 =	sor.u32 $0x70, s20;
	[tilespmem:$0x3CA0] =	vst v1  }
0x360: {  	v1 =	vld [tilespmem:s14+$0x0];
	_ =	sdelay $0x4  }
0x361: {  	v1 =	vadd.s32 v0, v1  }
0x362: {  	s14 =	simm.s32 @!p2 $0x7;
	[tilespmem:$0x3CB0] =	vst v1  }
0x363: {  	[tilespmem:s28], [sflag:$0x2] =	stream.indirect.gather [hbm4b:s4+s24], $0x80, s26, s24, $0xb8;
	[tilespmem:$0x1F780] =	vst v63  }
0x364: {  	_ =	swait.ge @!p2 [sflag:s14], $0x2000  }
0x365: {  	[sflag:s14] =	ssyncset.done @!p2 $0x0  }
0x366: {  	[sflag:s14] =	ssyncadd.s32 @!p2 $0xFFFFE000  }
0x367: {  	v1 =	vld [tilespmem:s13+$0x0];
	_ =	sdelay $0x4  }
0x368: {  	v1 =	vadd.s32 v0, v1  }
0x369: {  	[tilespmem:$0x3D00] =	vst v1  }
0x36a: {  	v1 =	vld [tilespmem:s13+$0x10];
	_ =	sdelay $0x4  }
0x36b: {  	v1 =	vadd.s32 v0, v1  }
0x36c: {  	[tilespmem:$0x3D10] =	vst v1  }
0x36d: {  	v1 =	vld [tilespmem:s13+$0x20];
	_ =	sdelay $0x4  }
0x36e: {  	v1 =	vadd.s32 v0, v1  }
0x36f: {  	[tilespmem:$0x3D20] =	vst v1  }
0x370: {  	v1 =	vld [tilespmem:s13+$0x30];
	_ =	sdelay $0x4  }
0x371: {  	v1 =	vadd.s32 v0, v1  }
0x372: {  	s14 =	simm.s32 @!p2 $0x8;
	[tilespmem:$0x3D30] =	vst v1  }
0x373: {  	[tilespmem:s30], [sflag:$0x3] =	stream.indirect.gather [hbm4b:s4+s24], $0x80, s29, s24, $0xb8;
	[tilespmem:$0x1F780] =	vst v63  }
0x374: {  	_ =	swait.ge @!p2 [sflag:s14], $0x2000  }
0x375: {  	[sflag:s14] =	ssyncset.done @!p2 $0x0  }
0x376: {  	[sflag:s14] =	ssyncadd.s32 @!p2 $0xFFFFE000  }
0x377: {  	v1 =	vld [tilespmem:s13+$0x40];
	_ =	sdelay $0x4  }
0x378: {  	v1 =	vadd.s32 v0, v1  }
0x379: {  	s14 =	sor.u32 $0x50, s12;
	[tilespmem:$0x3D80] =	vst v1  }
0x37a: {  	v1 =	vld [tilespmem:s14+$0x0];
	_ =	sdelay $0x4  }
0x37b: {  	v1 =	vadd.s32 v0, v1  }
0x37c: {  	s15 =	sor.u32 $0x60, s12;
	[tilespmem:$0x3D90] =	vst v1  }
0x37d: {  	v1 =	vld [tilespmem:s15+$0x0];
	_ =	sdelay $0x4  }
0x37e: {  	v1 =	vadd.s32 v0, v1  }
0x37f: {  	s16 =	sor.u32 $0x70, s12;
	[tilespmem:$0x3DA0] =	vst v1  }
0x380: {  	v1 =	vld [tilespmem:s16+$0x0];
	_ =	sdelay $0x4  }
0x381: {  	v1 =	vadd.s32 v0, v1  }
0x382: {  	[tilespmem:$0x3DB0] =	vst v1  }
0x383: {  	[tilespmem:s0], [sflag:$0x4] =	stream.indirect.gather [hbm4b:s4+s24], $0x80, s31, s24, $0xb8;
	[tilespmem:$0x1F780] =	vst v63  }
0x384: {  	_ =	swait.ge [sflag:s2], $0x2000  }
0x385: {  	s11 =	sshra.s32 s11, $0x2;
	[sflag:s2] =	ssyncset.done $0x0  }
0x386: {  	s17 =	sadd.s32 $0x1400, s11;
	[sflag:s2] =	ssyncadd.s32 $0xFFFFE000  }
0x387: {  	[spmem:s1] =	stream.indirect.scatter.add.f32 [tilespmem:s21], [sflag:$0x5], $0x80, s17, s24, $0xb8;
	[tilespmem:$0x1F780] =	vst v63  }
0x388: {  	_ =	swait.ge [sflag:s5], $0x2000  }
0x389: {  	[sflag:s5] =	ssyncset.done $0x0  }
0x38a: {  	s20 =	sadd.s32 $0x1480, s11;
	[sflag:s5] =	ssyncadd.s32 $0xFFFFE000  }
0x38b: {  	[spmem:s1] =	stream.indirect.scatter.add.f32 [tilespmem:s28], [sflag:$0x6], $0x80, s20, s24, $0xb8;
	[tilespmem:$0x1F780] =	vst v63  }
0x38c: {  	_ =	swait.ge [sflag:s7], $0x2000  }
0x38d: {  	[sflag:s7] =	ssyncset.done $0x0  }
0x38e: {  	s9 =	sadd.s32 $0x1500, s11;
	[sflag:s7] =	ssyncadd.s32 $0xFFFFE000  }
0x38f: {  	[spmem:s1] =	stream.indirect.scatter.add.f32 [tilespmem:s30], [sflag:$0x7], $0x80, s9, s24, $0xb8;
	[tilespmem:$0x1F780] =	vst v63  }
0x390: {  	_ =	swait.ge [sflag:s8], $0x2000  }
0x391: {  	[sflag:s8] =	ssyncset.done $0x0  }
0x392: {  	s11 =	sadd.s32 $0x1580, s11;
	[sflag:s8] =	ssyncadd.s32 $0xFFFFE000  }
0x393: {  	[spmem:s1] =	stream.indirect.scatter.add.f32 [tilespmem:s0], [sflag:$0x8], $0x80, s11, s24, $0xb8;
	[tilespmem:$0x1F780] =	vst v63  }
0x394: {  	_ =	swait.ge [sflag:s10], $0x2000  }
0x395: {  	[sflag:s10] =	ssyncset.done $0x0  }
0x396: {  	s11 =	simm.s32 $0x6;
	[sflag:s10] =	ssyncadd.s32 $0xFFFFE000  }
0x397: {  	_ =	swait.ge [sflag:s11], $0x2000  }
0x398: {  	[sflag:s11] =	ssyncset.done $0x0  }
0x399: {  	s12 =	simm.s32 $0x7;
	[sflag:s11] =	ssyncadd.s32 $0xFFFFE000  }
0x39a: {  	_ =	swait.ge [sflag:s12], $0x2000  }
0x39b: {  	[sflag:s12] =	ssyncset.done $0x0  }
0x39c: {  	s13 =	simm.s32 $0x8;
	[sflag:s12] =	ssyncadd.s32 $0xFFFFE000  }
0x39d: {  	_ =	swait.ge [sflag:s13], $0x2000  }
0x39e: {  	[sflag:s13] =	ssyncset.done $0x0  }
0x39f: {  	s14 =	simm.s32 $0x0;
	s15 =	rddreg [dreg:$0x7];
	[sflag:s13] =	ssyncadd.s32 $0xFFFFE000  }
0x3a0: {  	[tilespmem:s14], [sflag:$0x9] =	stream.linear.gather [hbm4b:s15+s14], $0x1400, $0x38;
	[tilespmem:$0x1F780] =	vst v63  }
0x3a1: {  	_ =	swait.ge [sflag:s22], $0x1400  }
0x3a2: {  	[sflag:s22] =	ssyncset.done $0x0  }
0x3a3: {  	s16 =	rddreg [dreg:$0xb];
	[sflag:s22] =	ssyncadd.s32 $0xFFFFEC00  }
0x3a4: {  	[tilespmem:s23], [sflag:$0x9] =	stream.linear.gather [hbm4b:s16+s14], $0x2800, $0x38;
	[tilespmem:$0x1F780] =	vst v63  }
0x3a5: {  	_ =	swait.ge [sflag:s22], $0x2800  }
0x3a6: {  	p1 =	por $0x1, $0x1;
	[sflag:s22] =	ssyncset.done $0x0  }
0x3a7: {  	s11 =	simm.s32 @!p1 $0x5;
	[sflag:s22] =	ssyncadd.s32 $0xFFFFD800  }
0x3a8: {  	_ =	swait.ge @!p1 [sflag:s11], $0x2000  }
0x3a9: {  	[sflag:s11] =	ssyncset.done @!p1 $0x0  }
0x3aa: {  	s17 =	simm.s32 $0x80;
	[sflag:s11] =	ssyncadd.s32 @!p1 $0xFFFFE000  }
0x3ab: {  	v1 =	vld [tilespmem:s17+$0xFFFFFF80];
	_ =	sdelay $0x4  }
0x3ac: {  	v1 =	vadd.s32 v0, v1  }
0x3ad: {  	[tilespmem:$0x3C00] =	vst v1  }
0x3ae: {  	v1 =	vld [tilespmem:s17+$0xFFFFFF90];
	_ =	sdelay $0x4  }
0x3af: {  	v1 =	vadd.s32 v0, v1  }
0x3b0: {  	[tilespmem:$0x3C10] =	vst v1  }
0x3b1: {  	v1 =	vld [tilespmem:s17+$0xFFFFFFA0];
	_ =	sdelay $0x4  }
0x3b2: {  	v1 =	vadd.s32 v0, v1  }
0x3b3: {  	[tilespmem:$0x3C20] =	vst v1  }
0x3b4: {  	v1 =	vld [tilespmem:s17+$0xFFFFFFB0];
	_ =	sdelay $0x4  }
0x3b5: {  	v1 =	vadd.s32 v0, v1  }
0x3b6: {  	s11 =	simm.s32 @!p1 $0x6;
	[tilespmem:$0x3C30] =	vst v1  }
0x3b7: {  	[tilespmem:s21], [sflag:$0x1] =	stream.indirect.gather [hbm4b:s4+s24], $0x80, s25, s24, $0xb8;
	[tilespmem:$0x1F780] =	vst v63  }
0x3b8: {  	_ =	swait.ge @!p1 [sflag:s11], $0x2000  }
0x3b9: {  	[sflag:s11] =	ssyncset.done @!p1 $0x0  }
0x3ba: {  	[sflag:s11] =	ssyncadd.s32 @!p1 $0xFFFFE000  }
0x3bb: {  	v1 =	vld [tilespmem:s17+$0xFFFFFFC0];
	_ =	sdelay $0x4  }
0x3bc: {  	s20 =	simm.s32 $0x40;
	v1 =	vadd.s32 v0, v1  }
0x3bd: {  	s23 =	sor.u32 $0x50, s20;
	[tilespmem:$0x3C80] =	vst v1  }
0x3be: {  	v1 =	vld [tilespmem:s23+$0x0];
	_ =	sdelay $0x4  }
0x3bf: {  	v1 =	vadd.s32 v0, v1  }
0x3c0: {  	s9 =	sor.u32 $0x60, s20;
	[tilespmem:$0x3C90] =	vst v1  }
0x3c1: {  	v1 =	vld [tilespmem:s9+$0x0];
	_ =	sdelay $0x4  }
0x3c2: {  	v1 =	vadd.s32 v0, v1  }
0x3c3: {  	s11 =	sor.u32 $0x70, s20;
	[tilespmem:$0x3CA0] =	vst v1  }
0x3c4: {  	v1 =	vld [tilespmem:s11+$0x0];
	_ =	sdelay $0x4  }
0x3c5: {  	v1 =	vadd.s32 v0, v1  }
0x3c6: {  	s11 =	simm.s32 @!p1 $0x7;
	[tilespmem:$0x3CB0] =	vst v1  }
0x3c7: {  	[tilespmem:s28], [sflag:$0x2] =	stream.indirect.gather [hbm4b:s4+s24], $0x80, s26, s24, $0xb8;
	[tilespmem:$0x1F780] =	vst v63  }
0x3c8: {  	_ =	swait.ge @!p1 [sflag:s11], $0x2000  }
0x3c9: {  	[sflag:s11] =	ssyncset.done @!p1 $0x0  }
0x3ca: {  	[sflag:s11] =	ssyncadd.s32 @!p1 $0xFFFFE000  }
0x3cb: {  	v1 =	vld [tilespmem:s17+$0x0];
	_ =	sdelay $0x4  }
0x3cc: {  	v1 =	vadd.s32 v0, v1  }
0x3cd: {  	[tilespmem:$0x3D00] =	vst v1  }
0x3ce: {  	v1 =	vld [tilespmem:s17+$0x10];
	_ =	sdelay $0x4  }
0x3cf: {  	v1 =	vadd.s32 v0, v1  }
0x3d0: {  	[tilespmem:$0x3D10] =	vst v1  }
0x3d1: {  	v1 =	vld [tilespmem:s17+$0x20];
	_ =	sdelay $0x4  }
0x3d2: {  	v1 =	vadd.s32 v0, v1  }
0x3d3: {  	[tilespmem:$0x3D20] =	vst v1  }
0x3d4: {  	v1 =	vld [tilespmem:s17+$0x30];
	_ =	sdelay $0x4  }
0x3d5: {  	v1 =	vadd.s32 v0, v1  }
0x3d6: {  	s11 =	simm.s32 @!p1 $0x8;
	[tilespmem:$0x3D30] =	vst v1  }
0x3d7: {  	[tilespmem:s30], [sflag:$0x3] =	stream.indirect.gather [hbm4b:s4+s24], $0x80, s29, s24, $0xb8;
	[tilespmem:$0x1F780] =	vst v63  }
0x3d8: {  	_ =	swait.ge @!p1 [sflag:s11], $0x2000  }
0x3d9: {  	[sflag:s11] =	ssyncset.done @!p1 $0x0  }
0x3da: {  	[sflag:s11] =	ssyncadd.s32 @!p1 $0xFFFFE000  }
0x3db: {  	v1 =	vld [tilespmem:s17+$0x40];
	_ =	sdelay $0x4  }
0x3dc: {  	s14 =	simm.s32 $0xC0;
	v1 =	vadd.s32 v0, v1  }
0x3dd: {  	s15 =	sor.u32 $0x50, s14;
	[tilespmem:$0x3D80] =	vst v1  }
0x3de: {  	v1 =	vld [tilespmem:s15+$0x0];
	_ =	sdelay $0x4  }
0x3df: {  	v1 =	vadd.s32 v0, v1  }
0x3e0: {  	s16 =	sor.u32 $0x60, s14;
	[tilespmem:$0x3D90] =	vst v1  }
0x3e1: {  	v1 =	vld [tilespmem:s16+$0x0];
	_ =	sdelay $0x4  }
0x3e2: {  	v1 =	vadd.s32 v0, v1  }
0x3e3: {  	s11 =	sor.u32 $0x70, s14;
	[tilespmem:$0x3DA0] =	vst v1  }
0x3e4: {  	v1 =	vld [tilespmem:s11+$0x0];
	_ =	sdelay $0x4  }
0x3e5: {  	v1 =	vadd.s32 v0, v1  }
0x3e6: {  	[tilespmem:$0x3DB0] =	vst v1  }
0x3e7: {  	[tilespmem:s0], [sflag:$0x4] =	stream.indirect.gather [hbm4b:s4+s24], $0x80, s31, s24, $0xb8;
	[tilespmem:$0x1F780] =	vst v63  }
0x3e8: {  	_ =	swait.ge [sflag:s2], $0x2000  }
0x3e9: {  	[sflag:s2] =	ssyncset.done $0x0  }
0x3ea: {  	s17 =	simm.s32 $0x1400;
	[sflag:s2] =	ssyncadd.s32 $0xFFFFE000  }
0x3eb: {  	[spmem:s1] =	stream.indirect.scatter.add.f32 [tilespmem:s21], [sflag:$0x5], $0x80, s17, s24, $0xb8;
	[tilespmem:$0x1F780] =	vst v63  }
0x3ec: {  	_ =	swait.ge [sflag:s5], $0x2000  }
0x3ed: {  	[sflag:s5] =	ssyncset.done $0x0  }
0x3ee: {  	s20 =	simm.s32 $0x1480;
	[sflag:s5] =	ssyncadd.s32 $0xFFFFE000  }
0x3ef: {  	[spmem:s1] =	stream.indirect.scatter.add.f32 [tilespmem:s28], [sflag:$0x6], $0x80, s20, s24, $0xb8;
	[tilespmem:$0x1F780] =	vst v63  }
0x3f0: {  	_ =	swait.ge [sflag:s7], $0x2000  }
0x3f1: {  	p2 =	por $0x0, $0x0;
	[sflag:s7] =	ssyncset.done $0x0  }
0x3f2: {  	s12 =	simm.s32 $0x1C0;
	s23 =	simm.s32 $0x1500;
	[sflag:s7] =	ssyncadd.s32 $0xFFFFE000  }
0x3f3: {  	[spmem:s1] =	stream.indirect.scatter.add.f32 [tilespmem:s30], [sflag:$0x7], $0x80, s23, s24, $0xb8;
	[tilespmem:$0x1F780] =	vst v63  }
0x3f4: {  	s13 =	simm.s32 $0x180;
	s14 =	simm.s32 $0x1000;
	_ =	swait.ge [sflag:s8], $0x2000  }
0x3f5: {  	s16 =	simm.s32 $0x1580;
	s11 =	simm.s32 $0x800;
	[sflag:s8] =	ssyncset.done $0x0  }
.LBB2_8:
0x3f6: {  	s17 =	simm.s32 @!p2 $0x5  }
0x3f7: {  	[sflag:s8] =	ssyncadd.s32 $0xFFFFE000;
	s15 =	smov.u32 s14;
	s14 =	sadd.s32 $0x800, s14  }
0x3f8: {  	[spmem:s1] =	stream.indirect.scatter.add.f32 [tilespmem:s0], [sflag:$0x8], $0x80, s16, s24, $0xb8;
	[tilespmem:$0x1F780] =	vst v63  }
0x3f9: {  	p1 =	sne.s32 s14, $0xA000;
	_ =	swait.ge @!p2 [sflag:s17], $0x2000  }
0x3fa: {  	[sflag:s17] =	ssyncset.done @!p2 $0x0  }
0x3fb: {  	[sflag:s17] =	ssyncadd.s32 @!p2 $0xFFFFE000  }
0x3fc: {  	v1 =	vld [tilespmem:s13+$0xFFFFFF80];
	_ =	sdelay $0x4  }
0x3fd: {  	v1 =	vadd.s32 v0, v1  }
0x3fe: {  	[tilespmem:$0x3C00] =	vst v1  }
0x3ff: {  	v1 =	vld [tilespmem:s13+$0xFFFFFF90];
	_ =	sdelay $0x4  }
0x400: {  	v1 =	vadd.s32 v0, v1  }
0x401: {  	[tilespmem:$0x3C10] =	vst v1  }
0x402: {  	v1 =	vld [tilespmem:s13+$0xFFFFFFA0];
	_ =	sdelay $0x4  }
0x403: {  	v1 =	vadd.s32 v0, v1  }
0x404: {  	[tilespmem:$0x3C20] =	vst v1  }
0x405: {  	v1 =	vld [tilespmem:s13+$0xFFFFFFB0];
	_ =	sdelay $0x4  }
0x406: {  	v1 =	vadd.s32 v0, v1  }
0x407: {  	s16 =	simm.s32 @!p2 $0x6;
	[tilespmem:$0x3C30] =	vst v1  }
0x408: {  	[tilespmem:s21], [sflag:$0x1] =	stream.indirect.gather [hbm4b:s4+s24], $0x80, s25, s24, $0xb8;
	[tilespmem:$0x1F780] =	vst v63  }
0x409: {  	_ =	swait.ge @!p2 [sflag:s16], $0x2000  }
0x40a: {  	[sflag:s16] =	ssyncset.done @!p2 $0x0  }
0x40b: {  	[sflag:s16] =	ssyncadd.s32 @!p2 $0xFFFFE000  }
0x40c: {  	v1 =	vld [tilespmem:s13+$0xFFFFFFC0];
	_ =	sdelay $0x4  }
0x40d: {  	s16 =	sadd.s32 $0xFFFFFF80, s12;
	v1 =	vadd.s32 v0, v1  }
0x40e: {  	s17 =	sor.u32 $0x50, s16;
	[tilespmem:$0x3C80] =	vst v1  }
0x40f: {  	v1 =	vld [tilespmem:s17+$0x0];
	_ =	sdelay $0x4  }
0x410: {  	v1 =	vadd.s32 v0, v1  }
0x411: {  	s17 =	sor.u32 $0x60, s16;
	[tilespmem:$0x3C90] =	vst v1  }
0x412: {  	v1 =	vld [tilespmem:s17+$0x0];
	_ =	sdelay $0x4  }
0x413: {  	v1 =	vadd.s32 v0, v1  }
0x414: {  	s16 =	sor.u32 $0x70, s16;
	[tilespmem:$0x3CA0] =	vst v1  }
0x415: {  	v1 =	vld [tilespmem:s16+$0x0];
	_ =	sdelay $0x4  }
0x416: {  	v1 =	vadd.s32 v0, v1  }
0x417: {  	s16 =	simm.s32 @!p2 $0x7;
	[tilespmem:$0x3CB0] =	vst v1  }
0x418: {  	[tilespmem:s28], [sflag:$0x2] =	stream.indirect.gather [hbm4b:s4+s24], $0x80, s26, s24, $0xb8;
	[tilespmem:$0x1F780] =	vst v63  }
0x419: {  	_ =	swait.ge @!p2 [sflag:s16], $0x2000  }
0x41a: {  	[sflag:s16] =	ssyncset.done @!p2 $0x0  }
0x41b: {  	[sflag:s16] =	ssyncadd.s32 @!p2 $0xFFFFE000  }
0x41c: {  	v1 =	vld [tilespmem:s13+$0x0];
	_ =	sdelay $0x4  }
0x41d: {  	v1 =	vadd.s32 v0, v1  }
0x41e: {  	[tilespmem:$0x3D00] =	vst v1  }
0x41f: {  	v1 =	vld [tilespmem:s13+$0x10];
	_ =	sdelay $0x4  }
0x420: {  	v1 =	vadd.s32 v0, v1  }
0x421: {  	[tilespmem:$0x3D10] =	vst v1  }
0x422: {  	v1 =	vld [tilespmem:s13+$0x20];
	_ =	sdelay $0x4  }
0x423: {  	v1 =	vadd.s32 v0, v1  }
0x424: {  	[tilespmem:$0x3D20] =	vst v1  }
0x425: {  	v1 =	vld [tilespmem:s13+$0x30];
	_ =	sdelay $0x4  }
0x426: {  	v1 =	vadd.s32 v0, v1  }
0x427: {  	s16 =	simm.s32 @!p2 $0x8;
	[tilespmem:$0x3D30] =	vst v1  }
0x428: {  	[tilespmem:s30], [sflag:$0x3] =	stream.indirect.gather [hbm4b:s4+s24], $0x80, s29, s24, $0xb8;
	[tilespmem:$0x1F780] =	vst v63  }
0x429: {  	_ =	swait.ge @!p2 [sflag:s16], $0x2000  }
0x42a: {  	[sflag:s16] =	ssyncset.done @!p2 $0x0  }
0x42b: {  	[sflag:s16] =	ssyncadd.s32 @!p2 $0xFFFFE000  }
0x42c: {  	v1 =	vld [tilespmem:s13+$0x40];
	_ =	sdelay $0x4  }
0x42d: {  	v1 =	vadd.s32 v0, v1  }
0x42e: {  	s16 =	sor.u32 $0x50, s12;
	[tilespmem:$0x3D80] =	vst v1  }
0x42f: {  	v1 =	vld [tilespmem:s16+$0x0];
	_ =	sdelay $0x4  }
0x430: {  	v1 =	vadd.s32 v0, v1  }
0x431: {  	s16 =	sor.u32 $0x60, s12;
	[tilespmem:$0x3D90] =	vst v1  }
0x432: {  	v1 =	vld [tilespmem:s16+$0x0];
	_ =	sdelay $0x4  }
0x433: {  	v1 =	vadd.s32 v0, v1  }
0x434: {  	s16 =	sor.u32 $0x70, s12;
	[tilespmem:$0x3DA0] =	vst v1  }
0x435: {  	v1 =	vld [tilespmem:s16+$0x0];
	_ =	sdelay $0x4  }
0x436: {  	v1 =	vadd.s32 v0, v1  }
0x437: {  	[tilespmem:$0x3DB0] =	vst v1  }
0x438: {  	[tilespmem:s0], [sflag:$0x4] =	stream.indirect.gather [hbm4b:s4+s24], $0x80, s31, s24, $0xb8;
	[tilespmem:$0x1F780] =	vst v63  }
0x439: {  	_ =	swait.ge [sflag:s2], $0x2000  }
0x43a: {  	s16 =	sshra.s32 s11, $0x2;
	s11 =	smov.u32 s15;
	[sflag:s2] =	ssyncset.done $0x0  }
0x43b: {  	s15 =	sadd.s32 $0x1400, s16;
	[sflag:s2] =	ssyncadd.s32 $0xFFFFE000  }
0x43c: {  	[spmem:s1] =	stream.indirect.scatter.add.f32 [tilespmem:s21], [sflag:$0x5], $0x80, s15, s24, $0xb8;
	[tilespmem:$0x1F780] =	vst v63  }
0x43d: {  	_ =	swait.ge [sflag:s5], $0x2000  }
0x43e: {  	[sflag:s5] =	ssyncset.done $0x0  }
0x43f: {  	s15 =	sadd.s32 $0x1480, s16;
	[sflag:s5] =	ssyncadd.s32 $0xFFFFE000  }
0x440: {  	[spmem:s1] =	stream.indirect.scatter.add.f32 [tilespmem:s28], [sflag:$0x6], $0x80, s15, s24, $0xb8;
	[tilespmem:$0x1F780] =	vst v63  }
0x441: {  	_ =	swait.ge [sflag:s7], $0x2000  }
.Ltmp3:
0x442: {  	[sflag:s7] =	ssyncset.done $0x0;
	(pc) =	sbr.rel @p1 .LBB2_8-.Ltmp3, $4  }
0x443: {  	s15 =	sadd.s32 $0x1500, s16;
	[sflag:s7] =	ssyncadd.s32 $0xFFFFE000  }
0x444: {  	[spmem:s1] =	stream.indirect.scatter.add.f32 [tilespmem:s30], [sflag:$0x7], $0x80, s15, s24, $0xb8;
	[tilespmem:$0x1F780] =	vst v63  }
0x445: {  	s13 =	sadd.s32 $0x100, s13;
	s12 =	sadd.s32 $0x100, s12;
	_ =	swait.ge [sflag:s8], $0x2000  }
0x446: {  	p2 =	seq.s32 s11, $0x0;
	s16 =	sadd.s32 $0x1580, s16;
	[sflag:s8] =	ssyncset.done $0x0  }
0x447: {  	s14 =	simm.s32 @!p2 $0x5;
	[sflag:s8] =	ssyncadd.s32 $0xFFFFE000  }
0x448: {  	[spmem:s1] =	stream.indirect.scatter.add.f32 [tilespmem:s0], [sflag:$0x8], $0x80, s16, s24, $0xb8;
	[tilespmem:$0x1F780] =	vst v63  }
0x449: {  	_ =	swait.ge @!p2 [sflag:s14], $0x2000  }
0x44a: {  	[sflag:s14] =	ssyncset.done @!p2 $0x0  }
0x44b: {  	[sflag:s14] =	ssyncadd.s32 @!p2 $0xFFFFE000  }
0x44c: {  	v1 =	vld [tilespmem:s13+$0xFFFFFF80];
	_ =	sdelay $0x4  }
0x44d: {  	v1 =	vadd.s32 v0, v1  }
0x44e: {  	[tilespmem:$0x3C00] =	vst v1  }
0x44f: {  	v1 =	vld [tilespmem:s13+$0xFFFFFF90];
	_ =	sdelay $0x4  }
0x450: {  	v1 =	vadd.s32 v0, v1  }
0x451: {  	[tilespmem:$0x3C10] =	vst v1  }
0x452: {  	v1 =	vld [tilespmem:s13+$0xFFFFFFA0];
	_ =	sdelay $0x4  }
0x453: {  	v1 =	vadd.s32 v0, v1  }
0x454: {  	[tilespmem:$0x3C20] =	vst v1  }
0x455: {  	v1 =	vld [tilespmem:s13+$0xFFFFFFB0];
	_ =	sdelay $0x4  }
0x456: {  	v1 =	vadd.s32 v0, v1  }
0x457: {  	s14 =	simm.s32 @!p2 $0x6;
	[tilespmem:$0x3C30] =	vst v1  }
0x458: {  	[tilespmem:s21], [sflag:$0x1] =	stream.indirect.gather [hbm4b:s4+s24], $0x80, s25, s24, $0xb8;
	[tilespmem:$0x1F780] =	vst v63  }
0x459: {  	_ =	swait.ge @!p2 [sflag:s14], $0x2000  }
0x45a: {  	[sflag:s14] =	ssyncset.done @!p2 $0x0  }
0x45b: {  	[sflag:s14] =	ssyncadd.s32 @!p2 $0xFFFFE000  }
0x45c: {  	v1 =	vld [tilespmem:s13+$0xFFFFFFC0];
	_ =	sdelay $0x4  }
0x45d: {  	s23 =	sadd.s32 $0xFFFFFF80, s12;
	v1 =	vadd.s32 v0, v1  }
0x45e: {  	s15 =	sor.u32 $0x50, s23;
	[tilespmem:$0x3C80] =	vst v1  }
0x45f: {  	v1 =	vld [tilespmem:s15+$0x0];
	_ =	sdelay $0x4  }
0x460: {  	v1 =	vadd.s32 v0, v1  }
0x461: {  	s9 =	sor.u32 $0x60, s23;
	[tilespmem:$0x3C90] =	vst v1  }
0x462: {  	v1 =	vld [tilespmem:s9+$0x0];
	_ =	sdelay $0x4  }
0x463: {  	v1 =	vadd.s32 v0, v1  }
0x464: {  	s14 =	sor.u32 $0x70, s23;
	[tilespmem:$0x3CA0] =	vst v1  }
0x465: {  	v1 =	vld [tilespmem:s14+$0x0];
	_ =	sdelay $0x4  }
0x466: {  	v1 =	vadd.s32 v0, v1  }
0x467: {  	s14 =	simm.s32 @!p2 $0x7;
	[tilespmem:$0x3CB0] =	vst v1  }
0x468: {  	[tilespmem:s28], [sflag:$0x2] =	stream.indirect.gather [hbm4b:s4+s24], $0x80, s26, s24, $0xb8;
	[tilespmem:$0x1F780] =	vst v63  }
0x469: {  	_ =	swait.ge @!p2 [sflag:s14], $0x2000  }
0x46a: {  	[sflag:s14] =	ssyncset.done @!p2 $0x0  }
0x46b: {  	[sflag:s14] =	ssyncadd.s32 @!p2 $0xFFFFE000  }
0x46c: {  	v1 =	vld [tilespmem:s13+$0x0];
	_ =	sdelay $0x4  }
0x46d: {  	v1 =	vadd.s32 v0, v1  }
0x46e: {  	[tilespmem:$0x3D00] =	vst v1  }
0x46f: {  	v1 =	vld [tilespmem:s13+$0x10];
	_ =	sdelay $0x4  }
0x470: {  	v1 =	vadd.s32 v0, v1  }
0x471: {  	[tilespmem:$0x3D10] =	vst v1  }
0x472: {  	v1 =	vld [tilespmem:s13+$0x20];
	_ =	sdelay $0x4  }
0x473: {  	v1 =	vadd.s32 v0, v1  }
0x474: {  	[tilespmem:$0x3D20] =	vst v1  }
0x475: {  	v1 =	vld [tilespmem:s13+$0x30];
	_ =	sdelay $0x4  }
0x476: {  	v1 =	vadd.s32 v0, v1  }
0x477: {  	s14 =	simm.s32 @!p2 $0x8;
	[tilespmem:$0x3D30] =	vst v1  }
0x478: {  	[tilespmem:s30], [sflag:$0x3] =	stream.indirect.gather [hbm4b:s4+s24], $0x80, s29, s24, $0xb8;
	[tilespmem:$0x1F780] =	vst v63  }
0x479: {  	_ =	swait.ge @!p2 [sflag:s14], $0x2000  }
0x47a: {  	[sflag:s14] =	ssyncset.done @!p2 $0x0  }
0x47b: {  	[sflag:s14] =	ssyncadd.s32 @!p2 $0xFFFFE000  }
0x47c: {  	v1 =	vld [tilespmem:s13+$0x40];
	_ =	sdelay $0x4  }
0x47d: {  	v1 =	vadd.s32 v0, v1  }
0x47e: {  	s16 =	sor.u32 $0x50, s12;
	[tilespmem:$0x3D80] =	vst v1  }
0x47f: {  	v1 =	vld [tilespmem:s16+$0x0];
	_ =	sdelay $0x4  }
0x480: {  	v1 =	vadd.s32 v0, v1  }
0x481: {  	s17 =	sor.u32 $0x60, s12;
	[tilespmem:$0x3D90] =	vst v1  }
0x482: {  	v1 =	vld [tilespmem:s17+$0x0];
	_ =	sdelay $0x4  }
0x483: {  	v1 =	vadd.s32 v0, v1  }
0x484: {  	s20 =	sor.u32 $0x70, s12;
	[tilespmem:$0x3DA0] =	vst v1  }
0x485: {  	v1 =	vld [tilespmem:s20+$0x0];
	_ =	sdelay $0x4  }
0x486: {  	v1 =	vadd.s32 v0, v1  }
0x487: {  	[tilespmem:$0x3DB0] =	vst v1  }
0x488: {  	[tilespmem:s0], [sflag:$0x4] =	stream.indirect.gather [hbm4b:s4+s24], $0x80, s31, s24, $0xb8;
	[tilespmem:$0x1F780] =	vst v63  }
0x489: {  	_ =	swait.ge [sflag:s2], $0x2000  }
0x48a: {  	s11 =	sshra.s32 s11, $0x2;
	[sflag:s2] =	ssyncset.done $0x0  }
0x48b: {  	s23 =	sadd.s32 $0x1400, s11;
	[sflag:s2] =	ssyncadd.s32 $0xFFFFE000  }
0x48c: {  	[spmem:s1] =	stream.indirect.scatter.add.f32 [tilespmem:s21], [sflag:$0x5], $0x80, s23, s24, $0xb8;
	[tilespmem:$0x1F780] =	vst v63  }
0x48d: {  	_ =	swait.ge [sflag:s5], $0x2000  }
0x48e: {  	[sflag:s5] =	ssyncset.done $0x0  }
0x48f: {  	s9 =	sadd.s32 $0x1480, s11;
	[sflag:s5] =	ssyncadd.s32 $0xFFFFE000  }
0x490: {  	[spmem:s1] =	stream.indirect.scatter.add.f32 [tilespmem:s28], [sflag:$0x6], $0x80, s9, s24, $0xb8;
	[tilespmem:$0x1F780] =	vst v63  }
0x491: {  	_ =	swait.ge [sflag:s7], $0x2000  }
0x492: {  	[sflag:s7] =	ssyncset.done $0x0  }
0x493: {  	s13 =	sadd.s32 $0x1500, s11;
	[sflag:s7] =	ssyncadd.s32 $0xFFFFE000  }
0x494: {  	[spmem:s1] =	stream.indirect.scatter.add.f32 [tilespmem:s30], [sflag:$0x7], $0x80, s13, s24, $0xb8;
	[tilespmem:$0x1F780] =	vst v63  }
0x495: {  	_ =	swait.ge [sflag:s8], $0x2000  }
0x496: {  	[sflag:s8] =	ssyncset.done $0x0  }
0x497: {  	s11 =	sadd.s32 $0x1580, s11;
	[sflag:s8] =	ssyncadd.s32 $0xFFFFE000  }
0x498: {  	[spmem:s1] =	stream.indirect.scatter.add.f32 [tilespmem:s0], [sflag:$0x8], $0x80, s11, s24, $0xb8;
	[tilespmem:$0x1F780] =	vst v63  }
0x499: {  	_ =	swait.ge [sflag:s10], $0x2000  }
0x49a: {  	[sflag:s10] =	ssyncset.done $0x0  }
0x49b: {  	s9 =	simm.s32 $0x6;
	[sflag:s10] =	ssyncadd.s32 $0xFFFFE000  }
0x49c: {  	_ =	swait.ge [sflag:s9], $0x2000  }
0x49d: {  	[sflag:s9] =	ssyncset.done $0x0  }
0x49e: {  	s14 =	simm.s32 $0x7;
	[sflag:s9] =	ssyncadd.s32 $0xFFFFE000  }
0x49f: {  	_ =	swait.ge [sflag:s14], $0x2000  }
0x4a0: {  	[sflag:s14] =	ssyncset.done $0x0  }
0x4a1: {  	s15 =	simm.s32 $0x8;
	[sflag:s14] =	ssyncadd.s32 $0xFFFFE000  }
0x4a2: {  	_ =	swait.ge [sflag:s15], $0x2000  }
0x4a3: {  	[sflag:s15] =	ssyncset.done $0x0  }
0x4a4: {  	[sflag:s15] =	ssyncadd.s32 $0xFFFFE000  }
0x4a5: {  	[bflag:$0x0] =	sbarrier.arrive $0xFFFF  }
0x4a6: {  	[tilespmem:s21], [sflag:$0x9] =	stream.linear.gather [spmem:s6], $0x2000, $0x38;
	[tilespmem:$0x1F780] =	vst v63  }
0x4a7: {  	_ =	swait.ge [sflag:s22], $0x2000  }
0x4a8: {  	[sflag:s22] =	ssyncset.done $0x0  }
0x4a9: {  	s16 =	rddreg [dreg:$0xc];
	[sflag:s22] =	ssyncadd.s32 $0xFFFFE000  }
0x4aa: {  	[hbm4b:s16+s3] =	stream.linear.scatter [tilespmem:s21], [sflag:$0x9], $0x2000, $0x38;
	[tilespmem:$0x1F780] =	vst v63  }
0x4ab: {  	_ =	swait.ge [sflag:s22], $0x2000  }
0x4ac: {  	[sflag:s22] =	ssyncset.done $0x0  }
0x4ad: {  	[sflag:s22] =	ssyncadd.s32 $0xFFFFE000  }
0x4ae: {  	[tilespmem:s21], [sflag:$0x9] =	stream.linear.gather [spmem:s18], $0x2000, $0x38;
	[tilespmem:$0x1F780] =	vst v63  }
0x4af: {  	_ =	swait.ge [sflag:s22], $0x2000  }
0x4b0: {  	[sflag:s22] =	ssyncset.done $0x0  }
0x4b1: {  	s17 =	rddreg [dreg:$0xe];
	[sflag:s22] =	ssyncadd.s32 $0xFFFFE000  }
0x4b2: {  	[hbm4b:s17+s3] =	stream.linear.scatter [tilespmem:s21], [sflag:$0x9], $0x2000, $0x38;
	[tilespmem:$0x1F780] =	vst v63  }
0x4b3: {  	_ =	swait.ge [sflag:s22], $0x2000  }
0x4b4: {  	s16 =	sld [smem:$0x7F7]  }
0x4b5: {  	[sflag:s22] =	ssyncset.done $0x0  }
0x4b6: {  	[sflag:s22] =	ssyncadd.s32 $0xFFFFE000  }
0x4b7: {  	[tilespmem:s21], [sflag:$0x9] =	stream.linear.gather [spmem:s16], $0x2000, $0x38;
	[tilespmem:$0x1F780] =	vst v63  }
0x4b8: {  	_ =	swait.ge [sflag:s22], $0x2000  }
0x4b9: {  	[sflag:s22] =	ssyncset.done $0x0  }
0x4ba: {  	s15 =	smov.u32 s18;
	s18 =	rddreg [dreg:$0x10];
	[sflag:s22] =	ssyncadd.s32 $0xFFFFE000  }
0x4bb: {  	[hbm4b:s18+s3] =	stream.linear.scatter [tilespmem:s21], [sflag:$0x9], $0x2000, $0x38;
	[tilespmem:$0x1F780] =	vst v63  }
0x4bc: {  	_ =	swait.ge [sflag:s22], $0x2000  }
0x4bd: {  	s17 =	sld [smem:$0x7F8]  }
0x4be: {  	[sflag:s22] =	ssyncset.done $0x0  }
0x4bf: {  	[sflag:s22] =	ssyncadd.s32 $0xFFFFE000  }
0x4c0: {  	[tilespmem:s21], [sflag:$0x9] =	stream.linear.gather [spmem:s17], $0x2000, $0x38;
	[tilespmem:$0x1F780] =	vst v63  }
0x4c1: {  	_ =	swait.ge [sflag:s22], $0x2000  }
0x4c2: {  	[sflag:s22] =	ssyncset.done $0x0  }
0x4c3: {  	s20 =	rddreg [dreg:$0x12];
	[sflag:s22] =	ssyncadd.s32 $0xFFFFE000  }
0x4c4: {  	[hbm4b:s20+s3] =	stream.linear.scatter [tilespmem:s21], [sflag:$0x9], $0x2000, $0x38;
	[tilespmem:$0x1F780] =	vst v63  }
0x4c5: {  	_ =	swait.ge [sflag:s22], $0x2000  }
0x4c6: {  	s18 =	sld [smem:$0x7F9]  }
0x4c7: {  	[sflag:s22] =	ssyncset.done $0x0  }
0x4c8: {  	[sflag:s22] =	ssyncadd.s32 $0xFFFFE000  }
0x4c9: {  	[tilespmem:s21], [sflag:$0x9] =	stream.linear.gather [spmem:s18], $0x2000, $0x38;
	[tilespmem:$0x1F780] =	vst v63  }
0x4ca: {  	_ =	swait.ge [sflag:s22], $0x2000  }
0x4cb: {  	[sflag:s22] =	ssyncset.done $0x0  }
0x4cc: {  	s23 =	rddreg [dreg:$0x14];
	[sflag:s22] =	ssyncadd.s32 $0xFFFFE000  }
0x4cd: {  	[hbm4b:s23+s3] =	stream.linear.scatter [tilespmem:s21], [sflag:$0x9], $0x2000, $0x38;
	[tilespmem:$0x1F780] =	vst v63  }
0x4ce: {  	_ =	swait.ge [sflag:s22], $0x2000  }
0x4cf: {  	s23 =	smov.u32 s6;
	s6 =	sld [smem:$0x7FA]  }
0x4d0: {  	[sflag:s22] =	ssyncset.done $0x0  }
0x4d1: {  	[sflag:s22] =	ssyncadd.s32 $0xFFFFE000  }
0x4d2: {  	[tilespmem:s21], [sflag:$0x9] =	stream.linear.gather [spmem:s6], $0x2000, $0x38;
	[tilespmem:$0x1F780] =	vst v63  }
0x4d3: {  	_ =	swait.ge [sflag:s22], $0x2000  }
0x4d4: {  	[sflag:s22] =	ssyncset.done $0x0  }
0x4d5: {  	s9 =	rddreg [dreg:$0x16];
	[sflag:s22] =	ssyncadd.s32 $0xFFFFE000  }
0x4d6: {  	[hbm4b:s9+s3] =	stream.linear.scatter [tilespmem:s21], [sflag:$0x9], $0x2000, $0x38;
	[tilespmem:$0x1F780] =	vst v63  }
0x4d7: {  	_ =	swait.ge [sflag:s22], $0x2000  }
0x4d8: {  	[sflag:s22] =	ssyncset.done $0x0  }
0x4d9: {  	[sflag:s22] =	ssyncadd.s32 $0xFFFFE000  }
0x4da: {  	[tilespmem:s21], [sflag:$0x9] =	stream.linear.gather [spmem:s19], $0x2000, $0x38;
	[tilespmem:$0x1F780] =	vst v63  }
0x4db: {  	_ =	swait.ge [sflag:s22], $0x2000  }
0x4dc: {  	[sflag:s22] =	ssyncset.done $0x0  }
0x4dd: {  	s10 =	rddreg [dreg:$0x18];
	[sflag:s22] =	ssyncadd.s32 $0xFFFFE000  }
0x4de: {  	[hbm4b:s10+s3] =	stream.linear.scatter [tilespmem:s21], [sflag:$0x9], $0x2000, $0x38;
	[tilespmem:$0x1F780] =	vst v63  }
0x4df: {  	_ =	swait.ge [sflag:s22], $0x2000  }
0x4e0: {  	s10 =	sld [smem:$0x7FB]  }
0x4e1: {  	[sflag:s22] =	ssyncset.done $0x0  }
0x4e2: {  	[sflag:s22] =	ssyncadd.s32 $0xFFFFE000  }
0x4e3: {  	[tilespmem:s21], [sflag:$0x9] =	stream.linear.gather [spmem:s10], $0x2000, $0x38;
	[tilespmem:$0x1F780] =	vst v63  }
0x4e4: {  	_ =	swait.ge [sflag:s22], $0x2000  }
0x4e5: {  	[sflag:s22] =	ssyncset.done $0x0  }
0x4e6: {  	s12 =	rddreg [dreg:$0x1a];
	[sflag:s22] =	ssyncadd.s32 $0xFFFFE000  }
0x4e7: {  	[hbm4b:s12+s3] =	stream.linear.scatter [tilespmem:s21], [sflag:$0x9], $0x2000, $0x38;
	[tilespmem:$0x1F780] =	vst v63  }
0x4e8: {  	_ =	swait.ge [sflag:s22], $0x2000  }
0x4e9: {  	s9 =	smov.u32 s19;
	s19 =	sld [smem:$0x7FC]  }
0x4ea: {  	[sflag:s22] =	ssyncset.done $0x0  }
0x4eb: {  	[sflag:s22] =	ssyncadd.s32 $0xFFFFE000  }
0x4ec: {  	[tilespmem:s21], [sflag:$0x9] =	stream.linear.gather [spmem:s19], $0x2000, $0x38;
	[tilespmem:$0x1F780] =	vst v63  }
0x4ed: {  	_ =	swait.ge [sflag:s22], $0x2000  }
0x4ee: {  	[sflag:s22] =	ssyncset.done $0x0  }
0x4ef: {  	s13 =	rddreg [dreg:$0x1c];
	[sflag:s22] =	ssyncadd.s32 $0xFFFFE000  }
0x4f0: {  	[hbm4b:s13+s3] =	stream.linear.scatter [tilespmem:s21], [sflag:$0x9], $0x2000, $0x38;
	[tilespmem:$0x1F780] =	vst v63  }
0x4f1: {  	_ =	swait.ge [sflag:s22], $0x2000  }
0x4f2: {  	s20 =	sld [smem:$0x7FD]  }
0x4f3: {  	[sflag:s22] =	ssyncset.done $0x0  }
0x4f4: {  	[sflag:s22] =	ssyncadd.s32 $0xFFFFE000  }
0x4f5: {  	[tilespmem:s21], [sflag:$0x9] =	stream.linear.gather [spmem:s20], $0x1800, $0x38;
	[tilespmem:$0x1F780] =	vst v63  }
0x4f6: {  	_ =	swait.ge [sflag:s22], $0x1800  }
0x4f7: {  	[sflag:s22] =	ssyncset.done $0x0  }
0x4f8: {  	s14 =	rddreg [dreg:$0x1d];
	[sflag:s22] =	ssyncadd.s32 $0xFFFFE800  }
0x4f9: {  	[hbm4b:s14+s3] =	stream.linear.scatter [tilespmem:s21], [sflag:$0x9], $0x1800, $0x38;
	[tilespmem:$0x1F780] =	vst v63  }
0x4fa: {  	_ =	swait.ge [sflag:s22], $0x1800  }
0x4fb: {  	s12 =	sld [smem:$0x7F6]  }
0x4fc: {  	[sflag:s22] =	ssyncset.done $0x0  }
0x4fd: {  	s11 =	simm.s32 @!p0 $0x3E00;
	[sflag:s22] =	ssyncadd.s32 $0xFFFFE800  }
0x4fe: {  	[tilespmem:s11], [sflag:$0x9] =	stream.linear.gather @!p0 [spmem:s12], $0x800, $0x38;
	[tilespmem:$0x1F780] =	vst v63  }
0x4ff: {  	s12 =	simm.s32 @!p0 $0x9  }
0x500: {  	_ =	swait.ge @!p0 [sflag:s12], $0x800  }
0x501: {  	s14 =	sld [smem:$0x7F3]  }
0x502: {  	[sflag:s12] =	ssyncset.done @!p0 $0x0  }
0x503: {  	s13 =	simm.s32 @!p0 $0x0;
	[sflag:s12] =	ssyncadd.s32 @!p0 $0xFFFFF800  }
0x504: {  	[hbm4b:s14+s13] =	stream.linear.scatter @!p0 [tilespmem:s11], [sflag:$0x9], $0x800, $0x38;
	[tilespmem:$0x1F780] =	vst v63  }
0x505: {  	_ =	swait.ge @!p0 [sflag:s12], $0x800  }
0x506: {  	s11 =	sld [smem:$0x7F2]  }
0x507: {  	s13 =	smov.u32 s6;
	s6 =	smov.u32 s23;
	s23 =	sld [smem:$0x7F4]  }
0x508: {  	_ = 	snop  }
0x509: {  	s14 =	smov.u32 s10;
	s10 =	sadd.s32 $0x1, s11  }
0x50a: {  	p1 =	sne.s32 s10, s23  }
.Ltmp4:
0x50b: {  	_ = 	snop;
	(pc) =	sbr.rel @p1 .LBB2_1-.Ltmp4, $3  }
0x50c: {  	_ =	sdelay $0x1  }
0x50d: {  	[sflag:s12] =	ssyncset.done @!p0 $0x0  }
0x50e: {  	[sflag:s12] =	ssyncadd.s32 @!p0 $0xFFFFF800;
	s12 =	smov.u32 s18;
	s23 =	simm.s32 $0x1400  }
0x50f: {  	_ =	sfence.sel $0x180000  }
0x510: {  	[bflag:$0x0] =	sbarrier.arrive $0xFFFF  }
0x511: {  	_ =	strace $0x9000004A  }
0x512: {  	s0 =	stileid.u32;
	[bflag:$0x2] =	sbarrier.arrive $0xFFFF  }
0x513: {  	p0 =	sne.s32 s0, $0x0;
	s0 =	rddreg [dreg:$0x2]  }
0x514: {  	s0 =	sadd.s32 @!p0 $0x100000, s0  }
0x515: {  	[sflag:s0] =	ssyncadd.tile.s32 @!p0 $0x1;
	_ =	shalt  }
.Lfunc_end2:
_tile_overlayer_lowered:
.L_overlay_start_2:
0x516: {  	(tag) =	ssettag $0x2  }
0x517: {  	s0 =	rddreg [dreg:$0x0];
	s2 =	stileid.u32  }
0x518: {  	s1 =	rddreg [dreg:$0x1];
	p0 =	sne.s32 s2, $0x0  }
0x519: {  	s3 =	rddreg [dreg:$0x2];
	[bflag:$0x3] =	sbarrier.arrive $0xFFFF;
	s2 =	simm.s32 @!p0 $0x1C09  }
0x51a: {  	[timem:s3], [sflag:s2] =	dma.local @!p0 [hbm:s0], s1  }
0x51b: {  	s0 =	simm.s32 @!p0 $0x9  }
0x51c: {  	_ =	swait.ge @!p0 [sflag:s0], s1  }
0x51d: {  	s1 =	ssub.s32 @!p0 $0x0, s1;
	[sflag:s0] =	ssyncset.done @!p0 $0x0  }
0x51e: {  	[sflag:s0] =	ssyncadd.s32 @!p0 s1  }
0x51f: {  	[bflag:$0x3] =	sbarrier.arrive $0xFFFF  }
0x520: {  	_ =	shalt  }

</sc_bundles>
